<compile_context>
chip_gen: v7x
topology: tpu7x:2x2x1
jax: 0.10.2.dev20260603
libtpu: 0.0.44.dev20260713+nightly
codegen_flags: <defaults>
</compile_context>

<pallas_src>
import jax
import jax.numpy as jnp
from jax import lax
from jax.experimental import pallas as pl
from jax.experimental.pallas import tpu as pltpu
from jax.experimental.pallas import tpu_sc as plsc

B, C, H, W = 2, 384, 224, 224
OH, OW, K = 112, 112, 4
BC = B * C
OP = OH * OW

NC, NS = 2, 16
NW = NC * NS
PLANES_PER_W = BC // NW
NPPAIR = PLANES_PER_W // 2
ROWS = 8
NCHUNK = OH // ROWS
CHUNK = ROWS * OW
HPIX = CHUNK // 2
SMH = 2 * K * HPIX
NCPAIR = NCHUNK // 2


def _body(x_hbm, sm_hbm, out_hbm,
          pba, pbb, sma, smb, oa0, oa1, ob0, ob1,
          psem, ssem_a, ssem_b, osem_a0, osem_a1, osem_b0, osem_b1):
    wid = lax.axis_index("s") * NC + lax.axis_index("c")
    plane_base = wid * PLANES_PER_W

    def bc_of(p):
        b = jnp.where(p >= C, 1, 0)
        return b, p - b * C

    def sm_start(h, buf, sem):
        pltpu.async_copy(sm_hbm.at[pl.ds(h * SMH, SMH)], buf, sem)

    def sm_wait(buf, sem):
        pltpu.make_async_copy(sm_hbm.at[pl.ds(0, SMH)], buf, sem).wait()

    def out_start(bb, cc, ch, obuf, sem):
        pltpu.async_copy(obuf, out_hbm.at[bb, cc, pl.ds(ch * ROWS, ROWS), :], sem)

    def out_drain(obuf, sem):
        pltpu.make_async_copy(out_hbm.at[0, 0, pl.ds(0, ROWS), :], obuf, sem).wait()

    def compute_half(smbuf, half, obufa, obufb):
        @plsc.parallel_loop(0, HPIX, step=16, unroll=4)
        def _(base):
            q = jnp.right_shift(base, 4)
            rl = jnp.right_shift(q * 9363, 16)
            row = rl + half * 4
            col = base - rl * OW
            acc0 = jnp.zeros((16,), jnp.float32)
            acc1 = jnp.zeros((16,), jnp.float32)
            for k in range(K):
                xs = smbuf[pl.ds((2 * k) * HPIX + base, 16)]
                ys = smbuf[pl.ds((2 * k + 1) * HPIX + base, 16)]
                x0 = xs.astype(jnp.int32)
                y0 = ys.astype(jnp.int32)
                wx = xs - x0.astype(jnp.float32)
                wy = ys - y0.astype(jnp.float32)
                x1 = x0 + 1
                y1 = y0 + 1
                for pbuf, which in ((pba, 0), (pbb, 1)):
                    v00 = plsc.load_gather(pbuf, [y0, x0])
                    v01 = plsc.load_gather(pbuf, [y0, x1])
                    v10 = plsc.load_gather(pbuf, [y1, x0])
                    v11 = plsc.load_gather(pbuf, [y1, x1])
                    t0 = v00 + wx * (v01 - v00)
                    t1 = v10 + wx * (v11 - v10)
                    val = t0 + wy * (t1 - t0)
                    if which == 0:
                        acc0 = acc0 + val
                    else:
                        acc1 = acc1 + val
            obufa[row, pl.ds(col, 16)] = acc0 * 0.25
            obufb[row, pl.ds(col, 16)] = acc1 * 0.25

    def ppair_body(i, _):
        p0 = plane_base + i * 2
        ba, ca = bc_of(p0)
        bb, cb = bc_of(p0 + 1)
        pltpu.async_copy(x_hbm.at[ba, ca], pba, psem)
        pltpu.async_copy(x_hbm.at[bb, cb], pbb, psem)
        sm_start(0, sma, ssem_a)
        pltpu.make_async_copy(x_hbm.at[0, 0], pba, psem).wait()
        pltpu.make_async_copy(x_hbm.at[0, 0], pbb, psem).wait()

        def cpair_body(ci, _):
            h0 = ci * 4
            first = jnp.logical_and(i == 0, ci == 0)

            sm_start(h0 + 1, smb, ssem_b)
            sm_wait(sma, ssem_a)

            @pl.when(jnp.logical_not(first))
            def _():
                out_drain(oa0, osem_a0)
                out_drain(ob0, osem_b0)

            compute_half(sma, 0, oa0, ob0)
            sm_start(h0 + 2, sma, ssem_a)
            sm_wait(smb, ssem_b)
            compute_half(smb, 1, oa0, ob0)
            out_start(ba, ca, ci * 2, oa0, osem_a0)
            out_start(bb, cb, ci * 2, ob0, osem_b0)

            sm_start(h0 + 3, smb, ssem_b)
            sm_wait(sma, ssem_a)

            @pl.when(jnp.logical_not(first))
            def _():
                out_drain(oa1, osem_a1)
                out_drain(ob1, osem_b1)

            compute_half(sma, 0, oa1, ob1)

            @pl.when(ci < NCPAIR - 1)
            def _():
                sm_start(h0 + 4, sma, ssem_a)

            sm_wait(smb, ssem_b)
            compute_half(smb, 1, oa1, ob1)
            out_start(ba, ca, ci * 2 + 1, oa1, osem_a1)
            out_start(bb, cb, ci * 2 + 1, ob1, osem_b1)
            return 0

        lax.fori_loop(0, NCPAIR, cpair_body, 0)
        return 0

    lax.fori_loop(0, NPPAIR, ppair_body, 0)
    out_drain(oa0, osem_a0)
    out_drain(ob0, osem_b0)
    out_drain(oa1, osem_a1)
    out_drain(ob1, osem_b1)


@jax.jit
def _mapped_avg_pool_sc(x, sm_t):
    k = pl.kernel(
        _body,
        out_type=jax.ShapeDtypeStruct((B, C, OH, OW), jnp.float32),
        mesh=plsc.VectorSubcoreMesh(core_axis_name="c", subcore_axis_name="s"),
        scratch_types=[
            pltpu.VMEM((H, W), jnp.float32),
            pltpu.VMEM((H, W), jnp.float32),
            pltpu.VMEM((SMH,), jnp.float32),
            pltpu.VMEM((SMH,), jnp.float32),
            pltpu.VMEM((ROWS, OW), jnp.float32),
            pltpu.VMEM((ROWS, OW), jnp.float32),
            pltpu.VMEM((ROWS, OW), jnp.float32),
            pltpu.VMEM((ROWS, OW), jnp.float32),
            pltpu.SemaphoreType.DMA,
            pltpu.SemaphoreType.DMA,
            pltpu.SemaphoreType.DMA,
            pltpu.SemaphoreType.DMA,
            pltpu.SemaphoreType.DMA,
            pltpu.SemaphoreType.DMA,
            pltpu.SemaphoreType.DMA,
        ],
        compiler_params=pltpu.CompilerParams(needs_layout_passes=False),
    )
    return k(x, sm_t)


def kernel(x, sample_map):
    smf = sample_map.reshape(NCHUNK * 2, HPIX, 2 * K)
    sm_t = smf.transpose(0, 2, 1).reshape(NCHUNK * 2 * SMH)
    return _mapped_avg_pool_sc(x, sm_t)

# --- scband reference (transcript-rebuilt; emitter-appended) ---
"""Pipeline reference for scband-mapped-avg-pool-34282428956673 (READ-ONLY COPY).

The authoritative reference and input builder live on the scoring server;
editing this copy changes nothing except your own understanding.
"""

import jax, jax.numpy as jnp
import numpy as np


def setup_inputs(seed: int = 0) -> dict:
    key = jax.random.key(seed)
    k1, k2 = jax.random.split(key)
    x = jax.random.normal(k1, (2, 384, 224, 224), dtype=jnp.float32)
    # sample_map holds real-valued (x, y) coordinates into the 224x224 input plane
    # shape: [OH, OW, K, 2] with K = kernel_size = 4
    sample_map = jax.random.uniform(k2, (112, 112, 4, 2), dtype=jnp.float32) * 223.0
    return {"x": x, "sample_map": sample_map}


def _mapped_avg_pool_bilinear(x, sample_map):
    B, C, H, W = x.shape
    OH, OW, K, _ = sample_map.shape
    xs = sample_map[..., 0]
    ys = sample_map[..., 1]
    x0 = jnp.floor(xs)
    y0 = jnp.floor(ys)
    wx1 = xs - x0
    wx0 = 1.0 - wx1
    wy1 = ys - y0
    wy0 = 1.0 - wy1
    x0i = jnp.clip(x0.astype(jnp.int32), 0, W - 1)
    x1i = jnp.clip(x0i + 1, 0, W - 1)
    y0i = jnp.clip(y0.astype(jnp.int32), 0, H - 1)
    y1i = jnp.clip(y0i + 1, 0, H - 1)
    xf = x.reshape(B, C, H * W)

    def gather(yi, xi):
        idx = (yi * W + xi).reshape(-1)
        v = jnp.take(xf, idx, axis=2)
        return v.reshape(B, C, OH, OW, K)

    val = (
        gather(y0i, x0i) * (wy0 * wx0)
        + gather(y0i, x1i) * (wy0 * wx1)
        + gather(y1i, x0i) * (wy1 * wx0)
        + gather(y1i, x1i) * (wy1 * wx1)
    )
    # average over the K mapped kernel samples
    return val.mean(axis=-1)


def reference(x, sample_map):
    return _mapped_avg_pool_bilinear(x, sample_map)

if __name__ == "__main__":
    import jax
    _d = setup_inputs()
    print(jax.jit(kernel)(*tuple(_d.values())))

</pallas_src>

<mosaic_0001>
#map = affine_map<(d0, d1) -> (0, 0, 0, 0)>
#map1 = affine_map<(d0, d1) -> (0)>
module attributes {stable_mosaic.version = 14 : i64} {
  func.func @_body(%arg0: i32, %arg1: i32, %arg2: memref<2x384x224x224xf32, #tpu.memory_space<hbm>>, %arg3: memref<100352xf32, #tpu.memory_space<hbm>>, %arg4: memref<2x384x112x112xf32, #tpu.memory_space<hbm>>, %arg5: memref<224x224xf32, #tpu.memory_space<vmem>>, %arg6: memref<224x224xf32, #tpu.memory_space<vmem>>, %arg7: memref<3584xf32, #tpu.memory_space<vmem>>, %arg8: memref<3584xf32, #tpu.memory_space<vmem>>, %arg9: memref<8x112xf32, #tpu.memory_space<vmem>>, %arg10: memref<8x112xf32, #tpu.memory_space<vmem>>, %arg11: memref<8x112xf32, #tpu.memory_space<vmem>>, %arg12: memref<8x112xf32, #tpu.memory_space<vmem>>, %arg13: memref<!tpu.dma_semaphore, #tpu.memory_space<semaphore_mem>>, %arg14: memref<!tpu.dma_semaphore, #tpu.memory_space<semaphore_mem>>, %arg15: memref<!tpu.dma_semaphore, #tpu.memory_space<semaphore_mem>>, %arg16: memref<!tpu.dma_semaphore, #tpu.memory_space<semaphore_mem>>, %arg17: memref<!tpu.dma_semaphore, #tpu.memory_space<semaphore_mem>>, %arg18: memref<!tpu.dma_semaphore, #tpu.memory_space<semaphore_mem>>, %arg19: memref<!tpu.dma_semaphore, #tpu.memory_space<semaphore_mem>>) attributes {dimension_semantics = [#tpu.dimension_semantics<core_parallel>, #tpu.dimension_semantics<subcore_parallel>], iteration_bounds = array<i64: 2, 16>, scalar_prefetch = 0 : i64, scratch_operands = 15 : i64, tpu.core_type = #tpu.core_type<sc_vector_subcore>, window_params = [{transform_indices = #map}, {transform_indices = #map1}, {transform_indices = #map}]} {
    %mul3A = arith.constant 2 : i32
    %mul3A_0 = arith.muli %arg1, %mul3A : i32
    %add3A = arith.addi %mul3A_0, %arg0 : i32
    %mul3A_1 = arith.constant 24 : i32
    %mul3A_2 = arith.muli %add3A, %mul3A_1 : i32
    %scan3A = arith.constant 0 : i32
    %scan3A_3 = arith.constant 0 : i32
    %scan3A_4 = arith.constant 12 : i32
    %scan3A_5 = arith.addi %scan3A_3, %scan3A_4 : i32
    %scan3A_6 = arith.constant 1 : i32
    %scan3A_7 = scf.for %scan3A_48 = %scan3A_3 to %scan3A_5 step %scan3A_6 iter_args(%scan3A_49 = %scan3A) -> (i32)  : i32 {
      %mul3A_50 = arith.constant 2 : i32
      %mul3A_51 = arith.muli %scan3A_48, %mul3A_50 : i32
      %add3A_52 = arith.addi %mul3A_2, %mul3A_51 : i32
      %ge3A = arith.constant 384 : i32
      %ge3A_53 = arith.cmpi sge, %add3A_52, %ge3A : i32
      %jit3A = arith.constant 1 : i32
      %jit3A_54 = arith.constant 0 : i32
      %select_n3A = arith.select %ge3A_53, %jit3A, %jit3A_54 : i32
      %mul3A_55 = arith.constant 384 : i32
      %mul3A_56 = arith.muli %select_n3A, %mul3A_55 : i32
      %sub3A = arith.subi %add3A_52, %mul3A_56 : i32
      %add3A_57 = arith.constant 1 : i32
      %add3A_58 = arith.addi %add3A_52, %add3A_57 : i32
      %ge3A_59 = arith.constant 384 : i32
      %ge3A_60 = arith.cmpi sge, %add3A_58, %ge3A_59 : i32
      %jit3A_61 = arith.constant 1 : i32
      %jit3A_62 = arith.constant 0 : i32
      %select_n3A_63 = arith.select %ge3A_60, %jit3A_61, %jit3A_62 : i32
      %mul3A_64 = arith.constant 384 : i32
      %mul3A_65 = arith.muli %select_n3A_63, %mul3A_64 : i32
      %sub3A_66 = arith.subi %add3A_58, %mul3A_65 : i32
      %dma_start3A = arith.constant 0 : i32
      %dma_start3A_67 = arith.constant 0 : i32
      %dma_start3A_68 = tpu.memref_slice %arg2[%select_n3A, %sub3A, %dma_start3A, %dma_start3A_67] : memref<2x384x224x224xf32, #tpu.memory_space<hbm>> -> memref<1x1x224x224xf32, #tpu.memory_space<hbm>>
      %dma_start3A_69 = tpu.memref_squeeze %dma_start3A_68 : memref<1x1x224x224xf32, #tpu.memory_space<hbm>> -> memref<224x224xf32, #tpu.memory_space<hbm>>
      %dma_start3A_70 = arith.constant 0 : i32
      %dma_start3A_71 = arith.constant 0 : i32
      %dma_start3A_72 = tpu.memref_slice %arg2[%select_n3A, %sub3A, %dma_start3A_70, %dma_start3A_71] : memref<2x384x224x224xf32, #tpu.memory_space<hbm>> -> memref<1x1x224x224xf32, #tpu.memory_space<hbm>>
      %dma_start3A_73 = tpu.memref_squeeze %dma_start3A_72 : memref<1x1x224x224xf32, #tpu.memory_space<hbm>> -> memref<224x224xf32, #tpu.memory_space<hbm>>
      tpu.enqueue_dma source(%dma_start3A_73 : memref<224x224xf32, #tpu.memory_space<hbm>>) target(%arg5 : memref<224x224xf32, #tpu.memory_space<vmem>>) target_semaphore(%arg13 : memref<!tpu.dma_semaphore, #tpu.memory_space<semaphore_mem>>)
      %dma_start3A_74 = arith.constant 0 : i32
      %dma_start3A_75 = arith.constant 0 : i32
      %dma_start3A_76 = tpu.memref_slice %arg2[%select_n3A_63, %sub3A_66, %dma_start3A_74, %dma_start3A_75] : memref<2x384x224x224xf32, #tpu.memory_space<hbm>> -> memref<1x1x224x224xf32, #tpu.memory_space<hbm>>
      %dma_start3A_77 = tpu.memref_squeeze %dma_start3A_76 : memref<1x1x224x224xf32, #tpu.memory_space<hbm>> -> memref<224x224xf32, #tpu.memory_space<hbm>>
      %dma_start3A_78 = arith.constant 0 : i32
      %dma_start3A_79 = arith.constant 0 : i32
      %dma_start3A_80 = tpu.memref_slice %arg2[%select_n3A_63, %sub3A_66, %dma_start3A_78, %dma_start3A_79] : memref<2x384x224x224xf32, #tpu.memory_space<hbm>> -> memref<1x1x224x224xf32, #tpu.memory_space<hbm>>
      %dma_start3A_81 = tpu.memref_squeeze %dma_start3A_80 : memref<1x1x224x224xf32, #tpu.memory_space<hbm>> -> memref<224x224xf32, #tpu.memory_space<hbm>>
      tpu.enqueue_dma source(%dma_start3A_81 : memref<224x224xf32, #tpu.memory_space<hbm>>) target(%arg6 : memref<224x224xf32, #tpu.memory_space<vmem>>) target_semaphore(%arg13 : memref<!tpu.dma_semaphore, #tpu.memory_space<semaphore_mem>>)
      %dma_start3A_82 = arith.constant 0 : i32
      %dma_start3A_83 = tpu.memref_slice %arg3[%dma_start3A_82] : memref<100352xf32, #tpu.memory_space<hbm>> -> memref<3584xf32, #tpu.memory_space<hbm>>
      %dma_start3A_84 = arith.constant 0 : i32
      %dma_start3A_85 = tpu.memref_slice %arg3[%dma_start3A_84] : memref<100352xf32, #tpu.memory_space<hbm>> -> memref<3584xf32, #tpu.memory_space<hbm>>
      tpu.enqueue_dma source(%dma_start3A_85 : memref<3584xf32, #tpu.memory_space<hbm>>) target(%arg7 : memref<3584xf32, #tpu.memory_space<vmem>>) target_semaphore(%arg14 : memref<!tpu.dma_semaphore, #tpu.memory_space<semaphore_mem>>)
      %dma_wait3A_86 = arith.constant 0 : i32
      %dma_wait3A_87 = arith.constant 0 : i32
      %dma_wait3A_88 = arith.constant 0 : i32
      %dma_wait3A_89 = arith.constant 0 : i32
      %dma_wait3A_90 = tpu.memref_slice %arg2[%dma_wait3A_86, %dma_wait3A_87, %dma_wait3A_88, %dma_wait3A_89] : memref<2x384x224x224xf32, #tpu.memory_space<hbm>> -> memref<1x1x224x224xf32, #tpu.memory_space<hbm>>
      %dma_wait3A_91 = tpu.memref_squeeze %dma_wait3A_90 : memref<1x1x224x224xf32, #tpu.memory_space<hbm>> -> memref<224x224xf32, #tpu.memory_space<hbm>>
      %dma_wait3A_92 = arith.constant 0 : i32
      %dma_wait3A_93 = arith.constant 0 : i32
      %dma_wait3A_94 = tpu.memref_slice %arg2[%dma_wait3A_86, %dma_wait3A_87, %dma_wait3A_92, %dma_wait3A_93] : memref<2x384x224x224xf32, #tpu.memory_space<hbm>> -> memref<1x1x224x224xf32, #tpu.memory_space<hbm>>
      %dma_wait3A_95 = tpu.memref_squeeze %dma_wait3A_94 : memref<1x1x224x224xf32, #tpu.memory_space<hbm>> -> memref<224x224xf32, #tpu.memory_space<hbm>>
      tpu.wait_dma2 semaphore(%arg13 : memref<!tpu.dma_semaphore, #tpu.memory_space<semaphore_mem>>) src(%dma_wait3A_95 : memref<224x224xf32, #tpu.memory_space<hbm>>) dst(%arg5 : memref<224x224xf32, #tpu.memory_space<vmem>>)
      %dma_wait3A_96 = arith.constant 0 : i32
      %dma_wait3A_97 = arith.constant 0 : i32
      %dma_wait3A_98 = arith.constant 0 : i32
      %dma_wait3A_99 = arith.constant 0 : i32
      %dma_wait3A_100 = tpu.memref_slice %arg2[%dma_wait3A_96, %dma_wait3A_97, %dma_wait3A_98, %dma_wait3A_99] : memref<2x384x224x224xf32, #tpu.memory_space<hbm>> -> memref<1x1x224x224xf32, #tpu.memory_space<hbm>>
      %dma_wait3A_101 = tpu.memref_squeeze %dma_wait3A_100 : memref<1x1x224x224xf32, #tpu.memory_space<hbm>> -> memref<224x224xf32, #tpu.memory_space<hbm>>
      %dma_wait3A_102 = arith.constant 0 : i32
      %dma_wait3A_103 = arith.constant 0 : i32
      %dma_wait3A_104 = tpu.memref_slice %arg2[%dma_wait3A_96, %dma_wait3A_97, %dma_wait3A_102, %dma_wait3A_103] : memref<2x384x224x224xf32, #tpu.memory_space<hbm>> -> memref<1x1x224x224xf32, #tpu.memory_space<hbm>>
      %dma_wait3A_105 = tpu.memref_squeeze %dma_wait3A_104 : memref<1x1x224x224xf32, #tpu.memory_space<hbm>> -> memref<224x224xf32, #tpu.memory_space<hbm>>
      tpu.wait_dma2 semaphore(%arg13 : memref<!tpu.dma_semaphore, #tpu.memory_space<semaphore_mem>>) src(%dma_wait3A_105 : memref<224x224xf32, #tpu.memory_space<hbm>>) dst(%arg6 : memref<224x224xf32, #tpu.memory_space<vmem>>)
      %scan3A_106 = arith.constant 0 : i32
      %scan3A_107 = arith.constant 0 : i32
      %scan3A_108 = arith.constant 7 : i32
      %scan3A_109 = arith.addi %scan3A_107, %scan3A_108 : i32
      %scan3A_110 = arith.constant 1 : i32
      %scan3A_111 = scf.for %scan3A_114 = %scan3A_107 to %scan3A_109 step %scan3A_110 iter_args(%scan3A_115 = %scan3A_106) -> (i32)  : i32 {
        %mul3A_116 = arith.constant 4 : i32
        %mul3A_117 = arith.muli %scan3A_114, %mul3A_116 : i32
        %eq3A = arith.constant 0 : i32
        %eq3A_118 = arith.cmpi eq, %scan3A_48, %eq3A : i32
        %eq3A_119 = arith.constant 0 : i32
        %eq3A_120 = arith.cmpi eq, %scan3A_114, %eq3A_119 : i32
        %and3A = arith.andi %eq3A_118, %eq3A_120 : i1
        %add3A_121 = arith.constant 1 : i32
        %add3A_122 = arith.addi %mul3A_117, %add3A_121 : i32
        %mul3A_123 = arith.constant 3584 : i32
        %mul3A_124 = arith.muli %add3A_122, %mul3A_123 : i32
        %dma_start3A_125 = tpu.memref_slice %arg3[%mul3A_124] : memref<100352xf32, #tpu.memory_space<hbm>> -> memref<3584xf32, #tpu.memory_space<hbm>>
        %dma_start3A_126 = tpu.memref_slice %arg3[%mul3A_124] : memref<100352xf32, #tpu.memory_space<hbm>> -> memref<3584xf32, #tpu.memory_space<hbm>>
        tpu.enqueue_dma source(%dma_start3A_126 : memref<3584xf32, #tpu.memory_space<hbm>>) target(%arg8 : memref<3584xf32, #tpu.memory_space<vmem>>) target_semaphore(%arg15 : memref<!tpu.dma_semaphore, #tpu.memory_space<semaphore_mem>>)
        %dma_wait3A_127 = arith.constant 0 : i32
        %dma_wait3A_128 = tpu.memref_slice %arg3[%dma_wait3A_127] : memref<100352xf32, #tpu.memory_space<hbm>> -> memref<3584xf32, #tpu.memory_space<hbm>>
        %dma_wait3A_129 = arith.constant 0 : i32
        %dma_wait3A_130 = tpu.memref_slice %arg3[%dma_wait3A_129] : memref<100352xf32, #tpu.memory_space<hbm>> -> memref<3584xf32, #tpu.memory_space<hbm>>
        tpu.wait_dma2 semaphore(%arg14 : memref<!tpu.dma_semaphore, #tpu.memory_space<semaphore_mem>>) src(%dma_wait3A_130 : memref<3584xf32, #tpu.memory_space<hbm>>) dst(%arg7 : memref<3584xf32, #tpu.memory_space<vmem>>)
        %not3A = arith.constant true
        %not3A_131 = arith.xori %and3A, %not3A : i1
        %convert_element_type3A = arith.extui %not3A_131 : i1 to i32
        %cond3A = arith.constant 0 : i32
        %cond3A_132 = arith.cmpi ne, %convert_element_type3A, %cond3A : i32
        scf.if %cond3A_132 {
          %dma_wait3A_222 = arith.constant 0 : i32
          %dma_wait3A_223 = arith.constant 0 : i32
          %dma_wait3A_224 = arith.constant 0 : i32
          %dma_wait3A_225 = arith.constant 0 : i32
          %dma_wait3A_226 = tpu.memref_slice %arg4[%dma_wait3A_222, %dma_wait3A_223, %dma_wait3A_224, %dma_wait3A_225] : memref<2x384x112x112xf32, #tpu.memory_space<hbm>> -> memref<1x1x8x112xf32, #tpu.memory_space<hbm>>
          %dma_wait3A_227 = tpu.memref_squeeze %dma_wait3A_226 : memref<1x1x8x112xf32, #tpu.memory_space<hbm>> -> memref<8x112xf32, #tpu.memory_space<hbm>>
          %dma_wait3A_228 = arith.constant 0 : i32
          %dma_wait3A_229 = arith.constant 0 : i32
          %dma_wait3A_230 = tpu.memref_slice %arg4[%dma_wait3A_222, %dma_wait3A_223, %dma_wait3A_228, %dma_wait3A_229] : memref<2x384x112x112xf32, #tpu.memory_space<hbm>> -> memref<1x1x8x112xf32, #tpu.memory_space<hbm>>
          %dma_wait3A_231 = tpu.memref_squeeze %dma_wait3A_230 : memref<1x1x8x112xf32, #tpu.memory_space<hbm>> -> memref<8x112xf32, #tpu.memory_space<hbm>>
          tpu.wait_dma2 semaphore(%arg16 : memref<!tpu.dma_semaphore, #tpu.memory_space<semaphore_mem>>) src(%dma_wait3A_231 : memref<8x112xf32, #tpu.memory_space<hbm>>) dst(%arg9 : memref<8x112xf32, #tpu.memory_space<vmem>>)
          %dma_wait3A_232 = arith.constant 0 : i32
          %dma_wait3A_233 = arith.constant 0 : i32
          %dma_wait3A_234 = arith.constant 0 : i32
          %dma_wait3A_235 = arith.constant 0 : i32
          %dma_wait3A_236 = tpu.memref_slice %arg4[%dma_wait3A_232, %dma_wait3A_233, %dma_wait3A_234, %dma_wait3A_235] : memref<2x384x112x112xf32, #tpu.memory_space<hbm>> -> memref<1x1x8x112xf32, #tpu.memory_space<hbm>>
          %dma_wait3A_237 = tpu.memref_squeeze %dma_wait3A_236 : memref<1x1x8x112xf32, #tpu.memory_space<hbm>> -> memref<8x112xf32, #tpu.memory_space<hbm>>
          %dma_wait3A_238 = arith.constant 0 : i32
          %dma_wait3A_239 = arith.constant 0 : i32
          %dma_wait3A_240 = tpu.memref_slice %arg4[%dma_wait3A_232, %dma_wait3A_233, %dma_wait3A_238, %dma_wait3A_239] : memref<2x384x112x112xf32, #tpu.memory_space<hbm>> -> memref<1x1x8x112xf32, #tpu.memory_space<hbm>>
          %dma_wait3A_241 = tpu.memref_squeeze %dma_wait3A_240 : memref<1x1x8x112xf32, #tpu.memory_space<hbm>> -> memref<8x112xf32, #tpu.memory_space<hbm>>
          tpu.wait_dma2 semaphore(%arg18 : memref<!tpu.dma_semaphore, #tpu.memory_space<semaphore_mem>>) src(%dma_wait3A_241 : memref<8x112xf32, #tpu.memory_space<hbm>>) dst(%arg11 : memref<8x112xf32, #tpu.memory_space<vmem>>)
        } else {
        }
        %parallel_loop3A = arith.constant 0 : i32
        %parallel_loop3A_133 = arith.constant 448 : i32
        %parallel_loop3A_134 = arith.constant 16 : i32
        scf.for %parallel_loop3A_222 = %parallel_loop3A to %parallel_loop3A_133 step %parallel_loop3A_134  : i32 {
          %parallel_loop3A_223 = arith.constant 4 : i32
          %parallel_loop3A_224 = arith.shrsi %parallel_loop3A_222, %parallel_loop3A_223 : i32
          %parallel_loop3A_225 = arith.constant 9363 : i32
          %parallel_loop3A_226 = arith.muli %parallel_loop3A_224, %parallel_loop3A_225 : i32
          %parallel_loop3A_227 = arith.constant 16 : i32
          %parallel_loop3A_228 = arith.shrsi %parallel_loop3A_226, %parallel_loop3A_227 : i32
          %parallel_loop3A_229 = arith.constant 0 : i32
          %parallel_loop3A_230 = arith.addi %parallel_loop3A_228, %parallel_loop3A_229 : i32
          %parallel_loop3A_231 = arith.constant 112 : i32
          %parallel_loop3A_232 = arith.muli %parallel_loop3A_228, %parallel_loop3A_231 : i32
          %parallel_loop3A_233 = arith.subi %parallel_loop3A_222, %parallel_loop3A_232 : i32
          %parallel_loop3A_234 = arith.constant 0.000000e+00 : f32
          %parallel_loop3A_235 = vector.broadcast %parallel_loop3A_234 : f32 to vector<16xf32>
          %parallel_loop3A_236 = arith.constant 0.000000e+00 : f32
          %parallel_loop3A_237 = vector.broadcast %parallel_loop3A_236 : f32 to vector<16xf32>
          %parallel_loop3A_238 = arith.constant 0 : i32
          %parallel_loop3A_239 = arith.addi %parallel_loop3A_238, %parallel_loop3A_222 : i32
          %parallel_loop3A_240 = arith.index_cast %parallel_loop3A_239 : i32 to index
          %parallel_loop3A_241 = tpu.vector_load %arg7[%parallel_loop3A_240] {strides = array<i32>} : memref<3584xf32, #tpu.memory_space<vmem>>, vector<16xf32>,
          %parallel_loop3A_242 = arith.constant 448 : i32
          %parallel_loop3A_243 = arith.addi %parallel_loop3A_242, %parallel_loop3A_222 : i32
          %parallel_loop3A_244 = arith.index_cast %parallel_loop3A_243 : i32 to index
          %parallel_loop3A_245 = tpu.vector_load %arg7[%parallel_loop3A_244] {strides = array<i32>} : memref<3584xf32, #tpu.memory_space<vmem>>, vector<16xf32>,
          %parallel_loop3A_246 = arith.fptosi %parallel_loop3A_241 : vector<16xf32> to vector<16xi32>
          %parallel_loop3A_247 = arith.fptosi %parallel_loop3A_245 : vector<16xf32> to vector<16xi32>
          %parallel_loop3A_248 = arith.sitofp %parallel_loop3A_246 : vector<16xi32> to vector<16xf32>
          %parallel_loop3A_249 = arith.subf %parallel_loop3A_241, %parallel_loop3A_248 : vector<16xf32>
          %parallel_loop3A_250 = arith.sitofp %parallel_loop3A_247 : vector<16xi32> to vector<16xf32>
          %parallel_loop3A_251 = arith.subf %parallel_loop3A_245, %parallel_loop3A_250 : vector<16xf32>
          %parallel_loop3A_252 = arith.constant 1 : i32
          %parallel_loop3A_253 = vector.broadcast %parallel_loop3A_252 : i32 to vector<16xi32>
          %parallel_loop3A_254 = arith.addi %parallel_loop3A_246, %parallel_loop3A_253 : vector<16xi32>
          %parallel_loop3A_255 = arith.constant 1 : i32
          %parallel_loop3A_256 = vector.broadcast %parallel_loop3A_255 : i32 to vector<16xi32>
          %parallel_loop3A_257 = arith.addi %parallel_loop3A_247, %parallel_loop3A_256 : vector<16xi32>
          %parallel_loop3A_258 = tpu.vector_load_idx %arg5[%parallel_loop3A_247, %parallel_loop3A_246] : memref<224x224xf32, #tpu.memory_space<vmem>>[vector<16xi32>, vector<16xi32>], vector<16xf32>,
          %parallel_loop3A_259 = tpu.vector_load_idx %arg5[%parallel_loop3A_247, %parallel_loop3A_254] : memref<224x224xf32, #tpu.memory_space<vmem>>[vector<16xi32>, vector<16xi32>], vector<16xf32>,
          %parallel_loop3A_260 = tpu.vector_load_idx %arg5[%parallel_loop3A_257, %parallel_loop3A_246] : memref<224x224xf32, #tpu.memory_space<vmem>>[vector<16xi32>, vector<16xi32>], vector<16xf32>,
          %parallel_loop3A_261 = tpu.vector_load_idx %arg5[%parallel_loop3A_257, %parallel_loop3A_254] : memref<224x224xf32, #tpu.memory_space<vmem>>[vector<16xi32>, vector<16xi32>], vector<16xf32>,
          %parallel_loop3A_262 = arith.subf %parallel_loop3A_259, %parallel_loop3A_258 : vector<16xf32>
          %parallel_loop3A_263 = arith.mulf %parallel_loop3A_249, %parallel_loop3A_262 : vector<16xf32>
          %parallel_loop3A_264 = arith.addf %parallel_loop3A_258, %parallel_loop3A_263 : vector<16xf32>
          %parallel_loop3A_265 = arith.subf %parallel_loop3A_261, %parallel_loop3A_260 : vector<16xf32>
          %parallel_loop3A_266 = arith.mulf %parallel_loop3A_249, %parallel_loop3A_265 : vector<16xf32>
          %parallel_loop3A_267 = arith.addf %parallel_loop3A_260, %parallel_loop3A_266 : vector<16xf32>
          %parallel_loop3A_268 = arith.subf %parallel_loop3A_267, %parallel_loop3A_264 : vector<16xf32>
          %parallel_loop3A_269 = arith.mulf %parallel_loop3A_251, %parallel_loop3A_268 : vector<16xf32>
          %parallel_loop3A_270 = arith.addf %parallel_loop3A_264, %parallel_loop3A_269 : vector<16xf32>
          %parallel_loop3A_271 = arith.addf %parallel_loop3A_235, %parallel_loop3A_270 : vector<16xf32>
          %parallel_loop3A_272 = tpu.vector_load_idx %arg6[%parallel_loop3A_247, %parallel_loop3A_246] : memref<224x224xf32, #tpu.memory_space<vmem>>[vector<16xi32>, vector<16xi32>], vector<16xf32>,
          %parallel_loop3A_273 = tpu.vector_load_idx %arg6[%parallel_loop3A_247, %parallel_loop3A_254] : memref<224x224xf32, #tpu.memory_space<vmem>>[vector<16xi32>, vector<16xi32>], vector<16xf32>,
          %parallel_loop3A_274 = tpu.vector_load_idx %arg6[%parallel_loop3A_257, %parallel_loop3A_246] : memref<224x224xf32, #tpu.memory_space<vmem>>[vector<16xi32>, vector<16xi32>], vector<16xf32>,
          %parallel_loop3A_275 = tpu.vector_load_idx %arg6[%parallel_loop3A_257, %parallel_loop3A_254] : memref<224x224xf32, #tpu.memory_space<vmem>>[vector<16xi32>, vector<16xi32>], vector<16xf32>,
          %parallel_loop3A_276 = arith.subf %parallel_loop3A_273, %parallel_loop3A_272 : vector<16xf32>
          %parallel_loop3A_277 = arith.mulf %parallel_loop3A_249, %parallel_loop3A_276 : vector<16xf32>
          %parallel_loop3A_278 = arith.addf %parallel_loop3A_272, %parallel_loop3A_277 : vector<16xf32>
          %parallel_loop3A_279 = arith.subf %parallel_loop3A_275, %parallel_loop3A_274 : vector<16xf32>
          %parallel_loop3A_280 = arith.mulf %parallel_loop3A_249, %parallel_loop3A_279 : vector<16xf32>
          %parallel_loop3A_281 = arith.addf %parallel_loop3A_274, %parallel_loop3A_280 : vector<16xf32>
          %parallel_loop3A_282 = arith.subf %parallel_loop3A_281, %parallel_loop3A_278 : vector<16xf32>
          %parallel_loop3A_283 = arith.mulf %parallel_loop3A_251, %parallel_loop3A_282 : vector<16xf32>
          %parallel_loop3A_284 = arith.addf %parallel_loop3A_278, %parallel_loop3A_283 : vector<16xf32>
          %parallel_loop3A_285 = arith.addf %parallel_loop3A_237, %parallel_loop3A_284 : vector<16xf32>
          %parallel_loop3A_286 = arith.constant 896 : i32
          %parallel_loop3A_287 = arith.addi %parallel_loop3A_286, %parallel_loop3A_222 : i32
          %parallel_loop3A_288 = arith.index_cast %parallel_loop3A_287 : i32 to index
          %parallel_loop3A_289 = tpu.vector_load %arg7[%parallel_loop3A_288] {strides = array<i32>} : memref<3584xf32, #tpu.memory_space<vmem>>, vector<16xf32>,
          %parallel_loop3A_290 = arith.constant 1344 : i32
          %parallel_loop3A_291 = arith.addi %parallel_loop3A_290, %parallel_loop3A_222 : i32
          %parallel_loop3A_292 = arith.index_cast %parallel_loop3A_291 : i32 to index
          %parallel_loop3A_293 = tpu.vector_load %arg7[%parallel_loop3A_292] {strides = array<i32>} : memref<3584xf32, #tpu.memory_space<vmem>>, vector<16xf32>,
          %parallel_loop3A_294 = arith.fptosi %parallel_loop3A_289 : vector<16xf32> to vector<16xi32>
          %parallel_loop3A_295 = arith.fptosi %parallel_loop3A_293 : vector<16xf32> to vector<16xi32>
          %parallel_loop3A_296 = arith.sitofp %parallel_loop3A_294 : vector<16xi32> to vector<16xf32>
          %parallel_loop3A_297 = arith.subf %parallel_loop3A_289, %parallel_loop3A_296 : vector<16xf32>
          %parallel_loop3A_298 = arith.sitofp %parallel_loop3A_295 : vector<16xi32> to vector<16xf32>
          %parallel_loop3A_299 = arith.subf %parallel_loop3A_293, %parallel_loop3A_298 : vector<16xf32>
          %parallel_loop3A_300 = arith.constant 1 : i32
          %parallel_loop3A_301 = vector.broadcast %parallel_loop3A_300 : i32 to vector<16xi32>
          %parallel_loop3A_302 = arith.addi %parallel_loop3A_294, %parallel_loop3A_301 : vector<16xi32>
          %parallel_loop3A_303 = arith.constant 1 : i32
          %parallel_loop3A_304 = vector.broadcast %parallel_loop3A_303 : i32 to vector<16xi32>
          %parallel_loop3A_305 = arith.addi %parallel_loop3A_295, %parallel_loop3A_304 : vector<16xi32>
          %parallel_loop3A_306 = tpu.vector_load_idx %arg5[%parallel_loop3A_295, %parallel_loop3A_294] : memref<224x224xf32, #tpu.memory_space<vmem>>[vector<16xi32>, vector<16xi32>], vector<16xf32>,
          %parallel_loop3A_307 = tpu.vector_load_idx %arg5[%parallel_loop3A_295, %parallel_loop3A_302] : memref<224x224xf32, #tpu.memory_space<vmem>>[vector<16xi32>, vector<16xi32>], vector<16xf32>,
          %parallel_loop3A_308 = tpu.vector_load_idx %arg5[%parallel_loop3A_305, %parallel_loop3A_294] : memref<224x224xf32, #tpu.memory_space<vmem>>[vector<16xi32>, vector<16xi32>], vector<16xf32>,
          %parallel_loop3A_309 = tpu.vector_load_idx %arg5[%parallel_loop3A_305, %parallel_loop3A_302] : memref<224x224xf32, #tpu.memory_space<vmem>>[vector<16xi32>, vector<16xi32>], vector<16xf32>,
          %parallel_loop3A_310 = arith.subf %parallel_loop3A_307, %parallel_loop3A_306 : vector<16xf32>
          %parallel_loop3A_311 = arith.mulf %parallel_loop3A_297, %parallel_loop3A_310 : vector<16xf32>
          %parallel_loop3A_312 = arith.addf %parallel_loop3A_306, %parallel_loop3A_311 : vector<16xf32>
          %parallel_loop3A_313 = arith.subf %parallel_loop3A_309, %parallel_loop3A_308 : vector<16xf32>
          %parallel_loop3A_314 = arith.mulf %parallel_loop3A_297, %parallel_loop3A_313 : vector<16xf32>
          %parallel_loop3A_315 = arith.addf %parallel_loop3A_308, %parallel_loop3A_314 : vector<16xf32>
          %parallel_loop3A_316 = arith.subf %parallel_loop3A_315, %parallel_loop3A_312 : vector<16xf32>
          %parallel_loop3A_317 = arith.mulf %parallel_loop3A_299, %parallel_loop3A_316 : vector<16xf32>
          %parallel_loop3A_318 = arith.addf %parallel_loop3A_312, %parallel_loop3A_317 : vector<16xf32>
          %parallel_loop3A_319 = arith.addf %parallel_loop3A_271, %parallel_loop3A_318 : vector<16xf32>
          %parallel_loop3A_320 = tpu.vector_load_idx %arg6[%parallel_loop3A_295, %parallel_loop3A_294] : memref<224x224xf32, #tpu.memory_space<vmem>>[vector<16xi32>, vector<16xi32>], vector<16xf32>,
          %parallel_loop3A_321 = tpu.vector_load_idx %arg6[%parallel_loop3A_295, %parallel_loop3A_302] : memref<224x224xf32, #tpu.memory_space<vmem>>[vector<16xi32>, vector<16xi32>], vector<16xf32>,
          %parallel_loop3A_322 = tpu.vector_load_idx %arg6[%parallel_loop3A_305, %parallel_loop3A_294] : memref<224x224xf32, #tpu.memory_space<vmem>>[vector<16xi32>, vector<16xi32>], vector<16xf32>,
          %parallel_loop3A_323 = tpu.vector_load_idx %arg6[%parallel_loop3A_305, %parallel_loop3A_302] : memref<224x224xf32, #tpu.memory_space<vmem>>[vector<16xi32>, vector<16xi32>], vector<16xf32>,
          %parallel_loop3A_324 = arith.subf %parallel_loop3A_321, %parallel_loop3A_320 : vector<16xf32>
          %parallel_loop3A_325 = arith.mulf %parallel_loop3A_297, %parallel_loop3A_324 : vector<16xf32>
          %parallel_loop3A_326 = arith.addf %parallel_loop3A_320, %parallel_loop3A_325 : vector<16xf32>
          %parallel_loop3A_327 = arith.subf %parallel_loop3A_323, %parallel_loop3A_322 : vector<16xf32>
          %parallel_loop3A_328 = arith.mulf %parallel_loop3A_297, %parallel_loop3A_327 : vector<16xf32>
          %parallel_loop3A_329 = arith.addf %parallel_loop3A_322, %parallel_loop3A_328 : vector<16xf32>
          %parallel_loop3A_330 = arith.subf %parallel_loop3A_329, %parallel_loop3A_326 : vector<16xf32>
          %parallel_loop3A_331 = arith.mulf %parallel_loop3A_299, %parallel_loop3A_330 : vector<16xf32>
          %parallel_loop3A_332 = arith.addf %parallel_loop3A_326, %parallel_loop3A_331 : vector<16xf32>
          %parallel_loop3A_333 = arith.addf %parallel_loop3A_285, %parallel_loop3A_332 : vector<16xf32>
          %parallel_loop3A_334 = arith.constant 1792 : i32
          %parallel_loop3A_335 = arith.addi %parallel_loop3A_334, %parallel_loop3A_222 : i32
          %parallel_loop3A_336 = arith.index_cast %parallel_loop3A_335 : i32 to index
          %parallel_loop3A_337 = tpu.vector_load %arg7[%parallel_loop3A_336] {strides = array<i32>} : memref<3584xf32, #tpu.memory_space<vmem>>, vector<16xf32>,
          %parallel_loop3A_338 = arith.constant 2240 : i32
          %parallel_loop3A_339 = arith.addi %parallel_loop3A_338, %parallel_loop3A_222 : i32
          %parallel_loop3A_340 = arith.index_cast %parallel_loop3A_339 : i32 to index
          %parallel_loop3A_341 = tpu.vector_load %arg7[%parallel_loop3A_340] {strides = array<i32>} : memref<3584xf32, #tpu.memory_space<vmem>>, vector<16xf32>,
          %parallel_loop3A_342 = arith.fptosi %parallel_loop3A_337 : vector<16xf32> to vector<16xi32>
          %parallel_loop3A_343 = arith.fptosi %parallel_loop3A_341 : vector<16xf32> to vector<16xi32>
          %parallel_loop3A_344 = arith.sitofp %parallel_loop3A_342 : vector<16xi32> to vector<16xf32>
          %parallel_loop3A_345 = arith.subf %parallel_loop3A_337, %parallel_loop3A_344 : vector<16xf32>
          %parallel_loop3A_346 = arith.sitofp %parallel_loop3A_343 : vector<16xi32> to vector<16xf32>
          %parallel_loop3A_347 = arith.subf %parallel_loop3A_341, %parallel_loop3A_346 : vector<16xf32>
          %parallel_loop3A_348 = arith.constant 1 : i32
          %parallel_loop3A_349 = vector.broadcast %parallel_loop3A_348 : i32 to vector<16xi32>
          %parallel_loop3A_350 = arith.addi %parallel_loop3A_342, %parallel_loop3A_349 : vector<16xi32>
          %parallel_loop3A_351 = arith.constant 1 : i32
          %parallel_loop3A_352 = vector.broadcast %parallel_loop3A_351 : i32 to vector<16xi32>
          %parallel_loop3A_353 = arith.addi %parallel_loop3A_343, %parallel_loop3A_352 : vector<16xi32>
          %parallel_loop3A_354 = tpu.vector_load_idx %arg5[%parallel_loop3A_343, %parallel_loop3A_342] : memref<224x224xf32, #tpu.memory_space<vmem>>[vector<16xi32>, vector<16xi32>], vector<16xf32>,
          %parallel_loop3A_355 = tpu.vector_load_idx %arg5[%parallel_loop3A_343, %parallel_loop3A_350] : memref<224x224xf32, #tpu.memory_space<vmem>>[vector<16xi32>, vector<16xi32>], vector<16xf32>,
          %parallel_loop3A_356 = tpu.vector_load_idx %arg5[%parallel_loop3A_353, %parallel_loop3A_342] : memref<224x224xf32, #tpu.memory_space<vmem>>[vector<16xi32>, vector<16xi32>], vector<16xf32>,
          %parallel_loop3A_357 = tpu.vector_load_idx %arg5[%parallel_loop3A_353, %parallel_loop3A_350] : memref<224x224xf32, #tpu.memory_space<vmem>>[vector<16xi32>, vector<16xi32>], vector<16xf32>,
          %parallel_loop3A_358 = arith.subf %parallel_loop3A_355, %parallel_loop3A_354 : vector<16xf32>
          %parallel_loop3A_359 = arith.mulf %parallel_loop3A_345, %parallel_loop3A_358 : vector<16xf32>
          %parallel_loop3A_360 = arith.addf %parallel_loop3A_354, %parallel_loop3A_359 : vector<16xf32>
          %parallel_loop3A_361 = arith.subf %parallel_loop3A_357, %parallel_loop3A_356 : vector<16xf32>
          %parallel_loop3A_362 = arith.mulf %parallel_loop3A_345, %parallel_loop3A_361 : vector<16xf32>
          %parallel_loop3A_363 = arith.addf %parallel_loop3A_356, %parallel_loop3A_362 : vector<16xf32>
          %parallel_loop3A_364 = arith.subf %parallel_loop3A_363, %parallel_loop3A_360 : vector<16xf32>
          %parallel_loop3A_365 = arith.mulf %parallel_loop3A_347, %parallel_loop3A_364 : vector<16xf32>
          %parallel_loop3A_366 = arith.addf %parallel_loop3A_360, %parallel_loop3A_365 : vector<16xf32>
          %parallel_loop3A_367 = arith.addf %parallel_loop3A_319, %parallel_loop3A_366 : vector<16xf32>
          %parallel_loop3A_368 = tpu.vector_load_idx %arg6[%parallel_loop3A_343, %parallel_loop3A_342] : memref<224x224xf32, #tpu.memory_space<vmem>>[vector<16xi32>, vector<16xi32>], vector<16xf32>,
          %parallel_loop3A_369 = tpu.vector_load_idx %arg6[%parallel_loop3A_343, %parallel_loop3A_350] : memref<224x224xf32, #tpu.memory_space<vmem>>[vector<16xi32>, vector<16xi32>], vector<16xf32>,
          %parallel_loop3A_370 = tpu.vector_load_idx %arg6[%parallel_loop3A_353, %parallel_loop3A_342] : memref<224x224xf32, #tpu.memory_space<vmem>>[vector<16xi32>, vector<16xi32>], vector<16xf32>,
          %parallel_loop3A_371 = tpu.vector_load_idx %arg6[%parallel_loop3A_353, %parallel_loop3A_350] : memref<224x224xf32, #tpu.memory_space<vmem>>[vector<16xi32>, vector<16xi32>], vector<16xf32>,
          %parallel_loop3A_372 = arith.subf %parallel_loop3A_369, %parallel_loop3A_368 : vector<16xf32>
          %parallel_loop3A_373 = arith.mulf %parallel_loop3A_345, %parallel_loop3A_372 : vector<16xf32>
          %parallel_loop3A_374 = arith.addf %parallel_loop3A_368, %parallel_loop3A_373 : vector<16xf32>
          %parallel_loop3A_375 = arith.subf %parallel_loop3A_371, %parallel_loop3A_370 : vector<16xf32>
          %parallel_loop3A_376 = arith.mulf %parallel_loop3A_345, %parallel_loop3A_375 : vector<16xf32>
          %parallel_loop3A_377 = arith.addf %parallel_loop3A_370, %parallel_loop3A_376 : vector<16xf32>
          %parallel_loop3A_378 = arith.subf %parallel_loop3A_377, %parallel_loop3A_374 : vector<16xf32>
          %parallel_loop3A_379 = arith.mulf %parallel_loop3A_347, %parallel_loop3A_378 : vector<16xf32>
          %parallel_loop3A_380 = arith.addf %parallel_loop3A_374, %parallel_loop3A_379 : vector<16xf32>
          %parallel_loop3A_381 = arith.addf %parallel_loop3A_333, %parallel_loop3A_380 : vector<16xf32>
          %parallel_loop3A_382 = arith.constant 2688 : i32
          %parallel_loop3A_383 = arith.addi %parallel_loop3A_382, %parallel_loop3A_222 : i32
          %parallel_loop3A_384 = arith.index_cast %parallel_loop3A_383 : i32 to index
          %parallel_loop3A_385 = tpu.vector_load %arg7[%parallel_loop3A_384] {strides = array<i32>} : memref<3584xf32, #tpu.memory_space<vmem>>, vector<16xf32>,
          %parallel_loop3A_386 = arith.constant 3136 : i32
          %parallel_loop3A_387 = arith.addi %parallel_loop3A_386, %parallel_loop3A_222 : i32
          %parallel_loop3A_388 = arith.index_cast %parallel_loop3A_387 : i32 to index
          %parallel_loop3A_389 = tpu.vector_load %arg7[%parallel_loop3A_388] {strides = array<i32>} : memref<3584xf32, #tpu.memory_space<vmem>>, vector<16xf32>,
          %parallel_loop3A_390 = arith.fptosi %parallel_loop3A_385 : vector<16xf32> to vector<16xi32>
          %parallel_loop3A_391 = arith.fptosi %parallel_loop3A_389 : vector<16xf32> to vector<16xi32>
          %parallel_loop3A_392 = arith.sitofp %parallel_loop3A_390 : vector<16xi32> to vector<16xf32>
          %parallel_loop3A_393 = arith.subf %parallel_loop3A_385, %parallel_loop3A_392 : vector<16xf32>
          %parallel_loop3A_394 = arith.sitofp %parallel_loop3A_391 : vector<16xi32> to vector<16xf32>
          %parallel_loop3A_395 = arith.subf %parallel_loop3A_389, %parallel_loop3A_394 : vector<16xf32>
          %parallel_loop3A_396 = arith.constant 1 : i32
          %parallel_loop3A_397 = vector.broadcast %parallel_loop3A_396 : i32 to vector<16xi32>
          %parallel_loop3A_398 = arith.addi %parallel_loop3A_390, %parallel_loop3A_397 : vector<16xi32>
          %parallel_loop3A_399 = arith.constant 1 : i32
          %parallel_loop3A_400 = vector.broadcast %parallel_loop3A_399 : i32 to vector<16xi32>
          %parallel_loop3A_401 = arith.addi %parallel_loop3A_391, %parallel_loop3A_400 : vector<16xi32>
          %parallel_loop3A_402 = tpu.vector_load_idx %arg5[%parallel_loop3A_391, %parallel_loop3A_390] : memref<224x224xf32, #tpu.memory_space<vmem>>[vector<16xi32>, vector<16xi32>], vector<16xf32>,
          %parallel_loop3A_403 = tpu.vector_load_idx %arg5[%parallel_loop3A_391, %parallel_loop3A_398] : memref<224x224xf32, #tpu.memory_space<vmem>>[vector<16xi32>, vector<16xi32>], vector<16xf32>,
          %parallel_loop3A_404 = tpu.vector_load_idx %arg5[%parallel_loop3A_401, %parallel_loop3A_390] : memref<224x224xf32, #tpu.memory_space<vmem>>[vector<16xi32>, vector<16xi32>], vector<16xf32>,
          %parallel_loop3A_405 = tpu.vector_load_idx %arg5[%parallel_loop3A_401, %parallel_loop3A_398] : memref<224x224xf32, #tpu.memory_space<vmem>>[vector<16xi32>, vector<16xi32>], vector<16xf32>,
          %parallel_loop3A_406 = arith.subf %parallel_loop3A_403, %parallel_loop3A_402 : vector<16xf32>
          %parallel_loop3A_407 = arith.mulf %parallel_loop3A_393, %parallel_loop3A_406 : vector<16xf32>
          %parallel_loop3A_408 = arith.addf %parallel_loop3A_402, %parallel_loop3A_407 : vector<16xf32>
          %parallel_loop3A_409 = arith.subf %parallel_loop3A_405, %parallel_loop3A_404 : vector<16xf32>
          %parallel_loop3A_410 = arith.mulf %parallel_loop3A_393, %parallel_loop3A_409 : vector<16xf32>
          %parallel_loop3A_411 = arith.addf %parallel_loop3A_404, %parallel_loop3A_410 : vector<16xf32>
          %parallel_loop3A_412 = arith.subf %parallel_loop3A_411, %parallel_loop3A_408 : vector<16xf32>
          %parallel_loop3A_413 = arith.mulf %parallel_loop3A_395, %parallel_loop3A_412 : vector<16xf32>
          %parallel_loop3A_414 = arith.addf %parallel_loop3A_408, %parallel_loop3A_413 : vector<16xf32>
          %parallel_loop3A_415 = arith.addf %parallel_loop3A_367, %parallel_loop3A_414 : vector<16xf32>
          %parallel_loop3A_416 = tpu.vector_load_idx %arg6[%parallel_loop3A_391, %parallel_loop3A_390] : memref<224x224xf32, #tpu.memory_space<vmem>>[vector<16xi32>, vector<16xi32>], vector<16xf32>,
          %parallel_loop3A_417 = tpu.vector_load_idx %arg6[%parallel_loop3A_391, %parallel_loop3A_398] : memref<224x224xf32, #tpu.memory_space<vmem>>[vector<16xi32>, vector<16xi32>], vector<16xf32>,
          %parallel_loop3A_418 = tpu.vector_load_idx %arg6[%parallel_loop3A_401, %parallel_loop3A_390] : memref<224x224xf32, #tpu.memory_space<vmem>>[vector<16xi32>, vector<16xi32>], vector<16xf32>,
          %parallel_loop3A_419 = tpu.vector_load_idx %arg6[%parallel_loop3A_401, %parallel_loop3A_398] : memref<224x224xf32, #tpu.memory_space<vmem>>[vector<16xi32>, vector<16xi32>], vector<16xf32>,
          %parallel_loop3A_420 = arith.subf %parallel_loop3A_417, %parallel_loop3A_416 : vector<16xf32>
          %parallel_loop3A_421 = arith.mulf %parallel_loop3A_393, %parallel_loop3A_420 : vector<16xf32>
          %parallel_loop3A_422 = arith.addf %parallel_loop3A_416, %parallel_loop3A_421 : vector<16xf32>
          %parallel_loop3A_423 = arith.subf %parallel_loop3A_419, %parallel_loop3A_418 : vector<16xf32>
          %parallel_loop3A_424 = arith.mulf %parallel_loop3A_393, %parallel_loop3A_423 : vector<16xf32>
          %parallel_loop3A_425 = arith.addf %parallel_loop3A_418, %parallel_loop3A_424 : vector<16xf32>
          %parallel_loop3A_426 = arith.subf %parallel_loop3A_425, %parallel_loop3A_422 : vector<16xf32>
          %parallel_loop3A_427 = arith.mulf %parallel_loop3A_395, %parallel_loop3A_426 : vector<16xf32>
          %parallel_loop3A_428 = arith.addf %parallel_loop3A_422, %parallel_loop3A_427 : vector<16xf32>
          %parallel_loop3A_429 = arith.addf %parallel_loop3A_381, %parallel_loop3A_428 : vector<16xf32>
          %parallel_loop3A_430 = arith.constant 2.500000e-01 : f32
          %parallel_loop3A_431 = vector.broadcast %parallel_loop3A_430 : f32 to vector<16xf32>
          %parallel_loop3A_432 = arith.mulf %parallel_loop3A_415, %parallel_loop3A_431 : vector<16xf32>
          %parallel_loop3A_433 = arith.index_cast %parallel_loop3A_230 : i32 to index
          %parallel_loop3A_434 = arith.index_cast %parallel_loop3A_233 : i32 to index
          %parallel_loop3A_435 = tpu.vector_load %arg9[%parallel_loop3A_433, %parallel_loop3A_434] {strides = array<i32>} : memref<8x112xf32, #tpu.memory_space<vmem>>, vector<16xf32>,
          tpu.vector_store %arg9[%parallel_loop3A_433, %parallel_loop3A_434], %parallel_loop3A_432 {strides = array<i32>} : memref<8x112xf32, #tpu.memory_space<vmem>>, vector<16xf32>,
          %parallel_loop3A_436 = arith.constant 2.500000e-01 : f32
          %parallel_loop3A_437 = vector.broadcast %parallel_loop3A_436 : f32 to vector<16xf32>
          %parallel_loop3A_438 = arith.mulf %parallel_loop3A_429, %parallel_loop3A_437 : vector<16xf32>
          %parallel_loop3A_439 = arith.index_cast %parallel_loop3A_230 : i32 to index
          %parallel_loop3A_440 = arith.index_cast %parallel_loop3A_233 : i32 to index
          %parallel_loop3A_441 = tpu.vector_load %arg11[%parallel_loop3A_439, %parallel_loop3A_440] {strides = array<i32>} : memref<8x112xf32, #tpu.memory_space<vmem>>, vector<16xf32>,
          tpu.vector_store %arg11[%parallel_loop3A_439, %parallel_loop3A_440], %parallel_loop3A_438 {strides = array<i32>} : memref<8x112xf32, #tpu.memory_space<vmem>>, vector<16xf32>,
        } {sc.loop_unroll_factor = 4 : i64, sc.parallel_access}
        %add3A_135 = arith.constant 2 : i32
        %add3A_136 = arith.addi %mul3A_117, %add3A_135 : i32
        %mul3A_137 = arith.constant 3584 : i32
        %mul3A_138 = arith.muli %add3A_136, %mul3A_137 : i32
        %dma_start3A_139 = tpu.memref_slice %arg3[%mul3A_138] : memref<100352xf32, #tpu.memory_space<hbm>> -> memref<3584xf32, #tpu.memory_space<hbm>>
        %dma_start3A_140 = tpu.memref_slice %arg3[%mul3A_138] : memref<100352xf32, #tpu.memory_space<hbm>> -> memref<3584xf32, #tpu.memory_space<hbm>>
        tpu.enqueue_dma source(%dma_start3A_140 : memref<3584xf32, #tpu.memory_space<hbm>>) target(%arg7 : memref<3584xf32, #tpu.memory_space<vmem>>) target_semaphore(%arg14 : memref<!tpu.dma_semaphore, #tpu.memory_space<semaphore_mem>>)
        %dma_wait3A_141 = arith.constant 0 : i32
        %dma_wait3A_142 = tpu.memref_slice %arg3[%dma_wait3A_141] : memref<100352xf32, #tpu.memory_space<hbm>> -> memref<3584xf32, #tpu.memory_space<hbm>>
        %dma_wait3A_143 = arith.constant 0 : i32
        %dma_wait3A_144 = tpu.memref_slice %arg3[%dma_wait3A_143] : memref<100352xf32, #tpu.memory_space<hbm>> -> memref<3584xf32, #tpu.memory_space<hbm>>
        tpu.wait_dma2 semaphore(%arg15 : memref<!tpu.dma_semaphore, #tpu.memory_space<semaphore_mem>>) src(%dma_wait3A_144 : memref<3584xf32, #tpu.memory_space<hbm>>) dst(%arg8 : memref<3584xf32, #tpu.memory_space<vmem>>)
        %parallel_loop3A_145 = arith.constant 0 : i32
        %parallel_loop3A_146 = arith.constant 448 : i32
        %parallel_loop3A_147 = arith.constant 16 : i32
        scf.for %parallel_loop3A_222 = %parallel_loop3A_145 to %parallel_loop3A_146 step %parallel_loop3A_147  : i32 {
          %parallel_loop3A_223 = arith.constant 4 : i32
          %parallel_loop3A_224 = arith.shrsi %parallel_loop3A_222, %parallel_loop3A_223 : i32
          %parallel_loop3A_225 = arith.constant 9363 : i32
          %parallel_loop3A_226 = arith.muli %parallel_loop3A_224, %parallel_loop3A_225 : i32
          %parallel_loop3A_227 = arith.constant 16 : i32
          %parallel_loop3A_228 = arith.shrsi %parallel_loop3A_226, %parallel_loop3A_227 : i32
          %parallel_loop3A_229 = arith.constant 4 : i32
          %parallel_loop3A_230 = arith.addi %parallel_loop3A_228, %parallel_loop3A_229 : i32
          %parallel_loop3A_231 = arith.constant 112 : i32
          %parallel_loop3A_232 = arith.muli %parallel_loop3A_228, %parallel_loop3A_231 : i32
          %parallel_loop3A_233 = arith.subi %parallel_loop3A_222, %parallel_loop3A_232 : i32
          %parallel_loop3A_234 = arith.constant 0.000000e+00 : f32
          %parallel_loop3A_235 = vector.broadcast %parallel_loop3A_234 : f32 to vector<16xf32>
          %parallel_loop3A_236 = arith.constant 0.000000e+00 : f32
          %parallel_loop3A_237 = vector.broadcast %parallel_loop3A_236 : f32 to vector<16xf32>
          %parallel_loop3A_238 = arith.constant 0 : i32
          %parallel_loop3A_239 = arith.addi %parallel_loop3A_238, %parallel_loop3A_222 : i32
          %parallel_loop3A_240 = arith.index_cast %parallel_loop3A_239 : i32 to index
          %parallel_loop3A_241 = tpu.vector_load %arg8[%parallel_loop3A_240] {strides = array<i32>} : memref<3584xf32, #tpu.memory_space<vmem>>, vector<16xf32>,
          %parallel_loop3A_242 = arith.constant 448 : i32
          %parallel_loop3A_243 = arith.addi %parallel_loop3A_242, %parallel_loop3A_222 : i32
          %parallel_loop3A_244 = arith.index_cast %parallel_loop3A_243 : i32 to index
          %parallel_loop3A_245 = tpu.vector_load %arg8[%parallel_loop3A_244] {strides = array<i32>} : memref<3584xf32, #tpu.memory_space<vmem>>, vector<16xf32>,
          %parallel_loop3A_246 = arith.fptosi %parallel_loop3A_241 : vector<16xf32> to vector<16xi32>
          %parallel_loop3A_247 = arith.fptosi %parallel_loop3A_245 : vector<16xf32> to vector<16xi32>
          %parallel_loop3A_248 = arith.sitofp %parallel_loop3A_246 : vector<16xi32> to vector<16xf32>
          %parallel_loop3A_249 = arith.subf %parallel_loop3A_241, %parallel_loop3A_248 : vector<16xf32>
          %parallel_loop3A_250 = arith.sitofp %parallel_loop3A_247 : vector<16xi32> to vector<16xf32>
          %parallel_loop3A_251 = arith.subf %parallel_loop3A_245, %parallel_loop3A_250 : vector<16xf32>
          %parallel_loop3A_252 = arith.constant 1 : i32
          %parallel_loop3A_253 = vector.broadcast %parallel_loop3A_252 : i32 to vector<16xi32>
          %parallel_loop3A_254 = arith.addi %parallel_loop3A_246, %parallel_loop3A_253 : vector<16xi32>
          %parallel_loop3A_255 = arith.constant 1 : i32
          %parallel_loop3A_256 = vector.broadcast %parallel_loop3A_255 : i32 to vector<16xi32>
          %parallel_loop3A_257 = arith.addi %parallel_loop3A_247, %parallel_loop3A_256 : vector<16xi32>
          %parallel_loop3A_258 = tpu.vector_load_idx %arg5[%parallel_loop3A_247, %parallel_loop3A_246] : memref<224x224xf32, #tpu.memory_space<vmem>>[vector<16xi32>, vector<16xi32>], vector<16xf32>,
          %parallel_loop3A_259 = tpu.vector_load_idx %arg5[%parallel_loop3A_247, %parallel_loop3A_254] : memref<224x224xf32, #tpu.memory_space<vmem>>[vector<16xi32>, vector<16xi32>], vector<16xf32>,
          %parallel_loop3A_260 = tpu.vector_load_idx %arg5[%parallel_loop3A_257, %parallel_loop3A_246] : memref<224x224xf32, #tpu.memory_space<vmem>>[vector<16xi32>, vector<16xi32>], vector<16xf32>,
          %parallel_loop3A_261 = tpu.vector_load_idx %arg5[%parallel_loop3A_257, %parallel_loop3A_254] : memref<224x224xf32, #tpu.memory_space<vmem>>[vector<16xi32>, vector<16xi32>], vector<16xf32>,
          %parallel_loop3A_262 = arith.subf %parallel_loop3A_259, %parallel_loop3A_258 : vector<16xf32>
          %parallel_loop3A_263 = arith.mulf %parallel_loop3A_249, %parallel_loop3A_262 : vector<16xf32>
          %parallel_loop3A_264 = arith.addf %parallel_loop3A_258, %parallel_loop3A_263 : vector<16xf32>
          %parallel_loop3A_265 = arith.subf %parallel_loop3A_261, %parallel_loop3A_260 : vector<16xf32>
          %parallel_loop3A_266 = arith.mulf %parallel_loop3A_249, %parallel_loop3A_265 : vector<16xf32>
          %parallel_loop3A_267 = arith.addf %parallel_loop3A_260, %parallel_loop3A_266 : vector<16xf32>
          %parallel_loop3A_268 = arith.subf %parallel_loop3A_267, %parallel_loop3A_264 : vector<16xf32>
          %parallel_loop3A_269 = arith.mulf %parallel_loop3A_251, %parallel_loop3A_268 : vector<16xf32>
          %parallel_loop3A_270 = arith.addf %parallel_loop3A_264, %parallel_loop3A_269 : vector<16xf32>
          %parallel_loop3A_271 = arith.addf %parallel_loop3A_235, %parallel_loop3A_270 : vector<16xf32>
          %parallel_loop3A_272 = tpu.vector_load_idx %arg6[%parallel_loop3A_247, %parallel_loop3A_246] : memref<224x224xf32, #tpu.memory_space<vmem>>[vector<16xi32>, vector<16xi32>], vector<16xf32>,
          %parallel_loop3A_273 = tpu.vector_load_idx %arg6[%parallel_loop3A_247, %parallel_loop3A_254] : memref<224x224xf32, #tpu.memory_space<vmem>>[vector<16xi32>, vector<16xi32>], vector<16xf32>,
          %parallel_loop3A_274 = tpu.vector_load_idx %arg6[%parallel_loop3A_257, %parallel_loop3A_246] : memref<224x224xf32, #tpu.memory_space<vmem>>[vector<16xi32>, vector<16xi32>], vector<16xf32>,
          %parallel_loop3A_275 = tpu.vector_load_idx %arg6[%parallel_loop3A_257, %parallel_loop3A_254] : memref<224x224xf32, #tpu.memory_space<vmem>>[vector<16xi32>, vector<16xi32>], vector<16xf32>,
          %parallel_loop3A_276 = arith.subf %parallel_loop3A_273, %parallel_loop3A_272 : vector<16xf32>
          %parallel_loop3A_277 = arith.mulf %parallel_loop3A_249, %parallel_loop3A_276 : vector<16xf32>
          %parallel_loop3A_278 = arith.addf %parallel_loop3A_272, %parallel_loop3A_277 : vector<16xf32>
          %parallel_loop3A_279 = arith.subf %parallel_loop3A_275, %parallel_loop3A_274 : vector<16xf32>
          %parallel_loop3A_280 = arith.mulf %parallel_loop3A_249, %parallel_loop3A_279 : vector<16xf32>
          %parallel_loop3A_281 = arith.addf %parallel_loop3A_274, %parallel_loop3A_280 : vector<16xf32>
          %parallel_loop3A_282 = arith.subf %parallel_loop3A_281, %parallel_loop3A_278 : vector<16xf32>
          %parallel_loop3A_283 = arith.mulf %parallel_loop3A_251, %parallel_loop3A_282 : vector<16xf32>
          %parallel_loop3A_284 = arith.addf %parallel_loop3A_278, %parallel_loop3A_283 : vector<16xf32>
          %parallel_loop3A_285 = arith.addf %parallel_loop3A_237, %parallel_loop3A_284 : vector<16xf32>
          %parallel_loop3A_286 = arith.constant 896 : i32
          %parallel_loop3A_287 = arith.addi %parallel_loop3A_286, %parallel_loop3A_222 : i32
          %parallel_loop3A_288 = arith.index_cast %parallel_loop3A_287 : i32 to index
          %parallel_loop3A_289 = tpu.vector_load %arg8[%parallel_loop3A_288] {strides = array<i32>} : memref<3584xf32, #tpu.memory_space<vmem>>, vector<16xf32>,
          %parallel_loop3A_290 = arith.constant 1344 : i32
          %parallel_loop3A_291 = arith.addi %parallel_loop3A_290, %parallel_loop3A_222 : i32
          %parallel_loop3A_292 = arith.index_cast %parallel_loop3A_291 : i32 to index
          %parallel_loop3A_293 = tpu.vector_load %arg8[%parallel_loop3A_292] {strides = array<i32>} : memref<3584xf32, #tpu.memory_space<vmem>>, vector<16xf32>,
          %parallel_loop3A_294 = arith.fptosi %parallel_loop3A_289 : vector<16xf32> to vector<16xi32>
          %parallel_loop3A_295 = arith.fptosi %parallel_loop3A_293 : vector<16xf32> to vector<16xi32>
          %parallel_loop3A_296 = arith.sitofp %parallel_loop3A_294 : vector<16xi32> to vector<16xf32>
          %parallel_loop3A_297 = arith.subf %parallel_loop3A_289, %parallel_loop3A_296 : vector<16xf32>
          %parallel_loop3A_298 = arith.sitofp %parallel_loop3A_295 : vector<16xi32> to vector<16xf32>
          %parallel_loop3A_299 = arith.subf %parallel_loop3A_293, %parallel_loop3A_298 : vector<16xf32>
          %parallel_loop3A_300 = arith.constant 1 : i32
          %parallel_loop3A_301 = vector.broadcast %parallel_loop3A_300 : i32 to vector<16xi32>
          %parallel_loop3A_302 = arith.addi %parallel_loop3A_294, %parallel_loop3A_301 : vector<16xi32>
          %parallel_loop3A_303 = arith.constant 1 : i32
          %parallel_loop3A_304 = vector.broadcast %parallel_loop3A_303 : i32 to vector<16xi32>
          %parallel_loop3A_305 = arith.addi %parallel_loop3A_295, %parallel_loop3A_304 : vector<16xi32>
          %parallel_loop3A_306 = tpu.vector_load_idx %arg5[%parallel_loop3A_295, %parallel_loop3A_294] : memref<224x224xf32, #tpu.memory_space<vmem>>[vector<16xi32>, vector<16xi32>], vector<16xf32>,
          %parallel_loop3A_307 = tpu.vector_load_idx %arg5[%parallel_loop3A_295, %parallel_loop3A_302] : memref<224x224xf32, #tpu.memory_space<vmem>>[vector<16xi32>, vector<16xi32>], vector<16xf32>,
          %parallel_loop3A_308 = tpu.vector_load_idx %arg5[%parallel_loop3A_305, %parallel_loop3A_294] : memref<224x224xf32, #tpu.memory_space<vmem>>[vector<16xi32>, vector<16xi32>], vector<16xf32>,
          %parallel_loop3A_309 = tpu.vector_load_idx %arg5[%parallel_loop3A_305, %parallel_loop3A_302] : memref<224x224xf32, #tpu.memory_space<vmem>>[vector<16xi32>, vector<16xi32>], vector<16xf32>,
          %parallel_loop3A_310 = arith.subf %parallel_loop3A_307, %parallel_loop3A_306 : vector<16xf32>
          %parallel_loop3A_311 = arith.mulf %parallel_loop3A_297, %parallel_loop3A_310 : vector<16xf32>
          %parallel_loop3A_312 = arith.addf %parallel_loop3A_306, %parallel_loop3A_311 : vector<16xf32>
          %parallel_loop3A_313 = arith.subf %parallel_loop3A_309, %parallel_loop3A_308 : vector<16xf32>
          %parallel_loop3A_314 = arith.mulf %parallel_loop3A_297, %parallel_loop3A_313 : vector<16xf32>
          %parallel_loop3A_315 = arith.addf %parallel_loop3A_308, %parallel_loop3A_314 : vector<16xf32>
          %parallel_loop3A_316 = arith.subf %parallel_loop3A_315, %parallel_loop3A_312 : vector<16xf32>
          %parallel_loop3A_317 = arith.mulf %parallel_loop3A_299, %parallel_loop3A_316 : vector<16xf32>
          %parallel_loop3A_318 = arith.addf %parallel_loop3A_312, %parallel_loop3A_317 : vector<16xf32>
          %parallel_loop3A_319 = arith.addf %parallel_loop3A_271, %parallel_loop3A_318 : vector<16xf32>
          %parallel_loop3A_320 = tpu.vector_load_idx %arg6[%parallel_loop3A_295, %parallel_loop3A_294] : memref<224x224xf32, #tpu.memory_space<vmem>>[vector<16xi32>, vector<16xi32>], vector<16xf32>,
          %parallel_loop3A_321 = tpu.vector_load_idx %arg6[%parallel_loop3A_295, %parallel_loop3A_302] : memref<224x224xf32, #tpu.memory_space<vmem>>[vector<16xi32>, vector<16xi32>], vector<16xf32>,
          %parallel_loop3A_322 = tpu.vector_load_idx %arg6[%parallel_loop3A_305, %parallel_loop3A_294] : memref<224x224xf32, #tpu.memory_space<vmem>>[vector<16xi32>, vector<16xi32>], vector<16xf32>,
          %parallel_loop3A_323 = tpu.vector_load_idx %arg6[%parallel_loop3A_305, %parallel_loop3A_302] : memref<224x224xf32, #tpu.memory_space<vmem>>[vector<16xi32>, vector<16xi32>], vector<16xf32>,
          %parallel_loop3A_324 = arith.subf %parallel_loop3A_321, %parallel_loop3A_320 : vector<16xf32>
          %parallel_loop3A_325 = arith.mulf %parallel_loop3A_297, %parallel_loop3A_324 : vector<16xf32>
          %parallel_loop3A_326 = arith.addf %parallel_loop3A_320, %parallel_loop3A_325 : vector<16xf32>
          %parallel_loop3A_327 = arith.subf %parallel_loop3A_323, %parallel_loop3A_322 : vector<16xf32>
          %parallel_loop3A_328 = arith.mulf %parallel_loop3A_297, %parallel_loop3A_327 : vector<16xf32>
          %parallel_loop3A_329 = arith.addf %parallel_loop3A_322, %parallel_loop3A_328 : vector<16xf32>
          %parallel_loop3A_330 = arith.subf %parallel_loop3A_329, %parallel_loop3A_326 : vector<16xf32>
          %parallel_loop3A_331 = arith.mulf %parallel_loop3A_299, %parallel_loop3A_330 : vector<16xf32>
          %parallel_loop3A_332 = arith.addf %parallel_loop3A_326, %parallel_loop3A_331 : vector<16xf32>
          %parallel_loop3A_333 = arith.addf %parallel_loop3A_285, %parallel_loop3A_332 : vector<16xf32>
          %parallel_loop3A_334 = arith.constant 1792 : i32
          %parallel_loop3A_335 = arith.addi %parallel_loop3A_334, %parallel_loop3A_222 : i32
          %parallel_loop3A_336 = arith.index_cast %parallel_loop3A_335 : i32 to index
          %parallel_loop3A_337 = tpu.vector_load %arg8[%parallel_loop3A_336] {strides = array<i32>} : memref<3584xf32, #tpu.memory_space<vmem>>, vector<16xf32>,
          %parallel_loop3A_338 = arith.constant 2240 : i32
          %parallel_loop3A_339 = arith.addi %parallel_loop3A_338, %parallel_loop3A_222 : i32
          %parallel_loop3A_340 = arith.index_cast %parallel_loop3A_339 : i32 to index
          %parallel_loop3A_341 = tpu.vector_load %arg8[%parallel_loop3A_340] {strides = array<i32>} : memref<3584xf32, #tpu.memory_space<vmem>>, vector<16xf32>,
          %parallel_loop3A_342 = arith.fptosi %parallel_loop3A_337 : vector<16xf32> to vector<16xi32>
          %parallel_loop3A_343 = arith.fptosi %parallel_loop3A_341 : vector<16xf32> to vector<16xi32>
          %parallel_loop3A_344 = arith.sitofp %parallel_loop3A_342 : vector<16xi32> to vector<16xf32>
          %parallel_loop3A_345 = arith.subf %parallel_loop3A_337, %parallel_loop3A_344 : vector<16xf32>
          %parallel_loop3A_346 = arith.sitofp %parallel_loop3A_343 : vector<16xi32> to vector<16xf32>
          %parallel_loop3A_347 = arith.subf %parallel_loop3A_341, %parallel_loop3A_346 : vector<16xf32>
          %parallel_loop3A_348 = arith.constant 1 : i32
          %parallel_loop3A_349 = vector.broadcast %parallel_loop3A_348 : i32 to vector<16xi32>
          %parallel_loop3A_350 = arith.addi %parallel_loop3A_342, %parallel_loop3A_349 : vector<16xi32>
          %parallel_loop3A_351 = arith.constant 1 : i32
          %parallel_loop3A_352 = vector.broadcast %parallel_loop3A_351 : i32 to vector<16xi32>
          %parallel_loop3A_353 = arith.addi %parallel_loop3A_343, %parallel_loop3A_352 : vector<16xi32>
          %parallel_loop3A_354 = tpu.vector_load_idx %arg5[%parallel_loop3A_343, %parallel_loop3A_342] : memref<224x224xf32, #tpu.memory_space<vmem>>[vector<16xi32>, vector<16xi32>], vector<16xf32>,
          %parallel_loop3A_355 = tpu.vector_load_idx %arg5[%parallel_loop3A_343, %parallel_loop3A_350] : memref<224x224xf32, #tpu.memory_space<vmem>>[vector<16xi32>, vector<16xi32>], vector<16xf32>,
          %parallel_loop3A_356 = tpu.vector_load_idx %arg5[%parallel_loop3A_353, %parallel_loop3A_342] : memref<224x224xf32, #tpu.memory_space<vmem>>[vector<16xi32>, vector<16xi32>], vector<16xf32>,
          %parallel_loop3A_357 = tpu.vector_load_idx %arg5[%parallel_loop3A_353, %parallel_loop3A_350] : memref<224x224xf32, #tpu.memory_space<vmem>>[vector<16xi32>, vector<16xi32>], vector<16xf32>,
          %parallel_loop3A_358 = arith.subf %parallel_loop3A_355, %parallel_loop3A_354 : vector<16xf32>
          %parallel_loop3A_359 = arith.mulf %parallel_loop3A_345, %parallel_loop3A_358 : vector<16xf32>
          %parallel_loop3A_360 = arith.addf %parallel_loop3A_354, %parallel_loop3A_359 : vector<16xf32>
          %parallel_loop3A_361 = arith.subf %parallel_loop3A_357, %parallel_loop3A_356 : vector<16xf32>
          %parallel_loop3A_362 = arith.mulf %parallel_loop3A_345, %parallel_loop3A_361 : vector<16xf32>
          %parallel_loop3A_363 = arith.addf %parallel_loop3A_356, %parallel_loop3A_362 : vector<16xf32>
          %parallel_loop3A_364 = arith.subf %parallel_loop3A_363, %parallel_loop3A_360 : vector<16xf32>
          %parallel_loop3A_365 = arith.mulf %parallel_loop3A_347, %parallel_loop3A_364 : vector<16xf32>
          %parallel_loop3A_366 = arith.addf %parallel_loop3A_360, %parallel_loop3A_365 : vector<16xf32>
          %parallel_loop3A_367 = arith.addf %parallel_loop3A_319, %parallel_loop3A_366 : vector<16xf32>
          %parallel_loop3A_368 = tpu.vector_load_idx %arg6[%parallel_loop3A_343, %parallel_loop3A_342] : memref<224x224xf32, #tpu.memory_space<vmem>>[vector<16xi32>, vector<16xi32>], vector<16xf32>,
          %parallel_loop3A_369 = tpu.vector_load_idx %arg6[%parallel_loop3A_343, %parallel_loop3A_350] : memref<224x224xf32, #tpu.memory_space<vmem>>[vector<16xi32>, vector<16xi32>], vector<16xf32>,
          %parallel_loop3A_370 = tpu.vector_load_idx %arg6[%parallel_loop3A_353, %parallel_loop3A_342] : memref<224x224xf32, #tpu.memory_space<vmem>>[vector<16xi32>, vector<16xi32>], vector<16xf32>,
          %parallel_loop3A_371 = tpu.vector_load_idx %arg6[%parallel_loop3A_353, %parallel_loop3A_350] : memref<224x224xf32, #tpu.memory_space<vmem>>[vector<16xi32>, vector<16xi32>], vector<16xf32>,
          %parallel_loop3A_372 = arith.subf %parallel_loop3A_369, %parallel_loop3A_368 : vector<16xf32>
          %parallel_loop3A_373 = arith.mulf %parallel_loop3A_345, %parallel_loop3A_372 : vector<16xf32>
          %parallel_loop3A_374 = arith.addf %parallel_loop3A_368, %parallel_loop3A_373 : vector<16xf32>
          %parallel_loop3A_375 = arith.subf %parallel_loop3A_371, %parallel_loop3A_370 : vector<16xf32>
          %parallel_loop3A_376 = arith.mulf %parallel_loop3A_345, %parallel_loop3A_375 : vector<16xf32>
          %parallel_loop3A_377 = arith.addf %parallel_loop3A_370, %parallel_loop3A_376 : vector<16xf32>
          %parallel_loop3A_378 = arith.subf %parallel_loop3A_377, %parallel_loop3A_374 : vector<16xf32>
          %parallel_loop3A_379 = arith.mulf %parallel_loop3A_347, %parallel_loop3A_378 : vector<16xf32>
          %parallel_loop3A_380 = arith.addf %parallel_loop3A_374, %parallel_loop3A_379 : vector<16xf32>
          %parallel_loop3A_381 = arith.addf %parallel_loop3A_333, %parallel_loop3A_380 : vector<16xf32>
          %parallel_loop3A_382 = arith.constant 2688 : i32
          %parallel_loop3A_383 = arith.addi %parallel_loop3A_382, %parallel_loop3A_222 : i32
          %parallel_loop3A_384 = arith.index_cast %parallel_loop3A_383 : i32 to index
          %parallel_loop3A_385 = tpu.vector_load %arg8[%parallel_loop3A_384] {strides = array<i32>} : memref<3584xf32, #tpu.memory_space<vmem>>, vector<16xf32>,
          %parallel_loop3A_386 = arith.constant 3136 : i32
          %parallel_loop3A_387 = arith.addi %parallel_loop3A_386, %parallel_loop3A_222 : i32
          %parallel_loop3A_388 = arith.index_cast %parallel_loop3A_387 : i32 to index
          %parallel_loop3A_389 = tpu.vector_load %arg8[%parallel_loop3A_388] {strides = array<i32>} : memref<3584xf32, #tpu.memory_space<vmem>>, vector<16xf32>,
          %parallel_loop3A_390 = arith.fptosi %parallel_loop3A_385 : vector<16xf32> to vector<16xi32>
          %parallel_loop3A_391 = arith.fptosi %parallel_loop3A_389 : vector<16xf32> to vector<16xi32>
          %parallel_loop3A_392 = arith.sitofp %parallel_loop3A_390 : vector<16xi32> to vector<16xf32>
          %parallel_loop3A_393 = arith.subf %parallel_loop3A_385, %parallel_loop3A_392 : vector<16xf32>
          %parallel_loop3A_394 = arith.sitofp %parallel_loop3A_391 : vector<16xi32> to vector<16xf32>
          %parallel_loop3A_395 = arith.subf %parallel_loop3A_389, %parallel_loop3A_394 : vector<16xf32>
          %parallel_loop3A_396 = arith.constant 1 : i32
          %parallel_loop3A_397 = vector.broadcast %parallel_loop3A_396 : i32 to vector<16xi32>
          %parallel_loop3A_398 = arith.addi %parallel_loop3A_390, %parallel_loop3A_397 : vector<16xi32>
          %parallel_loop3A_399 = arith.constant 1 : i32
          %parallel_loop3A_400 = vector.broadcast %parallel_loop3A_399 : i32 to vector<16xi32>
          %parallel_loop3A_401 = arith.addi %parallel_loop3A_391, %parallel_loop3A_400 : vector<16xi32>
          %parallel_loop3A_402 = tpu.vector_load_idx %arg5[%parallel_loop3A_391, %parallel_loop3A_390] : memref<224x224xf32, #tpu.memory_space<vmem>>[vector<16xi32>, vector<16xi32>], vector<16xf32>,
          %parallel_loop3A_403 = tpu.vector_load_idx %arg5[%parallel_loop3A_391, %parallel_loop3A_398] : memref<224x224xf32, #tpu.memory_space<vmem>>[vector<16xi32>, vector<16xi32>], vector<16xf32>,
          %parallel_loop3A_404 = tpu.vector_load_idx %arg5[%parallel_loop3A_401, %parallel_loop3A_390] : memref<224x224xf32, #tpu.memory_space<vmem>>[vector<16xi32>, vector<16xi32>], vector<16xf32>,
          %parallel_loop3A_405 = tpu.vector_load_idx %arg5[%parallel_loop3A_401, %parallel_loop3A_398] : memref<224x224xf32, #tpu.memory_space<vmem>>[vector<16xi32>, vector<16xi32>], vector<16xf32>,
          %parallel_loop3A_406 = arith.subf %parallel_loop3A_403, %parallel_loop3A_402 : vector<16xf32>
          %parallel_loop3A_407 = arith.mulf %parallel_loop3A_393, %parallel_loop3A_406 : vector<16xf32>
          %parallel_loop3A_408 = arith.addf %parallel_loop3A_402, %parallel_loop3A_407 : vector<16xf32>
          %parallel_loop3A_409 = arith.subf %parallel_loop3A_405, %parallel_loop3A_404 : vector<16xf32>
          %parallel_loop3A_410 = arith.mulf %parallel_loop3A_393, %parallel_loop3A_409 : vector<16xf32>
          %parallel_loop3A_411 = arith.addf %parallel_loop3A_404, %parallel_loop3A_410 : vector<16xf32>
          %parallel_loop3A_412 = arith.subf %parallel_loop3A_411, %parallel_loop3A_408 : vector<16xf32>
          %parallel_loop3A_413 = arith.mulf %parallel_loop3A_395, %parallel_loop3A_412 : vector<16xf32>
          %parallel_loop3A_414 = arith.addf %parallel_loop3A_408, %parallel_loop3A_413 : vector<16xf32>
          %parallel_loop3A_415 = arith.addf %parallel_loop3A_367, %parallel_loop3A_414 : vector<16xf32>
          %parallel_loop3A_416 = tpu.vector_load_idx %arg6[%parallel_loop3A_391, %parallel_loop3A_390] : memref<224x224xf32, #tpu.memory_space<vmem>>[vector<16xi32>, vector<16xi32>], vector<16xf32>,
          %parallel_loop3A_417 = tpu.vector_load_idx %arg6[%parallel_loop3A_391, %parallel_loop3A_398] : memref<224x224xf32, #tpu.memory_space<vmem>>[vector<16xi32>, vector<16xi32>], vector<16xf32>,
          %parallel_loop3A_418 = tpu.vector_load_idx %arg6[%parallel_loop3A_401, %parallel_loop3A_390] : memref<224x224xf32, #tpu.memory_space<vmem>>[vector<16xi32>, vector<16xi32>], vector<16xf32>,
          %parallel_loop3A_419 = tpu.vector_load_idx %arg6[%parallel_loop3A_401, %parallel_loop3A_398] : memref<224x224xf32, #tpu.memory_space<vmem>>[vector<16xi32>, vector<16xi32>], vector<16xf32>,
          %parallel_loop3A_420 = arith.subf %parallel_loop3A_417, %parallel_loop3A_416 : vector<16xf32>
          %parallel_loop3A_421 = arith.mulf %parallel_loop3A_393, %parallel_loop3A_420 : vector<16xf32>
          %parallel_loop3A_422 = arith.addf %parallel_loop3A_416, %parallel_loop3A_421 : vector<16xf32>
          %parallel_loop3A_423 = arith.subf %parallel_loop3A_419, %parallel_loop3A_418 : vector<16xf32>
          %parallel_loop3A_424 = arith.mulf %parallel_loop3A_393, %parallel_loop3A_423 : vector<16xf32>
          %parallel_loop3A_425 = arith.addf %parallel_loop3A_418, %parallel_loop3A_424 : vector<16xf32>
          %parallel_loop3A_426 = arith.subf %parallel_loop3A_425, %parallel_loop3A_422 : vector<16xf32>
          %parallel_loop3A_427 = arith.mulf %parallel_loop3A_395, %parallel_loop3A_426 : vector<16xf32>
          %parallel_loop3A_428 = arith.addf %parallel_loop3A_422, %parallel_loop3A_427 : vector<16xf32>
          %parallel_loop3A_429 = arith.addf %parallel_loop3A_381, %parallel_loop3A_428 : vector<16xf32>
          %parallel_loop3A_430 = arith.constant 2.500000e-01 : f32
          %parallel_loop3A_431 = vector.broadcast %parallel_loop3A_430 : f32 to vector<16xf32>
          %parallel_loop3A_432 = arith.mulf %parallel_loop3A_415, %parallel_loop3A_431 : vector<16xf32>
          %parallel_loop3A_433 = arith.index_cast %parallel_loop3A_230 : i32 to index
          %parallel_loop3A_434 = arith.index_cast %parallel_loop3A_233 : i32 to index
          %parallel_loop3A_435 = tpu.vector_load %arg9[%parallel_loop3A_433, %parallel_loop3A_434] {strides = array<i32>} : memref<8x112xf32, #tpu.memory_space<vmem>>, vector<16xf32>,
          tpu.vector_store %arg9[%parallel_loop3A_433, %parallel_loop3A_434], %parallel_loop3A_432 {strides = array<i32>} : memref<8x112xf32, #tpu.memory_space<vmem>>, vector<16xf32>,
          %parallel_loop3A_436 = arith.constant 2.500000e-01 : f32
          %parallel_loop3A_437 = vector.broadcast %parallel_loop3A_436 : f32 to vector<16xf32>
          %parallel_loop3A_438 = arith.mulf %parallel_loop3A_429, %parallel_loop3A_437 : vector<16xf32>
          %parallel_loop3A_439 = arith.index_cast %parallel_loop3A_230 : i32 to index
          %parallel_loop3A_440 = arith.index_cast %parallel_loop3A_233 : i32 to index
          %parallel_loop3A_441 = tpu.vector_load %arg11[%parallel_loop3A_439, %parallel_loop3A_440] {strides = array<i32>} : memref<8x112xf32, #tpu.memory_space<vmem>>, vector<16xf32>,
          tpu.vector_store %arg11[%parallel_loop3A_439, %parallel_loop3A_440], %parallel_loop3A_438 {strides = array<i32>} : memref<8x112xf32, #tpu.memory_space<vmem>>, vector<16xf32>,
        } {sc.loop_unroll_factor = 4 : i64, sc.parallel_access}
        %mul3A_148 = arith.constant 2 : i32
        %mul3A_149 = arith.muli %scan3A_114, %mul3A_148 : i32
        %mul3A_150 = arith.constant 8 : i32
        %mul3A_151 = arith.muli %mul3A_149, %mul3A_150 : i32
        %dma_start3A_152 = arith.constant 0 : i32
        %dma_start3A_153 = tpu.memref_slice %arg4[%select_n3A, %sub3A, %mul3A_151, %dma_start3A_152] : memref<2x384x112x112xf32, #tpu.memory_space<hbm>> -> memref<1x1x8x112xf32, #tpu.memory_space<hbm>>
        %dma_start3A_154 = tpu.memref_squeeze %dma_start3A_153 : memref<1x1x8x112xf32, #tpu.memory_space<hbm>> -> memref<8x112xf32, #tpu.memory_space<hbm>>
        %dma_start3A_155 = arith.constant 0 : i32
        %dma_start3A_156 = tpu.memref_slice %arg4[%select_n3A, %sub3A, %mul3A_151, %dma_start3A_155] : memref<2x384x112x112xf32, #tpu.memory_space<hbm>> -> memref<1x1x8x112xf32, #tpu.memory_space<hbm>>
        %dma_start3A_157 = tpu.memref_squeeze %dma_start3A_156 : memref<1x1x8x112xf32, #tpu.memory_space<hbm>> -> memref<8x112xf32, #tpu.memory_space<hbm>>
        tpu.enqueue_dma source(%arg9 : memref<8x112xf32, #tpu.memory_space<vmem>>) target(%dma_start3A_157 : memref<8x112xf32, #tpu.memory_space<hbm>>) target_semaphore(%arg16 : memref<!tpu.dma_semaphore, #tpu.memory_space<semaphore_mem>>)
        %mul3A_158 = arith.constant 2 : i32
        %mul3A_159 = arith.muli %scan3A_114, %mul3A_158 : i32
        %mul3A_160 = arith.constant 8 : i32
        %mul3A_161 = arith.muli %mul3A_159, %mul3A_160 : i32
        %dma_start3A_162 = arith.constant 0 : i32
        %dma_start3A_163 = tpu.memref_slice %arg4[%select_n3A_63, %sub3A_66, %mul3A_161, %dma_start3A_162] : memref<2x384x112x112xf32, #tpu.memory_space<hbm>> -> memref<1x1x8x112xf32, #tpu.memory_space<hbm>>
        %dma_start3A_164 = tpu.memref_squeeze %dma_start3A_163 : memref<1x1x8x112xf32, #tpu.memory_space<hbm>> -> memref<8x112xf32, #tpu.memory_space<hbm>>
        %dma_start3A_165 = arith.constant 0 : i32
        %dma_start3A_166 = tpu.memref_slice %arg4[%select_n3A_63, %sub3A_66, %mul3A_161, %dma_start3A_165] : memref<2x384x112x112xf32, #tpu.memory_space<hbm>> -> memref<1x1x8x112xf32, #tpu.memory_space<hbm>>
        %dma_start3A_167 = tpu.memref_squeeze %dma_start3A_166 : memref<1x1x8x112xf32, #tpu.memory_space<hbm>> -> memref<8x112xf32, #tpu.memory_space<hbm>>
        tpu.enqueue_dma source(%arg11 : memref<8x112xf32, #tpu.memory_space<vmem>>) target(%dma_start3A_167 : memref<8x112xf32, #tpu.memory_space<hbm>>) target_semaphore(%arg18 : memref<!tpu.dma_semaphore, #tpu.memory_space<semaphore_mem>>)
        %add3A_168 = arith.constant 3 : i32
        %add3A_169 = arith.addi %mul3A_117, %add3A_168 : i32
        %mul3A_170 = arith.constant 3584 : i32
        %mul3A_171 = arith.muli %add3A_169, %mul3A_170 : i32
        %dma_start3A_172 = tpu.memref_slice %arg3[%mul3A_171] : memref<100352xf32, #tpu.memory_space<hbm>> -> memref<3584xf32, #tpu.memory_space<hbm>>
        %dma_start3A_173 = tpu.memref_slice %arg3[%mul3A_171] : memref<100352xf32, #tpu.memory_space<hbm>> -> memref<3584xf32, #tpu.memory_space<hbm>>
        tpu.enqueue_dma source(%dma_start3A_173 : memref<3584xf32, #tpu.memory_space<hbm>>) target(%arg8 : memref<3584xf32, #tpu.memory_space<vmem>>) target_semaphore(%arg15 : memref<!tpu.dma_semaphore, #tpu.memory_space<semaphore_mem>>)
        %dma_wait3A_174 = arith.constant 0 : i32
        %dma_wait3A_175 = tpu.memref_slice %arg3[%dma_wait3A_174] : memref<100352xf32, #tpu.memory_space<hbm>> -> memref<3584xf32, #tpu.memory_space<hbm>>
        %dma_wait3A_176 = arith.constant 0 : i32
        %dma_wait3A_177 = tpu.memref_slice %arg3[%dma_wait3A_176] : memref<100352xf32, #tpu.memory_space<hbm>> -> memref<3584xf32, #tpu.memory_space<hbm>>
        tpu.wait_dma2 semaphore(%arg14 : memref<!tpu.dma_semaphore, #tpu.memory_space<semaphore_mem>>) src(%dma_wait3A_177 : memref<3584xf32, #tpu.memory_space<hbm>>) dst(%arg7 : memref<3584xf32, #tpu.memory_space<vmem>>)
        %not3A_178 = arith.constant true
        %not3A_179 = arith.xori %and3A, %not3A_178 : i1
        %convert_element_type3A_180 = arith.extui %not3A_179 : i1 to i32
        %cond3A_181 = arith.constant 0 : i32
        %cond3A_182 = arith.cmpi ne, %convert_element_type3A_180, %cond3A_181 : i32
        scf.if %cond3A_182 {
          %dma_wait3A_222 = arith.constant 0 : i32
          %dma_wait3A_223 = arith.constant 0 : i32
          %dma_wait3A_224 = arith.constant 0 : i32
          %dma_wait3A_225 = arith.constant 0 : i32
          %dma_wait3A_226 = tpu.memref_slice %arg4[%dma_wait3A_222, %dma_wait3A_223, %dma_wait3A_224, %dma_wait3A_225] : memref<2x384x112x112xf32, #tpu.memory_space<hbm>> -> memref<1x1x8x112xf32, #tpu.memory_space<hbm>>
          %dma_wait3A_227 = tpu.memref_squeeze %dma_wait3A_226 : memref<1x1x8x112xf32, #tpu.memory_space<hbm>> -> memref<8x112xf32, #tpu.memory_space<hbm>>
          %dma_wait3A_228 = arith.constant 0 : i32
          %dma_wait3A_229 = arith.constant 0 : i32
          %dma_wait3A_230 = tpu.memref_slice %arg4[%dma_wait3A_222, %dma_wait3A_223, %dma_wait3A_228, %dma_wait3A_229] : memref<2x384x112x112xf32, #tpu.memory_space<hbm>> -> memref<1x1x8x112xf32, #tpu.memory_space<hbm>>
          %dma_wait3A_231 = tpu.memref_squeeze %dma_wait3A_230 : memref<1x1x8x112xf32, #tpu.memory_space<hbm>> -> memref<8x112xf32, #tpu.memory_space<hbm>>
          tpu.wait_dma2 semaphore(%arg17 : memref<!tpu.dma_semaphore, #tpu.memory_space<semaphore_mem>>) src(%dma_wait3A_231 : memref<8x112xf32, #tpu.memory_space<hbm>>) dst(%arg10 : memref<8x112xf32, #tpu.memory_space<vmem>>)
          %dma_wait3A_232 = arith.constant 0 : i32
          %dma_wait3A_233 = arith.constant 0 : i32
          %dma_wait3A_234 = arith.constant 0 : i32
          %dma_wait3A_235 = arith.constant 0 : i32
          %dma_wait3A_236 = tpu.memref_slice %arg4[%dma_wait3A_232, %dma_wait3A_233, %dma_wait3A_234, %dma_wait3A_235] : memref<2x384x112x112xf32, #tpu.memory_space<hbm>> -> memref<1x1x8x112xf32, #tpu.memory_space<hbm>>
          %dma_wait3A_237 = tpu.memref_squeeze %dma_wait3A_236 : memref<1x1x8x112xf32, #tpu.memory_space<hbm>> -> memref<8x112xf32, #tpu.memory_space<hbm>>
          %dma_wait3A_238 = arith.constant 0 : i32
          %dma_wait3A_239 = arith.constant 0 : i32
          %dma_wait3A_240 = tpu.memref_slice %arg4[%dma_wait3A_232, %dma_wait3A_233, %dma_wait3A_238, %dma_wait3A_239] : memref<2x384x112x112xf32, #tpu.memory_space<hbm>> -> memref<1x1x8x112xf32, #tpu.memory_space<hbm>>
          %dma_wait3A_241 = tpu.memref_squeeze %dma_wait3A_240 : memref<1x1x8x112xf32, #tpu.memory_space<hbm>> -> memref<8x112xf32, #tpu.memory_space<hbm>>
          tpu.wait_dma2 semaphore(%arg19 : memref<!tpu.dma_semaphore, #tpu.memory_space<semaphore_mem>>) src(%dma_wait3A_241 : memref<8x112xf32, #tpu.memory_space<hbm>>) dst(%arg12 : memref<8x112xf32, #tpu.memory_space<vmem>>)
        } else {
        }
        %parallel_loop3A_183 = arith.constant 0 : i32
        %parallel_loop3A_184 = arith.constant 448 : i32
        %parallel_loop3A_185 = arith.constant 16 : i32
        scf.for %parallel_loop3A_222 = %parallel_loop3A_183 to %parallel_loop3A_184 step %parallel_loop3A_185  : i32 {
          %parallel_loop3A_223 = arith.constant 4 : i32
          %parallel_loop3A_224 = arith.shrsi %parallel_loop3A_222, %parallel_loop3A_223 : i32
          %parallel_loop3A_225 = arith.constant 9363 : i32
          %parallel_loop3A_226 = arith.muli %parallel_loop3A_224, %parallel_loop3A_225 : i32
          %parallel_loop3A_227 = arith.constant 16 : i32
          %parallel_loop3A_228 = arith.shrsi %parallel_loop3A_226, %parallel_loop3A_227 : i32
          %parallel_loop3A_229 = arith.constant 0 : i32
          %parallel_loop3A_230 = arith.addi %parallel_loop3A_228, %parallel_loop3A_229 : i32
          %parallel_loop3A_231 = arith.constant 112 : i32
          %parallel_loop3A_232 = arith.muli %parallel_loop3A_228, %parallel_loop3A_231 : i32
          %parallel_loop3A_233 = arith.subi %parallel_loop3A_222, %parallel_loop3A_232 : i32
          %parallel_loop3A_234 = arith.constant 0.000000e+00 : f32
          %parallel_loop3A_235 = vector.broadcast %parallel_loop3A_234 : f32 to vector<16xf32>
          %parallel_loop3A_236 = arith.constant 0.000000e+00 : f32
          %parallel_loop3A_237 = vector.broadcast %parallel_loop3A_236 : f32 to vector<16xf32>
          %parallel_loop3A_238 = arith.constant 0 : i32
          %parallel_loop3A_239 = arith.addi %parallel_loop3A_238, %parallel_loop3A_222 : i32
          %parallel_loop3A_240 = arith.index_cast %parallel_loop3A_239 : i32 to index
          %parallel_loop3A_241 = tpu.vector_load %arg7[%parallel_loop3A_240] {strides = array<i32>} : memref<3584xf32, #tpu.memory_space<vmem>>, vector<16xf32>,
          %parallel_loop3A_242 = arith.constant 448 : i32
          %parallel_loop3A_243 = arith.addi %parallel_loop3A_242, %parallel_loop3A_222 : i32
          %parallel_loop3A_244 = arith.index_cast %parallel_loop3A_243 : i32 to index
          %parallel_loop3A_245 = tpu.vector_load %arg7[%parallel_loop3A_244] {strides = array<i32>} : memref<3584xf32, #tpu.memory_space<vmem>>, vector<16xf32>,
          %parallel_loop3A_246 = arith.fptosi %parallel_loop3A_241 : vector<16xf32> to vector<16xi32>
          %parallel_loop3A_247 = arith.fptosi %parallel_loop3A_245 : vector<16xf32> to vector<16xi32>
          %parallel_loop3A_248 = arith.sitofp %parallel_loop3A_246 : vector<16xi32> to vector<16xf32>
          %parallel_loop3A_249 = arith.subf %parallel_loop3A_241, %parallel_loop3A_248 : vector<16xf32>
          %parallel_loop3A_250 = arith.sitofp %parallel_loop3A_247 : vector<16xi32> to vector<16xf32>
          %parallel_loop3A_251 = arith.subf %parallel_loop3A_245, %parallel_loop3A_250 : vector<16xf32>
          %parallel_loop3A_252 = arith.constant 1 : i32
          %parallel_loop3A_253 = vector.broadcast %parallel_loop3A_252 : i32 to vector<16xi32>
          %parallel_loop3A_254 = arith.addi %parallel_loop3A_246, %parallel_loop3A_253 : vector<16xi32>
          %parallel_loop3A_255 = arith.constant 1 : i32
          %parallel_loop3A_256 = vector.broadcast %parallel_loop3A_255 : i32 to vector<16xi32>
          %parallel_loop3A_257 = arith.addi %parallel_loop3A_247, %parallel_loop3A_256 : vector<16xi32>
          %parallel_loop3A_258 = tpu.vector_load_idx %arg5[%parallel_loop3A_247, %parallel_loop3A_246] : memref<224x224xf32, #tpu.memory_space<vmem>>[vector<16xi32>, vector<16xi32>], vector<16xf32>,
          %parallel_loop3A_259 = tpu.vector_load_idx %arg5[%parallel_loop3A_247, %parallel_loop3A_254] : memref<224x224xf32, #tpu.memory_space<vmem>>[vector<16xi32>, vector<16xi32>], vector<16xf32>,
          %parallel_loop3A_260 = tpu.vector_load_idx %arg5[%parallel_loop3A_257, %parallel_loop3A_246] : memref<224x224xf32, #tpu.memory_space<vmem>>[vector<16xi32>, vector<16xi32>], vector<16xf32>,
          %parallel_loop3A_261 = tpu.vector_load_idx %arg5[%parallel_loop3A_257, %parallel_loop3A_254] : memref<224x224xf32, #tpu.memory_space<vmem>>[vector<16xi32>, vector<16xi32>], vector<16xf32>,
          %parallel_loop3A_262 = arith.subf %parallel_loop3A_259, %parallel_loop3A_258 : vector<16xf32>
          %parallel_loop3A_263 = arith.mulf %parallel_loop3A_249, %parallel_loop3A_262 : vector<16xf32>
          %parallel_loop3A_264 = arith.addf %parallel_loop3A_258, %parallel_loop3A_263 : vector<16xf32>
          %parallel_loop3A_265 = arith.subf %parallel_loop3A_261, %parallel_loop3A_260 : vector<16xf32>
          %parallel_loop3A_266 = arith.mulf %parallel_loop3A_249, %parallel_loop3A_265 : vector<16xf32>
          %parallel_loop3A_267 = arith.addf %parallel_loop3A_260, %parallel_loop3A_266 : vector<16xf32>
          %parallel_loop3A_268 = arith.subf %parallel_loop3A_267, %parallel_loop3A_264 : vector<16xf32>
          %parallel_loop3A_269 = arith.mulf %parallel_loop3A_251, %parallel_loop3A_268 : vector<16xf32>
          %parallel_loop3A_270 = arith.addf %parallel_loop3A_264, %parallel_loop3A_269 : vector<16xf32>
          %parallel_loop3A_271 = arith.addf %parallel_loop3A_235, %parallel_loop3A_270 : vector<16xf32>
          %parallel_loop3A_272 = tpu.vector_load_idx %arg6[%parallel_loop3A_247, %parallel_loop3A_246] : memref<224x224xf32, #tpu.memory_space<vmem>>[vector<16xi32>, vector<16xi32>], vector<16xf32>,
          %parallel_loop3A_273 = tpu.vector_load_idx %arg6[%parallel_loop3A_247, %parallel_loop3A_254] : memref<224x224xf32, #tpu.memory_space<vmem>>[vector<16xi32>, vector<16xi32>], vector<16xf32>,
          %parallel_loop3A_274 = tpu.vector_load_idx %arg6[%parallel_loop3A_257, %parallel_loop3A_246] : memref<224x224xf32, #tpu.memory_space<vmem>>[vector<16xi32>, vector<16xi32>], vector<16xf32>,
          %parallel_loop3A_275 = tpu.vector_load_idx %arg6[%parallel_loop3A_257, %parallel_loop3A_254] : memref<224x224xf32, #tpu.memory_space<vmem>>[vector<16xi32>, vector<16xi32>], vector<16xf32>,
          %parallel_loop3A_276 = arith.subf %parallel_loop3A_273, %parallel_loop3A_272 : vector<16xf32>
          %parallel_loop3A_277 = arith.mulf %parallel_loop3A_249, %parallel_loop3A_276 : vector<16xf32>
          %parallel_loop3A_278 = arith.addf %parallel_loop3A_272, %parallel_loop3A_277 : vector<16xf32>
          %parallel_loop3A_279 = arith.subf %parallel_loop3A_275, %parallel_loop3A_274 : vector<16xf32>
          %parallel_loop3A_280 = arith.mulf %parallel_loop3A_249, %parallel_loop3A_279 : vector<16xf32>
          %parallel_loop3A_281 = arith.addf %parallel_loop3A_274, %parallel_loop3A_280 : vector<16xf32>
          %parallel_loop3A_282 = arith.subf %parallel_loop3A_281, %parallel_loop3A_278 : vector<16xf32>
          %parallel_loop3A_283 = arith.mulf %parallel_loop3A_251, %parallel_loop3A_282 : vector<16xf32>
          %parallel_loop3A_284 = arith.addf %parallel_loop3A_278, %parallel_loop3A_283 : vector<16xf32>
          %parallel_loop3A_285 = arith.addf %parallel_loop3A_237, %parallel_loop3A_284 : vector<16xf32>
          %parallel_loop3A_286 = arith.constant 896 : i32
          %parallel_loop3A_287 = arith.addi %parallel_loop3A_286, %parallel_loop3A_222 : i32
          %parallel_loop3A_288 = arith.index_cast %parallel_loop3A_287 : i32 to index
          %parallel_loop3A_289 = tpu.vector_load %arg7[%parallel_loop3A_288] {strides = array<i32>} : memref<3584xf32, #tpu.memory_space<vmem>>, vector<16xf32>,
          %parallel_loop3A_290 = arith.constant 1344 : i32
          %parallel_loop3A_291 = arith.addi %parallel_loop3A_290, %parallel_loop3A_222 : i32
          %parallel_loop3A_292 = arith.index_cast %parallel_loop3A_291 : i32 to index
          %parallel_loop3A_293 = tpu.vector_load %arg7[%parallel_loop3A_292] {strides = array<i32>} : memref<3584xf32, #tpu.memory_space<vmem>>, vector<16xf32>,
          %parallel_loop3A_294 = arith.fptosi %parallel_loop3A_289 : vector<16xf32> to vector<16xi32>
          %parallel_loop3A_295 = arith.fptosi %parallel_loop3A_293 : vector<16xf32> to vector<16xi32>
          %parallel_loop3A_296 = arith.sitofp %parallel_loop3A_294 : vector<16xi32> to vector<16xf32>
          %parallel_loop3A_297 = arith.subf %parallel_loop3A_289, %parallel_loop3A_296 : vector<16xf32>
          %parallel_loop3A_298 = arith.sitofp %parallel_loop3A_295 : vector<16xi32> to vector<16xf32>
          %parallel_loop3A_299 = arith.subf %parallel_loop3A_293, %parallel_loop3A_298 : vector<16xf32>
          %parallel_loop3A_300 = arith.constant 1 : i32
          %parallel_loop3A_301 = vector.broadcast %parallel_loop3A_300 : i32 to vector<16xi32>
          %parallel_loop3A_302 = arith.addi %parallel_loop3A_294, %parallel_loop3A_301 : vector<16xi32>
          %parallel_loop3A_303 = arith.constant 1 : i32
          %parallel_loop3A_304 = vector.broadcast %parallel_loop3A_303 : i32 to vector<16xi32>
          %parallel_loop3A_305 = arith.addi %parallel_loop3A_295, %parallel_loop3A_304 : vector<16xi32>
          %parallel_loop3A_306 = tpu.vector_load_idx %arg5[%parallel_loop3A_295, %parallel_loop3A_294] : memref<224x224xf32, #tpu.memory_space<vmem>>[vector<16xi32>, vector<16xi32>], vector<16xf32>,
          %parallel_loop3A_307 = tpu.vector_load_idx %arg5[%parallel_loop3A_295, %parallel_loop3A_302] : memref<224x224xf32, #tpu.memory_space<vmem>>[vector<16xi32>, vector<16xi32>], vector<16xf32>,
          %parallel_loop3A_308 = tpu.vector_load_idx %arg5[%parallel_loop3A_305, %parallel_loop3A_294] : memref<224x224xf32, #tpu.memory_space<vmem>>[vector<16xi32>, vector<16xi32>], vector<16xf32>,
          %parallel_loop3A_309 = tpu.vector_load_idx %arg5[%parallel_loop3A_305, %parallel_loop3A_302] : memref<224x224xf32, #tpu.memory_space<vmem>>[vector<16xi32>, vector<16xi32>], vector<16xf32>,
          %parallel_loop3A_310 = arith.subf %parallel_loop3A_307, %parallel_loop3A_306 : vector<16xf32>
          %parallel_loop3A_311 = arith.mulf %parallel_loop3A_297, %parallel_loop3A_310 : vector<16xf32>
          %parallel_loop3A_312 = arith.addf %parallel_loop3A_306, %parallel_loop3A_311 : vector<16xf32>
          %parallel_loop3A_313 = arith.subf %parallel_loop3A_309, %parallel_loop3A_308 : vector<16xf32>
          %parallel_loop3A_314 = arith.mulf %parallel_loop3A_297, %parallel_loop3A_313 : vector<16xf32>
          %parallel_loop3A_315 = arith.addf %parallel_loop3A_308, %parallel_loop3A_314 : vector<16xf32>
          %parallel_loop3A_316 = arith.subf %parallel_loop3A_315, %parallel_loop3A_312 : vector<16xf32>
          %parallel_loop3A_317 = arith.mulf %parallel_loop3A_299, %parallel_loop3A_316 : vector<16xf32>
          %parallel_loop3A_318 = arith.addf %parallel_loop3A_312, %parallel_loop3A_317 : vector<16xf32>
          %parallel_loop3A_319 = arith.addf %parallel_loop3A_271, %parallel_loop3A_318 : vector<16xf32>
          %parallel_loop3A_320 = tpu.vector_load_idx %arg6[%parallel_loop3A_295, %parallel_loop3A_294] : memref<224x224xf32, #tpu.memory_space<vmem>>[vector<16xi32>, vector<16xi32>], vector<16xf32>,
          %parallel_loop3A_321 = tpu.vector_load_idx %arg6[%parallel_loop3A_295, %parallel_loop3A_302] : memref<224x224xf32, #tpu.memory_space<vmem>>[vector<16xi32>, vector<16xi32>], vector<16xf32>,
          %parallel_loop3A_322 = tpu.vector_load_idx %arg6[%parallel_loop3A_305, %parallel_loop3A_294] : memref<224x224xf32, #tpu.memory_space<vmem>>[vector<16xi32>, vector<16xi32>], vector<16xf32>,
          %parallel_loop3A_323 = tpu.vector_load_idx %arg6[%parallel_loop3A_305, %parallel_loop3A_302] : memref<224x224xf32, #tpu.memory_space<vmem>>[vector<16xi32>, vector<16xi32>], vector<16xf32>,
          %parallel_loop3A_324 = arith.subf %parallel_loop3A_321, %parallel_loop3A_320 : vector<16xf32>
          %parallel_loop3A_325 = arith.mulf %parallel_loop3A_297, %parallel_loop3A_324 : vector<16xf32>
          %parallel_loop3A_326 = arith.addf %parallel_loop3A_320, %parallel_loop3A_325 : vector<16xf32>
          %parallel_loop3A_327 = arith.subf %parallel_loop3A_323, %parallel_loop3A_322 : vector<16xf32>
          %parallel_loop3A_328 = arith.mulf %parallel_loop3A_297, %parallel_loop3A_327 : vector<16xf32>
          %parallel_loop3A_329 = arith.addf %parallel_loop3A_322, %parallel_loop3A_328 : vector<16xf32>
          %parallel_loop3A_330 = arith.subf %parallel_loop3A_329, %parallel_loop3A_326 : vector<16xf32>
          %parallel_loop3A_331 = arith.mulf %parallel_loop3A_299, %parallel_loop3A_330 : vector<16xf32>
          %parallel_loop3A_332 = arith.addf %parallel_loop3A_326, %parallel_loop3A_331 : vector<16xf32>
          %parallel_loop3A_333 = arith.addf %parallel_loop3A_285, %parallel_loop3A_332 : vector<16xf32>
          %parallel_loop3A_334 = arith.constant 1792 : i32
          %parallel_loop3A_335 = arith.addi %parallel_loop3A_334, %parallel_loop3A_222 : i32
          %parallel_loop3A_336 = arith.index_cast %parallel_loop3A_335 : i32 to index
          %parallel_loop3A_337 = tpu.vector_load %arg7[%parallel_loop3A_336] {strides = array<i32>} : memref<3584xf32, #tpu.memory_space<vmem>>, vector<16xf32>,
          %parallel_loop3A_338 = arith.constant 2240 : i32
          %parallel_loop3A_339 = arith.addi %parallel_loop3A_338, %parallel_loop3A_222 : i32
          %parallel_loop3A_340 = arith.index_cast %parallel_loop3A_339 : i32 to index
          %parallel_loop3A_341 = tpu.vector_load %arg7[%parallel_loop3A_340] {strides = array<i32>} : memref<3584xf32, #tpu.memory_space<vmem>>, vector<16xf32>,
          %parallel_loop3A_342 = arith.fptosi %parallel_loop3A_337 : vector<16xf32> to vector<16xi32>
          %parallel_loop3A_343 = arith.fptosi %parallel_loop3A_341 : vector<16xf32> to vector<16xi32>
          %parallel_loop3A_344 = arith.sitofp %parallel_loop3A_342 : vector<16xi32> to vector<16xf32>
          %parallel_loop3A_345 = arith.subf %parallel_loop3A_337, %parallel_loop3A_344 : vector<16xf32>
          %parallel_loop3A_346 = arith.sitofp %parallel_loop3A_343 : vector<16xi32> to vector<16xf32>
          %parallel_loop3A_347 = arith.subf %parallel_loop3A_341, %parallel_loop3A_346 : vector<16xf32>
          %parallel_loop3A_348 = arith.constant 1 : i32
          %parallel_loop3A_349 = vector.broadcast %parallel_loop3A_348 : i32 to vector<16xi32>
          %parallel_loop3A_350 = arith.addi %parallel_loop3A_342, %parallel_loop3A_349 : vector<16xi32>
          %parallel_loop3A_351 = arith.constant 1 : i32
          %parallel_loop3A_352 = vector.broadcast %parallel_loop3A_351 : i32 to vector<16xi32>
          %parallel_loop3A_353 = arith.addi %parallel_loop3A_343, %parallel_loop3A_352 : vector<16xi32>
          %parallel_loop3A_354 = tpu.vector_load_idx %arg5[%parallel_loop3A_343, %parallel_loop3A_342] : memref<224x224xf32, #tpu.memory_space<vmem>>[vector<16xi32>, vector<16xi32>], vector<16xf32>,
          %parallel_loop3A_355 = tpu.vector_load_idx %arg5[%parallel_loop3A_343, %parallel_loop3A_350] : memref<224x224xf32, #tpu.memory_space<vmem>>[vector<16xi32>, vector<16xi32>], vector<16xf32>,
          %parallel_loop3A_356 = tpu.vector_load_idx %arg5[%parallel_loop3A_353, %parallel_loop3A_342] : memref<224x224xf32, #tpu.memory_space<vmem>>[vector<16xi32>, vector<16xi32>], vector<16xf32>,
          %parallel_loop3A_357 = tpu.vector_load_idx %arg5[%parallel_loop3A_353, %parallel_loop3A_350] : memref<224x224xf32, #tpu.memory_space<vmem>>[vector<16xi32>, vector<16xi32>], vector<16xf32>,
          %parallel_loop3A_358 = arith.subf %parallel_loop3A_355, %parallel_loop3A_354 : vector<16xf32>
          %parallel_loop3A_359 = arith.mulf %parallel_loop3A_345, %parallel_loop3A_358 : vector<16xf32>
          %parallel_loop3A_360 = arith.addf %parallel_loop3A_354, %parallel_loop3A_359 : vector<16xf32>
          %parallel_loop3A_361 = arith.subf %parallel_loop3A_357, %parallel_loop3A_356 : vector<16xf32>
          %parallel_loop3A_362 = arith.mulf %parallel_loop3A_345, %parallel_loop3A_361 : vector<16xf32>
          %parallel_loop3A_363 = arith.addf %parallel_loop3A_356, %parallel_loop3A_362 : vector<16xf32>
          %parallel_loop3A_364 = arith.subf %parallel_loop3A_363, %parallel_loop3A_360 : vector<16xf32>
          %parallel_loop3A_365 = arith.mulf %parallel_loop3A_347, %parallel_loop3A_364 : vector<16xf32>
          %parallel_loop3A_366 = arith.addf %parallel_loop3A_360, %parallel_loop3A_365 : vector<16xf32>
          %parallel_loop3A_367 = arith.addf %parallel_loop3A_319, %parallel_loop3A_366 : vector<16xf32>
          %parallel_loop3A_368 = tpu.vector_load_idx %arg6[%parallel_loop3A_343, %parallel_loop3A_342] : memref<224x224xf32, #tpu.memory_space<vmem>>[vector<16xi32>, vector<16xi32>], vector<16xf32>,
          %parallel_loop3A_369 = tpu.vector_load_idx %arg6[%parallel_loop3A_343, %parallel_loop3A_350] : memref<224x224xf32, #tpu.memory_space<vmem>>[vector<16xi32>, vector<16xi32>], vector<16xf32>,
          %parallel_loop3A_370 = tpu.vector_load_idx %arg6[%parallel_loop3A_353, %parallel_loop3A_342] : memref<224x224xf32, #tpu.memory_space<vmem>>[vector<16xi32>, vector<16xi32>], vector<16xf32>,
          %parallel_loop3A_371 = tpu.vector_load_idx %arg6[%parallel_loop3A_353, %parallel_loop3A_350] : memref<224x224xf32, #tpu.memory_space<vmem>>[vector<16xi32>, vector<16xi32>], vector<16xf32>,
          %parallel_loop3A_372 = arith.subf %parallel_loop3A_369, %parallel_loop3A_368 : vector<16xf32>
          %parallel_loop3A_373 = arith.mulf %parallel_loop3A_345, %parallel_loop3A_372 : vector<16xf32>
          %parallel_loop3A_374 = arith.addf %parallel_loop3A_368, %parallel_loop3A_373 : vector<16xf32>
          %parallel_loop3A_375 = arith.subf %parallel_loop3A_371, %parallel_loop3A_370 : vector<16xf32>
          %parallel_loop3A_376 = arith.mulf %parallel_loop3A_345, %parallel_loop3A_375 : vector<16xf32>
          %parallel_loop3A_377 = arith.addf %parallel_loop3A_370, %parallel_loop3A_376 : vector<16xf32>
          %parallel_loop3A_378 = arith.subf %parallel_loop3A_377, %parallel_loop3A_374 : vector<16xf32>
          %parallel_loop3A_379 = arith.mulf %parallel_loop3A_347, %parallel_loop3A_378 : vector<16xf32>
          %parallel_loop3A_380 = arith.addf %parallel_loop3A_374, %parallel_loop3A_379 : vector<16xf32>
          %parallel_loop3A_381 = arith.addf %parallel_loop3A_333, %parallel_loop3A_380 : vector<16xf32>
          %parallel_loop3A_382 = arith.constant 2688 : i32
          %parallel_loop3A_383 = arith.addi %parallel_loop3A_382, %parallel_loop3A_222 : i32
          %parallel_loop3A_384 = arith.index_cast %parallel_loop3A_383 : i32 to index
          %parallel_loop3A_385 = tpu.vector_load %arg7[%parallel_loop3A_384] {strides = array<i32>} : memref<3584xf32, #tpu.memory_space<vmem>>, vector<16xf32>,
          %parallel_loop3A_386 = arith.constant 3136 : i32
          %parallel_loop3A_387 = arith.addi %parallel_loop3A_386, %parallel_loop3A_222 : i32
          %parallel_loop3A_388 = arith.index_cast %parallel_loop3A_387 : i32 to index
          %parallel_loop3A_389 = tpu.vector_load %arg7[%parallel_loop3A_388] {strides = array<i32>} : memref<3584xf32, #tpu.memory_space<vmem>>, vector<16xf32>,
          %parallel_loop3A_390 = arith.fptosi %parallel_loop3A_385 : vector<16xf32> to vector<16xi32>
          %parallel_loop3A_391 = arith.fptosi %parallel_loop3A_389 : vector<16xf32> to vector<16xi32>
          %parallel_loop3A_392 = arith.sitofp %parallel_loop3A_390 : vector<16xi32> to vector<16xf32>
          %parallel_loop3A_393 = arith.subf %parallel_loop3A_385, %parallel_loop3A_392 : vector<16xf32>
          %parallel_loop3A_394 = arith.sitofp %parallel_loop3A_391 : vector<16xi32> to vector<16xf32>
          %parallel_loop3A_395 = arith.subf %parallel_loop3A_389, %parallel_loop3A_394 : vector<16xf32>
          %parallel_loop3A_396 = arith.constant 1 : i32
          %parallel_loop3A_397 = vector.broadcast %parallel_loop3A_396 : i32 to vector<16xi32>
          %parallel_loop3A_398 = arith.addi %parallel_loop3A_390, %parallel_loop3A_397 : vector<16xi32>
          %parallel_loop3A_399 = arith.constant 1 : i32
          %parallel_loop3A_400 = vector.broadcast %parallel_loop3A_399 : i32 to vector<16xi32>
          %parallel_loop3A_401 = arith.addi %parallel_loop3A_391, %parallel_loop3A_400 : vector<16xi32>
          %parallel_loop3A_402 = tpu.vector_load_idx %arg5[%parallel_loop3A_391, %parallel_loop3A_390] : memref<224x224xf32, #tpu.memory_space<vmem>>[vector<16xi32>, vector<16xi32>], vector<16xf32>,
          %parallel_loop3A_403 = tpu.vector_load_idx %arg5[%parallel_loop3A_391, %parallel_loop3A_398] : memref<224x224xf32, #tpu.memory_space<vmem>>[vector<16xi32>, vector<16xi32>], vector<16xf32>,
          %parallel_loop3A_404 = tpu.vector_load_idx %arg5[%parallel_loop3A_401, %parallel_loop3A_390] : memref<224x224xf32, #tpu.memory_space<vmem>>[vector<16xi32>, vector<16xi32>], vector<16xf32>,
          %parallel_loop3A_405 = tpu.vector_load_idx %arg5[%parallel_loop3A_401, %parallel_loop3A_398] : memref<224x224xf32, #tpu.memory_space<vmem>>[vector<16xi32>, vector<16xi32>], vector<16xf32>,
          %parallel_loop3A_406 = arith.subf %parallel_loop3A_403, %parallel_loop3A_402 : vector<16xf32>
          %parallel_loop3A_407 = arith.mulf %parallel_loop3A_393, %parallel_loop3A_406 : vector<16xf32>
          %parallel_loop3A_408 = arith.addf %parallel_loop3A_402, %parallel_loop3A_407 : vector<16xf32>
          %parallel_loop3A_409 = arith.subf %parallel_loop3A_405, %parallel_loop3A_404 : vector<16xf32>
          %parallel_loop3A_410 = arith.mulf %parallel_loop3A_393, %parallel_loop3A_409 : vector<16xf32>
          %parallel_loop3A_411 = arith.addf %parallel_loop3A_404, %parallel_loop3A_410 : vector<16xf32>
          %parallel_loop3A_412 = arith.subf %parallel_loop3A_411, %parallel_loop3A_408 : vector<16xf32>
          %parallel_loop3A_413 = arith.mulf %parallel_loop3A_395, %parallel_loop3A_412 : vector<16xf32>
          %parallel_loop3A_414 = arith.addf %parallel_loop3A_408, %parallel_loop3A_413 : vector<16xf32>
          %parallel_loop3A_415 = arith.addf %parallel_loop3A_367, %parallel_loop3A_414 : vector<16xf32>
          %parallel_loop3A_416 = tpu.vector_load_idx %arg6[%parallel_loop3A_391, %parallel_loop3A_390] : memref<224x224xf32, #tpu.memory_space<vmem>>[vector<16xi32>, vector<16xi32>], vector<16xf32>,
          %parallel_loop3A_417 = tpu.vector_load_idx %arg6[%parallel_loop3A_391, %parallel_loop3A_398] : memref<224x224xf32, #tpu.memory_space<vmem>>[vector<16xi32>, vector<16xi32>], vector<16xf32>,
          %parallel_loop3A_418 = tpu.vector_load_idx %arg6[%parallel_loop3A_401, %parallel_loop3A_390] : memref<224x224xf32, #tpu.memory_space<vmem>>[vector<16xi32>, vector<16xi32>], vector<16xf32>,
          %parallel_loop3A_419 = tpu.vector_load_idx %arg6[%parallel_loop3A_401, %parallel_loop3A_398] : memref<224x224xf32, #tpu.memory_space<vmem>>[vector<16xi32>, vector<16xi32>], vector<16xf32>,
          %parallel_loop3A_420 = arith.subf %parallel_loop3A_417, %parallel_loop3A_416 : vector<16xf32>
          %parallel_loop3A_421 = arith.mulf %parallel_loop3A_393, %parallel_loop3A_420 : vector<16xf32>
          %parallel_loop3A_422 = arith.addf %parallel_loop3A_416, %parallel_loop3A_421 : vector<16xf32>
          %parallel_loop3A_423 = arith.subf %parallel_loop3A_419, %parallel_loop3A_418 : vector<16xf32>
          %parallel_loop3A_424 = arith.mulf %parallel_loop3A_393, %parallel_loop3A_423 : vector<16xf32>
          %parallel_loop3A_425 = arith.addf %parallel_loop3A_418, %parallel_loop3A_424 : vector<16xf32>
          %parallel_loop3A_426 = arith.subf %parallel_loop3A_425, %parallel_loop3A_422 : vector<16xf32>
          %parallel_loop3A_427 = arith.mulf %parallel_loop3A_395, %parallel_loop3A_426 : vector<16xf32>
          %parallel_loop3A_428 = arith.addf %parallel_loop3A_422, %parallel_loop3A_427 : vector<16xf32>
          %parallel_loop3A_429 = arith.addf %parallel_loop3A_381, %parallel_loop3A_428 : vector<16xf32>
          %parallel_loop3A_430 = arith.constant 2.500000e-01 : f32
          %parallel_loop3A_431 = vector.broadcast %parallel_loop3A_430 : f32 to vector<16xf32>
          %parallel_loop3A_432 = arith.mulf %parallel_loop3A_415, %parallel_loop3A_431 : vector<16xf32>
          %parallel_loop3A_433 = arith.index_cast %parallel_loop3A_230 : i32 to index
          %parallel_loop3A_434 = arith.index_cast %parallel_loop3A_233 : i32 to index
          %parallel_loop3A_435 = tpu.vector_load %arg10[%parallel_loop3A_433, %parallel_loop3A_434] {strides = array<i32>} : memref<8x112xf32, #tpu.memory_space<vmem>>, vector<16xf32>,
          tpu.vector_store %arg10[%parallel_loop3A_433, %parallel_loop3A_434], %parallel_loop3A_432 {strides = array<i32>} : memref<8x112xf32, #tpu.memory_space<vmem>>, vector<16xf32>,
          %parallel_loop3A_436 = arith.constant 2.500000e-01 : f32
          %parallel_loop3A_437 = vector.broadcast %parallel_loop3A_436 : f32 to vector<16xf32>
          %parallel_loop3A_438 = arith.mulf %parallel_loop3A_429, %parallel_loop3A_437 : vector<16xf32>
          %parallel_loop3A_439 = arith.index_cast %parallel_loop3A_230 : i32 to index
          %parallel_loop3A_440 = arith.index_cast %parallel_loop3A_233 : i32 to index
          %parallel_loop3A_441 = tpu.vector_load %arg12[%parallel_loop3A_439, %parallel_loop3A_440] {strides = array<i32>} : memref<8x112xf32, #tpu.memory_space<vmem>>, vector<16xf32>,
          tpu.vector_store %arg12[%parallel_loop3A_439, %parallel_loop3A_440], %parallel_loop3A_438 {strides = array<i32>} : memref<8x112xf32, #tpu.memory_space<vmem>>, vector<16xf32>,
        } {sc.loop_unroll_factor = 4 : i64, sc.parallel_access}
        %lt3A = arith.constant 6 : i32
        %lt3A_186 = arith.cmpi slt, %scan3A_114, %lt3A : i32
        %convert_element_type3A_187 = arith.extui %lt3A_186 : i1 to i32
        %cond3A_188 = arith.constant 0 : i32
        %cond3A_189 = arith.cmpi ne, %convert_element_type3A_187, %cond3A_188 : i32
        scf.if %cond3A_189 {
          %add3A_222 = arith.constant 4 : i32
          %add3A_223 = arith.addi %mul3A_117, %add3A_222 : i32
          %mul3A_224 = arith.constant 3584 : i32
          %mul3A_225 = arith.muli %add3A_223, %mul3A_224 : i32
          %dma_start3A_226 = tpu.memref_slice %arg3[%mul3A_225] : memref<100352xf32, #tpu.memory_space<hbm>> -> memref<3584xf32, #tpu.memory_space<hbm>>
          %dma_start3A_227 = tpu.memref_slice %arg3[%mul3A_225] : memref<100352xf32, #tpu.memory_space<hbm>> -> memref<3584xf32, #tpu.memory_space<hbm>>
          tpu.enqueue_dma source(%dma_start3A_227 : memref<3584xf32, #tpu.memory_space<hbm>>) target(%arg7 : memref<3584xf32, #tpu.memory_space<vmem>>) target_semaphore(%arg14 : memref<!tpu.dma_semaphore, #tpu.memory_space<semaphore_mem>>)
        } else {
        }
        %dma_wait3A_190 = arith.constant 0 : i32
        %dma_wait3A_191 = tpu.memref_slice %arg3[%dma_wait3A_190] : memref<100352xf32, #tpu.memory_space<hbm>> -> memref<3584xf32, #tpu.memory_space<hbm>>
        %dma_wait3A_192 = arith.constant 0 : i32
        %dma_wait3A_193 = tpu.memref_slice %arg3[%dma_wait3A_192] : memref<100352xf32, #tpu.memory_space<hbm>> -> memref<3584xf32, #tpu.memory_space<hbm>>
        tpu.wait_dma2 semaphore(%arg15 : memref<!tpu.dma_semaphore, #tpu.memory_space<semaphore_mem>>) src(%dma_wait3A_193 : memref<3584xf32, #tpu.memory_space<hbm>>) dst(%arg8 : memref<3584xf32, #tpu.memory_space<vmem>>)
        %parallel_loop3A_194 = arith.constant 0 : i32
        %parallel_loop3A_195 = arith.constant 448 : i32
        %parallel_loop3A_196 = arith.constant 16 : i32
        scf.for %parallel_loop3A_222 = %parallel_loop3A_194 to %parallel_loop3A_195 step %parallel_loop3A_196  : i32 {
          %parallel_loop3A_223 = arith.constant 4 : i32
          %parallel_loop3A_224 = arith.shrsi %parallel_loop3A_222, %parallel_loop3A_223 : i32
          %parallel_loop3A_225 = arith.constant 9363 : i32
          %parallel_loop3A_226 = arith.muli %parallel_loop3A_224, %parallel_loop3A_225 : i32
          %parallel_loop3A_227 = arith.constant 16 : i32
          %parallel_loop3A_228 = arith.shrsi %parallel_loop3A_226, %parallel_loop3A_227 : i32
          %parallel_loop3A_229 = arith.constant 4 : i32
          %parallel_loop3A_230 = arith.addi %parallel_loop3A_228, %parallel_loop3A_229 : i32
          %parallel_loop3A_231 = arith.constant 112 : i32
          %parallel_loop3A_232 = arith.muli %parallel_loop3A_228, %parallel_loop3A_231 : i32
          %parallel_loop3A_233 = arith.subi %parallel_loop3A_222, %parallel_loop3A_232 : i32
          %parallel_loop3A_234 = arith.constant 0.000000e+00 : f32
          %parallel_loop3A_235 = vector.broadcast %parallel_loop3A_234 : f32 to vector<16xf32>
          %parallel_loop3A_236 = arith.constant 0.000000e+00 : f32
          %parallel_loop3A_237 = vector.broadcast %parallel_loop3A_236 : f32 to vector<16xf32>
          %parallel_loop3A_238 = arith.constant 0 : i32
          %parallel_loop3A_239 = arith.addi %parallel_loop3A_238, %parallel_loop3A_222 : i32
          %parallel_loop3A_240 = arith.index_cast %parallel_loop3A_239 : i32 to index
          %parallel_loop3A_241 = tpu.vector_load %arg8[%parallel_loop3A_240] {strides = array<i32>} : memref<3584xf32, #tpu.memory_space<vmem>>, vector<16xf32>,
          %parallel_loop3A_242 = arith.constant 448 : i32
          %parallel_loop3A_243 = arith.addi %parallel_loop3A_242, %parallel_loop3A_222 : i32
          %parallel_loop3A_244 = arith.index_cast %parallel_loop3A_243 : i32 to index
          %parallel_loop3A_245 = tpu.vector_load %arg8[%parallel_loop3A_244] {strides = array<i32>} : memref<3584xf32, #tpu.memory_space<vmem>>, vector<16xf32>,
          %parallel_loop3A_246 = arith.fptosi %parallel_loop3A_241 : vector<16xf32> to vector<16xi32>
          %parallel_loop3A_247 = arith.fptosi %parallel_loop3A_245 : vector<16xf32> to vector<16xi32>
          %parallel_loop3A_248 = arith.sitofp %parallel_loop3A_246 : vector<16xi32> to vector<16xf32>
          %parallel_loop3A_249 = arith.subf %parallel_loop3A_241, %parallel_loop3A_248 : vector<16xf32>
          %parallel_loop3A_250 = arith.sitofp %parallel_loop3A_247 : vector<16xi32> to vector<16xf32>
          %parallel_loop3A_251 = arith.subf %parallel_loop3A_245, %parallel_loop3A_250 : vector<16xf32>
          %parallel_loop3A_252 = arith.constant 1 : i32
          %parallel_loop3A_253 = vector.broadcast %parallel_loop3A_252 : i32 to vector<16xi32>
          %parallel_loop3A_254 = arith.addi %parallel_loop3A_246, %parallel_loop3A_253 : vector<16xi32>
          %parallel_loop3A_255 = arith.constant 1 : i32
          %parallel_loop3A_256 = vector.broadcast %parallel_loop3A_255 : i32 to vector<16xi32>
          %parallel_loop3A_257 = arith.addi %parallel_loop3A_247, %parallel_loop3A_256 : vector<16xi32>
          %parallel_loop3A_258 = tpu.vector_load_idx %arg5[%parallel_loop3A_247, %parallel_loop3A_246] : memref<224x224xf32, #tpu.memory_space<vmem>>[vector<16xi32>, vector<16xi32>], vector<16xf32>,
          %parallel_loop3A_259 = tpu.vector_load_idx %arg5[%parallel_loop3A_247, %parallel_loop3A_254] : memref<224x224xf32, #tpu.memory_space<vmem>>[vector<16xi32>, vector<16xi32>], vector<16xf32>,
          %parallel_loop3A_260 = tpu.vector_load_idx %arg5[%parallel_loop3A_257, %parallel_loop3A_246] : memref<224x224xf32, #tpu.memory_space<vmem>>[vector<16xi32>, vector<16xi32>], vector<16xf32>,
          %parallel_loop3A_261 = tpu.vector_load_idx %arg5[%parallel_loop3A_257, %parallel_loop3A_254] : memref<224x224xf32, #tpu.memory_space<vmem>>[vector<16xi32>, vector<16xi32>], vector<16xf32>,
          %parallel_loop3A_262 = arith.subf %parallel_loop3A_259, %parallel_loop3A_258 : vector<16xf32>
          %parallel_loop3A_263 = arith.mulf %parallel_loop3A_249, %parallel_loop3A_262 : vector<16xf32>
          %parallel_loop3A_264 = arith.addf %parallel_loop3A_258, %parallel_loop3A_263 : vector<16xf32>
          %parallel_loop3A_265 = arith.subf %parallel_loop3A_261, %parallel_loop3A_260 : vector<16xf32>
          %parallel_loop3A_266 = arith.mulf %parallel_loop3A_249, %parallel_loop3A_265 : vector<16xf32>
          %parallel_loop3A_267 = arith.addf %parallel_loop3A_260, %parallel_loop3A_266 : vector<16xf32>
          %parallel_loop3A_268 = arith.subf %parallel_loop3A_267, %parallel_loop3A_264 : vector<16xf32>
          %parallel_loop3A_269 = arith.mulf %parallel_loop3A_251, %parallel_loop3A_268 : vector<16xf32>
          %parallel_loop3A_270 = arith.addf %parallel_loop3A_264, %parallel_loop3A_269 : vector<16xf32>
          %parallel_loop3A_271 = arith.addf %parallel_loop3A_235, %parallel_loop3A_270 : vector<16xf32>
          %parallel_loop3A_272 = tpu.vector_load_idx %arg6[%parallel_loop3A_247, %parallel_loop3A_246] : memref<224x224xf32, #tpu.memory_space<vmem>>[vector<16xi32>, vector<16xi32>], vector<16xf32>,
          %parallel_loop3A_273 = tpu.vector_load_idx %arg6[%parallel_loop3A_247, %parallel_loop3A_254] : memref<224x224xf32, #tpu.memory_space<vmem>>[vector<16xi32>, vector<16xi32>], vector<16xf32>,
          %parallel_loop3A_274 = tpu.vector_load_idx %arg6[%parallel_loop3A_257, %parallel_loop3A_246] : memref<224x224xf32, #tpu.memory_space<vmem>>[vector<16xi32>, vector<16xi32>], vector<16xf32>,
          %parallel_loop3A_275 = tpu.vector_load_idx %arg6[%parallel_loop3A_257, %parallel_loop3A_254] : memref<224x224xf32, #tpu.memory_space<vmem>>[vector<16xi32>, vector<16xi32>], vector<16xf32>,
          %parallel_loop3A_276 = arith.subf %parallel_loop3A_273, %parallel_loop3A_272 : vector<16xf32>
          %parallel_loop3A_277 = arith.mulf %parallel_loop3A_249, %parallel_loop3A_276 : vector<16xf32>
          %parallel_loop3A_278 = arith.addf %parallel_loop3A_272, %parallel_loop3A_277 : vector<16xf32>
          %parallel_loop3A_279 = arith.subf %parallel_loop3A_275, %parallel_loop3A_274 : vector<16xf32>
          %parallel_loop3A_280 = arith.mulf %parallel_loop3A_249, %parallel_loop3A_279 : vector<16xf32>
          %parallel_loop3A_281 = arith.addf %parallel_loop3A_274, %parallel_loop3A_280 : vector<16xf32>
          %parallel_loop3A_282 = arith.subf %parallel_loop3A_281, %parallel_loop3A_278 : vector<16xf32>
          %parallel_loop3A_283 = arith.mulf %parallel_loop3A_251, %parallel_loop3A_282 : vector<16xf32>
          %parallel_loop3A_284 = arith.addf %parallel_loop3A_278, %parallel_loop3A_283 : vector<16xf32>
          %parallel_loop3A_285 = arith.addf %parallel_loop3A_237, %parallel_loop3A_284 : vector<16xf32>
          %parallel_loop3A_286 = arith.constant 896 : i32
          %parallel_loop3A_287 = arith.addi %parallel_loop3A_286, %parallel_loop3A_222 : i32
          %parallel_loop3A_288 = arith.index_cast %parallel_loop3A_287 : i32 to index
          %parallel_loop3A_289 = tpu.vector_load %arg8[%parallel_loop3A_288] {strides = array<i32>} : memref<3584xf32, #tpu.memory_space<vmem>>, vector<16xf32>,
          %parallel_loop3A_290 = arith.constant 1344 : i32
          %parallel_loop3A_291 = arith.addi %parallel_loop3A_290, %parallel_loop3A_222 : i32
          %parallel_loop3A_292 = arith.index_cast %parallel_loop3A_291 : i32 to index
          %parallel_loop3A_293 = tpu.vector_load %arg8[%parallel_loop3A_292] {strides = array<i32>} : memref<3584xf32, #tpu.memory_space<vmem>>, vector<16xf32>,
          %parallel_loop3A_294 = arith.fptosi %parallel_loop3A_289 : vector<16xf32> to vector<16xi32>
          %parallel_loop3A_295 = arith.fptosi %parallel_loop3A_293 : vector<16xf32> to vector<16xi32>
          %parallel_loop3A_296 = arith.sitofp %parallel_loop3A_294 : vector<16xi32> to vector<16xf32>
          %parallel_loop3A_297 = arith.subf %parallel_loop3A_289, %parallel_loop3A_296 : vector<16xf32>
          %parallel_loop3A_298 = arith.sitofp %parallel_loop3A_295 : vector<16xi32> to vector<16xf32>
          %parallel_loop3A_299 = arith.subf %parallel_loop3A_293, %parallel_loop3A_298 : vector<16xf32>
          %parallel_loop3A_300 = arith.constant 1 : i32
          %parallel_loop3A_301 = vector.broadcast %parallel_loop3A_300 : i32 to vector<16xi32>
          %parallel_loop3A_302 = arith.addi %parallel_loop3A_294, %parallel_loop3A_301 : vector<16xi32>
          %parallel_loop3A_303 = arith.constant 1 : i32
          %parallel_loop3A_304 = vector.broadcast %parallel_loop3A_303 : i32 to vector<16xi32>
          %parallel_loop3A_305 = arith.addi %parallel_loop3A_295, %parallel_loop3A_304 : vector<16xi32>
          %parallel_loop3A_306 = tpu.vector_load_idx %arg5[%parallel_loop3A_295, %parallel_loop3A_294] : memref<224x224xf32, #tpu.memory_space<vmem>>[vector<16xi32>, vector<16xi32>], vector<16xf32>,
          %parallel_loop3A_307 = tpu.vector_load_idx %arg5[%parallel_loop3A_295, %parallel_loop3A_302] : memref<224x224xf32, #tpu.memory_space<vmem>>[vector<16xi32>, vector<16xi32>], vector<16xf32>,
          %parallel_loop3A_308 = tpu.vector_load_idx %arg5[%parallel_loop3A_305, %parallel_loop3A_294] : memref<224x224xf32, #tpu.memory_space<vmem>>[vector<16xi32>, vector<16xi32>], vector<16xf32>,
          %parallel_loop3A_309 = tpu.vector_load_idx %arg5[%parallel_loop3A_305, %parallel_loop3A_302] : memref<224x224xf32, #tpu.memory_space<vmem>>[vector<16xi32>, vector<16xi32>], vector<16xf32>,
          %parallel_loop3A_310 = arith.subf %parallel_loop3A_307, %parallel_loop3A_306 : vector<16xf32>
          %parallel_loop3A_311 = arith.mulf %parallel_loop3A_297, %parallel_loop3A_310 : vector<16xf32>
          %parallel_loop3A_312 = arith.addf %parallel_loop3A_306, %parallel_loop3A_311 : vector<16xf32>
          %parallel_loop3A_313 = arith.subf %parallel_loop3A_309, %parallel_loop3A_308 : vector<16xf32>
          %parallel_loop3A_314 = arith.mulf %parallel_loop3A_297, %parallel_loop3A_313 : vector<16xf32>
          %parallel_loop3A_315 = arith.addf %parallel_loop3A_308, %parallel_loop3A_314 : vector<16xf32>
          %parallel_loop3A_316 = arith.subf %parallel_loop3A_315, %parallel_loop3A_312 : vector<16xf32>
          %parallel_loop3A_317 = arith.mulf %parallel_loop3A_299, %parallel_loop3A_316 : vector<16xf32>
          %parallel_loop3A_318 = arith.addf %parallel_loop3A_312, %parallel_loop3A_317 : vector<16xf32>
          %parallel_loop3A_319 = arith.addf %parallel_loop3A_271, %parallel_loop3A_318 : vector<16xf32>
          %parallel_loop3A_320 = tpu.vector_load_idx %arg6[%parallel_loop3A_295, %parallel_loop3A_294] : memref<224x224xf32, #tpu.memory_space<vmem>>[vector<16xi32>, vector<16xi32>], vector<16xf32>,
          %parallel_loop3A_321 = tpu.vector_load_idx %arg6[%parallel_loop3A_295, %parallel_loop3A_302] : memref<224x224xf32, #tpu.memory_space<vmem>>[vector<16xi32>, vector<16xi32>], vector<16xf32>,
          %parallel_loop3A_322 = tpu.vector_load_idx %arg6[%parallel_loop3A_305, %parallel_loop3A_294] : memref<224x224xf32, #tpu.memory_space<vmem>>[vector<16xi32>, vector<16xi32>], vector<16xf32>,
          %parallel_loop3A_323 = tpu.vector_load_idx %arg6[%parallel_loop3A_305, %parallel_loop3A_302] : memref<224x224xf32, #tpu.memory_space<vmem>>[vector<16xi32>, vector<16xi32>], vector<16xf32>,
          %parallel_loop3A_324 = arith.subf %parallel_loop3A_321, %parallel_loop3A_320 : vector<16xf32>
          %parallel_loop3A_325 = arith.mulf %parallel_loop3A_297, %parallel_loop3A_324 : vector<16xf32>
          %parallel_loop3A_326 = arith.addf %parallel_loop3A_320, %parallel_loop3A_325 : vector<16xf32>
          %parallel_loop3A_327 = arith.subf %parallel_loop3A_323, %parallel_loop3A_322 : vector<16xf32>
          %parallel_loop3A_328 = arith.mulf %parallel_loop3A_297, %parallel_loop3A_327 : vector<16xf32>
          %parallel_loop3A_329 = arith.addf %parallel_loop3A_322, %parallel_loop3A_328 : vector<16xf32>
          %parallel_loop3A_330 = arith.subf %parallel_loop3A_329, %parallel_loop3A_326 : vector<16xf32>
          %parallel_loop3A_331 = arith.mulf %parallel_loop3A_299, %parallel_loop3A_330 : vector<16xf32>
          %parallel_loop3A_332 = arith.addf %parallel_loop3A_326, %parallel_loop3A_331 : vector<16xf32>
          %parallel_loop3A_333 = arith.addf %parallel_loop3A_285, %parallel_loop3A_332 : vector<16xf32>
          %parallel_loop3A_334 = arith.constant 1792 : i32
          %parallel_loop3A_335 = arith.addi %parallel_loop3A_334, %parallel_loop3A_222 : i32
          %parallel_loop3A_336 = arith.index_cast %parallel_loop3A_335 : i32 to index
          %parallel_loop3A_337 = tpu.vector_load %arg8[%parallel_loop3A_336] {strides = array<i32>} : memref<3584xf32, #tpu.memory_space<vmem>>, vector<16xf32>,
          %parallel_loop3A_338 = arith.constant 2240 : i32
          %parallel_loop3A_339 = arith.addi %parallel_loop3A_338, %parallel_loop3A_222 : i32
          %parallel_loop3A_340 = arith.index_cast %parallel_loop3A_339 : i32 to index
          %parallel_loop3A_341 = tpu.vector_load %arg8[%parallel_loop3A_340] {strides = array<i32>} : memref<3584xf32, #tpu.memory_space<vmem>>, vector<16xf32>,
          %parallel_loop3A_342 = arith.fptosi %parallel_loop3A_337 : vector<16xf32> to vector<16xi32>
          %parallel_loop3A_343 = arith.fptosi %parallel_loop3A_341 : vector<16xf32> to vector<16xi32>
          %parallel_loop3A_344 = arith.sitofp %parallel_loop3A_342 : vector<16xi32> to vector<16xf32>
          %parallel_loop3A_345 = arith.subf %parallel_loop3A_337, %parallel_loop3A_344 : vector<16xf32>
          %parallel_loop3A_346 = arith.sitofp %parallel_loop3A_343 : vector<16xi32> to vector<16xf32>
          %parallel_loop3A_347 = arith.subf %parallel_loop3A_341, %parallel_loop3A_346 : vector<16xf32>
          %parallel_loop3A_348 = arith.constant 1 : i32
          %parallel_loop3A_349 = vector.broadcast %parallel_loop3A_348 : i32 to vector<16xi32>
          %parallel_loop3A_350 = arith.addi %parallel_loop3A_342, %parallel_loop3A_349 : vector<16xi32>
          %parallel_loop3A_351 = arith.constant 1 : i32
          %parallel_loop3A_352 = vector.broadcast %parallel_loop3A_351 : i32 to vector<16xi32>
          %parallel_loop3A_353 = arith.addi %parallel_loop3A_343, %parallel_loop3A_352 : vector<16xi32>
          %parallel_loop3A_354 = tpu.vector_load_idx %arg5[%parallel_loop3A_343, %parallel_loop3A_342] : memref<224x224xf32, #tpu.memory_space<vmem>>[vector<16xi32>, vector<16xi32>], vector<16xf32>,
          %parallel_loop3A_355 = tpu.vector_load_idx %arg5[%parallel_loop3A_343, %parallel_loop3A_350] : memref<224x224xf32, #tpu.memory_space<vmem>>[vector<16xi32>, vector<16xi32>], vector<16xf32>,
          %parallel_loop3A_356 = tpu.vector_load_idx %arg5[%parallel_loop3A_353, %parallel_loop3A_342] : memref<224x224xf32, #tpu.memory_space<vmem>>[vector<16xi32>, vector<16xi32>], vector<16xf32>,
          %parallel_loop3A_357 = tpu.vector_load_idx %arg5[%parallel_loop3A_353, %parallel_loop3A_350] : memref<224x224xf32, #tpu.memory_space<vmem>>[vector<16xi32>, vector<16xi32>], vector<16xf32>,
          %parallel_loop3A_358 = arith.subf %parallel_loop3A_355, %parallel_loop3A_354 : vector<16xf32>
          %parallel_loop3A_359 = arith.mulf %parallel_loop3A_345, %parallel_loop3A_358 : vector<16xf32>
          %parallel_loop3A_360 = arith.addf %parallel_loop3A_354, %parallel_loop3A_359 : vector<16xf32>
          %parallel_loop3A_361 = arith.subf %parallel_loop3A_357, %parallel_loop3A_356 : vector<16xf32>
          %parallel_loop3A_362 = arith.mulf %parallel_loop3A_345, %parallel_loop3A_361 : vector<16xf32>
          %parallel_loop3A_363 = arith.addf %parallel_loop3A_356, %parallel_loop3A_362 : vector<16xf32>
          %parallel_loop3A_364 = arith.subf %parallel_loop3A_363, %parallel_loop3A_360 : vector<16xf32>
          %parallel_loop3A_365 = arith.mulf %parallel_loop3A_347, %parallel_loop3A_364 : vector<16xf32>
          %parallel_loop3A_366 = arith.addf %parallel_loop3A_360, %parallel_loop3A_365 : vector<16xf32>
          %parallel_loop3A_367 = arith.addf %parallel_loop3A_319, %parallel_loop3A_366 : vector<16xf32>
          %parallel_loop3A_368 = tpu.vector_load_idx %arg6[%parallel_loop3A_343, %parallel_loop3A_342] : memref<224x224xf32, #tpu.memory_space<vmem>>[vector<16xi32>, vector<16xi32>], vector<16xf32>,
          %parallel_loop3A_369 = tpu.vector_load_idx %arg6[%parallel_loop3A_343, %parallel_loop3A_350] : memref<224x224xf32, #tpu.memory_space<vmem>>[vector<16xi32>, vector<16xi32>], vector<16xf32>,
          %parallel_loop3A_370 = tpu.vector_load_idx %arg6[%parallel_loop3A_353, %parallel_loop3A_342] : memref<224x224xf32, #tpu.memory_space<vmem>>[vector<16xi32>, vector<16xi32>], vector<16xf32>,
          %parallel_loop3A_371 = tpu.vector_load_idx %arg6[%parallel_loop3A_353, %parallel_loop3A_350] : memref<224x224xf32, #tpu.memory_space<vmem>>[vector<16xi32>, vector<16xi32>], vector<16xf32>,
          %parallel_loop3A_372 = arith.subf %parallel_loop3A_369, %parallel_loop3A_368 : vector<16xf32>
          %parallel_loop3A_373 = arith.mulf %parallel_loop3A_345, %parallel_loop3A_372 : vector<16xf32>
          %parallel_loop3A_374 = arith.addf %parallel_loop3A_368, %parallel_loop3A_373 : vector<16xf32>
          %parallel_loop3A_375 = arith.subf %parallel_loop3A_371, %parallel_loop3A_370 : vector<16xf32>
          %parallel_loop3A_376 = arith.mulf %parallel_loop3A_345, %parallel_loop3A_375 : vector<16xf32>
          %parallel_loop3A_377 = arith.addf %parallel_loop3A_370, %parallel_loop3A_376 : vector<16xf32>
          %parallel_loop3A_378 = arith.subf %parallel_loop3A_377, %parallel_loop3A_374 : vector<16xf32>
          %parallel_loop3A_379 = arith.mulf %parallel_loop3A_347, %parallel_loop3A_378 : vector<16xf32>
          %parallel_loop3A_380 = arith.addf %parallel_loop3A_374, %parallel_loop3A_379 : vector<16xf32>
          %parallel_loop3A_381 = arith.addf %parallel_loop3A_333, %parallel_loop3A_380 : vector<16xf32>
          %parallel_loop3A_382 = arith.constant 2688 : i32
          %parallel_loop3A_383 = arith.addi %parallel_loop3A_382, %parallel_loop3A_222 : i32
          %parallel_loop3A_384 = arith.index_cast %parallel_loop3A_383 : i32 to index
          %parallel_loop3A_385 = tpu.vector_load %arg8[%parallel_loop3A_384] {strides = array<i32>} : memref<3584xf32, #tpu.memory_space<vmem>>, vector<16xf32>,
          %parallel_loop3A_386 = arith.constant 3136 : i32
          %parallel_loop3A_387 = arith.addi %parallel_loop3A_386, %parallel_loop3A_222 : i32
          %parallel_loop3A_388 = arith.index_cast %parallel_loop3A_387 : i32 to index
          %parallel_loop3A_389 = tpu.vector_load %arg8[%parallel_loop3A_388] {strides = array<i32>} : memref<3584xf32, #tpu.memory_space<vmem>>, vector<16xf32>,
          %parallel_loop3A_390 = arith.fptosi %parallel_loop3A_385 : vector<16xf32> to vector<16xi32>
          %parallel_loop3A_391 = arith.fptosi %parallel_loop3A_389 : vector<16xf32> to vector<16xi32>
          %parallel_loop3A_392 = arith.sitofp %parallel_loop3A_390 : vector<16xi32> to vector<16xf32>
          %parallel_loop3A_393 = arith.subf %parallel_loop3A_385, %parallel_loop3A_392 : vector<16xf32>
          %parallel_loop3A_394 = arith.sitofp %parallel_loop3A_391 : vector<16xi32> to vector<16xf32>
          %parallel_loop3A_395 = arith.subf %parallel_loop3A_389, %parallel_loop3A_394 : vector<16xf32>
          %parallel_loop3A_396 = arith.constant 1 : i32
          %parallel_loop3A_397 = vector.broadcast %parallel_loop3A_396 : i32 to vector<16xi32>
          %parallel_loop3A_398 = arith.addi %parallel_loop3A_390, %parallel_loop3A_397 : vector<16xi32>
          %parallel_loop3A_399 = arith.constant 1 : i32
          %parallel_loop3A_400 = vector.broadcast %parallel_loop3A_399 : i32 to vector<16xi32>
          %parallel_loop3A_401 = arith.addi %parallel_loop3A_391, %parallel_loop3A_400 : vector<16xi32>
          %parallel_loop3A_402 = tpu.vector_load_idx %arg5[%parallel_loop3A_391, %parallel_loop3A_390] : memref<224x224xf32, #tpu.memory_space<vmem>>[vector<16xi32>, vector<16xi32>], vector<16xf32>,
          %parallel_loop3A_403 = tpu.vector_load_idx %arg5[%parallel_loop3A_391, %parallel_loop3A_398] : memref<224x224xf32, #tpu.memory_space<vmem>>[vector<16xi32>, vector<16xi32>], vector<16xf32>,
          %parallel_loop3A_404 = tpu.vector_load_idx %arg5[%parallel_loop3A_401, %parallel_loop3A_390] : memref<224x224xf32, #tpu.memory_space<vmem>>[vector<16xi32>, vector<16xi32>], vector<16xf32>,
          %parallel_loop3A_405 = tpu.vector_load_idx %arg5[%parallel_loop3A_401, %parallel_loop3A_398] : memref<224x224xf32, #tpu.memory_space<vmem>>[vector<16xi32>, vector<16xi32>], vector<16xf32>,
          %parallel_loop3A_406 = arith.subf %parallel_loop3A_403, %parallel_loop3A_402 : vector<16xf32>
          %parallel_loop3A_407 = arith.mulf %parallel_loop3A_393, %parallel_loop3A_406 : vector<16xf32>
          %parallel_loop3A_408 = arith.addf %parallel_loop3A_402, %parallel_loop3A_407 : vector<16xf32>
          %parallel_loop3A_409 = arith.subf %parallel_loop3A_405, %parallel_loop3A_404 : vector<16xf32>
          %parallel_loop3A_410 = arith.mulf %parallel_loop3A_393, %parallel_loop3A_409 : vector<16xf32>
          %parallel_loop3A_411 = arith.addf %parallel_loop3A_404, %parallel_loop3A_410 : vector<16xf32>
          %parallel_loop3A_412 = arith.subf %parallel_loop3A_411, %parallel_loop3A_408 : vector<16xf32>
          %parallel_loop3A_413 = arith.mulf %parallel_loop3A_395, %parallel_loop3A_412 : vector<16xf32>
          %parallel_loop3A_414 = arith.addf %parallel_loop3A_408, %parallel_loop3A_413 : vector<16xf32>
          %parallel_loop3A_415 = arith.addf %parallel_loop3A_367, %parallel_loop3A_414 : vector<16xf32>
          %parallel_loop3A_416 = tpu.vector_load_idx %arg6[%parallel_loop3A_391, %parallel_loop3A_390] : memref<224x224xf32, #tpu.memory_space<vmem>>[vector<16xi32>, vector<16xi32>], vector<16xf32>,
          %parallel_loop3A_417 = tpu.vector_load_idx %arg6[%parallel_loop3A_391, %parallel_loop3A_398] : memref<224x224xf32, #tpu.memory_space<vmem>>[vector<16xi32>, vector<16xi32>], vector<16xf32>,
          %parallel_loop3A_418 = tpu.vector_load_idx %arg6[%parallel_loop3A_401, %parallel_loop3A_390] : memref<224x224xf32, #tpu.memory_space<vmem>>[vector<16xi32>, vector<16xi32>], vector<16xf32>,
          %parallel_loop3A_419 = tpu.vector_load_idx %arg6[%parallel_loop3A_401, %parallel_loop3A_398] : memref<224x224xf32, #tpu.memory_space<vmem>>[vector<16xi32>, vector<16xi32>], vector<16xf32>,
          %parallel_loop3A_420 = arith.subf %parallel_loop3A_417, %parallel_loop3A_416 : vector<16xf32>
          %parallel_loop3A_421 = arith.mulf %parallel_loop3A_393, %parallel_loop3A_420 : vector<16xf32>
          %parallel_loop3A_422 = arith.addf %parallel_loop3A_416, %parallel_loop3A_421 : vector<16xf32>
          %parallel_loop3A_423 = arith.subf %parallel_loop3A_419, %parallel_loop3A_418 : vector<16xf32>
          %parallel_loop3A_424 = arith.mulf %parallel_loop3A_393, %parallel_loop3A_423 : vector<16xf32>
          %parallel_loop3A_425 = arith.addf %parallel_loop3A_418, %parallel_loop3A_424 : vector<16xf32>
          %parallel_loop3A_426 = arith.subf %parallel_loop3A_425, %parallel_loop3A_422 : vector<16xf32>
          %parallel_loop3A_427 = arith.mulf %parallel_loop3A_395, %parallel_loop3A_426 : vector<16xf32>
          %parallel_loop3A_428 = arith.addf %parallel_loop3A_422, %parallel_loop3A_427 : vector<16xf32>
          %parallel_loop3A_429 = arith.addf %parallel_loop3A_381, %parallel_loop3A_428 : vector<16xf32>
          %parallel_loop3A_430 = arith.constant 2.500000e-01 : f32
          %parallel_loop3A_431 = vector.broadcast %parallel_loop3A_430 : f32 to vector<16xf32>
          %parallel_loop3A_432 = arith.mulf %parallel_loop3A_415, %parallel_loop3A_431 : vector<16xf32>
          %parallel_loop3A_433 = arith.index_cast %parallel_loop3A_230 : i32 to index
          %parallel_loop3A_434 = arith.index_cast %parallel_loop3A_233 : i32 to index
          %parallel_loop3A_435 = tpu.vector_load %arg10[%parallel_loop3A_433, %parallel_loop3A_434] {strides = array<i32>} : memref<8x112xf32, #tpu.memory_space<vmem>>, vector<16xf32>,
          tpu.vector_store %arg10[%parallel_loop3A_433, %parallel_loop3A_434], %parallel_loop3A_432 {strides = array<i32>} : memref<8x112xf32, #tpu.memory_space<vmem>>, vector<16xf32>,
          %parallel_loop3A_436 = arith.constant 2.500000e-01 : f32
          %parallel_loop3A_437 = vector.broadcast %parallel_loop3A_436 : f32 to vector<16xf32>
          %parallel_loop3A_438 = arith.mulf %parallel_loop3A_429, %parallel_loop3A_437 : vector<16xf32>
          %parallel_loop3A_439 = arith.index_cast %parallel_loop3A_230 : i32 to index
          %parallel_loop3A_440 = arith.index_cast %parallel_loop3A_233 : i32 to index
          %parallel_loop3A_441 = tpu.vector_load %arg12[%parallel_loop3A_439, %parallel_loop3A_440] {strides = array<i32>} : memref<8x112xf32, #tpu.memory_space<vmem>>, vector<16xf32>,
          tpu.vector_store %arg12[%parallel_loop3A_439, %parallel_loop3A_440], %parallel_loop3A_438 {strides = array<i32>} : memref<8x112xf32, #tpu.memory_space<vmem>>, vector<16xf32>,
        } {sc.loop_unroll_factor = 4 : i64, sc.parallel_access}
        %mul3A_197 = arith.constant 2 : i32
        %mul3A_198 = arith.muli %scan3A_114, %mul3A_197 : i32
        %add3A_199 = arith.constant 1 : i32
        %add3A_200 = arith.addi %mul3A_198, %add3A_199 : i32
        %mul3A_201 = arith.constant 8 : i32
        %mul3A_202 = arith.muli %add3A_200, %mul3A_201 : i32
        %dma_start3A_203 = arith.constant 0 : i32
        %dma_start3A_204 = tpu.memref_slice %arg4[%select_n3A, %sub3A, %mul3A_202, %dma_start3A_203] : memref<2x384x112x112xf32, #tpu.memory_space<hbm>> -> memref<1x1x8x112xf32, #tpu.memory_space<hbm>>
        %dma_start3A_205 = tpu.memref_squeeze %dma_start3A_204 : memref<1x1x8x112xf32, #tpu.memory_space<hbm>> -> memref<8x112xf32, #tpu.memory_space<hbm>>
        %dma_start3A_206 = arith.constant 0 : i32
        %dma_start3A_207 = tpu.memref_slice %arg4[%select_n3A, %sub3A, %mul3A_202, %dma_start3A_206] : memref<2x384x112x112xf32, #tpu.memory_space<hbm>> -> memref<1x1x8x112xf32, #tpu.memory_space<hbm>>
        %dma_start3A_208 = tpu.memref_squeeze %dma_start3A_207 : memref<1x1x8x112xf32, #tpu.memory_space<hbm>> -> memref<8x112xf32, #tpu.memory_space<hbm>>
        tpu.enqueue_dma source(%arg10 : memref<8x112xf32, #tpu.memory_space<vmem>>) target(%dma_start3A_208 : memref<8x112xf32, #tpu.memory_space<hbm>>) target_semaphore(%arg17 : memref<!tpu.dma_semaphore, #tpu.memory_space<semaphore_mem>>)
        %mul3A_209 = arith.constant 2 : i32
        %mul3A_210 = arith.muli %scan3A_114, %mul3A_209 : i32
        %add3A_211 = arith.constant 1 : i32
        %add3A_212 = arith.addi %mul3A_210, %add3A_211 : i32
        %mul3A_213 = arith.constant 8 : i32
        %mul3A_214 = arith.muli %add3A_212, %mul3A_213 : i32
        %dma_start3A_215 = arith.constant 0 : i32
        %dma_start3A_216 = tpu.memref_slice %arg4[%select_n3A_63, %sub3A_66, %mul3A_214, %dma_start3A_215] : memref<2x384x112x112xf32, #tpu.memory_space<hbm>> -> memref<1x1x8x112xf32, #tpu.memory_space<hbm>>
        %dma_start3A_217 = tpu.memref_squeeze %dma_start3A_216 : memref<1x1x8x112xf32, #tpu.memory_space<hbm>> -> memref<8x112xf32, #tpu.memory_space<hbm>>
        %dma_start3A_218 = arith.constant 0 : i32
        %dma_start3A_219 = tpu.memref_slice %arg4[%select_n3A_63, %sub3A_66, %mul3A_214, %dma_start3A_218] : memref<2x384x112x112xf32, #tpu.memory_space<hbm>> -> memref<1x1x8x112xf32, #tpu.memory_space<hbm>>
        %dma_start3A_220 = tpu.memref_squeeze %dma_start3A_219 : memref<1x1x8x112xf32, #tpu.memory_space<hbm>> -> memref<8x112xf32, #tpu.memory_space<hbm>>
        tpu.enqueue_dma source(%arg12 : memref<8x112xf32, #tpu.memory_space<vmem>>) target(%dma_start3A_220 : memref<8x112xf32, #tpu.memory_space<hbm>>) target_semaphore(%arg19 : memref<!tpu.dma_semaphore, #tpu.memory_space<semaphore_mem>>)
        %scan3A_221 = arith.constant 0 : i32
        scf.yield %scan3A_221 : i32
      }
      %scan3A_112 = arith.constant 7 : i32
      %scan3A_113 = arith.constant 0 : i32
      scf.yield %scan3A_113 : i32
    }
    %scan3A_8 = arith.constant 12 : i32
    %dma_wait3A = arith.constant 0 : i32
    %dma_wait3A_9 = arith.constant 0 : i32
    %dma_wait3A_10 = arith.constant 0 : i32
    %dma_wait3A_11 = arith.constant 0 : i32
    %dma_wait3A_12 = tpu.memref_slice %arg4[%dma_wait3A, %dma_wait3A_9, %dma_wait3A_10, %dma_wait3A_11] : memref<2x384x112x112xf32, #tpu.memory_space<hbm>> -> memref<1x1x8x112xf32, #tpu.memory_space<hbm>>
    %dma_wait3A_13 = tpu.memref_squeeze %dma_wait3A_12 : memref<1x1x8x112xf32, #tpu.memory_space<hbm>> -> memref<8x112xf32, #tpu.memory_space<hbm>>
    %dma_wait3A_14 = arith.constant 0 : i32
    %dma_wait3A_15 = arith.constant 0 : i32
    %dma_wait3A_16 = tpu.memref_slice %arg4[%dma_wait3A, %dma_wait3A_9, %dma_wait3A_14, %dma_wait3A_15] : memref<2x384x112x112xf32, #tpu.memory_space<hbm>> -> memref<1x1x8x112xf32, #tpu.memory_space<hbm>>
    %dma_wait3A_17 = tpu.memref_squeeze %dma_wait3A_16 : memref<1x1x8x112xf32, #tpu.memory_space<hbm>> -> memref<8x112xf32, #tpu.memory_space<hbm>>
    tpu.wait_dma2 semaphore(%arg16 : memref<!tpu.dma_semaphore, #tpu.memory_space<semaphore_mem>>) src(%dma_wait3A_17 : memref<8x112xf32, #tpu.memory_space<hbm>>) dst(%arg9 : memref<8x112xf32, #tpu.memory_space<vmem>>)
    %dma_wait3A_18 = arith.constant 0 : i32
    %dma_wait3A_19 = arith.constant 0 : i32
    %dma_wait3A_20 = arith.constant 0 : i32
    %dma_wait3A_21 = arith.constant 0 : i32
    %dma_wait3A_22 = tpu.memref_slice %arg4[%dma_wait3A_18, %dma_wait3A_19, %dma_wait3A_20, %dma_wait3A_21] : memref<2x384x112x112xf32, #tpu.memory_space<hbm>> -> memref<1x1x8x112xf32, #tpu.memory_space<hbm>>
    %dma_wait3A_23 = tpu.memref_squeeze %dma_wait3A_22 : memref<1x1x8x112xf32, #tpu.memory_space<hbm>> -> memref<8x112xf32, #tpu.memory_space<hbm>>
    %dma_wait3A_24 = arith.constant 0 : i32
    %dma_wait3A_25 = arith.constant 0 : i32
    %dma_wait3A_26 = tpu.memref_slice %arg4[%dma_wait3A_18, %dma_wait3A_19, %dma_wait3A_24, %dma_wait3A_25] : memref<2x384x112x112xf32, #tpu.memory_space<hbm>> -> memref<1x1x8x112xf32, #tpu.memory_space<hbm>>
    %dma_wait3A_27 = tpu.memref_squeeze %dma_wait3A_26 : memref<1x1x8x112xf32, #tpu.memory_space<hbm>> -> memref<8x112xf32, #tpu.memory_space<hbm>>
    tpu.wait_dma2 semaphore(%arg18 : memref<!tpu.dma_semaphore, #tpu.memory_space<semaphore_mem>>) src(%dma_wait3A_27 : memref<8x112xf32, #tpu.memory_space<hbm>>) dst(%arg11 : memref<8x112xf32, #tpu.memory_space<vmem>>)
    %dma_wait3A_28 = arith.constant 0 : i32
    %dma_wait3A_29 = arith.constant 0 : i32
    %dma_wait3A_30 = arith.constant 0 : i32
    %dma_wait3A_31 = arith.constant 0 : i32
    %dma_wait3A_32 = tpu.memref_slice %arg4[%dma_wait3A_28, %dma_wait3A_29, %dma_wait3A_30, %dma_wait3A_31] : memref<2x384x112x112xf32, #tpu.memory_space<hbm>> -> memref<1x1x8x112xf32, #tpu.memory_space<hbm>>
    %dma_wait3A_33 = tpu.memref_squeeze %dma_wait3A_32 : memref<1x1x8x112xf32, #tpu.memory_space<hbm>> -> memref<8x112xf32, #tpu.memory_space<hbm>>
    %dma_wait3A_34 = arith.constant 0 : i32
    %dma_wait3A_35 = arith.constant 0 : i32
    %dma_wait3A_36 = tpu.memref_slice %arg4[%dma_wait3A_28, %dma_wait3A_29, %dma_wait3A_34, %dma_wait3A_35] : memref<2x384x112x112xf32, #tpu.memory_space<hbm>> -> memref<1x1x8x112xf32, #tpu.memory_space<hbm>>
    %dma_wait3A_37 = tpu.memref_squeeze %dma_wait3A_36 : memref<1x1x8x112xf32, #tpu.memory_space<hbm>> -> memref<8x112xf32, #tpu.memory_space<hbm>>
    tpu.wait_dma2 semaphore(%arg17 : memref<!tpu.dma_semaphore, #tpu.memory_space<semaphore_mem>>) src(%dma_wait3A_37 : memref<8x112xf32, #tpu.memory_space<hbm>>) dst(%arg10 : memref<8x112xf32, #tpu.memory_space<vmem>>)
    %dma_wait3A_38 = arith.constant 0 : i32
    %dma_wait3A_39 = arith.constant 0 : i32
    %dma_wait3A_40 = arith.constant 0 : i32
    %dma_wait3A_41 = arith.constant 0 : i32
    %dma_wait3A_42 = tpu.memref_slice %arg4[%dma_wait3A_38, %dma_wait3A_39, %dma_wait3A_40, %dma_wait3A_41] : memref<2x384x112x112xf32, #tpu.memory_space<hbm>> -> memref<1x1x8x112xf32, #tpu.memory_space<hbm>>
    %dma_wait3A_43 = tpu.memref_squeeze %dma_wait3A_42 : memref<1x1x8x112xf32, #tpu.memory_space<hbm>> -> memref<8x112xf32, #tpu.memory_space<hbm>>
    %dma_wait3A_44 = arith.constant 0 : i32
    %dma_wait3A_45 = arith.constant 0 : i32
    %dma_wait3A_46 = tpu.memref_slice %arg4[%dma_wait3A_38, %dma_wait3A_39, %dma_wait3A_44, %dma_wait3A_45] : memref<2x384x112x112xf32, #tpu.memory_space<hbm>> -> memref<1x1x8x112xf32, #tpu.memory_space<hbm>>
    %dma_wait3A_47 = tpu.memref_squeeze %dma_wait3A_46 : memref<1x1x8x112xf32, #tpu.memory_space<hbm>> -> memref<8x112xf32, #tpu.memory_space<hbm>>
    tpu.wait_dma2 semaphore(%arg19 : memref<!tpu.dma_semaphore, #tpu.memory_space<semaphore_mem>>) src(%dma_wait3A_47 : memref<8x112xf32, #tpu.memory_space<hbm>>) dst(%arg12 : memref<8x112xf32, #tpu.memory_space<vmem>>)
    return
  }
}

</mosaic_0001>

<sc_bundles>
// kernel: _mapped_avg_pool_sc.3.cloned.1.call-start
scs
__scs_entry_jumppad:
0x0: {  	(pc) =	sbr.rel $0x88, $3  }
0x1: {  	(tag) =	ssettag $0x0;
	lr =	simm.s32 $0x1  }
0x2: {  	[smem:$0x3F9F] =	sst lr;
	_ =	strace $0xD0000000  }
0x3: {  	_ = 	snop  }
0x4: {  	_ = 	snop  }
0x5: {  	_ = 	snop  }
0x6: {  	_ = 	snop  }
0x7: {  	_ = 	snop  }
__scs_overlays_trampoline_lowered:
0x8: {  	[smem:$0x3FAE] =	sst s0  }
0x9: {  	[smem:$0x3FAF] =	sst s1  }
0xa: {  	[smem:$0x3FB0] =	sst s2  }
0xb: {  	[smem:$0x3FB1] =	sst s3  }
0xc: {  	[smem:$0x3FB2] =	sst s4  }
0xd: {  	[smem:$0x3FB3] =	sst s5  }
0xe: {  	[smem:$0x3FB4] =	sst s6  }
0xf: {  	[smem:$0x3FB5] =	sst s7  }
0x10: {  	[smem:$0x3FB6] =	sst s8  }
0x11: {  	[smem:$0x3FB7] =	sst s9;
	s0 =	simm.s32 @!p0 $0x0  }
0x12: {  	s1 =	sld [smem:$0x3F9D];
	s0 =	simm.s32 @p0 $0x1  }
0x13: {  	[smem:$0x3FB8] =	sst s0;
	s0 =	simm.s32 @!p1 $0x0  }
0x14: {  	s2 =	sld [smem:$0x3F9C];
	s0 =	simm.s32 @p1 $0x1  }
0x15: {  	[smem:$0x3FB9] =	sst s0;
	s0 =	simm.s32 @!p2 $0x0  }
0x16: {  	s3 =	sld [smem:$0x3FDB];
	s0 =	simm.s32 @p2 $0x1  }
0x17: {  	s4 =	simm.s32 $0x1BF5;
	[smem:$0x3FBB] =	sst s0  }
0x18: {  	s0 =	sld [smem:$0x3F9E];
	_ =	swait.ge [sflag:s4], $0x0  }
0x19: {  	s7 =	sld [smem:$0x3F9F]  }
0x1a: {  	s8 =	sadd.s32 $0xFFFFE003, lr  }
0x1b: {  	s9 =	sadd.s32 $0xFFFFFEF7, lr;
	s5 =	simm.s32 $0xFFFFFFFF;
	p2 =	slt.u32 s8, $0xFFFFF086  }
0x1c: {  	p1 =	slt.u32 s9, $0xF7A;
	s5 =	simm.s32 @!p2 $0x0  }
0x1d: {  	s5 =	simm.s32 @p1 $0x1;
	p0 =	seq.s32 s7, s2  }
0x1e: {  	s7 =	smul.u32 @!p0 $0xF7A, s2;
	p2 =	seq.s32 @!p0 s5, $0x0  }
0x1f: {  	s9 =	smul.u32 $0xF7A, s1;
	s8 =	simm.s32 @!p0 $0x1BF5;
	p2 =	por !p2, p0  }
0x20: {  	[sflag:s8] =	ssyncset.s32 @!p0 $0xFFFFF086;
	s6 =	sadd.s32 @!p0 s3, s7;
	s7 =	simm.s32 @!p0 $0x108  }
0x21: {  	s3 =	sadd.s32 s3, s9;
	s6 =	sadd.s32 @!p0 $0x88, s6;
	s7 =	simm.s32 @p2 $0x1082  }
0x22: {  	[simem:s7], [sflag:s8] =	dma.local @!p0 [hbm:s6], $0xF7A  }
0x23: {  	s9 =	sor.u32 $0xD0000000, s2;
	s6 =	simm.s32 $0x108;
	_ =	swait.ge @!p0 [sflag:s8], $0x0  }
0x24: {  	s3 =	sadd.s32 $0x88, s3;
	s6 =	simm.s32 @!p1 $0x1082;
	[sflag:s4] =	ssyncset.s32 $0xFFFFF086  }
0x25: {  	[simem:s6], [sflag:s4] =	dma.local [hbm:s3], $0xF7A  }
0x26: {  	[smem:$0x3F9F] =	sst s1;
	(tag) =	ssettag s2;
	_ =	strace s9  }
0x27: {  	s1 =	sld [smem:$0x3FAF]  }
0x28: {  	s2 =	sld [smem:$0x3FB0]  }
0x29: {  	s4 =	sld [smem:$0x3FB2]  }
0x2a: {  	p0 =	seq.s32 s5, $0x0;
	s5 =	sld [smem:$0x3FB3]  }
0x2b: {  	s6 =	sld [smem:$0x3FB4]  }
0x2c: {  	s7 =	sld [smem:$0x3FB5]  }
0x2d: {  	s3 =	simm.s32 $0x108;
	s8 =	sld [smem:$0x3FB6]  }
0x2e: {  	s3 =	simm.s32 @!p0 $0x1082;
	s9 =	sld [smem:$0x3FB7]  }
0x2f: {  	lr =	sadd.s32 s0, s3;
	s0 =	sld [smem:$0x3FAE]  }
0x30: {  	s3 =	sld [smem:$0x3FB1]  }
0x31: {  	[smem:$0x3FBA] =	sst s10  }
0x32: {  	s10 =	sld [smem:$0x3FB8];
	_ =	sdelay $0x3  }
0x33: {  	p0 =	seq.s32 s10, $0x1;
	s10 =	sld [smem:$0x3FBA];
	_ =	sdelay $0x3  }
0x34: {  	[smem:$0x3FBA] =	sst s10  }
0x35: {  	s10 =	sld [smem:$0x3FB9];
	_ =	sdelay $0x3  }
0x36: {  	p1 =	seq.s32 s10, $0x1;
	s10 =	sld [smem:$0x3FBA];
	_ =	sdelay $0x3  }
0x37: {  	[smem:$0x3FBA] =	sst s10  }
0x38: {  	s10 =	sld [smem:$0x3FBB]  }
0x39: {  	_ = 	snop;
	(pc) =	sbr.ind lr, $3  }
0x3a: {  	_ = 	snop  }
0x3b: {  	_ = 	snop  }
0x3c: {  	p2 =	seq.s32 s10, $0x1;
	s10 =	sld [smem:$0x3FBA]  }
0x3d: {  	_ =	shalt  }
0x3e: {  	_ =	shalt  }
0x3f: {  	_ =	shalt  }
0x40: {  	_ =	shalt  }
0x41: {  	_ =	shalt  }
0x42: {  	_ =	shalt  }
0x43: {  	_ =	shalt  }
0x44: {  	_ =	shalt  }
0x45: {  	_ =	shalt  }
0x46: {  	_ =	shalt  }
0x47: {  	_ =	shalt  }
0x48: {  	_ =	shalt  }
0x49: {  	_ =	shalt  }
0x4a: {  	_ =	shalt  }
0x4b: {  	_ =	shalt  }
0x4c: {  	_ =	shalt  }
0x4d: {  	_ =	shalt  }
0x4e: {  	_ =	shalt  }
0x4f: {  	_ =	shalt  }
0x50: {  	_ =	shalt  }
0x51: {  	_ =	shalt  }
0x52: {  	_ =	shalt  }
0x53: {  	_ =	shalt  }
0x54: {  	_ =	shalt  }
0x55: {  	_ =	shalt  }
0x56: {  	_ =	shalt  }
0x57: {  	_ =	shalt  }
0x58: {  	_ =	shalt  }
0x59: {  	_ =	shalt  }
0x5a: {  	_ =	shalt  }
0x5b: {  	_ =	shalt  }
0x5c: {  	_ =	shalt  }
0x5d: {  	_ =	shalt  }
0x5e: {  	_ =	shalt  }
0x5f: {  	_ =	shalt  }
0x60: {  	_ =	shalt  }
0x61: {  	_ =	shalt  }
0x62: {  	_ =	shalt  }
0x63: {  	_ =	shalt  }
0x64: {  	_ =	shalt  }
0x65: {  	_ =	shalt  }
0x66: {  	_ =	shalt  }
0x67: {  	_ =	shalt  }
0x68: {  	_ =	shalt  }
0x69: {  	_ =	shalt  }
0x6a: {  	_ =	shalt  }
0x6b: {  	_ =	shalt  }
0x6c: {  	_ =	shalt  }
0x6d: {  	_ =	shalt  }
0x6e: {  	_ =	shalt  }
0x6f: {  	_ =	shalt  }
0x70: {  	_ =	shalt  }
0x71: {  	_ =	shalt  }
0x72: {  	_ =	shalt  }
0x73: {  	_ =	shalt  }
0x74: {  	_ =	shalt  }
0x75: {  	_ =	shalt  }
0x76: {  	_ =	shalt  }
0x77: {  	_ =	shalt  }
0x78: {  	_ =	shalt  }
0x79: {  	_ =	shalt  }
0x7a: {  	_ =	shalt  }
0x7b: {  	_ =	shalt  }
0x7c: {  	_ =	shalt  }
0x7d: {  	_ =	shalt  }
0x7e: {  	_ =	shalt  }
0x7f: {  	_ =	shalt  }
0x80: {  	_ =	shalt  }
0x81: {  	_ =	shalt  }
0x82: {  	_ =	shalt  }
0x83: {  	_ =	shalt  }
0x84: {  	_ =	shalt  }
0x85: {  	_ =	shalt  }
0x86: {  	_ =	shalt  }
0x87: {  	_ =	shalt  }
.Lfunc_end0:
.L_simem_size_0:
called_computation_lowered:
.L_overlay_start_0:
0x88: {  	s2 =	sld [smem:$0x3FD9]  }
0x89: {  	s3 =	sld [smem:$0x3FFE];
	_ =	sdelay $0x1  }
0x8a: {  	s1 =	srdreg.scid  }
0x8b: {  	s0 =	sand.u32 $0x1, s1  }
0x8c: {  	s17 =	sshll.u32 s0, $0xA;
	s2 =	sadd.s32 s3, s2  }
0x8d: {  	s2 =	sadd.s32 s2, s17  }
0x8e: {  	[smem:$0x3FC6] =	sst s2  }
0x8f: {  	_ = 	snop  }
0x90: {  	s2 =	sld [smem:$0x3FC8];
	(tm) =	ssettm $0x1  }
0x91: {  	s18 =	sld [smem:$0x3FFB];
	_ =	sdelay $0x3  }
0x92: {  	_ =	strace s18  }
0x93: {  	s3 =	sld [smem:$0x3FFC];
	_ =	sdelay $0x3  }
0x94: {  	_ =	strace s3  }
0x95: {  	s3 =	sld [smem:$0x3FFD];
	_ =	sdelay $0x3  }
0x96: {  	_ =	strace s3  }
0x97: {  	_ =	strace $0x8FFFFFFF  }
0x98: {  	s19 =	sld [smem:$0x3FDB];
	_ =	sdelay $0x1  }
0x99: {  	s4 =	simm.s32 $_scs_section_size  }
0x9a: {  	s5 =	simm.s32 $_size__tile_overlayer_lowered;
	s6 =	simm.s32 $_tile_overlayer_lowered  }
0x9b: {  	s22 =	simm.s32 $0x1BFF;
	s21 =	sshll.u32 s6, $0x1;
	s3 =	sadd.s32 s4, s19  }
0x9c: {  	s7 =	simm.s32 $0x0;
	s20 =	sshll.u32 s5, $0x1;
	s5 =	sadd.s32 s21, s3  }
0x9d: {  	[timem:s7], [sflag:s22] =	dma.local [hbm:s5], s20  }
0x9e: {  	_ =	swait.ge [sflag:s22], s20  }
0x9f: {  	s4 =	ssub.s32 $0x0, s20;
	[sflag:s22] =	ssyncset.done $0x0  }
0xa0: {  	[sflag:s22] =	ssyncadd.s32 s4;
	_ =	sdelay $0x1  }
0xa1: {  	s23 =	simm.s32 $0x1B8B  }
0xa2: {  	_ =	swait.ge [sflag:s23], $0x1  }
0xa3: {  	[sflag:s23] =	ssyncset.done $0x0  }
0xa4: {  	s25 =	simm.s32 $0x1B8E;
	s24 =	sld [smem:$0x3FFE];
	[sflag:s23] =	ssyncadd.s32 $0xFFFFFFFF  }
0xa5: {  	s26 =	simm.s32 $execute0_lowered;
	[smem:$0x3FD2] =	sst s25  }
0xa6: {  	s5 =	sshll.u32 s26, $0x1;
	_ =	strace $0x80000046;
	[dreg:$0x1] =	wrdreg $0xFFFFFFFF  }
0xa7: {  	s28 =	simm.s32 $_size_execute0_lowered;
	s3 =	sadd.s32 s3, s5;
	[dreg:$0x0] =	wrdreg $0x0  }
0xa8: {  	s5 =	sshll.u32 s28, $0x1;
	[dreg:$0x2] =	wrdreg s3  }
0xa9: {  	[dreg:$0x3] =	wrdreg s5  }
0xaa: {  	[dreg:$0x4] =	wrdreg $0xC0  }
0xab: {  	_ =	task [dreg:s7], $0x5FFFF  }
0xac: {  	[dreg:$0x1] =	wrdreg $0xFFFFFFFF  }
0xad: {  	[dreg:$0x0] =	wrdreg $0x60  }
0xae: {  	[dreg:$0x2] =	wrdreg s24  }
0xaf: {  	[dreg:$0x3] =	wrdreg s2  }
0xb0: {  	[dreg:$0x4] =	wrdreg $0x9  }
0xb1: {  	_ =	task.clear_ibuf [dreg:s7], $0x5FFFF;
	_ =	strace $0x90000046  }
0xb2: {  	s29 =	simm.s32 $0x9;
	_ =	strace $0x80000048  }
0xb3: {  	_ =	swait.ge [sflag:s29], $0x1  }
0xb4: {  	[sflag:s29] =	ssyncadd.s32 $0xFFFFFFFF  }
0xb5: {  	_ =	strace $0x90000048  }
0xb6: {  	_ =	sfence  }
0xb7: {  	s30 =	sld [smem:$0x0];
	_ =	sdelay $0x2  }
0xb8: {  	s31 =	sshll.u32 s1, $0xD;
	s1 =	sshrl.u32 s1, $0x2  }
0xb9: {  	s3 =	sand.u32 $0x4000, s31;
	s1 =	sadd.s32 s1, s30  }
0xba: {  	s0 =	sor.u32 s3, s0;
	s1 =	sshll.u32 s1, $0x11  }
0xbb: {  	s0 =	sor.u32 s1, s0  }
0xbc: {  	s0 =	sadd.s32 $0x8F2B, s0  }
0xbd: {  	[sflag:s0] =	ssyncadd.remote.s32 $0x1  }
0xbe: {  	_ =	sfence.sel $0xFFFF  }
0xbf: {  	[dreg:$0x0] =	wrdreg $0xFFFFFFFF;
	(pc) =	sbr.abs _section_cstart, $3  }
0xc0: {  	[dreg:$0x1] =	wrdreg $0xFFFFFFFF  }
0xc1: {  	_ =	task.clear_ibuf [dreg:s7], $0x2FFFF;
	_ =	strace $0x9FFFFFFF  }
0xc2: {  	(tm) =	ssettm $0x7FFFFFFF  }
0xc3: {  	_ =	shalt  }
tec
execute0_lowered:
.L_overlay_start_1:
0x0: {  	(tag) =	ssettag $0x1  }
0x1: {  	s0 =	rddreg [dreg:$0x0]  }
0x2: {  	s1 =	rddreg [dreg:$0x1];
	s2 =	srdreg.scid  }
0x3: {  	s3 =	simm.s32 $0x0;
	s4 =	stileid.u32;
	s9 =	simm.s32 $0x1C000  }
0x4: {  	s11 =	simm.s32 $0x1CE00;
	s12 =	simm.s32 $0x2;
	s13 =	simm.s32 $0x3  }
0x5: {  	s14 =	simm.s32 $0x1DC00;
	s15 =	simm.s32 $0x1E400;
	s16 =	simm.s32 $0x1E000  }
0x6: {  	s17 =	simm.s32 $0x1E800;
	s2 =	sand.u32 $0x1, s2;
	s7 =	sshll.u32 s4, $0x1  }
0x7: {  	[smem:$0x7FF] =	sst s3;
	s5 =	ssub.s32 $0x2, s2;
	s2 =	sor.u32 s2, s7  }
0x8: {  	s29 =	sadd.s32 $0x400, s0;
	s6 =	sshrl.u32 s5, $0x1;
	s30 =	smul.u32 $0x18, s2  }
0x9: {  	_ =	strace $0x80000047;
	[dreg:$0x3] =	wrdreg s29;
	s8 =	ssub.s32 s5, s6  }
0xa: {  	s4 =	simm.s32 $0x0;
	[dreg:$0x4] =	wrdreg s30;
	s31 =	smax.u32 s8, $0x1  }
0xb: {  	s5 =	sadd.s32 $0x540400, s0;
	s8 =	simm.s32 $0xE000;
	[dreg:$0x5] =	wrdreg s31  }
.LBB2_1:
0xc: {  	[dreg:$0x6] =	wrdreg s4;
	s23 =	simm.s32 $0x0  }
.LBB2_2:
0xd: {  	s0 =	sshll.u32 s23, $0x1;
	s2 =	rddreg [dreg:$0x4]  }
0xe: {  	s0 =	sadd.s32 s2, s0  }
0xf: {  	s2 =	simm.s32 $0xFFFFFE80;
	p0 =	sgt.u32 s0, $0x17F  }
0x10: {  	s2 =	simm.s32 @!p0 $0x0  }
0x11: {  	s2 =	sadd.s32 s0, s2  }
0x12: {  	s7 =	simm.s32 $0x1500000;
	s18 =	smul.u32 $0xE000, s2  }
0x13: {  	s19 =	simm.s32 $0xFFFFFE80;
	p1 =	sgt.u32 s0, $0x17E;
	s7 =	simm.s32 @!p0 $0x0  }
0x14: {  	s19 =	simm.s32 @!p1 $0x0;
	s7 =	sadd.s32 s7, s18  }
0x15: {  	s4 =	rddreg [dreg:$0x3];
	s0 =	sadd.s32 s0, s19;
	s7 =	sshrl.u32 s7, $0x3  }
0x16: {  	s24 =	simm.s32 $0x0;
	s0 =	sadd.s32 $0x1, s0;
	s7 =	sadd.s32 s4, s7  }
0x17: {  	[tilespmem:s24], [sflag:$0x1] =	stream.linear.gather [hbm4b:s7+s24], $0xE000, $0x38;
	[tilespmem:$0x1EC00] =	vst v63  }
0x18: {  	s30 =	smul.u32 $0xE000, s0;
	s7 =	simm.s32 $0x1500000  }
0x19: {  	s7 =	simm.s32 @!p1 $0x0  }
0x1a: {  	s7 =	sadd.s32 s7, s30  }
0x1b: {  	s7 =	sshrl.u32 s7, $0x3  }
0x1c: {  	s7 =	sadd.s32 s4, s7  }
0x1d: {  	[tilespmem:s8], [sflag:$0x1] =	stream.linear.gather [hbm4b:s7+s24], $0xE000, $0x38;
	[tilespmem:$0x1EC00] =	vst v63  }
0x1e: {  	s31 =	simm.s32 $0x1  }
0x1f: {  	[tilespmem:s9], [sflag:$0x2] =	stream.linear.gather [hbm4b:s1+s24], $0xE00, $0x38;
	[tilespmem:$0x1EC00] =	vst v63  }
0x20: {  	_ =	swait.ge [sflag:s31], $0xE000  }
0x21: {  	s2 =	smul.u32 $0x3800, s2;
	[sflag:s31] =	ssyncset.done $0x0  }
0x22: {  	s0 =	smul.u32 $0x3800, s0;
	[sflag:s31] =	ssyncadd.s32 $0xFFFF2000  }
0x23: {  	s18 =	simm.s32 $0x540000;
	s7 =	simm.s32 $0x540000;
	_ =	swait.ge [sflag:s31], $0xE000  }
0x24: {  	s18 =	simm.s32 @!p1 $0x0;
	s7 =	simm.s32 @!p0 $0x0;
	[sflag:s31] =	ssyncset.done $0x0  }
0x25: {  	s26 =	sadd.s32 s18, s0;
	s25 =	sadd.s32 s7, s2;
	[sflag:s31] =	ssyncadd.s32 $0xFFFF2000  }
.LBB2_3:
0x26: {  	s28 =	smul.u32 $0x3800, s24;
	_ =	sdelay $0x1  }
0x27: {  	s0 =	sshrl.u32 s28, $0x3  }
0x28: {  	s30 =	sadd.s32 s1, s0  }
0x29: {  	s0 =	sadd.s32 $0x1C0, s30  }
0x2a: {  	[tilespmem:s11], [sflag:$0x3] =	stream.linear.gather [hbm4b:s0+s3], $0xE00, $0x38;
	[tilespmem:$0x1EC00] =	vst v63  }
0x2b: {  	s22 =	sor.u32 s23, s24;
	_ =	swait.ge [sflag:s12], $0xE00  }
0x2c: {  	p0 =	seq.s32 s22, $0x0;
	[sflag:s12] =	ssyncset.done $0x0  }
0x2d: {  	s0 =	simm.s32 @!p0 $0x4;
	[sflag:s12] =	ssyncadd.s32 $0xFFFFF200  }
0x2e: {  	_ =	swait.ge @!p0 [sflag:s0], $0x400  }
0x2f: {  	[sflag:s0] =	ssyncset.done @!p0 $0x0  }
0x30: {  	[sflag:s0] =	ssyncadd.s32 @!p0 $0xFFFFFC00;
	s0 =	simm.s32 @!p0 $0x6  }
0x31: {  	s29 =	simm.s32 $0x6DB9;
	s31 =	simm.s32 $0x4926;
	_ =	swait.ge @!p0 [sflag:s0], $0x400  }
0x32: {  	s2 =	simm.s32 $0x2493;
	s7 =	simm.s32 $0x0;
	[sflag:s0] =	ssyncset.done @!p0 $0x0  }
0x33: {  	s18 =	simm.s32 $0x0;
	[sflag:s0] =	ssyncadd.s32 @!p0 $0xFFFFFC00;
	s0 =	simm.s32 $0x1C710  }
.LBB2_4:
0x34: {  	v0 =	vld [tilespmem:s0+$0xFFFFF8F0]  }
0x35: {  	v2 =	vld [tilespmem:s0+$0xFFFFFAB0];
	_ =	sdelay $0x1  }
0x36: {  	s19 =	sand.u32 $0x1C0, s18;
	v31 =	vld [tilespmem:s0+$0xFFFFFE30]  }
0x37: {  	v30 =	vld [tilespmem:s19+$0x1C380];
	_ =	sdelay $0x1  }
0x38: {  	v1 =	vtrunc.f32 v0;
	v3 =	vtrunc.f32 v2  }
0x39: {  	v4 =	vcvt.f32.s32 v1;
	v3 =	vcvt.f32.s32 v3  }
0x3a: {  	v35 =	vtrunc.f32 v31  }
0x3b: {  	v34 =	vtrunc.f32 v30;
	v1 =	vadd.s32 $0x1, v4;
	v5 =	vshll.u32 v3, $0x8  }
0x3c: {  	v6 =	vadd.s32 $0x1, v3;
	v7 =	vshll.u32 v4, $0x3;
	v8 =	vshll.u32 v3, $0x7  }
0x3d: {  	v11 =	vand.u32 $0x7F, v4;
	v4 =	vcvt.s32.f32 v4;
	v5 =	vand.u32 $0xFFFFF800, v5  }
0x3e: {  	v7 =	vand.u32 $0xFFFFFC00, v7;
	v9 =	vshll.u32 v1, $0x3;
	v8 =	vand.u32 $0x380, v8  }
0x3f: {  	v12 =	vand.u32 $0x7F, v1;
	v13 =	vshll.u32 v6, $0x8;
	v6 =	vshll.u32 v6, $0x7  }
0x40: {  	v10 =	vadd.s32 v7, v5;
	v9 =	vand.u32 $0xFFFFFC00, v9;
	v13 =	vand.u32 $0xFFFFF800, v13  }
0x41: {  	v6 =	vand.u32 $0x380, v6;
	v10 =	vor.u32 v8, v10;
	v5 =	vadd.s32 v9, v5  }
0x42: {  	v7 =	vadd.s32 v7, v13;
	v9 =	vadd.s32 v9, v13;
	v10 =	vor.u32 v11, v10  }
0x43: {  	v29 =	vor.u32 v8, v5;
	v7 =	vor.u32 v6, v7;
	v6 =	vor.u32 v6, v9  }
0x44: {  	v8 =	vor.u32 v12, v29;
	v6 =	vor.u32 v12, v6;
	v12 =	vcvt.f32.s32 v35  }
0x45: {  	v7 =	vor.u32 v11, v7;
	v11 =	vcvt.f32.s32 v34  }
0x46: {  	v44 =	vld [tilespmem:s19+$0x1C700];
	v0 =	vsub.f32 v0, v4;
	v36 =	vshll.u32 v12, $0x8  }
0x47: {  	v61 =	vld [tilespmem:s19+$0x1CA80];
	v14 =	vshll.u32 v11, $0x3;
	v16 =	vshll.u32 v12, $0x7;
	v19 =	vadd.s32 $0x1, v11  }
0x48: {  	v20 =	vand.u32 $0x7F, v11;
	v21 =	vadd.s32 $0x1, v12;
	v4 =	vand.u32 $0xFFFFF800, v36;
	v32 =	vld.idx.msk [tilespmem:v10+s3+$0x0], $0xffff  }
0x49: {  	v14 =	vand.u32 $0xFFFFFC00, v14;
	v16 =	vand.u32 $0x380, v16;
	v22 =	vshll.u32 v19, $0x3;
	v10 =	vld.idx.msk [tilespmem:v10+s8+$0x0], $0xffff  }
0x4a: {  	v19 =	vand.u32 $0x7F, v19;
	v23 =	vshll.u32 v21, $0x8;
	v18 =	vadd.s32 v14, v4;
	v33 =	vld.idx.msk [tilespmem:v8+s3+$0x0], $0xffff  }
0x4b: {  	v21 =	vshll.u32 v21, $0x7;
	v22 =	vand.u32 $0xFFFFFC00, v22;
	v15 =	vld.idx.msk [tilespmem:v7+s3+$0x0], $0xffff;
	v18 =	vor.u32 v16, v18  }
0x4c: {  	v23 =	vand.u32 $0xFFFFF800, v23;
	v17 =	vld.idx.msk [tilespmem:v6+s3+$0x0], $0xffff;
	v4 =	vadd.s32 v22, v4;
	v18 =	vor.u32 v20, v18  }
0x4d: {  	v37 =	vand.u32 $0x380, v21;
	v8 =	vld.idx.msk [tilespmem:v8+s8+$0x0], $0xffff;
	v14 =	vadd.s32 v14, v23;
	v4 =	vor.u32 v16, v4  }
0x4e: {  	v7 =	vld.idx.msk [tilespmem:v7+s8+$0x0], $0xffff;
	v38 =	vadd.s32 v22, v23;
	v14 =	vor.u32 v37, v14;
	v4 =	vor.u32 v19, v4  }
0x4f: {  	v6 =	vld.idx.msk [tilespmem:v6+s8+$0x0], $0xffff;
	v16 =	vor.u32 v37, v38;
	v14 =	vor.u32 v20, v14  }
0x50: {  	v3 =	vcvt.s32.f32 v3;
	v45 =	vcvt.s32.f32 v11;
	v11 =	vld [tilespmem:s0+$0x1B0];
	v16 =	vor.u32 v19, v16  }
0x51: {  	v40 =	vld.idx.msk [tilespmem:v18+s3+$0x0], $0xffff  }
0x52: {  	v48 =	vtrunc.f32 v44;
	v2 =	vsub.f32 v2, v3;
	v34 =	vtrunc.f32 v61;
	v51 =	vld.idx.msk [tilespmem:v18+s8+$0x0], $0xffff  }
0x53: {  	v12 =	vcvt.s32.f32 v12;
	v9 =	vsub.f32 v33, v32;
	v17 =	vsub.f32 v17, v15;
	v41 =	vld.idx.msk [tilespmem:v4+s3+$0x0], $0xffff  }
0x54: {  	v36 =	vcvt.f32.s32 v34;
	v8 =	vsub.f32 v8, v10;
	v6 =	vsub.f32 v6, v7;
	v43 =	vld.idx.msk [tilespmem:v14+s3+$0x0], $0xffff  }
0x55: {  	v5 =	vsub.f32 v30, v45;
	v9 =	vmul.f32 v9, v0;
	v17 =	vmul.f32 v17, v0;
	v46 =	vld.idx.msk [tilespmem:v16+s3+$0x0], $0xffff  }
0x56: {  	v1 =	vsub.f32 v31, v12;
	v8 =	vmul.f32 v8, v0;
	v0 =	vmul.f32 v6, v0;
	v4 =	vld.idx.msk [tilespmem:v4+s8+$0x0], $0xffff  }
0x57: {  	v27 =	vadd.s32 $0x1, v36;
	v14 =	vld.idx.msk [tilespmem:v14+s8+$0x0], $0xffff;
	v9 =	vadd.f32 v9, v32;
	v39 =	vadd.f32 v17, v15  }
0x58: {  	v28 =	vand.u32 $0x7F, v36;
	v16 =	vld.idx.msk [tilespmem:v16+s8+$0x0], $0xffff;
	v8 =	vadd.f32 v8, v10;
	v0 =	vadd.f32 v0, v7  }
0x59: {  	v30 =	vshll.u32 v27, $0x3;
	v27 =	vand.u32 $0x7F, v27;
	v49 =	vtrunc.f32 v11  }
0x5a: {  	v30 =	vand.u32 $0xFFFFFC00, v30;
	v42 =	vsub.f32 v39, v9;
	v0 =	vsub.f32 v0, v8  }
0x5b: {  	v39 =	vshll.u32 v36, $0x3;
	v6 =	vsub.f32 v41, v40;
	v50 =	vsub.f32 v46, v43  }
0x5c: {  	v4 =	vsub.f32 v4, v51;
	v3 =	vmul.f32 v42, v2;
	v0 =	vmul.f32 v0, v2  }
0x5d: {  	v16 =	vsub.f32 v16, v14;
	v47 =	vmul.f32 v6, v5;
	v6 =	vcvt.f32.s32 v48  }
0x5e: {  	v15 =	vand.u32 $0xFFFFFC00, v39;
	v10 =	vmul.f32 v50, v5;
	v4 =	vmul.f32 v4, v5  }
0x5f: {  	v5 =	vmul.f32 v16, v5;
	v3 =	vadd.f32 v3, v9;
	v9 =	vcvt.f32.s32 v49  }
0x60: {  	v8 =	vadd.f32 v0, v8;
	v2 =	vadd.f32 v47, v40;
	v52 =	vadd.s32 $0x1, v6  }
0x61: {  	v55 =	vshll.u32 v6, $0x3;
	v59 =	vand.u32 $0x7F, v6;
	v10 =	vadd.f32 v10, v43  }
0x62: {  	v6 =	vcvt.s32.f32 v6;
	v4 =	vadd.f32 v4, v51;
	v5 =	vadd.f32 v5, v14  }
0x63: {  	v3 =	vadd.f32 $0.0e+00, v3;
	v53 =	vshll.u32 v9, $0x8;
	v54 =	vadd.s32 $0x1, v9  }
0x64: {  	v19 =	vand.u32 $0xFFFFFC00, v55;
	v56 =	vshll.u32 v9, $0x7;
	v57 =	vshll.u32 v52, $0x3  }
0x65: {  	v24 =	vand.u32 $0x7F, v52;
	v9 =	vcvt.s32.f32 v9;
	v8 =	vadd.f32 $0.0e+00, v8  }
0x66: {  	v17 =	vand.u32 $0xFFFFF800, v53;
	v20 =	vand.u32 $0x380, v56;
	v21 =	vand.u32 $0xFFFFFC00, v57  }
0x67: {  	v0 =	vld [tilespmem:s0+$0x530];
	v25 =	vshll.u32 v54, $0x8;
	v18 =	vshll.u32 v54, $0x7;
	v10 =	vsub.f32 v10, v2  }
0x68: {  	v6 =	vsub.f32 v44, v6;
	v5 =	vsub.f32 v5, v4;
	v54 =	vcvt.s32.f32 v36  }
0x69: {  	v12 =	vld [tilespmem:s0+$0xFFFFFAC0];
	v58 =	vadd.s32 v19, v17;
	v17 =	vadd.s32 v21, v17;
	v62 =	vand.u32 $0xFFFFF800, v25  }
0x6a: {  	v18 =	vand.u32 $0x380, v18;
	v9 =	vsub.f32 v11, v9;
	v22 =	vor.u32 v20, v58  }
0x6b: {  	v60 =	vor.u32 v20, v17;
	v19 =	vadd.s32 v19, v62;
	v22 =	vor.u32 v59, v22  }
0x6c: {  	v13 =	vadd.s32 v21, v62;
	v35 =	vtrunc.f32 v0;
	v20 =	vor.u32 v24, v60  }
0x6d: {  	v10 =	vmul.f32 v10, v1;
	v1 =	vmul.f32 v5, v1;
	v19 =	vor.u32 v18, v19  }
0x6e: {  	v53 =	vld [tilespmem:s0+$0xFFFFF900];
	v13 =	vor.u32 v18, v13;
	v37 =	vcvt.f32.s32 v35;
	v60 =	vtrunc.f32 v12  }
0x6f: {  	v17 =	vld [tilespmem:s0+$0xFFFFFC80];
	v19 =	vor.u32 v59, v19;
	v13 =	vor.u32 v24, v13;
	v2 =	vadd.f32 v10, v2  }
0x70: {  	v1 =	vadd.f32 v1, v4;
	v10 =	vsub.f32 v61, v54;
	v38 =	vshll.u32 v37, $0x8;
	v63 =	vld.idx.msk [tilespmem:v22+s3+$0x0], $0xffff  }
0x71: {  	v62 =	vcvt.f32.s32 v60;
	v24 =	vshll.u32 v37, $0x7;
	v7 =	vand.u32 $0xFFFFF800, v38;
	v33 =	vld.idx.msk [tilespmem:v20+s3+$0x0], $0xffff  }
0x72: {  	v29 =	vadd.s32 $0x1, v37;
	v24 =	vand.u32 $0x380, v24;
	v26 =	vadd.s32 v15, v7;
	v22 =	vld.idx.msk [tilespmem:v22+s8+$0x0], $0xffff  }
0x73: {  	v59 =	vtrunc.f32 v53;
	v7 =	vadd.s32 v30, v7;
	v26 =	vor.u32 v24, v26;
	v20 =	vld.idx.msk [tilespmem:v20+s8+$0x0], $0xffff  }
0x74: {  	v31 =	vshll.u32 v29, $0x8;
	v7 =	vor.u32 v24, v7;
	v40 =	vld.idx.msk [tilespmem:v19+s3+$0x0], $0xffff;
	v26 =	vor.u32 v28, v26  }
0x75: {  	v29 =	vshll.u32 v29, $0x7;
	v31 =	vand.u32 $0xFFFFF800, v31;
	v41 =	vld.idx.msk [tilespmem:v13+s3+$0x0], $0xffff;
	v7 =	vor.u32 v27, v7  }
0x76: {  	v2 =	vadd.f32 v2, v3;
	v42 =	vand.u32 $0x380, v29;
	v15 =	vadd.s32 v15, v31;
	v19 =	vld.idx.msk [tilespmem:v19+s8+$0x0], $0xffff  }
0x77: {  	v4 =	vadd.f32 v1, v8;
	v46 =	vadd.s32 v30, v31;
	v13 =	vld.idx.msk [tilespmem:v13+s8+$0x0], $0xffff;
	v15 =	vor.u32 v42, v15  }
0x78: {  	v3 =	vld [tilespmem:s0+$0xFFFFFE40];
	v34 =	vadd.s32 $0x1, v62;
	v24 =	vor.u32 v42, v46;
	v43 =	vor.u32 v28, v15  }
0x79: {  	v11 =	vcvt.s32.f32 v62;
	v29 =	vshll.u32 v62, $0x7;
	v48 =	vor.u32 v27, v24;
	v47 =	vld.idx.msk [tilespmem:v26+s3+$0x0], $0xffff  }
0x7a: {  	v36 =	vshll.u32 v34, $0x8;
	v18 =	vsub.f32 v33, v63;
	v20 =	vsub.f32 v20, v22;
	v49 =	vld.idx.msk [tilespmem:v7+s3+$0x0], $0xffff  }
0x7b: {  	v23 =	vshll.u32 v34, $0x7;
	v38 =	vtrunc.f32 v17;
	v25 =	vsub.f32 v41, v40;
	v26 =	vld.idx.msk [tilespmem:v26+s8+$0x0], $0xffff  }
0x7c: {  	v13 =	vsub.f32 v13, v19;
	v7 =	vld.idx.msk [tilespmem:v7+s8+$0x0], $0xffff;
	v44 =	vmul.f32 v18, v6;
	v20 =	vmul.f32 v20, v6  }
0x7d: {  	v27 =	vshll.u32 v62, $0x8;
	v39 =	vtrunc.f32 v3;
	v51 =	vld.idx.msk [tilespmem:v43+s3+$0x0], $0xffff;
	v45 =	vmul.f32 v25, v6  }
0x7e: {  	v56 =	vld.idx.msk [tilespmem:v48+s3+$0x0], $0xffff;
	v6 =	vmul.f32 v13, v6;
	v15 =	vadd.f32 v44, v63;
	v52 =	vadd.f32 v20, v22  }
0x7f: {  	v14 =	vld.idx.msk [tilespmem:v43+s8+$0x0], $0xffff;
	v63 =	vcvt.s32.f32 v37;
	v37 =	vand.u32 $0x380, v23;
	v23 =	vcvt.f32.s32 v38  }
0x80: {  	v21 =	vld.idx.msk [tilespmem:v48+s8+$0x0], $0xffff;
	v16 =	vadd.f32 v45, v40;
	v6 =	vadd.f32 v6, v19;
	v40 =	vcvt.f32.s32 v39  }
0x81: {  	v13 =	vsub.f32 v49, v47;
	v42 =	vshll.u32 v23, $0x3;
	v7 =	vsub.f32 v7, v26  }
0x82: {  	v46 =	vadd.s32 $0x1, v23;
	v0 =	vsub.f32 v0, v63;
	v50 =	vsub.f32 v16, v15  }
0x83: {  	v6 =	vsub.f32 v6, v52;
	v61 =	vsub.f32 v56, v51;
	v41 =	vshll.u32 v40, $0x8  }
0x84: {  	v20 =	vand.u32 $0xFFFFFC00, v42;
	v43 =	vshll.u32 v40, $0x7;
	v55 =	vmul.f32 v50, v9  }
0x85: {  	v21 =	vsub.f32 v21, v14;
	v58 =	vmul.f32 v13, v10;
	v6 =	vmul.f32 v6, v9  }
0x86: {  	v25 =	vmul.f32 v61, v10;
	v9 =	vand.u32 $0xFFFFF800, v27;
	v57 =	vadd.f32 v55, v15  }
0x87: {  	v54 =	vmul.f32 v21, v10;
	v8 =	vadd.f32 v58, v47;
	v47 =	vand.u32 $0x7F, v23  }
0x88: {  	v16 =	vadd.f32 v25, v51;
	v1 =	vadd.f32 v57, v2;
	v2 =	vcvt.f32.s32 v59  }
0x89: {  	v5 =	vadd.f32 v6, v52;
	v15 =	vand.u32 $0x380, v29;
	v25 =	vand.u32 $0xFFFFF800, v36  }
0x8a: {  	v29 =	vand.u32 $0x7F, v46;
	v16 =	vsub.f32 v16, v8;
	v28 =	vshll.u32 v2, $0x3  }
0x8b: {  	v31 =	vadd.s32 $0x1, v2;
	v32 =	vand.u32 $0x7F, v2;
	v2 =	vcvt.s32.f32 v2  }
0x8c: {  	v13 =	vand.u32 $0xFFFFFC00, v28;
	v35 =	vshll.u32 v31, $0x3;
	v18 =	vand.u32 $0x7F, v31  }
0x8d: {  	v30 =	vadd.s32 v13, v9;
	v24 =	vand.u32 $0xFFFFFC00, v35;
	v13 =	vadd.s32 v13, v25  }
0x8e: {  	v19 =	vsub.f32 v53, v2;
	v53 =	vmul.f32 v7, v10;
	v33 =	vor.u32 v15, v30  }
0x8f: {  	v7 =	vadd.f32 v54, v14;
	v13 =	vor.u32 v37, v13;
	v22 =	vor.u32 v32, v33  }
0x90: {  	v9 =	vadd.s32 v24, v9;
	v24 =	vadd.s32 v24, v25;
	v13 =	vor.u32 v32, v13  }
0x91: {  	v9 =	vor.u32 v15, v9;
	v15 =	vor.u32 v37, v24;
	v6 =	vadd.f32 v53, v26  }
0x92: {  	v24 =	vand.u32 $0x380, v43;
	v32 =	vadd.s32 $0x1, v40;
	v33 =	vshll.u32 v46, $0x3  }
0x93: {  	v9 =	vor.u32 v18, v9;
	v15 =	vor.u32 v18, v15;
	v62 =	vsub.f32 v7, v6;
	v7 =	vld [tilespmem:s0+$0x0]  }
0x94: {  	v18 =	vand.u32 $0xFFFFF800, v41;
	v33 =	vand.u32 $0xFFFFFC00, v33;
	v35 =	vshll.u32 v32, $0x8;
	v45 =	vld.idx.msk [tilespmem:v22+s3+$0x0], $0xffff  }
0x95: {  	v32 =	vshll.u32 v32, $0x7;
	v44 =	vadd.s32 v20, v18;
	v18 =	vadd.s32 v33, v18;
	v34 =	vld.idx.msk [tilespmem:v13+s3+$0x0], $0xffff  }
0x96: {  	v35 =	vand.u32 $0xFFFFF800, v35;
	v49 =	vand.u32 $0x380, v32;
	v27 =	vor.u32 v24, v44;
	v22 =	vld.idx.msk [tilespmem:v22+s8+$0x0], $0xffff  }
0x97: {  	v18 =	vor.u32 v24, v18;
	v20 =	vadd.s32 v20, v35;
	v27 =	vor.u32 v47, v27;
	v13 =	vld.idx.msk [tilespmem:v13+s8+$0x0], $0xffff  }
0x98: {  	v50 =	vadd.s32 v33, v35;
	v18 =	vor.u32 v29, v18;
	v20 =	vor.u32 v49, v20;
	v48 =	vld.idx.msk [tilespmem:v9+s3+$0x0], $0xffff  }
0x99: {  	v24 =	vor.u32 v49, v50;
	v20 =	vor.u32 v47, v20;
	v36 =	vld.idx.msk [tilespmem:v15+s3+$0x0], $0xffff  }
0x9a: {  	v16 =	vmul.f32 v16, v0;
	v24 =	vor.u32 v29, v24;
	v9 =	vld.idx.msk [tilespmem:v9+s8+$0x0], $0xffff  }
0x9b: {  	v15 =	vld.idx.msk [tilespmem:v15+s8+$0x0], $0xffff  }
0x9c: {  	v31 =	vcvt.s32.f32 v23;
	v8 =	vadd.f32 v16, v8;
	v55 =	vld.idx.msk [tilespmem:v27+s3+$0x0], $0xffff  }
0x9d: {  	v11 =	vsub.f32 v12, v11;
	v4 =	vadd.f32 v5, v4;
	v0 =	vmul.f32 v62, v0;
	v57 =	vld.idx.msk [tilespmem:v18+s3+$0x0], $0xffff  }
0x9e: {  	v1 =	vadd.f32 v8, v1;
	v33 =	vsub.f32 v17, v31;
	v58 =	vld.idx.msk [tilespmem:v20+s3+$0x0], $0xffff  }
0x9f: {  	v0 =	vadd.f32 v0, v6;
	v61 =	vld.idx.msk [tilespmem:v24+s3+$0x0], $0xffff;
	v51 =	vsub.f32 v48, v45  }
0xa0: {  	v52 =	vsub.f32 v36, v34;
	v28 =	vsub.f32 v9, v22  }
0xa1: {  	v37 =	vtrunc.f32 v7;
	v50 =	vld.idx.msk [tilespmem:v20+s8+$0x0], $0xffff;
	v30 =	vsub.f32 v15, v13;
	v2 =	vmul.f32 v51, v19  }
0xa2: {  	v0 =	vadd.f32 v0, v4;
	v53 =	vld.idx.msk [tilespmem:v24+s8+$0x0], $0xffff;
	v56 =	vmul.f32 v52, v19;
	v5 =	vmul.f32 v28, v19  }
0xa3: {  	v27 =	vld.idx.msk [tilespmem:v27+s8+$0x0], $0xffff;
	v32 =	vmul.f32 v30, v19;
	v35 =	vsub.f32 v57, v55;
	v59 =	vadd.f32 v2, v45  }
0xa4: {  	v18 =	vld.idx.msk [tilespmem:v18+s8+$0x0], $0xffff;
	v19 =	vcvt.f32.s32 v37;
	v60 =	vadd.f32 v56, v34;
	v36 =	vsub.f32 v61, v58  }
0xa5: {  	v34 =	vcvt.s32.f32 v40;
	v5 =	vadd.f32 v5, v22;
	v6 =	vadd.f32 v32, v13  }
0xa6: {  	v2 =	vld [tilespmem:s0+$0x1C0];
	v41 =	vadd.s32 $0x1, v19;
	v43 =	vshll.u32 v19, $0x3;
	v47 =	vand.u32 $0x7F, v19  }
0xa7: {  	v61 =	vsub.f32 v53, v50;
	v39 =	vmul.f32 v35, v33;
	v23 =	vand.u32 $0xFFFFFC00, v43  }
0xa8: {  	v46 =	vshll.u32 v41, $0x3;
	v17 =	vand.u32 $0x7F, v41;
	v63 =	vsub.f32 v60, v59  }
0xa9: {  	v40 =	vmul.f32 v36, v33;
	v6 =	vsub.f32 v6, v5;
	v60 =	vsub.f32 v18, v27;
	v18 =	vld [tilespmem:s0+$0x380]  }
0xaa: {  	v15 =	vsub.f32 v3, v34;
	v3 =	vld [tilespmem:s0+$0x540];
	v10 =	vadd.f32 v39, v55;
	v12 =	vmul.f32 v63, v11  }
0xab: {  	v14 =	vadd.f32 v40, v58;
	v56 =	vmul.f32 v6, v11;
	v38 =	vtrunc.f32 v2  }
0xac: {  	v29 =	vand.u32 $0xFFFFFC00, v46;
	v62 =	vmul.f32 v60, v33;
	v21 =	vcvt.f32.s32 v38  }
0xad: {  	v55 =	vsub.f32 v14, v10;
	v4 =	vadd.f32 v56, v5;
	v5 =	vmul.f32 v61, v33  }
0xae: {  	v58 =	vadd.f32 v12, v59;
	v33 =	vcvt.s32.f32 v19;
	v35 =	vtrunc.f32 v18  }
0xaf: {  	v36 =	vtrunc.f32 v3;
	v42 =	vshll.u32 v21, $0x8;
	v44 =	vshll.u32 v21, $0x7  }
0xb0: {  	v48 =	vadd.s32 $0x1, v21;
	v59 =	vmul.f32 v55, v15;
	v8 =	vadd.f32 $0.0e+00, v58  }
0xb1: {  	v4 =	vadd.f32 $0.0e+00, v4;
	v5 =	vadd.f32 v5, v50;
	v9 =	vcvt.f32.s32 v35  }
0xb2: {  	v7 =	vsub.f32 v7, v33;
	v11 =	vcvt.f32.s32 v36;
	v13 =	vcvt.s32.f32 v21  }
0xb3: {  	v22 =	vand.u32 $0xFFFFF800, v42;
	v25 =	vand.u32 $0x380, v44;
	v49 =	vshll.u32 v48, $0x8  }
0xb4: {  	v31 =	vshll.u32 v48, $0x7;
	v45 =	vadd.s32 v23, v22;
	v22 =	vadd.s32 v29, v22  }
0xb5: {  	v52 =	vand.u32 $0x380, v31;
	v10 =	vadd.f32 v59, v10;
	v37 =	vadd.s32 $0x1, v9  }
0xb6: {  	v38 =	vshll.u32 v11, $0x8;
	v39 =	vshll.u32 v9, $0x3;
	v40 =	vshll.u32 v11, $0x7  }
0xb7: {  	v41 =	vadd.s32 $0x1, v11;
	v43 =	vand.u32 $0x7F, v9;
	v28 =	vor.u32 v25, v45  }
0xb8: {  	v22 =	vor.u32 v25, v22;
	v25 =	vand.u32 $0xFFFFF800, v49;
	v21 =	vand.u32 $0xFFFFF800, v38  }
0xb9: {  	v24 =	vand.u32 $0x380, v40;
	v44 =	vshll.u32 v37, $0x3;
	v45 =	vshll.u32 v41, $0x8  }
0xba: {  	v19 =	vand.u32 $0x7F, v37;
	v46 =	vshll.u32 v41, $0x7;
	v28 =	vor.u32 v47, v28  }
0xbb: {  	v22 =	vor.u32 v17, v22;
	v51 =	vadd.s32 v23, v25;
	v54 =	vadd.s32 v29, v25  }
0xbc: {  	v8 =	vadd.f32 v10, v8;
	v10 =	vadd.f32 v62, v27;
	v25 =	vld [tilespmem:s0+$0xFFFFF910];
	v31 =	vand.u32 $0xFFFFFC00, v44  }
0xbd: {  	v29 =	vld [tilespmem:s0+$0xFFFFFAD0];
	v32 =	vand.u32 $0xFFFFF800, v45;
	v20 =	vor.u32 v52, v51;
	v23 =	vor.u32 v52, v54  }
0xbe: {  	v49 =	vadd.s32 v31, v32;
	v17 =	vor.u32 v17, v23;
	v23 =	vand.u32 $0xFFFFFC00, v39  }
0xbf: {  	v20 =	vor.u32 v47, v20;
	v5 =	vsub.f32 v5, v10;
	v42 =	vadd.s32 v23, v21  }
0xc0: {  	v21 =	vadd.s32 v31, v21;
	v23 =	vadd.s32 v23, v32;
	v27 =	vor.u32 v24, v42;
	v14 =	vld.idx.msk [tilespmem:v28+s3+$0x0], $0xffff  }
0xc1: {  	v21 =	vor.u32 v24, v21;
	v24 =	vand.u32 $0x380, v46;
	v5 =	vmul.f32 v5, v15;
	v57 =	vld.idx.msk [tilespmem:v22+s3+$0x0], $0xffff  }
0xc2: {  	v27 =	vor.u32 v43, v27;
	v47 =	vtrunc.f32 v25;
	v48 =	vtrunc.f32 v29;
	v28 =	vld.idx.msk [tilespmem:v28+s8+$0x0], $0xffff  }
0xc3: {  	v23 =	vor.u32 v24, v23;
	v22 =	vld.idx.msk [tilespmem:v22+s8+$0x0], $0xffff;
	v26 =	vcvt.f32.s32 v47;
	v33 =	vcvt.f32.s32 v48  }
0xc4: {  	v21 =	vor.u32 v19, v21;
	v24 =	vor.u32 v24, v49;
	v23 =	vor.u32 v43, v23;
	v63 =	vld.idx.msk [tilespmem:v20+s3+$0x0], $0xffff  }
0xc5: {  	v19 =	vor.u32 v19, v24;
	v34 =	vld.idx.msk [tilespmem:v17+s3+$0x0], $0xffff;
	v50 =	vshll.u32 v33, $0x8;
	v51 =	vshll.u32 v26, $0x3  }
0xc6: {  	v20 =	vld.idx.msk [tilespmem:v20+s8+$0x0], $0xffff;
	v52 =	vshll.u32 v33, $0x7;
	v54 =	vadd.s32 $0x1, v26;
	v55 =	vand.u32 $0x7F, v26  }
0xc7: {  	v17 =	vld.idx.msk [tilespmem:v17+s8+$0x0], $0xffff;
	v56 =	vadd.s32 $0x1, v33;
	v30 =	vand.u32 $0xFFFFF800, v50;
	v31 =	vand.u32 $0xFFFFFC00, v51  }
0xc8: {  	v32 =	vand.u32 $0x380, v52;
	v37 =	vshll.u32 v54, $0x3;
	v38 =	vshll.u32 v56, $0x8;
	v39 =	vld.idx.msk [tilespmem:v27+s3+$0x0], $0xffff  }
0xc9: {  	v36 =	vshll.u32 v56, $0x7;
	v6 =	vsub.f32 v57, v14;
	v53 =	vadd.s32 v31, v30;
	v40 =	vld.idx.msk [tilespmem:v21+s3+$0x0], $0xffff  }
0xca: {  	v37 =	vand.u32 $0xFFFFFC00, v37;
	v38 =	vand.u32 $0xFFFFF800, v38;
	v60 =	vsub.f32 v22, v28;
	v22 =	vld.idx.msk [tilespmem:v27+s8+$0x0], $0xffff  }
0xcb: {  	v57 =	vand.u32 $0x380, v36;
	v24 =	vor.u32 v32, v53;
	v30 =	vadd.s32 v37, v30;
	v58 =	vld.idx.msk [tilespmem:v23+s3+$0x0], $0xffff  }
0xcc: {  	v31 =	vadd.s32 v31, v38;
	v59 =	vld.idx.msk [tilespmem:v19+s3+$0x0], $0xffff;
	v16 =	vsub.f32 v34, v63;
	v24 =	vor.u32 v55, v24  }
0xcd: {  	v37 =	vadd.s32 v37, v38;
	v56 =	vld.idx.msk [tilespmem:v19+s8+$0x0], $0xffff;
	v34 =	vand.u32 $0x7F, v54;
	v30 =	vor.u32 v32, v30  }
0xce: {  	v31 =	vor.u32 v57, v31;
	v54 =	vld.idx.msk [tilespmem:v23+s8+$0x0], $0xffff;
	v30 =	vor.u32 v34, v30;
	v16 =	vmul.f32 v16, v7  }
0xcf: {  	v9 =	vcvt.s32.f32 v9;
	v32 =	vor.u32 v57, v37;
	v23 =	vld [tilespmem:s0+$0xFFFFFC90];
	v31 =	vor.u32 v55, v31  }
0xd0: {  	v5 =	vadd.f32 v5, v10;
	v61 =	vor.u32 v34, v32;
	v12 =	vadd.f32 v16, v63;
	v63 =	vld.idx.msk [tilespmem:v21+s8+$0x0], $0xffff  }
0xd1: {  	v13 =	vsub.f32 v2, v13;
	v9 =	vsub.f32 v18, v9;
	v6 =	vmul.f32 v6, v7;
	v32 =	vld.idx.msk [tilespmem:v24+s3+$0x0], $0xffff  }
0xd2: {  	v4 =	vadd.f32 v5, v4;
	v62 =	vsub.f32 v17, v20;
	v45 =	vld.idx.msk [tilespmem:v24+s8+$0x0], $0xffff  }
0xd3: {  	v6 =	vadd.f32 v6, v14;
	v43 =	vsub.f32 v40, v39;
	v34 =	vld.idx.msk [tilespmem:v30+s3+$0x0], $0xffff  }
0xd4: {  	v21 =	vmul.f32 v60, v7;
	v7 =	vmul.f32 v62, v7;
	v44 =	vsub.f32 v59, v58;
	v37 =	vld.idx.msk [tilespmem:v31+s3+$0x0], $0xffff  }
0xd5: {  	v55 =	vcvt.s32.f32 v26;
	v48 =	vmul.f32 v43, v9;
	v12 =	vsub.f32 v12, v6;
	v42 =	vld.idx.msk [tilespmem:v61+s3+$0x0], $0xffff  }
0xd6: {  	v35 =	vadd.f32 v21, v28;
	v7 =	vadd.f32 v7, v20;
	v47 =	vld.idx.msk [tilespmem:v30+s8+$0x0], $0xffff;
	v49 =	vmul.f32 v44, v9  }
0xd7: {  	v19 =	vsub.f32 v56, v54;
	v52 =	vld.idx.msk [tilespmem:v61+s8+$0x0], $0xffff;
	v61 =	vcvt.s32.f32 v33;
	v5 =	vadd.f32 v48, v39  }
0xd8: {  	v50 =	vld.idx.msk [tilespmem:v31+s8+$0x0], $0xffff;
	v41 =	vmul.f32 v12, v13;
	v46 =	vsub.f32 v7, v35;
	v53 =	vadd.f32 v49, v58  }
0xd9: {  	v51 =	vcvt.s32.f32 v11;
	v58 =	vsub.f32 v25, v55;
	v24 =	vsub.f32 v29, v61  }
0xda: {  	v29 =	vtrunc.f32 v23;
	v17 =	vsub.f32 v63, v22;
	v2 =	vadd.f32 v41, v6  }
0xdb: {  	v6 =	vmul.f32 v46, v13;
	v57 =	vsub.f32 v53, v5;
	v15 =	vsub.f32 v34, v32  }
0xdc: {  	v13 =	vcvt.f32.s32 v29;
	v12 =	vsub.f32 v42, v37;
	v7 =	vsub.f32 v47, v45  }
0xdd: {  	v11 =	vsub.f32 v52, v50;
	v25 =	vmul.f32 v17, v9;
	v9 =	vmul.f32 v19, v9  }
0xde: {  	v2 =	vadd.f32 v2, v8;
	v10 =	vadd.f32 v6, v35;
	v31 =	vcvt.s32.f32 v13  }
0xdf: {  	v6 =	vsub.f32 v3, v51;
	v15 =	vmul.f32 v15, v58;
	v12 =	vmul.f32 v12, v58  }
0xe0: {  	v59 =	vmul.f32 v7, v58;
	v60 =	vmul.f32 v11, v58;
	v9 =	vadd.f32 v9, v54  }
0xe1: {  	v11 =	vld [tilespmem:s0+$0xFFFFFE50];
	v8 =	vmul.f32 v57, v6;
	v3 =	vadd.f32 v10, v4;
	v62 =	vadd.f32 v15, v32  }
0xe2: {  	v33 =	vshll.u32 v13, $0x3;
	v12 =	vadd.f32 v12, v37;
	v63 =	vadd.f32 v59, v45  }
0xe3: {  	v19 =	vld [tilespmem:s0+$0x10];
	v36 =	vadd.s32 $0x1, v13;
	v21 =	vadd.f32 v60, v50;
	v4 =	vadd.f32 v8, v5  }
0xe4: {  	v13 =	vand.u32 $0x7F, v13;
	v5 =	vadd.f32 v25, v22;
	v12 =	vsub.f32 v12, v62  }
0xe5: {  	v16 =	vand.u32 $0xFFFFFC00, v33;
	v39 =	vshll.u32 v36, $0x3;
	v26 =	vsub.f32 v21, v63  }
0xe6: {  	v30 =	vtrunc.f32 v11;
	v10 =	vsub.f32 v9, v5;
	v27 =	vmul.f32 v12, v24  }
0xe7: {  	v20 =	vand.u32 $0x7F, v36;
	v28 =	vmul.f32 v26, v24;
	v14 =	vcvt.f32.s32 v30  }
0xe8: {  	v18 =	vsub.f32 v23, v31;
	v42 =	vtrunc.f32 v19;
	v6 =	vmul.f32 v10, v6  }
0xe9: {  	v12 =	vadd.f32 v27, v62;
	v8 =	vadd.f32 v28, v63;
	v32 =	vshll.u32 v14, $0x8  }
0xea: {  	v34 =	vshll.u32 v14, $0x7;
	v37 =	vadd.s32 $0x1, v14;
	v14 =	vcvt.s32.f32 v14  }
0xeb: {  	v15 =	vand.u32 $0xFFFFF800, v32;
	v17 =	vand.u32 $0x380, v34;
	v40 =	vshll.u32 v37, $0x8  }
0xec: {  	v21 =	vshll.u32 v37, $0x7;
	v6 =	vadd.f32 v6, v5;
	v5 =	vadd.f32 v4, v2  }
0xed: {  	v9 =	vadd.f32 $0.0e+00, v12;
	v8 =	vadd.f32 $0.0e+00, v8;
	v35 =	vadd.s32 v16, v15  }
0xee: {  	v27 =	vld [tilespmem:s0+$0x390];
	v23 =	vand.u32 $0xFFFFF800, v40;
	v41 =	vand.u32 $0x380, v21;
	v21 =	vcvt.f32.s32 v42  }
0xef: {  	v12 =	vld [tilespmem:s0+$0x1D0];
	v11 =	vsub.f32 v11, v14;
	v7 =	vor.u32 v17, v35;
	v16 =	vadd.s32 v16, v23  }
0xf0: {  	v4 =	vadd.f32 v6, v3;
	v38 =	vor.u32 v13, v7;
	v7 =	vand.u32 $0xFFFFFC00, v39  }
0xf1: {  	v16 =	vor.u32 v41, v16;
	v50 =	vshll.u32 v21, $0x3;
	v53 =	vadd.s32 $0x1, v21  }
0xf2: {  	v57 =	vand.u32 $0x7F, v21;
	v15 =	vadd.s32 v7, v15;
	v7 =	vadd.s32 v7, v23  }
0xf3: {  	v13 =	vor.u32 v13, v16;
	v58 =	vshll.u32 v53, $0x3;
	v24 =	vand.u32 $0x7F, v53  }
0xf4: {  	v61 =	vtrunc.f32 v27;
	v7 =	vor.u32 v41, v7;
	v43 =	vtrunc.f32 v12  }
0xf5: {  	v15 =	vor.u32 v17, v15;
	v44 =	vor.u32 v20, v7;
	v7 =	vld [tilespmem:s0+$0x550];
	v23 =	vcvt.f32.s32 v43  }
0xf6: {  	v17 =	vand.u32 $0xFFFFFC00, v50;
	v30 =	vand.u32 $0xFFFFFC00, v58;
	v15 =	vor.u32 v20, v15  }
0xf7: {  	v49 =	vshll.u32 v23, $0x8;
	v52 =	vshll.u32 v23, $0x7;
	v56 =	vadd.s32 $0x1, v23  }
0xf8: {  	v51 =	vand.u32 $0xFFFFF800, v49;
	v55 =	vand.u32 $0x380, v52;
	v59 =	vshll.u32 v56, $0x8  }
0xf9: {  	v28 =	vshll.u32 v56, $0x7;
	v54 =	vadd.s32 v17, v51;
	v31 =	vand.u32 $0xFFFFF800, v59  }
0xfa: {  	v20 =	vadd.s32 v30, v51;
	v28 =	vand.u32 $0x380, v28;
	v62 =	vtrunc.f32 v7  }
0xfb: {  	v60 =	vld.idx.msk [tilespmem:v38+s3+$0x0], $0xffff;
	v59 =	vcvt.s32.f32 v21;
	v25 =	vor.u32 v55, v54;
	v17 =	vadd.s32 v17, v31  }
0xfc: {  	v22 =	vld.idx.msk [tilespmem:v38+s8+$0x0], $0xffff;
	v20 =	vor.u32 v55, v20;
	v30 =	vadd.s32 v30, v31;
	v31 =	vcvt.f32.s32 v62  }
0xfd: {  	v45 =	vld.idx.msk [tilespmem:v13+s3+$0x0], $0xffff;
	v25 =	vor.u32 v57, v25;
	v17 =	vor.u32 v28, v17;
	v28 =	vor.u32 v28, v30  }
0xfe: {  	v13 =	vld.idx.msk [tilespmem:v13+s8+$0x0], $0xffff;
	v30 =	vcvt.f32.s32 v61;
	v20 =	vor.u32 v24, v20;
	v17 =	vor.u32 v57, v17  }
0xff: {  	v63 =	vld.idx.msk [tilespmem:v15+s3+$0x0], $0xffff;
	v24 =	vor.u32 v24, v28;
	v48 =	vshll.u32 v31, $0x8;
	v50 =	vshll.u32 v31, $0x7  }
0x100: {  	v46 =	vld.idx.msk [tilespmem:v44+s3+$0x0], $0xffff;
	v51 =	vadd.s32 $0x1, v31;
	v47 =	vadd.s32 $0x1, v30;
	v49 =	vshll.u32 v30, $0x3  }
0x101: {  	v15 =	vld.idx.msk [tilespmem:v15+s8+$0x0], $0xffff;
	v34 =	vand.u32 $0xFFFFF800, v48;
	v36 =	vand.u32 $0x380, v50;
	v54 =	vshll.u32 v51, $0x8  }
0x102: {  	v16 =	vld.idx.msk [tilespmem:v44+s8+$0x0], $0xffff;
	v37 =	vshll.u32 v51, $0x7;
	v55 =	vand.u32 $0x7F, v30;
	v50 =	vcvt.s32.f32 v30  }
0x103: {  	v48 =	vcvt.s32.f32 v23;
	v30 =	vld [tilespmem:s0+$0xFFFFFE60];
	v35 =	vand.u32 $0xFFFFFC00, v49;
	v53 =	vshll.u32 v47, $0x3  }
0x104: {  	v40 =	vand.u32 $0xFFFFF800, v54;
	v39 =	vand.u32 $0xFFFFFC00, v53;
	v53 =	vsub.f32 v27, v50;
	v27 =	vld [tilespmem:s0+$0xFFFFFCA0]  }
0x105: {  	v37 =	vand.u32 $0x380, v37;
	v33 =	vsub.f32 v63, v60;
	v28 =	vsub.f32 v46, v45;
	v41 =	vld.idx.msk [tilespmem:v25+s3+$0x0], $0xffff  }
0x106: {  	v29 =	vand.u32 $0x7F, v47;
	v15 =	vsub.f32 v15, v22;
	v52 =	vadd.s32 v35, v34;
	v42 =	vld.idx.msk [tilespmem:v20+s3+$0x0], $0xffff  }
0x107: {  	v16 =	vsub.f32 v16, v13;
	v35 =	vadd.s32 v35, v40;
	v38 =	vor.u32 v36, v52;
	v25 =	vld.idx.msk [tilespmem:v25+s8+$0x0], $0xffff  }
0x108: {  	v12 =	vsub.f32 v12, v48;
	v35 =	vor.u32 v37, v35;
	v20 =	vld.idx.msk [tilespmem:v20+s8+$0x0], $0xffff;
	v38 =	vor.u32 v55, v38  }
0x109: {  	v34 =	vadd.s32 v39, v34;
	v33 =	vmul.f32 v33, v18;
	v35 =	vor.u32 v55, v35;
	v56 =	vld.idx.msk [tilespmem:v17+s3+$0x0], $0xffff  }
0x10a: {  	v39 =	vadd.s32 v39, v40;
	v28 =	vmul.f32 v28, v18;
	v15 =	vmul.f32 v15, v18;
	v57 =	vld.idx.msk [tilespmem:v24+s3+$0x0], $0xffff  }
0x10b: {  	v16 =	vmul.f32 v16, v18;
	v34 =	vor.u32 v36, v34;
	v37 =	vor.u32 v37, v39;
	v17 =	vld.idx.msk [tilespmem:v17+s8+$0x0], $0xffff  }
0x10c: {  	v24 =	vld.idx.msk [tilespmem:v24+s8+$0x0], $0xffff;
	v34 =	vor.u32 v29, v34;
	v26 =	vadd.f32 v33, v60;
	v28 =	vadd.f32 v28, v45  }
0x10d: {  	v58 =	vor.u32 v29, v37;
	v15 =	vadd.f32 v15, v22;
	v13 =	vadd.f32 v16, v13;
	v21 =	vld.idx.msk [tilespmem:v38+s3+$0x0], $0xffff  }
0x10e: {  	v16 =	vsub.f32 v19, v59;
	v60 =	vsub.f32 v28, v26;
	v19 =	vld.idx.msk [tilespmem:v35+s3+$0x0], $0xffff  }
0x10f: {  	v13 =	vsub.f32 v13, v15;
	v62 =	vsub.f32 v42, v41;
	v42 =	vld.idx.msk [tilespmem:v38+s8+$0x0], $0xffff  }
0x110: {  	v39 =	vsub.f32 v20, v25;
	v14 =	vmul.f32 v60, v11;
	v63 =	vsub.f32 v57, v56;
	v47 =	vld.idx.msk [tilespmem:v35+s8+$0x0], $0xffff  }
0x111: {  	v11 =	vmul.f32 v13, v11;
	v40 =	vsub.f32 v24, v17;
	v61 =	vld.idx.msk [tilespmem:v34+s3+$0x0], $0xffff;
	v43 =	vmul.f32 v62, v16  }
0x112: {  	v37 =	vld.idx.msk [tilespmem:v58+s3+$0x0], $0xffff;
	v13 =	vmul.f32 v39, v16;
	v14 =	vadd.f32 v14, v26;
	v44 =	vmul.f32 v63, v16  }
0x113: {  	v45 =	vld.idx.msk [tilespmem:v34+s8+$0x0], $0xffff;
	v11 =	vadd.f32 v11, v15;
	v46 =	vmul.f32 v40, v16;
	v23 =	vadd.f32 v43, v41  }
0x114: {  	v18 =	vld.idx.msk [tilespmem:v58+s8+$0x0], $0xffff;
	v62 =	vcvt.s32.f32 v31;
	v13 =	vadd.f32 v13, v25;
	v49 =	vadd.f32 v44, v56  }
0x115: {  	v43 =	vtrunc.f32 v27;
	v15 =	vadd.f32 v46, v17;
	v9 =	vadd.f32 v14, v9  }
0x116: {  	v25 =	vld [tilespmem:s0+$0xFFFFF920];
	v8 =	vadd.f32 v11, v8;
	v44 =	vtrunc.f32 v30;
	v51 =	vsub.f32 v49, v23  }
0x117: {  	v17 =	vld [tilespmem:s0+$0xFFFFFAE0];
	v28 =	vcvt.f32.s32 v43;
	v52 =	vsub.f32 v15, v13;
	v22 =	vsub.f32 v61, v21  }
0x118: {  	v54 =	vsub.f32 v37, v19;
	v55 =	vsub.f32 v45, v42;
	v20 =	vmul.f32 v51, v12  }
0x119: {  	v18 =	vsub.f32 v18, v47;
	v10 =	vmul.f32 v52, v12;
	v56 =	vmul.f32 v22, v53  }
0x11a: {  	v50 =	vadd.s32 $0x1, v28;
	v57 =	vmul.f32 v54, v53;
	v58 =	vmul.f32 v55, v53  }
0x11b: {  	v59 =	vmul.f32 v18, v53;
	v60 =	vtrunc.f32 v25;
	v51 =	vand.u32 $0x7F, v28  }
0x11c: {  	v53 =	vshll.u32 v50, $0x3;
	v61 =	vtrunc.f32 v17;
	v14 =	vadd.f32 v56, v21  }
0x11d: {  	v15 =	vcvt.f32.s32 v60;
	v19 =	vadd.f32 v57, v19;
	v11 =	vadd.f32 v58, v42  }
0x11e: {  	v18 =	vcvt.f32.s32 v61;
	v12 =	vadd.f32 v59, v47;
	v21 =	vsub.f32 v7, v62  }
0x11f: {  	v47 =	vshll.u32 v28, $0x3;
	v20 =	vadd.f32 v20, v23;
	v10 =	vadd.f32 v10, v13  }
0x120: {  	v63 =	vadd.s32 $0x1, v15;
	v35 =	vshll.u32 v15, $0x3;
	v39 =	vand.u32 $0x7F, v15  }
0x121: {  	v34 =	vshll.u32 v18, $0x8;
	v24 =	vand.u32 $0xFFFFFC00, v35;
	v36 =	vshll.u32 v18, $0x7  }
0x122: {  	v37 =	vadd.s32 $0x1, v18;
	v40 =	vshll.u32 v63, $0x3;
	v16 =	vand.u32 $0x7F, v63  }
0x123: {  	v35 =	vand.u32 $0x7F, v50;
	v19 =	vsub.f32 v19, v14;
	v12 =	vsub.f32 v12, v11  }
0x124: {  	v9 =	vadd.f32 v20, v9;
	v8 =	vadd.f32 v10, v8;
	v22 =	vand.u32 $0xFFFFF800, v34  }
0x125: {  	v26 =	vand.u32 $0x380, v36;
	v32 =	vand.u32 $0xFFFFFC00, v40;
	v41 =	vshll.u32 v37, $0x8  }
0x126: {  	v42 =	vshll.u32 v37, $0x7;
	v34 =	vcvt.f32.s32 v44;
	v36 =	vcvt.s32.f32 v18  }
0x127: {  	v38 =	vadd.s32 v24, v22;
	v22 =	vadd.s32 v32, v22;
	v33 =	vand.u32 $0xFFFFF800, v41  }
0x128: {  	v61 =	vmul.f32 v19, v21;
	v12 =	vmul.f32 v12, v21;
	v29 =	vor.u32 v26, v38  }
0x129: {  	v41 =	vcvt.s32.f32 v28;
	v22 =	vor.u32 v26, v22;
	v29 =	vor.u32 v39, v29  }
0x12a: {  	v24 =	vadd.s32 v24, v33;
	v26 =	vand.u32 $0x380, v42;
	v22 =	vor.u32 v16, v22  }
0x12b: {  	v45 =	vadd.s32 v32, v33;
	v46 =	vshll.u32 v34, $0x8;
	v11 =	vadd.f32 v12, v11  }
0x12c: {  	v28 =	vld [tilespmem:s0+$0x3A0];
	v32 =	vand.u32 $0xFFFFFC00, v47;
	v48 =	vshll.u32 v34, $0x7;
	v24 =	vor.u32 v26, v24  }
0x12d: {  	v26 =	vor.u32 v26, v45;
	v24 =	vor.u32 v39, v24;
	v2 =	vadd.f32 v11, v8;
	v8 =	vld [tilespmem:s0+$0x1E0]  }
0x12e: {  	v52 =	vadd.s32 $0x1, v34;
	v38 =	vand.u32 $0xFFFFFC00, v53;
	v16 =	vor.u32 v16, v26;
	v54 =	vld.idx.msk [tilespmem:v29+s3+$0x0], $0xffff  }
0x12f: {  	v17 =	vsub.f32 v17, v36;
	v31 =	vand.u32 $0xFFFFF800, v46;
	v33 =	vand.u32 $0x380, v48;
	v56 =	vld.idx.msk [tilespmem:v22+s3+$0x0], $0xffff  }
0x130: {  	v55 =	vshll.u32 v52, $0x8;
	v37 =	vshll.u32 v52, $0x7;
	v49 =	vadd.s32 v32, v31;
	v7 =	vld.idx.msk [tilespmem:v29+s8+$0x0], $0xffff  }
0x131: {  	v14 =	vadd.f32 v61, v14;
	v31 =	vadd.s32 v38, v31;
	v26 =	vor.u32 v33, v49;
	v22 =	vld.idx.msk [tilespmem:v22+s8+$0x0], $0xffff  }
0x132: {  	v45 =	vcvt.s32.f32 v34;
	v31 =	vor.u32 v33, v31;
	v26 =	vor.u32 v51, v26;
	v57 =	vld.idx.msk [tilespmem:v24+s3+$0x0], $0xffff  }
0x133: {  	v40 =	vand.u32 $0xFFFFF800, v55;
	v58 =	vand.u32 $0x380, v37;
	v31 =	vor.u32 v35, v31;
	v59 =	vld.idx.msk [tilespmem:v16+s3+$0x0], $0xffff  }
0x134: {  	v32 =	vadd.s32 v32, v40;
	v38 =	vadd.s32 v38, v40;
	v33 =	vcvt.s32.f32 v15;
	v13 =	vld.idx.msk [tilespmem:v24+s8+$0x0], $0xffff  }
0x135: {  	v3 =	vadd.f32 v14, v9;
	v32 =	vor.u32 v58, v32;
	v60 =	vor.u32 v58, v38;
	v38 =	vld.idx.msk [tilespmem:v16+s8+$0x0], $0xffff  }
0x136: {  	v14 =	vsub.f32 v27, v41;
	v29 =	vor.u32 v51, v32;
	v16 =	vld [tilespmem:s0+$0x20];
	v47 =	vtrunc.f32 v8  }
0x137: {  	v32 =	vor.u32 v35, v60;
	v60 =	vtrunc.f32 v28;
	v62 =	vld.idx.msk [tilespmem:v26+s3+$0x0], $0xffff;
	v23 =	vcvt.f32.s32 v47  }
0x138: {  	v21 =	vsub.f32 v30, v45;
	v6 =	vsub.f32 v25, v33;
	v33 =	vcvt.f32.s32 v60;
	v63 =	vld.idx.msk [tilespmem:v31+s3+$0x0], $0xffff  }
0x139: {  	v26 =	vld.idx.msk [tilespmem:v26+s8+$0x0], $0xffff;
	v40 =	vsub.f32 v56, v54;
	v44 =	vsub.f32 v22, v7;
	v49 =	vshll.u32 v23, $0x8  }
0x13a: {  	v31 =	vld.idx.msk [tilespmem:v31+s8+$0x0], $0xffff;
	v52 =	vshll.u32 v23, $0x7;
	v58 =	vadd.s32 $0x1, v23;
	v43 =	vsub.f32 v59, v57  }
0x13b: {  	v9 =	vsub.f32 v38, v13;
	v46 =	vtrunc.f32 v16;
	v51 =	vand.u32 $0xFFFFF800, v49  }
0x13c: {  	v24 =	vld.idx.msk [tilespmem:v29+s3+$0x0], $0xffff;
	v59 =	vshll.u32 v58, $0x8;
	v34 =	vshll.u32 v58, $0x7;
	v11 =	vmul.f32 v40, v6  }
0x13d: {  	v35 =	vld.idx.msk [tilespmem:v32+s3+$0x0], $0xffff;
	v20 =	vmul.f32 v44, v6;
	v22 =	vcvt.f32.s32 v46;
	v27 =	vand.u32 $0xFFFFF800, v59  }
0x13e: {  	v34 =	vand.u32 $0x380, v34;
	v18 =	vmul.f32 v43, v6;
	v10 =	vsub.f32 v63, v62  }
0x13f: {  	v9 =	vmul.f32 v9, v6;
	v43 =	vshll.u32 v33, $0x3;
	v31 =	vsub.f32 v31, v26  }
0x140: {  	v11 =	vadd.f32 v11, v54;
	v48 =	vadd.s32 $0x1, v22;
	v50 =	vshll.u32 v22, $0x3  }
0x141: {  	v54 =	vand.u32 $0x380, v52;
	v56 =	vand.u32 $0x7F, v22;
	v36 =	vand.u32 $0xFFFFFC00, v43  }
0x142: {  	v7 =	vadd.f32 v20, v7;
	v58 =	vcvt.s32.f32 v22;
	v15 =	vsub.f32 v35, v24  }
0x143: {  	v6 =	vld [tilespmem:s0+$0x560];
	v18 =	vadd.f32 v18, v57;
	v10 =	vmul.f32 v10, v14;
	v19 =	vand.u32 $0xFFFFFC00, v50  }
0x144: {  	v55 =	vshll.u32 v48, $0x3;
	v31 =	vmul.f32 v31, v14;
	v9 =	vadd.f32 v9, v13  }
0x145: {  	v53 =	vadd.s32 v19, v51;
	v57 =	vand.u32 $0xFFFFFC00, v55;
	v19 =	vadd.s32 v19, v27  }
0x146: {  	v15 =	vmul.f32 v15, v14;
	v10 =	vadd.f32 v10, v62;
	v25 =	vor.u32 v54, v53  }
0x147: {  	v27 =	vadd.s32 v57, v27;
	v19 =	vor.u32 v34, v19;
	v62 =	vadd.s32 $0x1, v33  }
0x148: {  	v18 =	vsub.f32 v18, v11;
	v25 =	vor.u32 v56, v25;
	v61 =	vtrunc.f32 v6  }
0x149: {  	v27 =	vor.u32 v34, v27;
	v19 =	vor.u32 v56, v19;
	v46 =	vshll.u32 v62, $0x3  }
0x14a: {  	v12 =	vadd.f32 v15, v24;
	v24 =	vadd.s32 v57, v51;
	v34 =	vcvt.f32.s32 v61  }
0x14b: {  	v29 =	vld.idx.msk [tilespmem:v29+s8+$0x0], $0xffff;
	v15 =	vand.u32 $0x7F, v48;
	v39 =	vand.u32 $0xFFFFFC00, v46;
	v24 =	vor.u32 v54, v24  }
0x14c: {  	v32 =	vld.idx.msk [tilespmem:v32+s8+$0x0], $0xffff;
	v51 =	vand.u32 $0x7F, v33;
	v24 =	vor.u32 v15, v24;
	v35 =	vshll.u32 v34, $0x8  }
0x14d: {  	v15 =	vor.u32 v15, v27;
	v44 =	vshll.u32 v34, $0x7;
	v35 =	vand.u32 $0xFFFFF800, v35;
	v48 =	vld.idx.msk [tilespmem:v25+s3+$0x0], $0xffff  }
0x14e: {  	v63 =	vadd.s32 $0x1, v34;
	v37 =	vand.u32 $0x380, v44;
	v45 =	vadd.s32 v36, v35;
	v50 =	vld.idx.msk [tilespmem:v19+s3+$0x0], $0xffff  }
0x14f: {  	v27 =	vand.u32 $0x7F, v62;
	v35 =	vadd.s32 v39, v35;
	v25 =	vld.idx.msk [tilespmem:v25+s8+$0x0], $0xffff;
	v38 =	vor.u32 v37, v45  }
0x150: {  	v47 =	vshll.u32 v63, $0x8;
	v19 =	vld.idx.msk [tilespmem:v19+s8+$0x0], $0xffff;
	v35 =	vor.u32 v37, v35;
	v38 =	vor.u32 v51, v38  }
0x151: {  	v30 =	vshll.u32 v63, $0x7;
	v40 =	vand.u32 $0xFFFFF800, v47;
	v35 =	vor.u32 v27, v35;
	v49 =	vld.idx.msk [tilespmem:v24+s3+$0x0], $0xffff  }
0x152: {  	v53 =	vsub.f32 v32, v29;
	v30 =	vand.u32 $0x380, v30;
	v36 =	vadd.s32 v36, v40;
	v52 =	vld.idx.msk [tilespmem:v15+s3+$0x0], $0xffff  }
0x153: {  	v9 =	vsub.f32 v9, v7;
	v39 =	vadd.s32 v39, v40;
	v36 =	vor.u32 v30, v36;
	v24 =	vld.idx.msk [tilespmem:v24+s8+$0x0], $0xffff  }
0x154: {  	v18 =	vmul.f32 v18, v17;
	v30 =	vor.u32 v30, v39;
	v36 =	vor.u32 v51, v36;
	v55 =	vld.idx.msk [tilespmem:v15+s8+$0x0], $0xffff  }
0x155: {  	v9 =	vmul.f32 v9, v17;
	v12 =	vsub.f32 v12, v10;
	v27 =	vor.u32 v27, v30;
	v57 =	vld.idx.msk [tilespmem:v38+s3+$0x0], $0xffff  }
0x156: {  	v16 =	vsub.f32 v16, v58;
	v54 =	vmul.f32 v53, v14;
	v11 =	vadd.f32 v18, v11;
	v59 =	vld.idx.msk [tilespmem:v35+s3+$0x0], $0xffff  }
0x157: {  	v56 =	vadd.f32 v31, v26;
	v7 =	vadd.f32 v9, v7;
	v12 =	vmul.f32 v12, v21;
	v32 =	vld.idx.msk [tilespmem:v38+s8+$0x0], $0xffff  }
0x158: {  	v13 =	vadd.f32 v54, v29;
	v11 =	vadd.f32 $0.0e+00, v11;
	v40 =	vld.idx.msk [tilespmem:v35+s8+$0x0], $0xffff  }
0x159: {  	v7 =	vadd.f32 $0.0e+00, v7;
	v10 =	vadd.f32 v12, v10;
	v60 =	vld.idx.msk [tilespmem:v36+s3+$0x0], $0xffff  }
0x15a: {  	v61 =	vld.idx.msk [tilespmem:v27+s3+$0x0], $0xffff;
	v62 =	vsub.f32 v49, v48;
	v63 =	vsub.f32 v52, v50  }
0x15b: {  	v13 =	vsub.f32 v13, v56;
	v45 =	vcvt.s32.f32 v33;
	v10 =	vadd.f32 v10, v11;
	v44 =	vld.idx.msk [tilespmem:v36+s8+$0x0], $0xffff  }
0x15c: {  	v46 =	vld.idx.msk [tilespmem:v27+s8+$0x0], $0xffff;
	v24 =	vsub.f32 v24, v25;
	v42 =	vmul.f32 v62, v16;
	v43 =	vmul.f32 v63, v16  }
0x15d: {  	v38 =	vmul.f32 v13, v21;
	v13 =	vsub.f32 v28, v45;
	v14 =	vsub.f32 v55, v19  }
0x15e: {  	v24 =	vmul.f32 v24, v16;
	v11 =	vadd.f32 v42, v48;
	v20 =	vadd.f32 v43, v50  }
0x15f: {  	s21 =	sshrl.u32 s7, $0x10;
	v14 =	vmul.f32 v14, v16;
	v22 =	vsub.f32 v59, v57;
	v21 =	vsub.f32 v40, v32  }
0x160: {  	s22 =	sshrl.u32 s31, $0x10;
	s6 =	sshrl.u32 s2, $0x10;
	s21 =	smul.u32 $0xFFFFFF90, s21;
	v39 =	vcvt.s32.f32 v23;
	v48 =	vadd.f32 v24, v25;
	v17 =	vsub.f32 v61, v60  }
0x161: {  	s4 =	sadd.s32 $0xFFFF9247, s29;
	s19 =	sshrl.u32 s29, $0x10;
	s6 =	smul.u32 $0x70, s6;
	v14 =	vadd.f32 v14, v19;
	v15 =	vsub.f32 v46, v44;
	v47 =	vmul.f32 v22, v13  }
0x162: {  	s22 =	smul.u32 $0x70, s22;
	s4 =	sshrl.u32 s4, $0x9;
	s21 =	sadd.s32 s21, s18;
	v8 =	vsub.f32 v8, v39;
	v21 =	vmul.f32 v21, v13;
	v17 =	vmul.f32 v17, v13  }
0x163: {  	s4 =	sand.u32 $0x7FFF80, s4;
	s6 =	ssub.s32 s18, s6;
	s10 =	sand.u32 $0xFFFFFF80, s21;
	v50 =	vsub.f32 v20, v11;
	v14 =	vsub.f32 v14, v48;
	v13 =	vmul.f32 v15, v13  }
0x164: {  	s22 =	ssub.s32 s18, s22;
	s4 =	sadd.s32 s4, s10;
	s10 =	sadd.s32 $0xFFFFB6DA, s29;
	v51 =	vcvt.s32.f32 v34;
	v16 =	vadd.f32 v47, v57;
	v12 =	vadd.f32 v17, v60  }
0x165: {  	s21 =	sand.u32 $0x70, s21;
	s6 =	sadd.s32 $0x10, s6;
	s10 =	sshrl.u32 s10, $0x9;
	v1 =	vmul.f32 $2.500000000e-01, v1;
	v49 =	vadd.f32 v21, v32;
	v13 =	vadd.f32 v13, v44  }
0x166: {  	s4 =	sor.u32 s21, s4;
	s21 =	sand.u32 $0xFFFFFF80, s6;
	s10 =	sand.u32 $0x7FFF80, s10;
	v6 =	vsub.f32 v6, v51;
	v17 =	vmul.f32 v50, v8;
	v12 =	vsub.f32 v12, v16  }
0x167: {  	s6 =	sand.u32 $0x70, s6;
	s10 =	sadd.s32 s10, s21;
	s21 =	sadd.s32 $0xFFFFDB6D, s29;
	v9 =	vadd.f32 v38, v56;
	v8 =	vmul.f32 v14, v8;
	v52 =	vsub.f32 v13, v49  }
0x168: {  	s6 =	sor.u32 s6, s10;
	s10 =	sadd.s32 $0x20, s22;
	s21 =	sshrl.u32 s21, $0x9;
	v0 =	vmul.f32 $2.500000000e-01, v0;
	v11 =	vadd.f32 v17, v11;
	v12 =	vmul.f32 v12, v6  }
0x169: {  	s20 =	smul.u32 $0x70, s19;
	s22 =	sand.u32 $0xFFFFFF80, s10;
	s21 =	sand.u32 $0x7FFF80, s21;
	[tilespmem:s4+$0x1DC00] =	vst v1;
	v7 =	vadd.f32 v9, v7;
	v8 =	vadd.f32 v8, v48;
	v6 =	vmul.f32 v52, v6  }
0x16a: {  	s10 =	sand.u32 $0x70, s10;
	[tilespmem:s4+$0x1E400] =	vst v0;
	s4 =	sadd.s32 s21, s22;
	v58 =	vmul.f32 $2.500000000e-01, v3;
	v54 =	vadd.f32 v11, v10;
	v55 =	vadd.f32 v12, v16  }
0x16b: {  	s20 =	ssub.s32 s18, s20;
	s4 =	sor.u32 s10, s4;
	v53 =	vmul.f32 $2.500000000e-01, v5;
	v57 =	vadd.f32 v8, v7;
	v6 =	vadd.f32 v6, v49  }
0x16c: {  	p1 =	slt.u32 s18, $0x180;
	s20 =	sadd.s32 $0x30, s20;
	[tilespmem:s4+$0x1DC00] =	vst v58;
	v56 =	vmul.f32 $2.500000000e-01, v4;
	v59 =	vadd.f32 v55, v54  }
.Ltmp0:
0x16d: {  	s19 =	sshll.u32 s19, $0x7;
	s10 =	sand.u32 $0xFFFFFF80, s20;
	[tilespmem:s6+$0x1DC00] =	vst v53;
	v60 =	vmul.f32 $2.500000000e-01, v2;
	v61 =	vadd.f32 v6, v57;
	(pc) =	sbr.rel @p1 .LBB2_4-.Ltmp0, $4  }
0x16e: {  	s20 =	sand.u32 $0x70, s20;
	[tilespmem:s6+$0x1E400] =	vst v56;
	s6 =	sadd.s32 s19, s10;
	v62 =	vmul.f32 $2.500000000e-01, v59  }
0x16f: {  	s7 =	sadd.s32 $0x924C, s7;
	s21 =	sor.u32 s20, s6;
	[tilespmem:s4+$0x1E400] =	vst v60;
	v63 =	vmul.f32 $2.500000000e-01, v61  }
0x170: {  	s31 =	sadd.s32 $0x924C, s31;
	s2 =	sadd.s32 $0x924C, s2;
	s22 =	sadd.s32 $0x40, s18;
	[tilespmem:s21+$0x1DC00] =	vst v62  }
0x171: {  	s29 =	sadd.s32 $0x924C, s29;
	s18 =	smov.u32 s22;
	s0 =	sadd.s32 $0x40, s0;
	[tilespmem:s21+$0x1E400] =	vst v63  }
0x172: {  	s0 =	sadd.s32 $0x380, s30;
	s31 =	simm.s32 $0x0  }
0x173: {  	[tilespmem:s9], [sflag:$0x2] =	stream.linear.gather [hbm4b:s0+s31], $0xE00, $0x38;
	[tilespmem:$0x1EC00] =	vst v63  }
0x174: {  	s29 =	simm.s32 $0x6DB9;
	_ =	swait.ge [sflag:s13], $0xE00  }
0x175: {  	s2 =	simm.s32 $0x1D510;
	s7 =	simm.s32 $0x2493;
	[sflag:s13] =	ssyncset.done $0x0  }
0x176: {  	s18 =	simm.s32 $0x0;
	s0 =	simm.s32 $0x4926;
	[sflag:s13] =	ssyncadd.s32 $0xFFFFF200  }
.LBB2_6:
0x177: {  	v0 =	vld [tilespmem:s2+$0xFFFFF8F0]  }
0x178: {  	v2 =	vld [tilespmem:s2+$0xFFFFFAB0];
	_ =	sdelay $0x1  }
0x179: {  	s19 =	sand.u32 $0x1C0, s31;
	v31 =	vld [tilespmem:s2+$0xFFFFFE30]  }
0x17a: {  	v30 =	vld [tilespmem:s19+$0x1D180];
	_ =	sdelay $0x1  }
0x17b: {  	v1 =	vtrunc.f32 v0;
	v3 =	vtrunc.f32 v2  }
0x17c: {  	v4 =	vcvt.f32.s32 v1;
	v3 =	vcvt.f32.s32 v3  }
0x17d: {  	v35 =	vtrunc.f32 v31  }
0x17e: {  	v34 =	vtrunc.f32 v30;
	v1 =	vadd.s32 $0x1, v4;
	v5 =	vshll.u32 v3, $0x8  }
0x17f: {  	v6 =	vadd.s32 $0x1, v3;
	v7 =	vshll.u32 v4, $0x3;
	v8 =	vshll.u32 v3, $0x7  }
0x180: {  	v11 =	vand.u32 $0x7F, v4;
	v4 =	vcvt.s32.f32 v4;
	v5 =	vand.u32 $0xFFFFF800, v5  }
0x181: {  	v7 =	vand.u32 $0xFFFFFC00, v7;
	v9 =	vshll.u32 v1, $0x3;
	v8 =	vand.u32 $0x380, v8  }
0x182: {  	v12 =	vand.u32 $0x7F, v1;
	v13 =	vshll.u32 v6, $0x8;
	v6 =	vshll.u32 v6, $0x7  }
0x183: {  	v10 =	vadd.s32 v7, v5;
	v9 =	vand.u32 $0xFFFFFC00, v9;
	v13 =	vand.u32 $0xFFFFF800, v13  }
0x184: {  	v6 =	vand.u32 $0x380, v6;
	v10 =	vor.u32 v8, v10;
	v5 =	vadd.s32 v9, v5  }
0x185: {  	v7 =	vadd.s32 v7, v13;
	v9 =	vadd.s32 v9, v13;
	v10 =	vor.u32 v11, v10  }
0x186: {  	v29 =	vor.u32 v8, v5;
	v7 =	vor.u32 v6, v7;
	v6 =	vor.u32 v6, v9  }
0x187: {  	v8 =	vor.u32 v12, v29;
	v6 =	vor.u32 v12, v6;
	v12 =	vcvt.f32.s32 v35  }
0x188: {  	v7 =	vor.u32 v11, v7;
	v11 =	vcvt.f32.s32 v34  }
0x189: {  	v44 =	vld [tilespmem:s19+$0x1D500];
	v0 =	vsub.f32 v0, v4;
	v36 =	vshll.u32 v12, $0x8  }
0x18a: {  	v61 =	vld [tilespmem:s19+$0x1D880];
	v14 =	vshll.u32 v11, $0x3;
	v16 =	vshll.u32 v12, $0x7;
	v19 =	vadd.s32 $0x1, v11  }
0x18b: {  	v20 =	vand.u32 $0x7F, v11;
	v21 =	vadd.s32 $0x1, v12;
	v4 =	vand.u32 $0xFFFFF800, v36;
	v32 =	vld.idx.msk [tilespmem:v10+s3+$0x0], $0xffff  }
0x18c: {  	v14 =	vand.u32 $0xFFFFFC00, v14;
	v16 =	vand.u32 $0x380, v16;
	v22 =	vshll.u32 v19, $0x3;
	v10 =	vld.idx.msk [tilespmem:v10+s8+$0x0], $0xffff  }
0x18d: {  	v19 =	vand.u32 $0x7F, v19;
	v23 =	vshll.u32 v21, $0x8;
	v18 =	vadd.s32 v14, v4;
	v33 =	vld.idx.msk [tilespmem:v8+s3+$0x0], $0xffff  }
0x18e: {  	v21 =	vshll.u32 v21, $0x7;
	v22 =	vand.u32 $0xFFFFFC00, v22;
	v15 =	vld.idx.msk [tilespmem:v7+s3+$0x0], $0xffff;
	v18 =	vor.u32 v16, v18  }
0x18f: {  	v23 =	vand.u32 $0xFFFFF800, v23;
	v17 =	vld.idx.msk [tilespmem:v6+s3+$0x0], $0xffff;
	v4 =	vadd.s32 v22, v4;
	v18 =	vor.u32 v20, v18  }
0x190: {  	v37 =	vand.u32 $0x380, v21;
	v8 =	vld.idx.msk [tilespmem:v8+s8+$0x0], $0xffff;
	v14 =	vadd.s32 v14, v23;
	v4 =	vor.u32 v16, v4  }
0x191: {  	v7 =	vld.idx.msk [tilespmem:v7+s8+$0x0], $0xffff;
	v38 =	vadd.s32 v22, v23;
	v14 =	vor.u32 v37, v14;
	v4 =	vor.u32 v19, v4  }
0x192: {  	v6 =	vld.idx.msk [tilespmem:v6+s8+$0x0], $0xffff;
	v16 =	vor.u32 v37, v38;
	v14 =	vor.u32 v20, v14  }
0x193: {  	v3 =	vcvt.s32.f32 v3;
	v45 =	vcvt.s32.f32 v11;
	v11 =	vld [tilespmem:s2+$0x1B0];
	v16 =	vor.u32 v19, v16  }
0x194: {  	v40 =	vld.idx.msk [tilespmem:v18+s3+$0x0], $0xffff  }
0x195: {  	v48 =	vtrunc.f32 v44;
	v2 =	vsub.f32 v2, v3;
	v34 =	vtrunc.f32 v61;
	v51 =	vld.idx.msk [tilespmem:v18+s8+$0x0], $0xffff  }
0x196: {  	v12 =	vcvt.s32.f32 v12;
	v9 =	vsub.f32 v33, v32;
	v17 =	vsub.f32 v17, v15;
	v41 =	vld.idx.msk [tilespmem:v4+s3+$0x0], $0xffff  }
0x197: {  	v36 =	vcvt.f32.s32 v34;
	v8 =	vsub.f32 v8, v10;
	v6 =	vsub.f32 v6, v7;
	v43 =	vld.idx.msk [tilespmem:v14+s3+$0x0], $0xffff  }
0x198: {  	v5 =	vsub.f32 v30, v45;
	v9 =	vmul.f32 v9, v0;
	v17 =	vmul.f32 v17, v0;
	v46 =	vld.idx.msk [tilespmem:v16+s3+$0x0], $0xffff  }
0x199: {  	v1 =	vsub.f32 v31, v12;
	v8 =	vmul.f32 v8, v0;
	v0 =	vmul.f32 v6, v0;
	v4 =	vld.idx.msk [tilespmem:v4+s8+$0x0], $0xffff  }
0x19a: {  	v27 =	vadd.s32 $0x1, v36;
	v14 =	vld.idx.msk [tilespmem:v14+s8+$0x0], $0xffff;
	v9 =	vadd.f32 v9, v32;
	v39 =	vadd.f32 v17, v15  }
0x19b: {  	v28 =	vand.u32 $0x7F, v36;
	v16 =	vld.idx.msk [tilespmem:v16+s8+$0x0], $0xffff;
	v8 =	vadd.f32 v8, v10;
	v0 =	vadd.f32 v0, v7  }
0x19c: {  	v30 =	vshll.u32 v27, $0x3;
	v27 =	vand.u32 $0x7F, v27;
	v49 =	vtrunc.f32 v11  }
0x19d: {  	v30 =	vand.u32 $0xFFFFFC00, v30;
	v42 =	vsub.f32 v39, v9;
	v0 =	vsub.f32 v0, v8  }
0x19e: {  	v39 =	vshll.u32 v36, $0x3;
	v6 =	vsub.f32 v41, v40;
	v50 =	vsub.f32 v46, v43  }
0x19f: {  	v4 =	vsub.f32 v4, v51;
	v3 =	vmul.f32 v42, v2;
	v0 =	vmul.f32 v0, v2  }
0x1a0: {  	v16 =	vsub.f32 v16, v14;
	v47 =	vmul.f32 v6, v5;
	v6 =	vcvt.f32.s32 v48  }
0x1a1: {  	v15 =	vand.u32 $0xFFFFFC00, v39;
	v10 =	vmul.f32 v50, v5;
	v4 =	vmul.f32 v4, v5  }
0x1a2: {  	v5 =	vmul.f32 v16, v5;
	v3 =	vadd.f32 v3, v9;
	v9 =	vcvt.f32.s32 v49  }
0x1a3: {  	v8 =	vadd.f32 v0, v8;
	v2 =	vadd.f32 v47, v40;
	v52 =	vadd.s32 $0x1, v6  }
0x1a4: {  	v55 =	vshll.u32 v6, $0x3;
	v59 =	vand.u32 $0x7F, v6;
	v10 =	vadd.f32 v10, v43  }
0x1a5: {  	v6 =	vcvt.s32.f32 v6;
	v4 =	vadd.f32 v4, v51;
	v5 =	vadd.f32 v5, v14  }
0x1a6: {  	v3 =	vadd.f32 $0.0e+00, v3;
	v53 =	vshll.u32 v9, $0x8;
	v54 =	vadd.s32 $0x1, v9  }
0x1a7: {  	v19 =	vand.u32 $0xFFFFFC00, v55;
	v56 =	vshll.u32 v9, $0x7;
	v57 =	vshll.u32 v52, $0x3  }
0x1a8: {  	v24 =	vand.u32 $0x7F, v52;
	v9 =	vcvt.s32.f32 v9;
	v8 =	vadd.f32 $0.0e+00, v8  }
0x1a9: {  	v17 =	vand.u32 $0xFFFFF800, v53;
	v20 =	vand.u32 $0x380, v56;
	v21 =	vand.u32 $0xFFFFFC00, v57  }
0x1aa: {  	v0 =	vld [tilespmem:s2+$0x530];
	v25 =	vshll.u32 v54, $0x8;
	v18 =	vshll.u32 v54, $0x7;
	v10 =	vsub.f32 v10, v2  }
0x1ab: {  	v6 =	vsub.f32 v44, v6;
	v5 =	vsub.f32 v5, v4;
	v54 =	vcvt.s32.f32 v36  }
0x1ac: {  	v12 =	vld [tilespmem:s2+$0xFFFFFAC0];
	v58 =	vadd.s32 v19, v17;
	v17 =	vadd.s32 v21, v17;
	v62 =	vand.u32 $0xFFFFF800, v25  }
0x1ad: {  	v18 =	vand.u32 $0x380, v18;
	v9 =	vsub.f32 v11, v9;
	v22 =	vor.u32 v20, v58  }
0x1ae: {  	v60 =	vor.u32 v20, v17;
	v19 =	vadd.s32 v19, v62;
	v22 =	vor.u32 v59, v22  }
0x1af: {  	v13 =	vadd.s32 v21, v62;
	v35 =	vtrunc.f32 v0;
	v20 =	vor.u32 v24, v60  }
0x1b0: {  	v10 =	vmul.f32 v10, v1;
	v1 =	vmul.f32 v5, v1;
	v19 =	vor.u32 v18, v19  }
0x1b1: {  	v53 =	vld [tilespmem:s2+$0xFFFFF900];
	v13 =	vor.u32 v18, v13;
	v37 =	vcvt.f32.s32 v35;
	v60 =	vtrunc.f32 v12  }
0x1b2: {  	v17 =	vld [tilespmem:s2+$0xFFFFFC80];
	v19 =	vor.u32 v59, v19;
	v13 =	vor.u32 v24, v13;
	v2 =	vadd.f32 v10, v2  }
0x1b3: {  	v1 =	vadd.f32 v1, v4;
	v10 =	vsub.f32 v61, v54;
	v38 =	vshll.u32 v37, $0x8;
	v63 =	vld.idx.msk [tilespmem:v22+s3+$0x0], $0xffff  }
0x1b4: {  	v62 =	vcvt.f32.s32 v60;
	v24 =	vshll.u32 v37, $0x7;
	v7 =	vand.u32 $0xFFFFF800, v38;
	v33 =	vld.idx.msk [tilespmem:v20+s3+$0x0], $0xffff  }
0x1b5: {  	v29 =	vadd.s32 $0x1, v37;
	v24 =	vand.u32 $0x380, v24;
	v26 =	vadd.s32 v15, v7;
	v22 =	vld.idx.msk [tilespmem:v22+s8+$0x0], $0xffff  }
0x1b6: {  	v59 =	vtrunc.f32 v53;
	v7 =	vadd.s32 v30, v7;
	v26 =	vor.u32 v24, v26;
	v20 =	vld.idx.msk [tilespmem:v20+s8+$0x0], $0xffff  }
0x1b7: {  	v31 =	vshll.u32 v29, $0x8;
	v7 =	vor.u32 v24, v7;
	v40 =	vld.idx.msk [tilespmem:v19+s3+$0x0], $0xffff;
	v26 =	vor.u32 v28, v26  }
0x1b8: {  	v29 =	vshll.u32 v29, $0x7;
	v31 =	vand.u32 $0xFFFFF800, v31;
	v41 =	vld.idx.msk [tilespmem:v13+s3+$0x0], $0xffff;
	v7 =	vor.u32 v27, v7  }
0x1b9: {  	v2 =	vadd.f32 v2, v3;
	v42 =	vand.u32 $0x380, v29;
	v15 =	vadd.s32 v15, v31;
	v19 =	vld.idx.msk [tilespmem:v19+s8+$0x0], $0xffff  }
0x1ba: {  	v4 =	vadd.f32 v1, v8;
	v46 =	vadd.s32 v30, v31;
	v13 =	vld.idx.msk [tilespmem:v13+s8+$0x0], $0xffff;
	v15 =	vor.u32 v42, v15  }
0x1bb: {  	v3 =	vld [tilespmem:s2+$0xFFFFFE40];
	v34 =	vadd.s32 $0x1, v62;
	v24 =	vor.u32 v42, v46;
	v43 =	vor.u32 v28, v15  }
0x1bc: {  	v11 =	vcvt.s32.f32 v62;
	v29 =	vshll.u32 v62, $0x7;
	v48 =	vor.u32 v27, v24;
	v47 =	vld.idx.msk [tilespmem:v26+s3+$0x0], $0xffff  }
0x1bd: {  	v36 =	vshll.u32 v34, $0x8;
	v18 =	vsub.f32 v33, v63;
	v20 =	vsub.f32 v20, v22;
	v49 =	vld.idx.msk [tilespmem:v7+s3+$0x0], $0xffff  }
0x1be: {  	v23 =	vshll.u32 v34, $0x7;
	v38 =	vtrunc.f32 v17;
	v25 =	vsub.f32 v41, v40;
	v26 =	vld.idx.msk [tilespmem:v26+s8+$0x0], $0xffff  }
0x1bf: {  	v13 =	vsub.f32 v13, v19;
	v7 =	vld.idx.msk [tilespmem:v7+s8+$0x0], $0xffff;
	v44 =	vmul.f32 v18, v6;
	v20 =	vmul.f32 v20, v6  }
0x1c0: {  	v27 =	vshll.u32 v62, $0x8;
	v39 =	vtrunc.f32 v3;
	v51 =	vld.idx.msk [tilespmem:v43+s3+$0x0], $0xffff;
	v45 =	vmul.f32 v25, v6  }
0x1c1: {  	v56 =	vld.idx.msk [tilespmem:v48+s3+$0x0], $0xffff;
	v6 =	vmul.f32 v13, v6;
	v15 =	vadd.f32 v44, v63;
	v52 =	vadd.f32 v20, v22  }
0x1c2: {  	v14 =	vld.idx.msk [tilespmem:v43+s8+$0x0], $0xffff;
	v63 =	vcvt.s32.f32 v37;
	v37 =	vand.u32 $0x380, v23;
	v23 =	vcvt.f32.s32 v38  }
0x1c3: {  	v21 =	vld.idx.msk [tilespmem:v48+s8+$0x0], $0xffff;
	v16 =	vadd.f32 v45, v40;
	v6 =	vadd.f32 v6, v19;
	v40 =	vcvt.f32.s32 v39  }
0x1c4: {  	v13 =	vsub.f32 v49, v47;
	v42 =	vshll.u32 v23, $0x3;
	v7 =	vsub.f32 v7, v26  }
0x1c5: {  	v46 =	vadd.s32 $0x1, v23;
	v0 =	vsub.f32 v0, v63;
	v50 =	vsub.f32 v16, v15  }
0x1c6: {  	v6 =	vsub.f32 v6, v52;
	v61 =	vsub.f32 v56, v51;
	v41 =	vshll.u32 v40, $0x8  }
0x1c7: {  	v20 =	vand.u32 $0xFFFFFC00, v42;
	v43 =	vshll.u32 v40, $0x7;
	v55 =	vmul.f32 v50, v9  }
0x1c8: {  	v21 =	vsub.f32 v21, v14;
	v58 =	vmul.f32 v13, v10;
	v6 =	vmul.f32 v6, v9  }
0x1c9: {  	v25 =	vmul.f32 v61, v10;
	v9 =	vand.u32 $0xFFFFF800, v27;
	v57 =	vadd.f32 v55, v15  }
0x1ca: {  	v54 =	vmul.f32 v21, v10;
	v8 =	vadd.f32 v58, v47;
	v47 =	vand.u32 $0x7F, v23  }
0x1cb: {  	v16 =	vadd.f32 v25, v51;
	v1 =	vadd.f32 v57, v2;
	v2 =	vcvt.f32.s32 v59  }
0x1cc: {  	v5 =	vadd.f32 v6, v52;
	v15 =	vand.u32 $0x380, v29;
	v25 =	vand.u32 $0xFFFFF800, v36  }
0x1cd: {  	v29 =	vand.u32 $0x7F, v46;
	v16 =	vsub.f32 v16, v8;
	v28 =	vshll.u32 v2, $0x3  }
0x1ce: {  	v31 =	vadd.s32 $0x1, v2;
	v32 =	vand.u32 $0x7F, v2;
	v2 =	vcvt.s32.f32 v2  }
0x1cf: {  	v13 =	vand.u32 $0xFFFFFC00, v28;
	v35 =	vshll.u32 v31, $0x3;
	v18 =	vand.u32 $0x7F, v31  }
0x1d0: {  	v30 =	vadd.s32 v13, v9;
	v24 =	vand.u32 $0xFFFFFC00, v35;
	v13 =	vadd.s32 v13, v25  }
0x1d1: {  	v19 =	vsub.f32 v53, v2;
	v53 =	vmul.f32 v7, v10;
	v33 =	vor.u32 v15, v30  }
0x1d2: {  	v7 =	vadd.f32 v54, v14;
	v13 =	vor.u32 v37, v13;
	v22 =	vor.u32 v32, v33  }
0x1d3: {  	v9 =	vadd.s32 v24, v9;
	v24 =	vadd.s32 v24, v25;
	v13 =	vor.u32 v32, v13  }
0x1d4: {  	v9 =	vor.u32 v15, v9;
	v15 =	vor.u32 v37, v24;
	v6 =	vadd.f32 v53, v26  }
0x1d5: {  	v24 =	vand.u32 $0x380, v43;
	v32 =	vadd.s32 $0x1, v40;
	v33 =	vshll.u32 v46, $0x3  }
0x1d6: {  	v9 =	vor.u32 v18, v9;
	v15 =	vor.u32 v18, v15;
	v62 =	vsub.f32 v7, v6;
	v7 =	vld [tilespmem:s2+$0x0]  }
0x1d7: {  	v18 =	vand.u32 $0xFFFFF800, v41;
	v33 =	vand.u32 $0xFFFFFC00, v33;
	v35 =	vshll.u32 v32, $0x8;
	v45 =	vld.idx.msk [tilespmem:v22+s3+$0x0], $0xffff  }
0x1d8: {  	v32 =	vshll.u32 v32, $0x7;
	v44 =	vadd.s32 v20, v18;
	v18 =	vadd.s32 v33, v18;
	v34 =	vld.idx.msk [tilespmem:v13+s3+$0x0], $0xffff  }
0x1d9: {  	v35 =	vand.u32 $0xFFFFF800, v35;
	v49 =	vand.u32 $0x380, v32;
	v27 =	vor.u32 v24, v44;
	v22 =	vld.idx.msk [tilespmem:v22+s8+$0x0], $0xffff  }
0x1da: {  	v18 =	vor.u32 v24, v18;
	v20 =	vadd.s32 v20, v35;
	v27 =	vor.u32 v47, v27;
	v13 =	vld.idx.msk [tilespmem:v13+s8+$0x0], $0xffff  }
0x1db: {  	v50 =	vadd.s32 v33, v35;
	v18 =	vor.u32 v29, v18;
	v20 =	vor.u32 v49, v20;
	v48 =	vld.idx.msk [tilespmem:v9+s3+$0x0], $0xffff  }
0x1dc: {  	v24 =	vor.u32 v49, v50;
	v20 =	vor.u32 v47, v20;
	v36 =	vld.idx.msk [tilespmem:v15+s3+$0x0], $0xffff  }
0x1dd: {  	v16 =	vmul.f32 v16, v0;
	v24 =	vor.u32 v29, v24;
	v9 =	vld.idx.msk [tilespmem:v9+s8+$0x0], $0xffff  }
0x1de: {  	v15 =	vld.idx.msk [tilespmem:v15+s8+$0x0], $0xffff  }
0x1df: {  	v31 =	vcvt.s32.f32 v23;
	v8 =	vadd.f32 v16, v8;
	v55 =	vld.idx.msk [tilespmem:v27+s3+$0x0], $0xffff  }
0x1e0: {  	v11 =	vsub.f32 v12, v11;
	v4 =	vadd.f32 v5, v4;
	v0 =	vmul.f32 v62, v0;
	v57 =	vld.idx.msk [tilespmem:v18+s3+$0x0], $0xffff  }
0x1e1: {  	v1 =	vadd.f32 v8, v1;
	v33 =	vsub.f32 v17, v31;
	v58 =	vld.idx.msk [tilespmem:v20+s3+$0x0], $0xffff  }
0x1e2: {  	v0 =	vadd.f32 v0, v6;
	v61 =	vld.idx.msk [tilespmem:v24+s3+$0x0], $0xffff;
	v51 =	vsub.f32 v48, v45  }
0x1e3: {  	v52 =	vsub.f32 v36, v34;
	v28 =	vsub.f32 v9, v22  }
0x1e4: {  	v37 =	vtrunc.f32 v7;
	v50 =	vld.idx.msk [tilespmem:v20+s8+$0x0], $0xffff;
	v30 =	vsub.f32 v15, v13;
	v2 =	vmul.f32 v51, v19  }
0x1e5: {  	v0 =	vadd.f32 v0, v4;
	v53 =	vld.idx.msk [tilespmem:v24+s8+$0x0], $0xffff;
	v56 =	vmul.f32 v52, v19;
	v5 =	vmul.f32 v28, v19  }
0x1e6: {  	v27 =	vld.idx.msk [tilespmem:v27+s8+$0x0], $0xffff;
	v32 =	vmul.f32 v30, v19;
	v35 =	vsub.f32 v57, v55;
	v59 =	vadd.f32 v2, v45  }
0x1e7: {  	v18 =	vld.idx.msk [tilespmem:v18+s8+$0x0], $0xffff;
	v19 =	vcvt.f32.s32 v37;
	v60 =	vadd.f32 v56, v34;
	v36 =	vsub.f32 v61, v58  }
0x1e8: {  	v34 =	vcvt.s32.f32 v40;
	v5 =	vadd.f32 v5, v22;
	v6 =	vadd.f32 v32, v13  }
0x1e9: {  	v2 =	vld [tilespmem:s2+$0x1C0];
	v41 =	vadd.s32 $0x1, v19;
	v43 =	vshll.u32 v19, $0x3;
	v47 =	vand.u32 $0x7F, v19  }
0x1ea: {  	v61 =	vsub.f32 v53, v50;
	v39 =	vmul.f32 v35, v33;
	v23 =	vand.u32 $0xFFFFFC00, v43  }
0x1eb: {  	v46 =	vshll.u32 v41, $0x3;
	v17 =	vand.u32 $0x7F, v41;
	v63 =	vsub.f32 v60, v59  }
0x1ec: {  	v40 =	vmul.f32 v36, v33;
	v6 =	vsub.f32 v6, v5;
	v60 =	vsub.f32 v18, v27;
	v18 =	vld [tilespmem:s2+$0x380]  }
0x1ed: {  	v15 =	vsub.f32 v3, v34;
	v3 =	vld [tilespmem:s2+$0x540];
	v10 =	vadd.f32 v39, v55;
	v12 =	vmul.f32 v63, v11  }
0x1ee: {  	v14 =	vadd.f32 v40, v58;
	v56 =	vmul.f32 v6, v11;
	v38 =	vtrunc.f32 v2  }
0x1ef: {  	v29 =	vand.u32 $0xFFFFFC00, v46;
	v62 =	vmul.f32 v60, v33;
	v21 =	vcvt.f32.s32 v38  }
0x1f0: {  	v55 =	vsub.f32 v14, v10;
	v4 =	vadd.f32 v56, v5;
	v5 =	vmul.f32 v61, v33  }
0x1f1: {  	v58 =	vadd.f32 v12, v59;
	v33 =	vcvt.s32.f32 v19;
	v35 =	vtrunc.f32 v18  }
0x1f2: {  	v36 =	vtrunc.f32 v3;
	v42 =	vshll.u32 v21, $0x8;
	v44 =	vshll.u32 v21, $0x7  }
0x1f3: {  	v48 =	vadd.s32 $0x1, v21;
	v59 =	vmul.f32 v55, v15;
	v8 =	vadd.f32 $0.0e+00, v58  }
0x1f4: {  	v4 =	vadd.f32 $0.0e+00, v4;
	v5 =	vadd.f32 v5, v50;
	v9 =	vcvt.f32.s32 v35  }
0x1f5: {  	v7 =	vsub.f32 v7, v33;
	v11 =	vcvt.f32.s32 v36;
	v13 =	vcvt.s32.f32 v21  }
0x1f6: {  	v22 =	vand.u32 $0xFFFFF800, v42;
	v25 =	vand.u32 $0x380, v44;
	v49 =	vshll.u32 v48, $0x8  }
0x1f7: {  	v31 =	vshll.u32 v48, $0x7;
	v45 =	vadd.s32 v23, v22;
	v22 =	vadd.s32 v29, v22  }
0x1f8: {  	v52 =	vand.u32 $0x380, v31;
	v10 =	vadd.f32 v59, v10;
	v37 =	vadd.s32 $0x1, v9  }
0x1f9: {  	v38 =	vshll.u32 v11, $0x8;
	v39 =	vshll.u32 v9, $0x3;
	v40 =	vshll.u32 v11, $0x7  }
0x1fa: {  	v41 =	vadd.s32 $0x1, v11;
	v43 =	vand.u32 $0x7F, v9;
	v28 =	vor.u32 v25, v45  }
0x1fb: {  	v22 =	vor.u32 v25, v22;
	v25 =	vand.u32 $0xFFFFF800, v49;
	v21 =	vand.u32 $0xFFFFF800, v38  }
0x1fc: {  	v24 =	vand.u32 $0x380, v40;
	v44 =	vshll.u32 v37, $0x3;
	v45 =	vshll.u32 v41, $0x8  }
0x1fd: {  	v19 =	vand.u32 $0x7F, v37;
	v46 =	vshll.u32 v41, $0x7;
	v28 =	vor.u32 v47, v28  }
0x1fe: {  	v22 =	vor.u32 v17, v22;
	v51 =	vadd.s32 v23, v25;
	v54 =	vadd.s32 v29, v25  }
0x1ff: {  	v8 =	vadd.f32 v10, v8;
	v10 =	vadd.f32 v62, v27;
	v25 =	vld [tilespmem:s2+$0xFFFFF910];
	v31 =	vand.u32 $0xFFFFFC00, v44  }
0x200: {  	v29 =	vld [tilespmem:s2+$0xFFFFFAD0];
	v32 =	vand.u32 $0xFFFFF800, v45;
	v20 =	vor.u32 v52, v51;
	v23 =	vor.u32 v52, v54  }
0x201: {  	v49 =	vadd.s32 v31, v32;
	v17 =	vor.u32 v17, v23;
	v23 =	vand.u32 $0xFFFFFC00, v39  }
0x202: {  	v20 =	vor.u32 v47, v20;
	v5 =	vsub.f32 v5, v10;
	v42 =	vadd.s32 v23, v21  }
0x203: {  	v21 =	vadd.s32 v31, v21;
	v23 =	vadd.s32 v23, v32;
	v27 =	vor.u32 v24, v42;
	v14 =	vld.idx.msk [tilespmem:v28+s3+$0x0], $0xffff  }
0x204: {  	v21 =	vor.u32 v24, v21;
	v24 =	vand.u32 $0x380, v46;
	v5 =	vmul.f32 v5, v15;
	v57 =	vld.idx.msk [tilespmem:v22+s3+$0x0], $0xffff  }
0x205: {  	v27 =	vor.u32 v43, v27;
	v47 =	vtrunc.f32 v25;
	v48 =	vtrunc.f32 v29;
	v28 =	vld.idx.msk [tilespmem:v28+s8+$0x0], $0xffff  }
0x206: {  	v23 =	vor.u32 v24, v23;
	v22 =	vld.idx.msk [tilespmem:v22+s8+$0x0], $0xffff;
	v26 =	vcvt.f32.s32 v47;
	v33 =	vcvt.f32.s32 v48  }
0x207: {  	v21 =	vor.u32 v19, v21;
	v24 =	vor.u32 v24, v49;
	v23 =	vor.u32 v43, v23;
	v63 =	vld.idx.msk [tilespmem:v20+s3+$0x0], $0xffff  }
0x208: {  	v19 =	vor.u32 v19, v24;
	v34 =	vld.idx.msk [tilespmem:v17+s3+$0x0], $0xffff;
	v50 =	vshll.u32 v33, $0x8;
	v51 =	vshll.u32 v26, $0x3  }
0x209: {  	v20 =	vld.idx.msk [tilespmem:v20+s8+$0x0], $0xffff;
	v52 =	vshll.u32 v33, $0x7;
	v54 =	vadd.s32 $0x1, v26;
	v55 =	vand.u32 $0x7F, v26  }
0x20a: {  	v17 =	vld.idx.msk [tilespmem:v17+s8+$0x0], $0xffff;
	v56 =	vadd.s32 $0x1, v33;
	v30 =	vand.u32 $0xFFFFF800, v50;
	v31 =	vand.u32 $0xFFFFFC00, v51  }
0x20b: {  	v32 =	vand.u32 $0x380, v52;
	v37 =	vshll.u32 v54, $0x3;
	v38 =	vshll.u32 v56, $0x8;
	v39 =	vld.idx.msk [tilespmem:v27+s3+$0x0], $0xffff  }
0x20c: {  	v36 =	vshll.u32 v56, $0x7;
	v6 =	vsub.f32 v57, v14;
	v53 =	vadd.s32 v31, v30;
	v40 =	vld.idx.msk [tilespmem:v21+s3+$0x0], $0xffff  }
0x20d: {  	v37 =	vand.u32 $0xFFFFFC00, v37;
	v38 =	vand.u32 $0xFFFFF800, v38;
	v60 =	vsub.f32 v22, v28;
	v22 =	vld.idx.msk [tilespmem:v27+s8+$0x0], $0xffff  }
0x20e: {  	v57 =	vand.u32 $0x380, v36;
	v24 =	vor.u32 v32, v53;
	v30 =	vadd.s32 v37, v30;
	v58 =	vld.idx.msk [tilespmem:v23+s3+$0x0], $0xffff  }
0x20f: {  	v31 =	vadd.s32 v31, v38;
	v59 =	vld.idx.msk [tilespmem:v19+s3+$0x0], $0xffff;
	v16 =	vsub.f32 v34, v63;
	v24 =	vor.u32 v55, v24  }
0x210: {  	v37 =	vadd.s32 v37, v38;
	v56 =	vld.idx.msk [tilespmem:v19+s8+$0x0], $0xffff;
	v34 =	vand.u32 $0x7F, v54;
	v30 =	vor.u32 v32, v30  }
0x211: {  	v31 =	vor.u32 v57, v31;
	v54 =	vld.idx.msk [tilespmem:v23+s8+$0x0], $0xffff;
	v30 =	vor.u32 v34, v30;
	v16 =	vmul.f32 v16, v7  }
0x212: {  	v9 =	vcvt.s32.f32 v9;
	v32 =	vor.u32 v57, v37;
	v23 =	vld [tilespmem:s2+$0xFFFFFC90];
	v31 =	vor.u32 v55, v31  }
0x213: {  	v5 =	vadd.f32 v5, v10;
	v61 =	vor.u32 v34, v32;
	v12 =	vadd.f32 v16, v63;
	v63 =	vld.idx.msk [tilespmem:v21+s8+$0x0], $0xffff  }
0x214: {  	v13 =	vsub.f32 v2, v13;
	v9 =	vsub.f32 v18, v9;
	v6 =	vmul.f32 v6, v7;
	v32 =	vld.idx.msk [tilespmem:v24+s3+$0x0], $0xffff  }
0x215: {  	v4 =	vadd.f32 v5, v4;
	v62 =	vsub.f32 v17, v20;
	v45 =	vld.idx.msk [tilespmem:v24+s8+$0x0], $0xffff  }
0x216: {  	v6 =	vadd.f32 v6, v14;
	v43 =	vsub.f32 v40, v39;
	v34 =	vld.idx.msk [tilespmem:v30+s3+$0x0], $0xffff  }
0x217: {  	v21 =	vmul.f32 v60, v7;
	v7 =	vmul.f32 v62, v7;
	v44 =	vsub.f32 v59, v58;
	v37 =	vld.idx.msk [tilespmem:v31+s3+$0x0], $0xffff  }
0x218: {  	v55 =	vcvt.s32.f32 v26;
	v48 =	vmul.f32 v43, v9;
	v12 =	vsub.f32 v12, v6;
	v42 =	vld.idx.msk [tilespmem:v61+s3+$0x0], $0xffff  }
0x219: {  	v35 =	vadd.f32 v21, v28;
	v7 =	vadd.f32 v7, v20;
	v47 =	vld.idx.msk [tilespmem:v30+s8+$0x0], $0xffff;
	v49 =	vmul.f32 v44, v9  }
0x21a: {  	v19 =	vsub.f32 v56, v54;
	v52 =	vld.idx.msk [tilespmem:v61+s8+$0x0], $0xffff;
	v61 =	vcvt.s32.f32 v33;
	v5 =	vadd.f32 v48, v39  }
0x21b: {  	v50 =	vld.idx.msk [tilespmem:v31+s8+$0x0], $0xffff;
	v41 =	vmul.f32 v12, v13;
	v46 =	vsub.f32 v7, v35;
	v53 =	vadd.f32 v49, v58  }
0x21c: {  	v51 =	vcvt.s32.f32 v11;
	v58 =	vsub.f32 v25, v55;
	v24 =	vsub.f32 v29, v61  }
0x21d: {  	v29 =	vtrunc.f32 v23;
	v17 =	vsub.f32 v63, v22;
	v2 =	vadd.f32 v41, v6  }
0x21e: {  	v6 =	vmul.f32 v46, v13;
	v57 =	vsub.f32 v53, v5;
	v15 =	vsub.f32 v34, v32  }
0x21f: {  	v13 =	vcvt.f32.s32 v29;
	v12 =	vsub.f32 v42, v37;
	v7 =	vsub.f32 v47, v45  }
0x220: {  	v11 =	vsub.f32 v52, v50;
	v25 =	vmul.f32 v17, v9;
	v9 =	vmul.f32 v19, v9  }
0x221: {  	v2 =	vadd.f32 v2, v8;
	v10 =	vadd.f32 v6, v35;
	v31 =	vcvt.s32.f32 v13  }
0x222: {  	v6 =	vsub.f32 v3, v51;
	v15 =	vmul.f32 v15, v58;
	v12 =	vmul.f32 v12, v58  }
0x223: {  	v59 =	vmul.f32 v7, v58;
	v60 =	vmul.f32 v11, v58;
	v9 =	vadd.f32 v9, v54  }
0x224: {  	v11 =	vld [tilespmem:s2+$0xFFFFFE50];
	v8 =	vmul.f32 v57, v6;
	v3 =	vadd.f32 v10, v4;
	v62 =	vadd.f32 v15, v32  }
0x225: {  	v33 =	vshll.u32 v13, $0x3;
	v12 =	vadd.f32 v12, v37;
	v63 =	vadd.f32 v59, v45  }
0x226: {  	v19 =	vld [tilespmem:s2+$0x10];
	v36 =	vadd.s32 $0x1, v13;
	v21 =	vadd.f32 v60, v50;
	v4 =	vadd.f32 v8, v5  }
0x227: {  	v13 =	vand.u32 $0x7F, v13;
	v5 =	vadd.f32 v25, v22;
	v12 =	vsub.f32 v12, v62  }
0x228: {  	v16 =	vand.u32 $0xFFFFFC00, v33;
	v39 =	vshll.u32 v36, $0x3;
	v26 =	vsub.f32 v21, v63  }
0x229: {  	v30 =	vtrunc.f32 v11;
	v10 =	vsub.f32 v9, v5;
	v27 =	vmul.f32 v12, v24  }
0x22a: {  	v20 =	vand.u32 $0x7F, v36;
	v28 =	vmul.f32 v26, v24;
	v14 =	vcvt.f32.s32 v30  }
0x22b: {  	v18 =	vsub.f32 v23, v31;
	v42 =	vtrunc.f32 v19;
	v6 =	vmul.f32 v10, v6  }
0x22c: {  	v12 =	vadd.f32 v27, v62;
	v8 =	vadd.f32 v28, v63;
	v32 =	vshll.u32 v14, $0x8  }
0x22d: {  	v34 =	vshll.u32 v14, $0x7;
	v37 =	vadd.s32 $0x1, v14;
	v14 =	vcvt.s32.f32 v14  }
0x22e: {  	v15 =	vand.u32 $0xFFFFF800, v32;
	v17 =	vand.u32 $0x380, v34;
	v40 =	vshll.u32 v37, $0x8  }
0x22f: {  	v21 =	vshll.u32 v37, $0x7;
	v6 =	vadd.f32 v6, v5;
	v5 =	vadd.f32 v4, v2  }
0x230: {  	v9 =	vadd.f32 $0.0e+00, v12;
	v8 =	vadd.f32 $0.0e+00, v8;
	v35 =	vadd.s32 v16, v15  }
0x231: {  	v27 =	vld [tilespmem:s2+$0x390];
	v23 =	vand.u32 $0xFFFFF800, v40;
	v41 =	vand.u32 $0x380, v21;
	v21 =	vcvt.f32.s32 v42  }
0x232: {  	v12 =	vld [tilespmem:s2+$0x1D0];
	v11 =	vsub.f32 v11, v14;
	v7 =	vor.u32 v17, v35;
	v16 =	vadd.s32 v16, v23  }
0x233: {  	v4 =	vadd.f32 v6, v3;
	v38 =	vor.u32 v13, v7;
	v7 =	vand.u32 $0xFFFFFC00, v39  }
0x234: {  	v16 =	vor.u32 v41, v16;
	v50 =	vshll.u32 v21, $0x3;
	v53 =	vadd.s32 $0x1, v21  }
0x235: {  	v57 =	vand.u32 $0x7F, v21;
	v15 =	vadd.s32 v7, v15;
	v7 =	vadd.s32 v7, v23  }
0x236: {  	v13 =	vor.u32 v13, v16;
	v58 =	vshll.u32 v53, $0x3;
	v24 =	vand.u32 $0x7F, v53  }
0x237: {  	v61 =	vtrunc.f32 v27;
	v7 =	vor.u32 v41, v7;
	v43 =	vtrunc.f32 v12  }
0x238: {  	v15 =	vor.u32 v17, v15;
	v44 =	vor.u32 v20, v7;
	v7 =	vld [tilespmem:s2+$0x550];
	v23 =	vcvt.f32.s32 v43  }
0x239: {  	v17 =	vand.u32 $0xFFFFFC00, v50;
	v30 =	vand.u32 $0xFFFFFC00, v58;
	v15 =	vor.u32 v20, v15  }
0x23a: {  	v49 =	vshll.u32 v23, $0x8;
	v52 =	vshll.u32 v23, $0x7;
	v56 =	vadd.s32 $0x1, v23  }
0x23b: {  	v51 =	vand.u32 $0xFFFFF800, v49;
	v55 =	vand.u32 $0x380, v52;
	v59 =	vshll.u32 v56, $0x8  }
0x23c: {  	v28 =	vshll.u32 v56, $0x7;
	v54 =	vadd.s32 v17, v51;
	v31 =	vand.u32 $0xFFFFF800, v59  }
0x23d: {  	v20 =	vadd.s32 v30, v51;
	v28 =	vand.u32 $0x380, v28;
	v62 =	vtrunc.f32 v7  }
0x23e: {  	v60 =	vld.idx.msk [tilespmem:v38+s3+$0x0], $0xffff;
	v59 =	vcvt.s32.f32 v21;
	v25 =	vor.u32 v55, v54;
	v17 =	vadd.s32 v17, v31  }
0x23f: {  	v22 =	vld.idx.msk [tilespmem:v38+s8+$0x0], $0xffff;
	v20 =	vor.u32 v55, v20;
	v30 =	vadd.s32 v30, v31;
	v31 =	vcvt.f32.s32 v62  }
0x240: {  	v45 =	vld.idx.msk [tilespmem:v13+s3+$0x0], $0xffff;
	v25 =	vor.u32 v57, v25;
	v17 =	vor.u32 v28, v17;
	v28 =	vor.u32 v28, v30  }
0x241: {  	v13 =	vld.idx.msk [tilespmem:v13+s8+$0x0], $0xffff;
	v30 =	vcvt.f32.s32 v61;
	v20 =	vor.u32 v24, v20;
	v17 =	vor.u32 v57, v17  }
0x242: {  	v63 =	vld.idx.msk [tilespmem:v15+s3+$0x0], $0xffff;
	v24 =	vor.u32 v24, v28;
	v48 =	vshll.u32 v31, $0x8;
	v50 =	vshll.u32 v31, $0x7  }
0x243: {  	v46 =	vld.idx.msk [tilespmem:v44+s3+$0x0], $0xffff;
	v51 =	vadd.s32 $0x1, v31;
	v47 =	vadd.s32 $0x1, v30;
	v49 =	vshll.u32 v30, $0x3  }
0x244: {  	v15 =	vld.idx.msk [tilespmem:v15+s8+$0x0], $0xffff;
	v34 =	vand.u32 $0xFFFFF800, v48;
	v36 =	vand.u32 $0x380, v50;
	v54 =	vshll.u32 v51, $0x8  }
0x245: {  	v16 =	vld.idx.msk [tilespmem:v44+s8+$0x0], $0xffff;
	v37 =	vshll.u32 v51, $0x7;
	v55 =	vand.u32 $0x7F, v30;
	v50 =	vcvt.s32.f32 v30  }
0x246: {  	v48 =	vcvt.s32.f32 v23;
	v30 =	vld [tilespmem:s2+$0xFFFFFE60];
	v35 =	vand.u32 $0xFFFFFC00, v49;
	v53 =	vshll.u32 v47, $0x3  }
0x247: {  	v40 =	vand.u32 $0xFFFFF800, v54;
	v39 =	vand.u32 $0xFFFFFC00, v53;
	v53 =	vsub.f32 v27, v50;
	v27 =	vld [tilespmem:s2+$0xFFFFFCA0]  }
0x248: {  	v37 =	vand.u32 $0x380, v37;
	v33 =	vsub.f32 v63, v60;
	v28 =	vsub.f32 v46, v45;
	v41 =	vld.idx.msk [tilespmem:v25+s3+$0x0], $0xffff  }
0x249: {  	v29 =	vand.u32 $0x7F, v47;
	v15 =	vsub.f32 v15, v22;
	v52 =	vadd.s32 v35, v34;
	v42 =	vld.idx.msk [tilespmem:v20+s3+$0x0], $0xffff  }
0x24a: {  	v16 =	vsub.f32 v16, v13;
	v35 =	vadd.s32 v35, v40;
	v38 =	vor.u32 v36, v52;
	v25 =	vld.idx.msk [tilespmem:v25+s8+$0x0], $0xffff  }
0x24b: {  	v12 =	vsub.f32 v12, v48;
	v35 =	vor.u32 v37, v35;
	v20 =	vld.idx.msk [tilespmem:v20+s8+$0x0], $0xffff;
	v38 =	vor.u32 v55, v38  }
0x24c: {  	v34 =	vadd.s32 v39, v34;
	v33 =	vmul.f32 v33, v18;
	v35 =	vor.u32 v55, v35;
	v56 =	vld.idx.msk [tilespmem:v17+s3+$0x0], $0xffff  }
0x24d: {  	v39 =	vadd.s32 v39, v40;
	v28 =	vmul.f32 v28, v18;
	v15 =	vmul.f32 v15, v18;
	v57 =	vld.idx.msk [tilespmem:v24+s3+$0x0], $0xffff  }
0x24e: {  	v16 =	vmul.f32 v16, v18;
	v34 =	vor.u32 v36, v34;
	v37 =	vor.u32 v37, v39;
	v17 =	vld.idx.msk [tilespmem:v17+s8+$0x0], $0xffff  }
0x24f: {  	v24 =	vld.idx.msk [tilespmem:v24+s8+$0x0], $0xffff;
	v34 =	vor.u32 v29, v34;
	v26 =	vadd.f32 v33, v60;
	v28 =	vadd.f32 v28, v45  }
0x250: {  	v58 =	vor.u32 v29, v37;
	v15 =	vadd.f32 v15, v22;
	v13 =	vadd.f32 v16, v13;
	v21 =	vld.idx.msk [tilespmem:v38+s3+$0x0], $0xffff  }
0x251: {  	v16 =	vsub.f32 v19, v59;
	v60 =	vsub.f32 v28, v26;
	v19 =	vld.idx.msk [tilespmem:v35+s3+$0x0], $0xffff  }
0x252: {  	v13 =	vsub.f32 v13, v15;
	v62 =	vsub.f32 v42, v41;
	v42 =	vld.idx.msk [tilespmem:v38+s8+$0x0], $0xffff  }
0x253: {  	v39 =	vsub.f32 v20, v25;
	v14 =	vmul.f32 v60, v11;
	v63 =	vsub.f32 v57, v56;
	v47 =	vld.idx.msk [tilespmem:v35+s8+$0x0], $0xffff  }
0x254: {  	v11 =	vmul.f32 v13, v11;
	v40 =	vsub.f32 v24, v17;
	v61 =	vld.idx.msk [tilespmem:v34+s3+$0x0], $0xffff;
	v43 =	vmul.f32 v62, v16  }
0x255: {  	v37 =	vld.idx.msk [tilespmem:v58+s3+$0x0], $0xffff;
	v13 =	vmul.f32 v39, v16;
	v14 =	vadd.f32 v14, v26;
	v44 =	vmul.f32 v63, v16  }
0x256: {  	v45 =	vld.idx.msk [tilespmem:v34+s8+$0x0], $0xffff;
	v11 =	vadd.f32 v11, v15;
	v46 =	vmul.f32 v40, v16;
	v23 =	vadd.f32 v43, v41  }
0x257: {  	v18 =	vld.idx.msk [tilespmem:v58+s8+$0x0], $0xffff;
	v62 =	vcvt.s32.f32 v31;
	v13 =	vadd.f32 v13, v25;
	v49 =	vadd.f32 v44, v56  }
0x258: {  	v43 =	vtrunc.f32 v27;
	v15 =	vadd.f32 v46, v17;
	v9 =	vadd.f32 v14, v9  }
0x259: {  	v25 =	vld [tilespmem:s2+$0xFFFFF920];
	v8 =	vadd.f32 v11, v8;
	v44 =	vtrunc.f32 v30;
	v51 =	vsub.f32 v49, v23  }
0x25a: {  	v17 =	vld [tilespmem:s2+$0xFFFFFAE0];
	v28 =	vcvt.f32.s32 v43;
	v52 =	vsub.f32 v15, v13;
	v22 =	vsub.f32 v61, v21  }
0x25b: {  	v54 =	vsub.f32 v37, v19;
	v55 =	vsub.f32 v45, v42;
	v20 =	vmul.f32 v51, v12  }
0x25c: {  	v18 =	vsub.f32 v18, v47;
	v10 =	vmul.f32 v52, v12;
	v56 =	vmul.f32 v22, v53  }
0x25d: {  	v50 =	vadd.s32 $0x1, v28;
	v57 =	vmul.f32 v54, v53;
	v58 =	vmul.f32 v55, v53  }
0x25e: {  	v59 =	vmul.f32 v18, v53;
	v60 =	vtrunc.f32 v25;
	v51 =	vand.u32 $0x7F, v28  }
0x25f: {  	v53 =	vshll.u32 v50, $0x3;
	v61 =	vtrunc.f32 v17;
	v14 =	vadd.f32 v56, v21  }
0x260: {  	v15 =	vcvt.f32.s32 v60;
	v19 =	vadd.f32 v57, v19;
	v11 =	vadd.f32 v58, v42  }
0x261: {  	v18 =	vcvt.f32.s32 v61;
	v12 =	vadd.f32 v59, v47;
	v21 =	vsub.f32 v7, v62  }
0x262: {  	v47 =	vshll.u32 v28, $0x3;
	v20 =	vadd.f32 v20, v23;
	v10 =	vadd.f32 v10, v13  }
0x263: {  	v63 =	vadd.s32 $0x1, v15;
	v35 =	vshll.u32 v15, $0x3;
	v39 =	vand.u32 $0x7F, v15  }
0x264: {  	v34 =	vshll.u32 v18, $0x8;
	v24 =	vand.u32 $0xFFFFFC00, v35;
	v36 =	vshll.u32 v18, $0x7  }
0x265: {  	v37 =	vadd.s32 $0x1, v18;
	v40 =	vshll.u32 v63, $0x3;
	v16 =	vand.u32 $0x7F, v63  }
0x266: {  	v35 =	vand.u32 $0x7F, v50;
	v19 =	vsub.f32 v19, v14;
	v12 =	vsub.f32 v12, v11  }
0x267: {  	v9 =	vadd.f32 v20, v9;
	v8 =	vadd.f32 v10, v8;
	v22 =	vand.u32 $0xFFFFF800, v34  }
0x268: {  	v26 =	vand.u32 $0x380, v36;
	v32 =	vand.u32 $0xFFFFFC00, v40;
	v41 =	vshll.u32 v37, $0x8  }
0x269: {  	v42 =	vshll.u32 v37, $0x7;
	v34 =	vcvt.f32.s32 v44;
	v36 =	vcvt.s32.f32 v18  }
0x26a: {  	v38 =	vadd.s32 v24, v22;
	v22 =	vadd.s32 v32, v22;
	v33 =	vand.u32 $0xFFFFF800, v41  }
0x26b: {  	v61 =	vmul.f32 v19, v21;
	v12 =	vmul.f32 v12, v21;
	v29 =	vor.u32 v26, v38  }
0x26c: {  	v41 =	vcvt.s32.f32 v28;
	v22 =	vor.u32 v26, v22;
	v29 =	vor.u32 v39, v29  }
0x26d: {  	v24 =	vadd.s32 v24, v33;
	v26 =	vand.u32 $0x380, v42;
	v22 =	vor.u32 v16, v22  }
0x26e: {  	v45 =	vadd.s32 v32, v33;
	v46 =	vshll.u32 v34, $0x8;
	v11 =	vadd.f32 v12, v11  }
0x26f: {  	v28 =	vld [tilespmem:s2+$0x3A0];
	v32 =	vand.u32 $0xFFFFFC00, v47;
	v48 =	vshll.u32 v34, $0x7;
	v24 =	vor.u32 v26, v24  }
0x270: {  	v26 =	vor.u32 v26, v45;
	v24 =	vor.u32 v39, v24;
	v2 =	vadd.f32 v11, v8;
	v8 =	vld [tilespmem:s2+$0x1E0]  }
0x271: {  	v52 =	vadd.s32 $0x1, v34;
	v38 =	vand.u32 $0xFFFFFC00, v53;
	v16 =	vor.u32 v16, v26;
	v54 =	vld.idx.msk [tilespmem:v29+s3+$0x0], $0xffff  }
0x272: {  	v17 =	vsub.f32 v17, v36;
	v31 =	vand.u32 $0xFFFFF800, v46;
	v33 =	vand.u32 $0x380, v48;
	v56 =	vld.idx.msk [tilespmem:v22+s3+$0x0], $0xffff  }
0x273: {  	v55 =	vshll.u32 v52, $0x8;
	v37 =	vshll.u32 v52, $0x7;
	v49 =	vadd.s32 v32, v31;
	v7 =	vld.idx.msk [tilespmem:v29+s8+$0x0], $0xffff  }
0x274: {  	v14 =	vadd.f32 v61, v14;
	v31 =	vadd.s32 v38, v31;
	v26 =	vor.u32 v33, v49;
	v22 =	vld.idx.msk [tilespmem:v22+s8+$0x0], $0xffff  }
0x275: {  	v45 =	vcvt.s32.f32 v34;
	v31 =	vor.u32 v33, v31;
	v26 =	vor.u32 v51, v26;
	v57 =	vld.idx.msk [tilespmem:v24+s3+$0x0], $0xffff  }
0x276: {  	v40 =	vand.u32 $0xFFFFF800, v55;
	v58 =	vand.u32 $0x380, v37;
	v31 =	vor.u32 v35, v31;
	v59 =	vld.idx.msk [tilespmem:v16+s3+$0x0], $0xffff  }
0x277: {  	v32 =	vadd.s32 v32, v40;
	v38 =	vadd.s32 v38, v40;
	v33 =	vcvt.s32.f32 v15;
	v13 =	vld.idx.msk [tilespmem:v24+s8+$0x0], $0xffff  }
0x278: {  	v3 =	vadd.f32 v14, v9;
	v32 =	vor.u32 v58, v32;
	v60 =	vor.u32 v58, v38;
	v38 =	vld.idx.msk [tilespmem:v16+s8+$0x0], $0xffff  }
0x279: {  	v14 =	vsub.f32 v27, v41;
	v29 =	vor.u32 v51, v32;
	v16 =	vld [tilespmem:s2+$0x20];
	v47 =	vtrunc.f32 v8  }
0x27a: {  	v32 =	vor.u32 v35, v60;
	v60 =	vtrunc.f32 v28;
	v62 =	vld.idx.msk [tilespmem:v26+s3+$0x0], $0xffff;
	v23 =	vcvt.f32.s32 v47  }
0x27b: {  	v21 =	vsub.f32 v30, v45;
	v6 =	vsub.f32 v25, v33;
	v33 =	vcvt.f32.s32 v60;
	v63 =	vld.idx.msk [tilespmem:v31+s3+$0x0], $0xffff  }
0x27c: {  	v26 =	vld.idx.msk [tilespmem:v26+s8+$0x0], $0xffff;
	v40 =	vsub.f32 v56, v54;
	v44 =	vsub.f32 v22, v7;
	v49 =	vshll.u32 v23, $0x8  }
0x27d: {  	v31 =	vld.idx.msk [tilespmem:v31+s8+$0x0], $0xffff;
	v52 =	vshll.u32 v23, $0x7;
	v58 =	vadd.s32 $0x1, v23;
	v43 =	vsub.f32 v59, v57  }
0x27e: {  	v9 =	vsub.f32 v38, v13;
	v46 =	vtrunc.f32 v16;
	v51 =	vand.u32 $0xFFFFF800, v49  }
0x27f: {  	v24 =	vld.idx.msk [tilespmem:v29+s3+$0x0], $0xffff;
	v59 =	vshll.u32 v58, $0x8;
	v34 =	vshll.u32 v58, $0x7;
	v11 =	vmul.f32 v40, v6  }
0x280: {  	v35 =	vld.idx.msk [tilespmem:v32+s3+$0x0], $0xffff;
	v20 =	vmul.f32 v44, v6;
	v22 =	vcvt.f32.s32 v46;
	v27 =	vand.u32 $0xFFFFF800, v59  }
0x281: {  	v34 =	vand.u32 $0x380, v34;
	v18 =	vmul.f32 v43, v6;
	v10 =	vsub.f32 v63, v62  }
0x282: {  	v9 =	vmul.f32 v9, v6;
	v43 =	vshll.u32 v33, $0x3;
	v31 =	vsub.f32 v31, v26  }
0x283: {  	v11 =	vadd.f32 v11, v54;
	v48 =	vadd.s32 $0x1, v22;
	v50 =	vshll.u32 v22, $0x3  }
0x284: {  	v54 =	vand.u32 $0x380, v52;
	v56 =	vand.u32 $0x7F, v22;
	v36 =	vand.u32 $0xFFFFFC00, v43  }
0x285: {  	v7 =	vadd.f32 v20, v7;
	v58 =	vcvt.s32.f32 v22;
	v15 =	vsub.f32 v35, v24  }
0x286: {  	v6 =	vld [tilespmem:s2+$0x560];
	v18 =	vadd.f32 v18, v57;
	v10 =	vmul.f32 v10, v14;
	v19 =	vand.u32 $0xFFFFFC00, v50  }
0x287: {  	v55 =	vshll.u32 v48, $0x3;
	v31 =	vmul.f32 v31, v14;
	v9 =	vadd.f32 v9, v13  }
0x288: {  	v53 =	vadd.s32 v19, v51;
	v57 =	vand.u32 $0xFFFFFC00, v55;
	v19 =	vadd.s32 v19, v27  }
0x289: {  	v15 =	vmul.f32 v15, v14;
	v10 =	vadd.f32 v10, v62;
	v25 =	vor.u32 v54, v53  }
0x28a: {  	v27 =	vadd.s32 v57, v27;
	v19 =	vor.u32 v34, v19;
	v62 =	vadd.s32 $0x1, v33  }
0x28b: {  	v18 =	vsub.f32 v18, v11;
	v25 =	vor.u32 v56, v25;
	v61 =	vtrunc.f32 v6  }
0x28c: {  	v27 =	vor.u32 v34, v27;
	v19 =	vor.u32 v56, v19;
	v46 =	vshll.u32 v62, $0x3  }
0x28d: {  	v12 =	vadd.f32 v15, v24;
	v24 =	vadd.s32 v57, v51;
	v34 =	vcvt.f32.s32 v61  }
0x28e: {  	v29 =	vld.idx.msk [tilespmem:v29+s8+$0x0], $0xffff;
	v15 =	vand.u32 $0x7F, v48;
	v39 =	vand.u32 $0xFFFFFC00, v46;
	v24 =	vor.u32 v54, v24  }
0x28f: {  	v32 =	vld.idx.msk [tilespmem:v32+s8+$0x0], $0xffff;
	v51 =	vand.u32 $0x7F, v33;
	v24 =	vor.u32 v15, v24;
	v35 =	vshll.u32 v34, $0x8  }
0x290: {  	v15 =	vor.u32 v15, v27;
	v44 =	vshll.u32 v34, $0x7;
	v35 =	vand.u32 $0xFFFFF800, v35;
	v48 =	vld.idx.msk [tilespmem:v25+s3+$0x0], $0xffff  }
0x291: {  	v63 =	vadd.s32 $0x1, v34;
	v37 =	vand.u32 $0x380, v44;
	v45 =	vadd.s32 v36, v35;
	v50 =	vld.idx.msk [tilespmem:v19+s3+$0x0], $0xffff  }
0x292: {  	v27 =	vand.u32 $0x7F, v62;
	v35 =	vadd.s32 v39, v35;
	v25 =	vld.idx.msk [tilespmem:v25+s8+$0x0], $0xffff;
	v38 =	vor.u32 v37, v45  }
0x293: {  	v47 =	vshll.u32 v63, $0x8;
	v19 =	vld.idx.msk [tilespmem:v19+s8+$0x0], $0xffff;
	v35 =	vor.u32 v37, v35;
	v38 =	vor.u32 v51, v38  }
0x294: {  	v30 =	vshll.u32 v63, $0x7;
	v40 =	vand.u32 $0xFFFFF800, v47;
	v35 =	vor.u32 v27, v35;
	v49 =	vld.idx.msk [tilespmem:v24+s3+$0x0], $0xffff  }
0x295: {  	v53 =	vsub.f32 v32, v29;
	v30 =	vand.u32 $0x380, v30;
	v36 =	vadd.s32 v36, v40;
	v52 =	vld.idx.msk [tilespmem:v15+s3+$0x0], $0xffff  }
0x296: {  	v9 =	vsub.f32 v9, v7;
	v39 =	vadd.s32 v39, v40;
	v36 =	vor.u32 v30, v36;
	v24 =	vld.idx.msk [tilespmem:v24+s8+$0x0], $0xffff  }
0x297: {  	v18 =	vmul.f32 v18, v17;
	v30 =	vor.u32 v30, v39;
	v36 =	vor.u32 v51, v36;
	v55 =	vld.idx.msk [tilespmem:v15+s8+$0x0], $0xffff  }
0x298: {  	v9 =	vmul.f32 v9, v17;
	v12 =	vsub.f32 v12, v10;
	v27 =	vor.u32 v27, v30;
	v57 =	vld.idx.msk [tilespmem:v38+s3+$0x0], $0xffff  }
0x299: {  	v16 =	vsub.f32 v16, v58;
	v54 =	vmul.f32 v53, v14;
	v11 =	vadd.f32 v18, v11;
	v59 =	vld.idx.msk [tilespmem:v35+s3+$0x0], $0xffff  }
0x29a: {  	v56 =	vadd.f32 v31, v26;
	v7 =	vadd.f32 v9, v7;
	v12 =	vmul.f32 v12, v21;
	v32 =	vld.idx.msk [tilespmem:v38+s8+$0x0], $0xffff  }
0x29b: {  	v13 =	vadd.f32 v54, v29;
	v11 =	vadd.f32 $0.0e+00, v11;
	v40 =	vld.idx.msk [tilespmem:v35+s8+$0x0], $0xffff  }
0x29c: {  	v7 =	vadd.f32 $0.0e+00, v7;
	v10 =	vadd.f32 v12, v10;
	v60 =	vld.idx.msk [tilespmem:v36+s3+$0x0], $0xffff  }
0x29d: {  	v61 =	vld.idx.msk [tilespmem:v27+s3+$0x0], $0xffff;
	v62 =	vsub.f32 v49, v48;
	v63 =	vsub.f32 v52, v50  }
0x29e: {  	v13 =	vsub.f32 v13, v56;
	v45 =	vcvt.s32.f32 v33;
	v10 =	vadd.f32 v10, v11;
	v44 =	vld.idx.msk [tilespmem:v36+s8+$0x0], $0xffff  }
0x29f: {  	v46 =	vld.idx.msk [tilespmem:v27+s8+$0x0], $0xffff;
	v24 =	vsub.f32 v24, v25;
	v42 =	vmul.f32 v62, v16;
	v43 =	vmul.f32 v63, v16  }
0x2a0: {  	v38 =	vmul.f32 v13, v21;
	v13 =	vsub.f32 v28, v45;
	v14 =	vsub.f32 v55, v19  }
0x2a1: {  	v24 =	vmul.f32 v24, v16;
	v11 =	vadd.f32 v42, v48;
	v20 =	vadd.f32 v43, v50  }
0x2a2: {  	s6 =	sshrl.u32 s18, $0x10;
	v14 =	vmul.f32 v14, v16;
	v22 =	vsub.f32 v59, v57;
	v21 =	vsub.f32 v40, v32  }
0x2a3: {  	s10 =	sshrl.u32 s0, $0x10;
	s20 =	sshrl.u32 s7, $0x10;
	s6 =	smul.u32 $0xFFFFFF90, s6;
	v39 =	vcvt.s32.f32 v23;
	v48 =	vadd.f32 v24, v25;
	v17 =	vsub.f32 v61, v60  }
0x2a4: {  	s21 =	sadd.s32 $0xFFFF9247, s29;
	s19 =	sshrl.u32 s29, $0x10;
	s20 =	smul.u32 $0x70, s20;
	v14 =	vadd.f32 v14, v19;
	v15 =	vsub.f32 v46, v44;
	v47 =	vmul.f32 v22, v13  }
0x2a5: {  	s10 =	smul.u32 $0x70, s10;
	s21 =	sshrl.u32 s21, $0x9;
	s6 =	sadd.s32 s6, s31;
	v8 =	vsub.f32 v8, v39;
	v21 =	vmul.f32 v21, v13;
	v17 =	vmul.f32 v17, v13  }
0x2a6: {  	s21 =	sand.u32 $0x7FFF80, s21;
	s20 =	ssub.s32 s31, s20;
	s22 =	sand.u32 $0xFFFFFF80, s6;
	v50 =	vsub.f32 v20, v11;
	v14 =	vsub.f32 v14, v48;
	v13 =	vmul.f32 v15, v13  }
0x2a7: {  	s6 =	sand.u32 $0x70, s6;
	s21 =	sadd.s32 s22, s21;
	s22 =	sadd.s32 $0xFFFFB6DA, s29;
	v51 =	vcvt.s32.f32 v34;
	v16 =	vadd.f32 v47, v57;
	v12 =	vadd.f32 v17, v60  }
0x2a8: {  	s20 =	sadd.s32 $0x10, s20;
	s6 =	sor.u32 s6, s21;
	s21 =	sshrl.u32 s22, $0x9;
	v1 =	vmul.f32 $2.500000000e-01, v1;
	v49 =	vadd.f32 v21, v32;
	v13 =	vadd.f32 v13, v44  }
0x2a9: {  	s10 =	ssub.s32 s31, s10;
	s22 =	sand.u32 $0xFFFFFF80, s20;
	s21 =	sand.u32 $0x7FFF80, s21;
	v6 =	vsub.f32 v6, v51;
	v17 =	vmul.f32 v50, v8;
	v12 =	vsub.f32 v12, v16  }
0x2aa: {  	s20 =	sand.u32 $0x70, s20;
	s21 =	sadd.s32 s22, s21;
	s22 =	sadd.s32 $0xFFFFDB6D, s29;
	v9 =	vadd.f32 v38, v56;
	v8 =	vmul.f32 v14, v8;
	v52 =	vsub.f32 v13, v49  }
0x2ab: {  	s10 =	sadd.s32 $0x20, s10;
	s20 =	sor.u32 s20, s21;
	s21 =	sshrl.u32 s22, $0x9;
	v0 =	vmul.f32 $2.500000000e-01, v0;
	v11 =	vadd.f32 v17, v11;
	v12 =	vmul.f32 v12, v6  }
0x2ac: {  	s4 =	smul.u32 $0x70, s19;
	s22 =	sand.u32 $0xFFFFFF80, s10;
	s21 =	sand.u32 $0x7FFF80, s21;
	[tilespmem:s6+$0x1DE00] =	vst v1;
	v7 =	vadd.f32 v9, v7;
	v8 =	vadd.f32 v8, v48;
	v6 =	vmul.f32 v52, v6  }
0x2ad: {  	s10 =	sand.u32 $0x70, s10;
	[tilespmem:s6+$0x1E600] =	vst v0;
	s6 =	sadd.s32 s22, s21;
	v58 =	vmul.f32 $2.500000000e-01, v3;
	v54 =	vadd.f32 v11, v10;
	v55 =	vadd.f32 v12, v16  }
0x2ae: {  	s4 =	ssub.s32 s31, s4;
	s6 =	sor.u32 s10, s6;
	v53 =	vmul.f32 $2.500000000e-01, v5;
	v57 =	vadd.f32 v8, v7;
	v6 =	vadd.f32 v6, v49  }
0x2af: {  	p1 =	slt.u32 s31, $0x180;
	s4 =	sadd.s32 $0x30, s4;
	[tilespmem:s6+$0x1DE00] =	vst v58;
	v56 =	vmul.f32 $2.500000000e-01, v4;
	v59 =	vadd.f32 v55, v54  }
.Ltmp1:
0x2b0: {  	s19 =	sshll.u32 s19, $0x7;
	s21 =	sand.u32 $0xFFFFFF80, s4;
	[tilespmem:s20+$0x1DE00] =	vst v53;
	v60 =	vmul.f32 $2.500000000e-01, v2;
	v61 =	vadd.f32 v6, v57;
	(pc) =	sbr.rel @p1 .LBB2_6-.Ltmp1, $4  }
0x2b1: {  	s4 =	sand.u32 $0x70, s4;
	s10 =	sadd.s32 s21, s19;
	[tilespmem:s20+$0x1E600] =	vst v56;
	v62 =	vmul.f32 $2.500000000e-01, v59  }
0x2b2: {  	s18 =	sadd.s32 $0x924C, s18;
	s4 =	sor.u32 s4, s10;
	[tilespmem:s6+$0x1E600] =	vst v60;
	v63 =	vmul.f32 $2.500000000e-01, v61  }
0x2b3: {  	s0 =	sadd.s32 $0x924C, s0;
	s7 =	sadd.s32 $0x924C, s7;
	s22 =	sadd.s32 $0x40, s31;
	[tilespmem:s4+$0x1DE00] =	vst v62  }
0x2b4: {  	s29 =	sadd.s32 $0x924C, s29;
	s31 =	smov.u32 s22;
	s2 =	sadd.s32 $0x40, s2;
	[tilespmem:s4+$0x1E600] =	vst v63  }
0x2b5: {  	s29 =	sshll.u32 s24, $0xB  }
0x2b6: {  	s0 =	sadd.s32 s25, s29  }
0x2b7: {  	s0 =	sshrl.u32 s0, $0x3  }
0x2b8: {  	s21 =	sadd.s32 s26, s29;
	s0 =	sadd.s32 s5, s0  }
0x2b9: {  	[hbm4b:s0+s3] =	stream.linear.scatter [tilespmem:s14], [sflag:$0x4], $0x400, $0x38;
	[tilespmem:$0x1EC00] =	vst v63  }
0x2ba: {  	s0 =	sshrl.u32 s21, $0x3  }
0x2bb: {  	s0 =	sadd.s32 s5, s0  }
0x2bc: {  	[hbm4b:s0+s3] =	stream.linear.scatter [tilespmem:s15], [sflag:$0x6], $0x400, $0x38;
	[tilespmem:$0x1EC00] =	vst v63  }
0x2bd: {  	s22 =	sadd.s32 $0x540, s30  }
0x2be: {  	[tilespmem:s11], [sflag:$0x3] =	stream.linear.gather [hbm4b:s22+s3], $0xE00, $0x38;
	[tilespmem:$0x1EC00] =	vst v63  }
0x2bf: {  	_ =	swait.ge [sflag:s12], $0xE00  }
0x2c0: {  	[sflag:s12] =	ssyncset.done $0x0  }
0x2c1: {  	s0 =	simm.s32 @!p0 $0x5;
	[sflag:s12] =	ssyncadd.s32 $0xFFFFF200  }
0x2c2: {  	_ =	swait.ge @!p0 [sflag:s0], $0x400  }
0x2c3: {  	[sflag:s0] =	ssyncset.done @!p0 $0x0  }
0x2c4: {  	[sflag:s0] =	ssyncadd.s32 @!p0 $0xFFFFFC00;
	s0 =	simm.s32 @!p0 $0x7  }
0x2c5: {  	s30 =	simm.s32 $0x6DB9;
	s31 =	simm.s32 $0x0;
	_ =	swait.ge @!p0 [sflag:s0], $0x400  }
0x2c6: {  	s2 =	simm.s32 $0x1C710;
	s7 =	simm.s32 $0x2493;
	[sflag:s0] =	ssyncset.done @!p0 $0x0  }
0x2c7: {  	s18 =	simm.s32 $0x0;
	[sflag:s0] =	ssyncadd.s32 @!p0 $0xFFFFFC00;
	s0 =	simm.s32 $0x4926  }
.LBB2_8:
0x2c8: {  	v0 =	vld [tilespmem:s2+$0xFFFFF8F0]  }
0x2c9: {  	v2 =	vld [tilespmem:s2+$0xFFFFFAB0];
	_ =	sdelay $0x1  }
0x2ca: {  	s19 =	sand.u32 $0x1C0, s31;
	v31 =	vld [tilespmem:s2+$0xFFFFFE30]  }
0x2cb: {  	v30 =	vld [tilespmem:s19+$0x1C380];
	_ =	sdelay $0x1  }
0x2cc: {  	v1 =	vtrunc.f32 v0;
	v3 =	vtrunc.f32 v2  }
0x2cd: {  	v4 =	vcvt.f32.s32 v1;
	v3 =	vcvt.f32.s32 v3  }
0x2ce: {  	v35 =	vtrunc.f32 v31  }
0x2cf: {  	v34 =	vtrunc.f32 v30;
	v1 =	vadd.s32 $0x1, v4;
	v5 =	vshll.u32 v3, $0x8  }
0x2d0: {  	v6 =	vadd.s32 $0x1, v3;
	v7 =	vshll.u32 v4, $0x3;
	v8 =	vshll.u32 v3, $0x7  }
0x2d1: {  	v11 =	vand.u32 $0x7F, v4;
	v4 =	vcvt.s32.f32 v4;
	v5 =	vand.u32 $0xFFFFF800, v5  }
0x2d2: {  	v7 =	vand.u32 $0xFFFFFC00, v7;
	v9 =	vshll.u32 v1, $0x3;
	v8 =	vand.u32 $0x380, v8  }
0x2d3: {  	v12 =	vand.u32 $0x7F, v1;
	v13 =	vshll.u32 v6, $0x8;
	v6 =	vshll.u32 v6, $0x7  }
0x2d4: {  	v10 =	vadd.s32 v7, v5;
	v9 =	vand.u32 $0xFFFFFC00, v9;
	v13 =	vand.u32 $0xFFFFF800, v13  }
0x2d5: {  	v6 =	vand.u32 $0x380, v6;
	v10 =	vor.u32 v8, v10;
	v5 =	vadd.s32 v9, v5  }
0x2d6: {  	v7 =	vadd.s32 v7, v13;
	v9 =	vadd.s32 v9, v13;
	v10 =	vor.u32 v11, v10  }
0x2d7: {  	v29 =	vor.u32 v8, v5;
	v7 =	vor.u32 v6, v7;
	v6 =	vor.u32 v6, v9  }
0x2d8: {  	v8 =	vor.u32 v12, v29;
	v6 =	vor.u32 v12, v6;
	v12 =	vcvt.f32.s32 v35  }
0x2d9: {  	v7 =	vor.u32 v11, v7;
	v11 =	vcvt.f32.s32 v34  }
0x2da: {  	v44 =	vld [tilespmem:s19+$0x1C700];
	v0 =	vsub.f32 v0, v4;
	v36 =	vshll.u32 v12, $0x8  }
0x2db: {  	v61 =	vld [tilespmem:s19+$0x1CA80];
	v14 =	vshll.u32 v11, $0x3;
	v16 =	vshll.u32 v12, $0x7;
	v19 =	vadd.s32 $0x1, v11  }
0x2dc: {  	v20 =	vand.u32 $0x7F, v11;
	v21 =	vadd.s32 $0x1, v12;
	v4 =	vand.u32 $0xFFFFF800, v36;
	v32 =	vld.idx.msk [tilespmem:v10+s3+$0x0], $0xffff  }
0x2dd: {  	v14 =	vand.u32 $0xFFFFFC00, v14;
	v16 =	vand.u32 $0x380, v16;
	v22 =	vshll.u32 v19, $0x3;
	v10 =	vld.idx.msk [tilespmem:v10+s8+$0x0], $0xffff  }
0x2de: {  	v19 =	vand.u32 $0x7F, v19;
	v23 =	vshll.u32 v21, $0x8;
	v18 =	vadd.s32 v14, v4;
	v33 =	vld.idx.msk [tilespmem:v8+s3+$0x0], $0xffff  }
0x2df: {  	v21 =	vshll.u32 v21, $0x7;
	v22 =	vand.u32 $0xFFFFFC00, v22;
	v15 =	vld.idx.msk [tilespmem:v7+s3+$0x0], $0xffff;
	v18 =	vor.u32 v16, v18  }
0x2e0: {  	v23 =	vand.u32 $0xFFFFF800, v23;
	v17 =	vld.idx.msk [tilespmem:v6+s3+$0x0], $0xffff;
	v4 =	vadd.s32 v22, v4;
	v18 =	vor.u32 v20, v18  }
0x2e1: {  	v37 =	vand.u32 $0x380, v21;
	v8 =	vld.idx.msk [tilespmem:v8+s8+$0x0], $0xffff;
	v14 =	vadd.s32 v14, v23;
	v4 =	vor.u32 v16, v4  }
0x2e2: {  	v7 =	vld.idx.msk [tilespmem:v7+s8+$0x0], $0xffff;
	v38 =	vadd.s32 v22, v23;
	v14 =	vor.u32 v37, v14;
	v4 =	vor.u32 v19, v4  }
0x2e3: {  	v6 =	vld.idx.msk [tilespmem:v6+s8+$0x0], $0xffff;
	v16 =	vor.u32 v37, v38;
	v14 =	vor.u32 v20, v14  }
0x2e4: {  	v3 =	vcvt.s32.f32 v3;
	v45 =	vcvt.s32.f32 v11;
	v11 =	vld [tilespmem:s2+$0x1B0];
	v16 =	vor.u32 v19, v16  }
0x2e5: {  	v40 =	vld.idx.msk [tilespmem:v18+s3+$0x0], $0xffff  }
0x2e6: {  	v48 =	vtrunc.f32 v44;
	v2 =	vsub.f32 v2, v3;
	v34 =	vtrunc.f32 v61;
	v51 =	vld.idx.msk [tilespmem:v18+s8+$0x0], $0xffff  }
0x2e7: {  	v12 =	vcvt.s32.f32 v12;
	v9 =	vsub.f32 v33, v32;
	v17 =	vsub.f32 v17, v15;
	v41 =	vld.idx.msk [tilespmem:v4+s3+$0x0], $0xffff  }
0x2e8: {  	v36 =	vcvt.f32.s32 v34;
	v8 =	vsub.f32 v8, v10;
	v6 =	vsub.f32 v6, v7;
	v43 =	vld.idx.msk [tilespmem:v14+s3+$0x0], $0xffff  }
0x2e9: {  	v5 =	vsub.f32 v30, v45;
	v9 =	vmul.f32 v9, v0;
	v17 =	vmul.f32 v17, v0;
	v46 =	vld.idx.msk [tilespmem:v16+s3+$0x0], $0xffff  }
0x2ea: {  	v1 =	vsub.f32 v31, v12;
	v8 =	vmul.f32 v8, v0;
	v0 =	vmul.f32 v6, v0;
	v4 =	vld.idx.msk [tilespmem:v4+s8+$0x0], $0xffff  }
0x2eb: {  	v27 =	vadd.s32 $0x1, v36;
	v14 =	vld.idx.msk [tilespmem:v14+s8+$0x0], $0xffff;
	v9 =	vadd.f32 v9, v32;
	v39 =	vadd.f32 v17, v15  }
0x2ec: {  	v28 =	vand.u32 $0x7F, v36;
	v16 =	vld.idx.msk [tilespmem:v16+s8+$0x0], $0xffff;
	v8 =	vadd.f32 v8, v10;
	v0 =	vadd.f32 v0, v7  }
0x2ed: {  	v30 =	vshll.u32 v27, $0x3;
	v27 =	vand.u32 $0x7F, v27;
	v49 =	vtrunc.f32 v11  }
0x2ee: {  	v30 =	vand.u32 $0xFFFFFC00, v30;
	v42 =	vsub.f32 v39, v9;
	v0 =	vsub.f32 v0, v8  }
0x2ef: {  	v39 =	vshll.u32 v36, $0x3;
	v6 =	vsub.f32 v41, v40;
	v50 =	vsub.f32 v46, v43  }
0x2f0: {  	v4 =	vsub.f32 v4, v51;
	v3 =	vmul.f32 v42, v2;
	v0 =	vmul.f32 v0, v2  }
0x2f1: {  	v16 =	vsub.f32 v16, v14;
	v47 =	vmul.f32 v6, v5;
	v6 =	vcvt.f32.s32 v48  }
0x2f2: {  	v15 =	vand.u32 $0xFFFFFC00, v39;
	v10 =	vmul.f32 v50, v5;
	v4 =	vmul.f32 v4, v5  }
0x2f3: {  	v5 =	vmul.f32 v16, v5;
	v3 =	vadd.f32 v3, v9;
	v9 =	vcvt.f32.s32 v49  }
0x2f4: {  	v8 =	vadd.f32 v0, v8;
	v2 =	vadd.f32 v47, v40;
	v52 =	vadd.s32 $0x1, v6  }
0x2f5: {  	v55 =	vshll.u32 v6, $0x3;
	v59 =	vand.u32 $0x7F, v6;
	v10 =	vadd.f32 v10, v43  }
0x2f6: {  	v6 =	vcvt.s32.f32 v6;
	v4 =	vadd.f32 v4, v51;
	v5 =	vadd.f32 v5, v14  }
0x2f7: {  	v3 =	vadd.f32 $0.0e+00, v3;
	v53 =	vshll.u32 v9, $0x8;
	v54 =	vadd.s32 $0x1, v9  }
0x2f8: {  	v19 =	vand.u32 $0xFFFFFC00, v55;
	v56 =	vshll.u32 v9, $0x7;
	v57 =	vshll.u32 v52, $0x3  }
0x2f9: {  	v24 =	vand.u32 $0x7F, v52;
	v9 =	vcvt.s32.f32 v9;
	v8 =	vadd.f32 $0.0e+00, v8  }
0x2fa: {  	v17 =	vand.u32 $0xFFFFF800, v53;
	v20 =	vand.u32 $0x380, v56;
	v21 =	vand.u32 $0xFFFFFC00, v57  }
0x2fb: {  	v0 =	vld [tilespmem:s2+$0x530];
	v25 =	vshll.u32 v54, $0x8;
	v18 =	vshll.u32 v54, $0x7;
	v10 =	vsub.f32 v10, v2  }
0x2fc: {  	v6 =	vsub.f32 v44, v6;
	v5 =	vsub.f32 v5, v4;
	v54 =	vcvt.s32.f32 v36  }
0x2fd: {  	v12 =	vld [tilespmem:s2+$0xFFFFFAC0];
	v58 =	vadd.s32 v19, v17;
	v17 =	vadd.s32 v21, v17;
	v62 =	vand.u32 $0xFFFFF800, v25  }
0x2fe: {  	v18 =	vand.u32 $0x380, v18;
	v9 =	vsub.f32 v11, v9;
	v22 =	vor.u32 v20, v58  }
0x2ff: {  	v60 =	vor.u32 v20, v17;
	v19 =	vadd.s32 v19, v62;
	v22 =	vor.u32 v59, v22  }
0x300: {  	v13 =	vadd.s32 v21, v62;
	v35 =	vtrunc.f32 v0;
	v20 =	vor.u32 v24, v60  }
0x301: {  	v10 =	vmul.f32 v10, v1;
	v1 =	vmul.f32 v5, v1;
	v19 =	vor.u32 v18, v19  }
0x302: {  	v53 =	vld [tilespmem:s2+$0xFFFFF900];
	v13 =	vor.u32 v18, v13;
	v37 =	vcvt.f32.s32 v35;
	v60 =	vtrunc.f32 v12  }
0x303: {  	v17 =	vld [tilespmem:s2+$0xFFFFFC80];
	v19 =	vor.u32 v59, v19;
	v13 =	vor.u32 v24, v13;
	v2 =	vadd.f32 v10, v2  }
0x304: {  	v1 =	vadd.f32 v1, v4;
	v10 =	vsub.f32 v61, v54;
	v38 =	vshll.u32 v37, $0x8;
	v63 =	vld.idx.msk [tilespmem:v22+s3+$0x0], $0xffff  }
0x305: {  	v62 =	vcvt.f32.s32 v60;
	v24 =	vshll.u32 v37, $0x7;
	v7 =	vand.u32 $0xFFFFF800, v38;
	v33 =	vld.idx.msk [tilespmem:v20+s3+$0x0], $0xffff  }
0x306: {  	v29 =	vadd.s32 $0x1, v37;
	v24 =	vand.u32 $0x380, v24;
	v26 =	vadd.s32 v15, v7;
	v22 =	vld.idx.msk [tilespmem:v22+s8+$0x0], $0xffff  }
0x307: {  	v59 =	vtrunc.f32 v53;
	v7 =	vadd.s32 v30, v7;
	v26 =	vor.u32 v24, v26;
	v20 =	vld.idx.msk [tilespmem:v20+s8+$0x0], $0xffff  }
0x308: {  	v31 =	vshll.u32 v29, $0x8;
	v7 =	vor.u32 v24, v7;
	v40 =	vld.idx.msk [tilespmem:v19+s3+$0x0], $0xffff;
	v26 =	vor.u32 v28, v26  }
0x309: {  	v29 =	vshll.u32 v29, $0x7;
	v31 =	vand.u32 $0xFFFFF800, v31;
	v41 =	vld.idx.msk [tilespmem:v13+s3+$0x0], $0xffff;
	v7 =	vor.u32 v27, v7  }
0x30a: {  	v2 =	vadd.f32 v2, v3;
	v42 =	vand.u32 $0x380, v29;
	v15 =	vadd.s32 v15, v31;
	v19 =	vld.idx.msk [tilespmem:v19+s8+$0x0], $0xffff  }
0x30b: {  	v4 =	vadd.f32 v1, v8;
	v46 =	vadd.s32 v30, v31;
	v13 =	vld.idx.msk [tilespmem:v13+s8+$0x0], $0xffff;
	v15 =	vor.u32 v42, v15  }
0x30c: {  	v3 =	vld [tilespmem:s2+$0xFFFFFE40];
	v34 =	vadd.s32 $0x1, v62;
	v24 =	vor.u32 v42, v46;
	v43 =	vor.u32 v28, v15  }
0x30d: {  	v11 =	vcvt.s32.f32 v62;
	v29 =	vshll.u32 v62, $0x7;
	v48 =	vor.u32 v27, v24;
	v47 =	vld.idx.msk [tilespmem:v26+s3+$0x0], $0xffff  }
0x30e: {  	v36 =	vshll.u32 v34, $0x8;
	v18 =	vsub.f32 v33, v63;
	v20 =	vsub.f32 v20, v22;
	v49 =	vld.idx.msk [tilespmem:v7+s3+$0x0], $0xffff  }
0x30f: {  	v23 =	vshll.u32 v34, $0x7;
	v38 =	vtrunc.f32 v17;
	v25 =	vsub.f32 v41, v40;
	v26 =	vld.idx.msk [tilespmem:v26+s8+$0x0], $0xffff  }
0x310: {  	v13 =	vsub.f32 v13, v19;
	v7 =	vld.idx.msk [tilespmem:v7+s8+$0x0], $0xffff;
	v44 =	vmul.f32 v18, v6;
	v20 =	vmul.f32 v20, v6  }
0x311: {  	v27 =	vshll.u32 v62, $0x8;
	v39 =	vtrunc.f32 v3;
	v51 =	vld.idx.msk [tilespmem:v43+s3+$0x0], $0xffff;
	v45 =	vmul.f32 v25, v6  }
0x312: {  	v56 =	vld.idx.msk [tilespmem:v48+s3+$0x0], $0xffff;
	v6 =	vmul.f32 v13, v6;
	v15 =	vadd.f32 v44, v63;
	v52 =	vadd.f32 v20, v22  }
0x313: {  	v14 =	vld.idx.msk [tilespmem:v43+s8+$0x0], $0xffff;
	v63 =	vcvt.s32.f32 v37;
	v37 =	vand.u32 $0x380, v23;
	v23 =	vcvt.f32.s32 v38  }
0x314: {  	v21 =	vld.idx.msk [tilespmem:v48+s8+$0x0], $0xffff;
	v16 =	vadd.f32 v45, v40;
	v6 =	vadd.f32 v6, v19;
	v40 =	vcvt.f32.s32 v39  }
0x315: {  	v13 =	vsub.f32 v49, v47;
	v42 =	vshll.u32 v23, $0x3;
	v7 =	vsub.f32 v7, v26  }
0x316: {  	v46 =	vadd.s32 $0x1, v23;
	v0 =	vsub.f32 v0, v63;
	v50 =	vsub.f32 v16, v15  }
0x317: {  	v6 =	vsub.f32 v6, v52;
	v61 =	vsub.f32 v56, v51;
	v41 =	vshll.u32 v40, $0x8  }
0x318: {  	v20 =	vand.u32 $0xFFFFFC00, v42;
	v43 =	vshll.u32 v40, $0x7;
	v55 =	vmul.f32 v50, v9  }
0x319: {  	v21 =	vsub.f32 v21, v14;
	v58 =	vmul.f32 v13, v10;
	v6 =	vmul.f32 v6, v9  }
0x31a: {  	v25 =	vmul.f32 v61, v10;
	v9 =	vand.u32 $0xFFFFF800, v27;
	v57 =	vadd.f32 v55, v15  }
0x31b: {  	v54 =	vmul.f32 v21, v10;
	v8 =	vadd.f32 v58, v47;
	v47 =	vand.u32 $0x7F, v23  }
0x31c: {  	v16 =	vadd.f32 v25, v51;
	v1 =	vadd.f32 v57, v2;
	v2 =	vcvt.f32.s32 v59  }
0x31d: {  	v5 =	vadd.f32 v6, v52;
	v15 =	vand.u32 $0x380, v29;
	v25 =	vand.u32 $0xFFFFF800, v36  }
0x31e: {  	v29 =	vand.u32 $0x7F, v46;
	v16 =	vsub.f32 v16, v8;
	v28 =	vshll.u32 v2, $0x3  }
0x31f: {  	v31 =	vadd.s32 $0x1, v2;
	v32 =	vand.u32 $0x7F, v2;
	v2 =	vcvt.s32.f32 v2  }
0x320: {  	v13 =	vand.u32 $0xFFFFFC00, v28;
	v35 =	vshll.u32 v31, $0x3;
	v18 =	vand.u32 $0x7F, v31  }
0x321: {  	v30 =	vadd.s32 v13, v9;
	v24 =	vand.u32 $0xFFFFFC00, v35;
	v13 =	vadd.s32 v13, v25  }
0x322: {  	v19 =	vsub.f32 v53, v2;
	v53 =	vmul.f32 v7, v10;
	v33 =	vor.u32 v15, v30  }
0x323: {  	v7 =	vadd.f32 v54, v14;
	v13 =	vor.u32 v37, v13;
	v22 =	vor.u32 v32, v33  }
0x324: {  	v9 =	vadd.s32 v24, v9;
	v24 =	vadd.s32 v24, v25;
	v13 =	vor.u32 v32, v13  }
0x325: {  	v9 =	vor.u32 v15, v9;
	v15 =	vor.u32 v37, v24;
	v6 =	vadd.f32 v53, v26  }
0x326: {  	v24 =	vand.u32 $0x380, v43;
	v32 =	vadd.s32 $0x1, v40;
	v33 =	vshll.u32 v46, $0x3  }
0x327: {  	v9 =	vor.u32 v18, v9;
	v15 =	vor.u32 v18, v15;
	v62 =	vsub.f32 v7, v6;
	v7 =	vld [tilespmem:s2+$0x0]  }
0x328: {  	v18 =	vand.u32 $0xFFFFF800, v41;
	v33 =	vand.u32 $0xFFFFFC00, v33;
	v35 =	vshll.u32 v32, $0x8;
	v45 =	vld.idx.msk [tilespmem:v22+s3+$0x0], $0xffff  }
0x329: {  	v32 =	vshll.u32 v32, $0x7;
	v44 =	vadd.s32 v20, v18;
	v18 =	vadd.s32 v33, v18;
	v34 =	vld.idx.msk [tilespmem:v13+s3+$0x0], $0xffff  }
0x32a: {  	v35 =	vand.u32 $0xFFFFF800, v35;
	v49 =	vand.u32 $0x380, v32;
	v27 =	vor.u32 v24, v44;
	v22 =	vld.idx.msk [tilespmem:v22+s8+$0x0], $0xffff  }
0x32b: {  	v18 =	vor.u32 v24, v18;
	v20 =	vadd.s32 v20, v35;
	v27 =	vor.u32 v47, v27;
	v13 =	vld.idx.msk [tilespmem:v13+s8+$0x0], $0xffff  }
0x32c: {  	v50 =	vadd.s32 v33, v35;
	v18 =	vor.u32 v29, v18;
	v20 =	vor.u32 v49, v20;
	v48 =	vld.idx.msk [tilespmem:v9+s3+$0x0], $0xffff  }
0x32d: {  	v24 =	vor.u32 v49, v50;
	v20 =	vor.u32 v47, v20;
	v36 =	vld.idx.msk [tilespmem:v15+s3+$0x0], $0xffff  }
0x32e: {  	v16 =	vmul.f32 v16, v0;
	v24 =	vor.u32 v29, v24;
	v9 =	vld.idx.msk [tilespmem:v9+s8+$0x0], $0xffff  }
0x32f: {  	v15 =	vld.idx.msk [tilespmem:v15+s8+$0x0], $0xffff  }
0x330: {  	v31 =	vcvt.s32.f32 v23;
	v8 =	vadd.f32 v16, v8;
	v55 =	vld.idx.msk [tilespmem:v27+s3+$0x0], $0xffff  }
0x331: {  	v11 =	vsub.f32 v12, v11;
	v4 =	vadd.f32 v5, v4;
	v0 =	vmul.f32 v62, v0;
	v57 =	vld.idx.msk [tilespmem:v18+s3+$0x0], $0xffff  }
0x332: {  	v1 =	vadd.f32 v8, v1;
	v33 =	vsub.f32 v17, v31;
	v58 =	vld.idx.msk [tilespmem:v20+s3+$0x0], $0xffff  }
0x333: {  	v0 =	vadd.f32 v0, v6;
	v61 =	vld.idx.msk [tilespmem:v24+s3+$0x0], $0xffff;
	v51 =	vsub.f32 v48, v45  }
0x334: {  	v52 =	vsub.f32 v36, v34;
	v28 =	vsub.f32 v9, v22  }
0x335: {  	v37 =	vtrunc.f32 v7;
	v50 =	vld.idx.msk [tilespmem:v20+s8+$0x0], $0xffff;
	v30 =	vsub.f32 v15, v13;
	v2 =	vmul.f32 v51, v19  }
0x336: {  	v0 =	vadd.f32 v0, v4;
	v53 =	vld.idx.msk [tilespmem:v24+s8+$0x0], $0xffff;
	v56 =	vmul.f32 v52, v19;
	v5 =	vmul.f32 v28, v19  }
0x337: {  	v27 =	vld.idx.msk [tilespmem:v27+s8+$0x0], $0xffff;
	v32 =	vmul.f32 v30, v19;
	v35 =	vsub.f32 v57, v55;
	v59 =	vadd.f32 v2, v45  }
0x338: {  	v18 =	vld.idx.msk [tilespmem:v18+s8+$0x0], $0xffff;
	v19 =	vcvt.f32.s32 v37;
	v60 =	vadd.f32 v56, v34;
	v36 =	vsub.f32 v61, v58  }
0x339: {  	v34 =	vcvt.s32.f32 v40;
	v5 =	vadd.f32 v5, v22;
	v6 =	vadd.f32 v32, v13  }
0x33a: {  	v2 =	vld [tilespmem:s2+$0x1C0];
	v41 =	vadd.s32 $0x1, v19;
	v43 =	vshll.u32 v19, $0x3;
	v47 =	vand.u32 $0x7F, v19  }
0x33b: {  	v61 =	vsub.f32 v53, v50;
	v39 =	vmul.f32 v35, v33;
	v23 =	vand.u32 $0xFFFFFC00, v43  }
0x33c: {  	v46 =	vshll.u32 v41, $0x3;
	v17 =	vand.u32 $0x7F, v41;
	v63 =	vsub.f32 v60, v59  }
0x33d: {  	v40 =	vmul.f32 v36, v33;
	v6 =	vsub.f32 v6, v5;
	v60 =	vsub.f32 v18, v27;
	v18 =	vld [tilespmem:s2+$0x380]  }
0x33e: {  	v15 =	vsub.f32 v3, v34;
	v3 =	vld [tilespmem:s2+$0x540];
	v10 =	vadd.f32 v39, v55;
	v12 =	vmul.f32 v63, v11  }
0x33f: {  	v14 =	vadd.f32 v40, v58;
	v56 =	vmul.f32 v6, v11;
	v38 =	vtrunc.f32 v2  }
0x340: {  	v29 =	vand.u32 $0xFFFFFC00, v46;
	v62 =	vmul.f32 v60, v33;
	v21 =	vcvt.f32.s32 v38  }
0x341: {  	v55 =	vsub.f32 v14, v10;
	v4 =	vadd.f32 v56, v5;
	v5 =	vmul.f32 v61, v33  }
0x342: {  	v58 =	vadd.f32 v12, v59;
	v33 =	vcvt.s32.f32 v19;
	v35 =	vtrunc.f32 v18  }
0x343: {  	v36 =	vtrunc.f32 v3;
	v42 =	vshll.u32 v21, $0x8;
	v44 =	vshll.u32 v21, $0x7  }
0x344: {  	v48 =	vadd.s32 $0x1, v21;
	v59 =	vmul.f32 v55, v15;
	v8 =	vadd.f32 $0.0e+00, v58  }
0x345: {  	v4 =	vadd.f32 $0.0e+00, v4;
	v5 =	vadd.f32 v5, v50;
	v9 =	vcvt.f32.s32 v35  }
0x346: {  	v7 =	vsub.f32 v7, v33;
	v11 =	vcvt.f32.s32 v36;
	v13 =	vcvt.s32.f32 v21  }
0x347: {  	v22 =	vand.u32 $0xFFFFF800, v42;
	v25 =	vand.u32 $0x380, v44;
	v49 =	vshll.u32 v48, $0x8  }
0x348: {  	v31 =	vshll.u32 v48, $0x7;
	v45 =	vadd.s32 v23, v22;
	v22 =	vadd.s32 v29, v22  }
0x349: {  	v52 =	vand.u32 $0x380, v31;
	v10 =	vadd.f32 v59, v10;
	v37 =	vadd.s32 $0x1, v9  }
0x34a: {  	v38 =	vshll.u32 v11, $0x8;
	v39 =	vshll.u32 v9, $0x3;
	v40 =	vshll.u32 v11, $0x7  }
0x34b: {  	v41 =	vadd.s32 $0x1, v11;
	v43 =	vand.u32 $0x7F, v9;
	v28 =	vor.u32 v25, v45  }
0x34c: {  	v22 =	vor.u32 v25, v22;
	v25 =	vand.u32 $0xFFFFF800, v49;
	v21 =	vand.u32 $0xFFFFF800, v38  }
0x34d: {  	v24 =	vand.u32 $0x380, v40;
	v44 =	vshll.u32 v37, $0x3;
	v45 =	vshll.u32 v41, $0x8  }
0x34e: {  	v19 =	vand.u32 $0x7F, v37;
	v46 =	vshll.u32 v41, $0x7;
	v28 =	vor.u32 v47, v28  }
0x34f: {  	v22 =	vor.u32 v17, v22;
	v51 =	vadd.s32 v23, v25;
	v54 =	vadd.s32 v29, v25  }
0x350: {  	v8 =	vadd.f32 v10, v8;
	v10 =	vadd.f32 v62, v27;
	v25 =	vld [tilespmem:s2+$0xFFFFF910];
	v31 =	vand.u32 $0xFFFFFC00, v44  }
0x351: {  	v29 =	vld [tilespmem:s2+$0xFFFFFAD0];
	v32 =	vand.u32 $0xFFFFF800, v45;
	v20 =	vor.u32 v52, v51;
	v23 =	vor.u32 v52, v54  }
0x352: {  	v49 =	vadd.s32 v31, v32;
	v17 =	vor.u32 v17, v23;
	v23 =	vand.u32 $0xFFFFFC00, v39  }
0x353: {  	v20 =	vor.u32 v47, v20;
	v5 =	vsub.f32 v5, v10;
	v42 =	vadd.s32 v23, v21  }
0x354: {  	v21 =	vadd.s32 v31, v21;
	v23 =	vadd.s32 v23, v32;
	v27 =	vor.u32 v24, v42;
	v14 =	vld.idx.msk [tilespmem:v28+s3+$0x0], $0xffff  }
0x355: {  	v21 =	vor.u32 v24, v21;
	v24 =	vand.u32 $0x380, v46;
	v5 =	vmul.f32 v5, v15;
	v57 =	vld.idx.msk [tilespmem:v22+s3+$0x0], $0xffff  }
0x356: {  	v27 =	vor.u32 v43, v27;
	v47 =	vtrunc.f32 v25;
	v48 =	vtrunc.f32 v29;
	v28 =	vld.idx.msk [tilespmem:v28+s8+$0x0], $0xffff  }
0x357: {  	v23 =	vor.u32 v24, v23;
	v22 =	vld.idx.msk [tilespmem:v22+s8+$0x0], $0xffff;
	v26 =	vcvt.f32.s32 v47;
	v33 =	vcvt.f32.s32 v48  }
0x358: {  	v21 =	vor.u32 v19, v21;
	v24 =	vor.u32 v24, v49;
	v23 =	vor.u32 v43, v23;
	v63 =	vld.idx.msk [tilespmem:v20+s3+$0x0], $0xffff  }
0x359: {  	v19 =	vor.u32 v19, v24;
	v34 =	vld.idx.msk [tilespmem:v17+s3+$0x0], $0xffff;
	v50 =	vshll.u32 v33, $0x8;
	v51 =	vshll.u32 v26, $0x3  }
0x35a: {  	v20 =	vld.idx.msk [tilespmem:v20+s8+$0x0], $0xffff;
	v52 =	vshll.u32 v33, $0x7;
	v54 =	vadd.s32 $0x1, v26;
	v55 =	vand.u32 $0x7F, v26  }
0x35b: {  	v17 =	vld.idx.msk [tilespmem:v17+s8+$0x0], $0xffff;
	v56 =	vadd.s32 $0x1, v33;
	v30 =	vand.u32 $0xFFFFF800, v50;
	v31 =	vand.u32 $0xFFFFFC00, v51  }
0x35c: {  	v32 =	vand.u32 $0x380, v52;
	v37 =	vshll.u32 v54, $0x3;
	v38 =	vshll.u32 v56, $0x8;
	v39 =	vld.idx.msk [tilespmem:v27+s3+$0x0], $0xffff  }
0x35d: {  	v36 =	vshll.u32 v56, $0x7;
	v6 =	vsub.f32 v57, v14;
	v53 =	vadd.s32 v31, v30;
	v40 =	vld.idx.msk [tilespmem:v21+s3+$0x0], $0xffff  }
0x35e: {  	v37 =	vand.u32 $0xFFFFFC00, v37;
	v38 =	vand.u32 $0xFFFFF800, v38;
	v60 =	vsub.f32 v22, v28;
	v22 =	vld.idx.msk [tilespmem:v27+s8+$0x0], $0xffff  }
0x35f: {  	v57 =	vand.u32 $0x380, v36;
	v24 =	vor.u32 v32, v53;
	v30 =	vadd.s32 v37, v30;
	v58 =	vld.idx.msk [tilespmem:v23+s3+$0x0], $0xffff  }
0x360: {  	v31 =	vadd.s32 v31, v38;
	v59 =	vld.idx.msk [tilespmem:v19+s3+$0x0], $0xffff;
	v16 =	vsub.f32 v34, v63;
	v24 =	vor.u32 v55, v24  }
0x361: {  	v37 =	vadd.s32 v37, v38;
	v56 =	vld.idx.msk [tilespmem:v19+s8+$0x0], $0xffff;
	v34 =	vand.u32 $0x7F, v54;
	v30 =	vor.u32 v32, v30  }
0x362: {  	v31 =	vor.u32 v57, v31;
	v54 =	vld.idx.msk [tilespmem:v23+s8+$0x0], $0xffff;
	v30 =	vor.u32 v34, v30;
	v16 =	vmul.f32 v16, v7  }
0x363: {  	v9 =	vcvt.s32.f32 v9;
	v32 =	vor.u32 v57, v37;
	v23 =	vld [tilespmem:s2+$0xFFFFFC90];
	v31 =	vor.u32 v55, v31  }
0x364: {  	v5 =	vadd.f32 v5, v10;
	v61 =	vor.u32 v34, v32;
	v12 =	vadd.f32 v16, v63;
	v63 =	vld.idx.msk [tilespmem:v21+s8+$0x0], $0xffff  }
0x365: {  	v13 =	vsub.f32 v2, v13;
	v9 =	vsub.f32 v18, v9;
	v6 =	vmul.f32 v6, v7;
	v32 =	vld.idx.msk [tilespmem:v24+s3+$0x0], $0xffff  }
0x366: {  	v4 =	vadd.f32 v5, v4;
	v62 =	vsub.f32 v17, v20;
	v45 =	vld.idx.msk [tilespmem:v24+s8+$0x0], $0xffff  }
0x367: {  	v6 =	vadd.f32 v6, v14;
	v43 =	vsub.f32 v40, v39;
	v34 =	vld.idx.msk [tilespmem:v30+s3+$0x0], $0xffff  }
0x368: {  	v21 =	vmul.f32 v60, v7;
	v7 =	vmul.f32 v62, v7;
	v44 =	vsub.f32 v59, v58;
	v37 =	vld.idx.msk [tilespmem:v31+s3+$0x0], $0xffff  }
0x369: {  	v55 =	vcvt.s32.f32 v26;
	v48 =	vmul.f32 v43, v9;
	v12 =	vsub.f32 v12, v6;
	v42 =	vld.idx.msk [tilespmem:v61+s3+$0x0], $0xffff  }
0x36a: {  	v35 =	vadd.f32 v21, v28;
	v7 =	vadd.f32 v7, v20;
	v47 =	vld.idx.msk [tilespmem:v30+s8+$0x0], $0xffff;
	v49 =	vmul.f32 v44, v9  }
0x36b: {  	v19 =	vsub.f32 v56, v54;
	v52 =	vld.idx.msk [tilespmem:v61+s8+$0x0], $0xffff;
	v61 =	vcvt.s32.f32 v33;
	v5 =	vadd.f32 v48, v39  }
0x36c: {  	v50 =	vld.idx.msk [tilespmem:v31+s8+$0x0], $0xffff;
	v41 =	vmul.f32 v12, v13;
	v46 =	vsub.f32 v7, v35;
	v53 =	vadd.f32 v49, v58  }
0x36d: {  	v51 =	vcvt.s32.f32 v11;
	v58 =	vsub.f32 v25, v55;
	v24 =	vsub.f32 v29, v61  }
0x36e: {  	v29 =	vtrunc.f32 v23;
	v17 =	vsub.f32 v63, v22;
	v2 =	vadd.f32 v41, v6  }
0x36f: {  	v6 =	vmul.f32 v46, v13;
	v57 =	vsub.f32 v53, v5;
	v15 =	vsub.f32 v34, v32  }
0x370: {  	v13 =	vcvt.f32.s32 v29;
	v12 =	vsub.f32 v42, v37;
	v7 =	vsub.f32 v47, v45  }
0x371: {  	v11 =	vsub.f32 v52, v50;
	v25 =	vmul.f32 v17, v9;
	v9 =	vmul.f32 v19, v9  }
0x372: {  	v2 =	vadd.f32 v2, v8;
	v10 =	vadd.f32 v6, v35;
	v31 =	vcvt.s32.f32 v13  }
0x373: {  	v6 =	vsub.f32 v3, v51;
	v15 =	vmul.f32 v15, v58;
	v12 =	vmul.f32 v12, v58  }
0x374: {  	v59 =	vmul.f32 v7, v58;
	v60 =	vmul.f32 v11, v58;
	v9 =	vadd.f32 v9, v54  }
0x375: {  	v11 =	vld [tilespmem:s2+$0xFFFFFE50];
	v8 =	vmul.f32 v57, v6;
	v3 =	vadd.f32 v10, v4;
	v62 =	vadd.f32 v15, v32  }
0x376: {  	v33 =	vshll.u32 v13, $0x3;
	v12 =	vadd.f32 v12, v37;
	v63 =	vadd.f32 v59, v45  }
0x377: {  	v19 =	vld [tilespmem:s2+$0x10];
	v36 =	vadd.s32 $0x1, v13;
	v21 =	vadd.f32 v60, v50;
	v4 =	vadd.f32 v8, v5  }
0x378: {  	v13 =	vand.u32 $0x7F, v13;
	v5 =	vadd.f32 v25, v22;
	v12 =	vsub.f32 v12, v62  }
0x379: {  	v16 =	vand.u32 $0xFFFFFC00, v33;
	v39 =	vshll.u32 v36, $0x3;
	v26 =	vsub.f32 v21, v63  }
0x37a: {  	v30 =	vtrunc.f32 v11;
	v10 =	vsub.f32 v9, v5;
	v27 =	vmul.f32 v12, v24  }
0x37b: {  	v20 =	vand.u32 $0x7F, v36;
	v28 =	vmul.f32 v26, v24;
	v14 =	vcvt.f32.s32 v30  }
0x37c: {  	v18 =	vsub.f32 v23, v31;
	v42 =	vtrunc.f32 v19;
	v6 =	vmul.f32 v10, v6  }
0x37d: {  	v12 =	vadd.f32 v27, v62;
	v8 =	vadd.f32 v28, v63;
	v32 =	vshll.u32 v14, $0x8  }
0x37e: {  	v34 =	vshll.u32 v14, $0x7;
	v37 =	vadd.s32 $0x1, v14;
	v14 =	vcvt.s32.f32 v14  }
0x37f: {  	v15 =	vand.u32 $0xFFFFF800, v32;
	v17 =	vand.u32 $0x380, v34;
	v40 =	vshll.u32 v37, $0x8  }
0x380: {  	v21 =	vshll.u32 v37, $0x7;
	v6 =	vadd.f32 v6, v5;
	v5 =	vadd.f32 v4, v2  }
0x381: {  	v9 =	vadd.f32 $0.0e+00, v12;
	v8 =	vadd.f32 $0.0e+00, v8;
	v35 =	vadd.s32 v16, v15  }
0x382: {  	v27 =	vld [tilespmem:s2+$0x390];
	v23 =	vand.u32 $0xFFFFF800, v40;
	v41 =	vand.u32 $0x380, v21;
	v21 =	vcvt.f32.s32 v42  }
0x383: {  	v12 =	vld [tilespmem:s2+$0x1D0];
	v11 =	vsub.f32 v11, v14;
	v7 =	vor.u32 v17, v35;
	v16 =	vadd.s32 v16, v23  }
0x384: {  	v4 =	vadd.f32 v6, v3;
	v38 =	vor.u32 v13, v7;
	v7 =	vand.u32 $0xFFFFFC00, v39  }
0x385: {  	v16 =	vor.u32 v41, v16;
	v50 =	vshll.u32 v21, $0x3;
	v53 =	vadd.s32 $0x1, v21  }
0x386: {  	v57 =	vand.u32 $0x7F, v21;
	v15 =	vadd.s32 v7, v15;
	v7 =	vadd.s32 v7, v23  }
0x387: {  	v13 =	vor.u32 v13, v16;
	v58 =	vshll.u32 v53, $0x3;
	v24 =	vand.u32 $0x7F, v53  }
0x388: {  	v61 =	vtrunc.f32 v27;
	v7 =	vor.u32 v41, v7;
	v43 =	vtrunc.f32 v12  }
0x389: {  	v15 =	vor.u32 v17, v15;
	v44 =	vor.u32 v20, v7;
	v7 =	vld [tilespmem:s2+$0x550];
	v23 =	vcvt.f32.s32 v43  }
0x38a: {  	v17 =	vand.u32 $0xFFFFFC00, v50;
	v30 =	vand.u32 $0xFFFFFC00, v58;
	v15 =	vor.u32 v20, v15  }
0x38b: {  	v49 =	vshll.u32 v23, $0x8;
	v52 =	vshll.u32 v23, $0x7;
	v56 =	vadd.s32 $0x1, v23  }
0x38c: {  	v51 =	vand.u32 $0xFFFFF800, v49;
	v55 =	vand.u32 $0x380, v52;
	v59 =	vshll.u32 v56, $0x8  }
0x38d: {  	v28 =	vshll.u32 v56, $0x7;
	v54 =	vadd.s32 v17, v51;
	v31 =	vand.u32 $0xFFFFF800, v59  }
0x38e: {  	v20 =	vadd.s32 v30, v51;
	v28 =	vand.u32 $0x380, v28;
	v62 =	vtrunc.f32 v7  }
0x38f: {  	v60 =	vld.idx.msk [tilespmem:v38+s3+$0x0], $0xffff;
	v59 =	vcvt.s32.f32 v21;
	v25 =	vor.u32 v55, v54;
	v17 =	vadd.s32 v17, v31  }
0x390: {  	v22 =	vld.idx.msk [tilespmem:v38+s8+$0x0], $0xffff;
	v20 =	vor.u32 v55, v20;
	v30 =	vadd.s32 v30, v31;
	v31 =	vcvt.f32.s32 v62  }
0x391: {  	v45 =	vld.idx.msk [tilespmem:v13+s3+$0x0], $0xffff;
	v25 =	vor.u32 v57, v25;
	v17 =	vor.u32 v28, v17;
	v28 =	vor.u32 v28, v30  }
0x392: {  	v13 =	vld.idx.msk [tilespmem:v13+s8+$0x0], $0xffff;
	v30 =	vcvt.f32.s32 v61;
	v20 =	vor.u32 v24, v20;
	v17 =	vor.u32 v57, v17  }
0x393: {  	v63 =	vld.idx.msk [tilespmem:v15+s3+$0x0], $0xffff;
	v24 =	vor.u32 v24, v28;
	v48 =	vshll.u32 v31, $0x8;
	v50 =	vshll.u32 v31, $0x7  }
0x394: {  	v46 =	vld.idx.msk [tilespmem:v44+s3+$0x0], $0xffff;
	v51 =	vadd.s32 $0x1, v31;
	v47 =	vadd.s32 $0x1, v30;
	v49 =	vshll.u32 v30, $0x3  }
0x395: {  	v15 =	vld.idx.msk [tilespmem:v15+s8+$0x0], $0xffff;
	v34 =	vand.u32 $0xFFFFF800, v48;
	v36 =	vand.u32 $0x380, v50;
	v54 =	vshll.u32 v51, $0x8  }
0x396: {  	v16 =	vld.idx.msk [tilespmem:v44+s8+$0x0], $0xffff;
	v37 =	vshll.u32 v51, $0x7;
	v55 =	vand.u32 $0x7F, v30;
	v50 =	vcvt.s32.f32 v30  }
0x397: {  	v48 =	vcvt.s32.f32 v23;
	v30 =	vld [tilespmem:s2+$0xFFFFFE60];
	v35 =	vand.u32 $0xFFFFFC00, v49;
	v53 =	vshll.u32 v47, $0x3  }
0x398: {  	v40 =	vand.u32 $0xFFFFF800, v54;
	v39 =	vand.u32 $0xFFFFFC00, v53;
	v53 =	vsub.f32 v27, v50;
	v27 =	vld [tilespmem:s2+$0xFFFFFCA0]  }
0x399: {  	v37 =	vand.u32 $0x380, v37;
	v33 =	vsub.f32 v63, v60;
	v28 =	vsub.f32 v46, v45;
	v41 =	vld.idx.msk [tilespmem:v25+s3+$0x0], $0xffff  }
0x39a: {  	v29 =	vand.u32 $0x7F, v47;
	v15 =	vsub.f32 v15, v22;
	v52 =	vadd.s32 v35, v34;
	v42 =	vld.idx.msk [tilespmem:v20+s3+$0x0], $0xffff  }
0x39b: {  	v16 =	vsub.f32 v16, v13;
	v35 =	vadd.s32 v35, v40;
	v38 =	vor.u32 v36, v52;
	v25 =	vld.idx.msk [tilespmem:v25+s8+$0x0], $0xffff  }
0x39c: {  	v12 =	vsub.f32 v12, v48;
	v35 =	vor.u32 v37, v35;
	v20 =	vld.idx.msk [tilespmem:v20+s8+$0x0], $0xffff;
	v38 =	vor.u32 v55, v38  }
0x39d: {  	v34 =	vadd.s32 v39, v34;
	v33 =	vmul.f32 v33, v18;
	v35 =	vor.u32 v55, v35;
	v56 =	vld.idx.msk [tilespmem:v17+s3+$0x0], $0xffff  }
0x39e: {  	v39 =	vadd.s32 v39, v40;
	v28 =	vmul.f32 v28, v18;
	v15 =	vmul.f32 v15, v18;
	v57 =	vld.idx.msk [tilespmem:v24+s3+$0x0], $0xffff  }
0x39f: {  	v16 =	vmul.f32 v16, v18;
	v34 =	vor.u32 v36, v34;
	v37 =	vor.u32 v37, v39;
	v17 =	vld.idx.msk [tilespmem:v17+s8+$0x0], $0xffff  }
0x3a0: {  	v24 =	vld.idx.msk [tilespmem:v24+s8+$0x0], $0xffff;
	v34 =	vor.u32 v29, v34;
	v26 =	vadd.f32 v33, v60;
	v28 =	vadd.f32 v28, v45  }
0x3a1: {  	v58 =	vor.u32 v29, v37;
	v15 =	vadd.f32 v15, v22;
	v13 =	vadd.f32 v16, v13;
	v21 =	vld.idx.msk [tilespmem:v38+s3+$0x0], $0xffff  }
0x3a2: {  	v16 =	vsub.f32 v19, v59;
	v60 =	vsub.f32 v28, v26;
	v19 =	vld.idx.msk [tilespmem:v35+s3+$0x0], $0xffff  }
0x3a3: {  	v13 =	vsub.f32 v13, v15;
	v62 =	vsub.f32 v42, v41;
	v42 =	vld.idx.msk [tilespmem:v38+s8+$0x0], $0xffff  }
0x3a4: {  	v39 =	vsub.f32 v20, v25;
	v14 =	vmul.f32 v60, v11;
	v63 =	vsub.f32 v57, v56;
	v47 =	vld.idx.msk [tilespmem:v35+s8+$0x0], $0xffff  }
0x3a5: {  	v11 =	vmul.f32 v13, v11;
	v40 =	vsub.f32 v24, v17;
	v61 =	vld.idx.msk [tilespmem:v34+s3+$0x0], $0xffff;
	v43 =	vmul.f32 v62, v16  }
0x3a6: {  	v37 =	vld.idx.msk [tilespmem:v58+s3+$0x0], $0xffff;
	v13 =	vmul.f32 v39, v16;
	v14 =	vadd.f32 v14, v26;
	v44 =	vmul.f32 v63, v16  }
0x3a7: {  	v45 =	vld.idx.msk [tilespmem:v34+s8+$0x0], $0xffff;
	v11 =	vadd.f32 v11, v15;
	v46 =	vmul.f32 v40, v16;
	v23 =	vadd.f32 v43, v41  }
0x3a8: {  	v18 =	vld.idx.msk [tilespmem:v58+s8+$0x0], $0xffff;
	v62 =	vcvt.s32.f32 v31;
	v13 =	vadd.f32 v13, v25;
	v49 =	vadd.f32 v44, v56  }
0x3a9: {  	v43 =	vtrunc.f32 v27;
	v15 =	vadd.f32 v46, v17;
	v9 =	vadd.f32 v14, v9  }
0x3aa: {  	v25 =	vld [tilespmem:s2+$0xFFFFF920];
	v8 =	vadd.f32 v11, v8;
	v44 =	vtrunc.f32 v30;
	v51 =	vsub.f32 v49, v23  }
0x3ab: {  	v17 =	vld [tilespmem:s2+$0xFFFFFAE0];
	v28 =	vcvt.f32.s32 v43;
	v52 =	vsub.f32 v15, v13;
	v22 =	vsub.f32 v61, v21  }
0x3ac: {  	v54 =	vsub.f32 v37, v19;
	v55 =	vsub.f32 v45, v42;
	v20 =	vmul.f32 v51, v12  }
0x3ad: {  	v18 =	vsub.f32 v18, v47;
	v10 =	vmul.f32 v52, v12;
	v56 =	vmul.f32 v22, v53  }
0x3ae: {  	v50 =	vadd.s32 $0x1, v28;
	v57 =	vmul.f32 v54, v53;
	v58 =	vmul.f32 v55, v53  }
0x3af: {  	v59 =	vmul.f32 v18, v53;
	v60 =	vtrunc.f32 v25;
	v51 =	vand.u32 $0x7F, v28  }
0x3b0: {  	v53 =	vshll.u32 v50, $0x3;
	v61 =	vtrunc.f32 v17;
	v14 =	vadd.f32 v56, v21  }
0x3b1: {  	v15 =	vcvt.f32.s32 v60;
	v19 =	vadd.f32 v57, v19;
	v11 =	vadd.f32 v58, v42  }
0x3b2: {  	v18 =	vcvt.f32.s32 v61;
	v12 =	vadd.f32 v59, v47;
	v21 =	vsub.f32 v7, v62  }
0x3b3: {  	v47 =	vshll.u32 v28, $0x3;
	v20 =	vadd.f32 v20, v23;
	v10 =	vadd.f32 v10, v13  }
0x3b4: {  	v63 =	vadd.s32 $0x1, v15;
	v35 =	vshll.u32 v15, $0x3;
	v39 =	vand.u32 $0x7F, v15  }
0x3b5: {  	v34 =	vshll.u32 v18, $0x8;
	v24 =	vand.u32 $0xFFFFFC00, v35;
	v36 =	vshll.u32 v18, $0x7  }
0x3b6: {  	v37 =	vadd.s32 $0x1, v18;
	v40 =	vshll.u32 v63, $0x3;
	v16 =	vand.u32 $0x7F, v63  }
0x3b7: {  	v35 =	vand.u32 $0x7F, v50;
	v19 =	vsub.f32 v19, v14;
	v12 =	vsub.f32 v12, v11  }
0x3b8: {  	v9 =	vadd.f32 v20, v9;
	v8 =	vadd.f32 v10, v8;
	v22 =	vand.u32 $0xFFFFF800, v34  }
0x3b9: {  	v26 =	vand.u32 $0x380, v36;
	v32 =	vand.u32 $0xFFFFFC00, v40;
	v41 =	vshll.u32 v37, $0x8  }
0x3ba: {  	v42 =	vshll.u32 v37, $0x7;
	v34 =	vcvt.f32.s32 v44;
	v36 =	vcvt.s32.f32 v18  }
0x3bb: {  	v38 =	vadd.s32 v24, v22;
	v22 =	vadd.s32 v32, v22;
	v33 =	vand.u32 $0xFFFFF800, v41  }
0x3bc: {  	v61 =	vmul.f32 v19, v21;
	v12 =	vmul.f32 v12, v21;
	v29 =	vor.u32 v26, v38  }
0x3bd: {  	v41 =	vcvt.s32.f32 v28;
	v22 =	vor.u32 v26, v22;
	v29 =	vor.u32 v39, v29  }
0x3be: {  	v24 =	vadd.s32 v24, v33;
	v26 =	vand.u32 $0x380, v42;
	v22 =	vor.u32 v16, v22  }
0x3bf: {  	v45 =	vadd.s32 v32, v33;
	v46 =	vshll.u32 v34, $0x8;
	v11 =	vadd.f32 v12, v11  }
0x3c0: {  	v28 =	vld [tilespmem:s2+$0x3A0];
	v32 =	vand.u32 $0xFFFFFC00, v47;
	v48 =	vshll.u32 v34, $0x7;
	v24 =	vor.u32 v26, v24  }
0x3c1: {  	v26 =	vor.u32 v26, v45;
	v24 =	vor.u32 v39, v24;
	v2 =	vadd.f32 v11, v8;
	v8 =	vld [tilespmem:s2+$0x1E0]  }
0x3c2: {  	v52 =	vadd.s32 $0x1, v34;
	v38 =	vand.u32 $0xFFFFFC00, v53;
	v16 =	vor.u32 v16, v26;
	v54 =	vld.idx.msk [tilespmem:v29+s3+$0x0], $0xffff  }
0x3c3: {  	v17 =	vsub.f32 v17, v36;
	v31 =	vand.u32 $0xFFFFF800, v46;
	v33 =	vand.u32 $0x380, v48;
	v56 =	vld.idx.msk [tilespmem:v22+s3+$0x0], $0xffff  }
0x3c4: {  	v55 =	vshll.u32 v52, $0x8;
	v37 =	vshll.u32 v52, $0x7;
	v49 =	vadd.s32 v32, v31;
	v7 =	vld.idx.msk [tilespmem:v29+s8+$0x0], $0xffff  }
0x3c5: {  	v14 =	vadd.f32 v61, v14;
	v31 =	vadd.s32 v38, v31;
	v26 =	vor.u32 v33, v49;
	v22 =	vld.idx.msk [tilespmem:v22+s8+$0x0], $0xffff  }
0x3c6: {  	v45 =	vcvt.s32.f32 v34;
	v31 =	vor.u32 v33, v31;
	v26 =	vor.u32 v51, v26;
	v57 =	vld.idx.msk [tilespmem:v24+s3+$0x0], $0xffff  }
0x3c7: {  	v40 =	vand.u32 $0xFFFFF800, v55;
	v58 =	vand.u32 $0x380, v37;
	v31 =	vor.u32 v35, v31;
	v59 =	vld.idx.msk [tilespmem:v16+s3+$0x0], $0xffff  }
0x3c8: {  	v32 =	vadd.s32 v32, v40;
	v38 =	vadd.s32 v38, v40;
	v33 =	vcvt.s32.f32 v15;
	v13 =	vld.idx.msk [tilespmem:v24+s8+$0x0], $0xffff  }
0x3c9: {  	v3 =	vadd.f32 v14, v9;
	v32 =	vor.u32 v58, v32;
	v60 =	vor.u32 v58, v38;
	v38 =	vld.idx.msk [tilespmem:v16+s8+$0x0], $0xffff  }
0x3ca: {  	v14 =	vsub.f32 v27, v41;
	v29 =	vor.u32 v51, v32;
	v16 =	vld [tilespmem:s2+$0x20];
	v47 =	vtrunc.f32 v8  }
0x3cb: {  	v32 =	vor.u32 v35, v60;
	v60 =	vtrunc.f32 v28;
	v62 =	vld.idx.msk [tilespmem:v26+s3+$0x0], $0xffff;
	v23 =	vcvt.f32.s32 v47  }
0x3cc: {  	v21 =	vsub.f32 v30, v45;
	v6 =	vsub.f32 v25, v33;
	v33 =	vcvt.f32.s32 v60;
	v63 =	vld.idx.msk [tilespmem:v31+s3+$0x0], $0xffff  }
0x3cd: {  	v26 =	vld.idx.msk [tilespmem:v26+s8+$0x0], $0xffff;
	v40 =	vsub.f32 v56, v54;
	v44 =	vsub.f32 v22, v7;
	v49 =	vshll.u32 v23, $0x8  }
0x3ce: {  	v31 =	vld.idx.msk [tilespmem:v31+s8+$0x0], $0xffff;
	v52 =	vshll.u32 v23, $0x7;
	v58 =	vadd.s32 $0x1, v23;
	v43 =	vsub.f32 v59, v57  }
0x3cf: {  	v9 =	vsub.f32 v38, v13;
	v46 =	vtrunc.f32 v16;
	v51 =	vand.u32 $0xFFFFF800, v49  }
0x3d0: {  	v24 =	vld.idx.msk [tilespmem:v29+s3+$0x0], $0xffff;
	v59 =	vshll.u32 v58, $0x8;
	v34 =	vshll.u32 v58, $0x7;
	v11 =	vmul.f32 v40, v6  }
0x3d1: {  	v35 =	vld.idx.msk [tilespmem:v32+s3+$0x0], $0xffff;
	v20 =	vmul.f32 v44, v6;
	v22 =	vcvt.f32.s32 v46;
	v27 =	vand.u32 $0xFFFFF800, v59  }
0x3d2: {  	v34 =	vand.u32 $0x380, v34;
	v18 =	vmul.f32 v43, v6;
	v10 =	vsub.f32 v63, v62  }
0x3d3: {  	v9 =	vmul.f32 v9, v6;
	v43 =	vshll.u32 v33, $0x3;
	v31 =	vsub.f32 v31, v26  }
0x3d4: {  	v11 =	vadd.f32 v11, v54;
	v48 =	vadd.s32 $0x1, v22;
	v50 =	vshll.u32 v22, $0x3  }
0x3d5: {  	v54 =	vand.u32 $0x380, v52;
	v56 =	vand.u32 $0x7F, v22;
	v36 =	vand.u32 $0xFFFFFC00, v43  }
0x3d6: {  	v7 =	vadd.f32 v20, v7;
	v58 =	vcvt.s32.f32 v22;
	v15 =	vsub.f32 v35, v24  }
0x3d7: {  	v6 =	vld [tilespmem:s2+$0x560];
	v18 =	vadd.f32 v18, v57;
	v10 =	vmul.f32 v10, v14;
	v19 =	vand.u32 $0xFFFFFC00, v50  }
0x3d8: {  	v55 =	vshll.u32 v48, $0x3;
	v31 =	vmul.f32 v31, v14;
	v9 =	vadd.f32 v9, v13  }
0x3d9: {  	v53 =	vadd.s32 v19, v51;
	v57 =	vand.u32 $0xFFFFFC00, v55;
	v19 =	vadd.s32 v19, v27  }
0x3da: {  	v15 =	vmul.f32 v15, v14;
	v10 =	vadd.f32 v10, v62;
	v25 =	vor.u32 v54, v53  }
0x3db: {  	v27 =	vadd.s32 v57, v27;
	v19 =	vor.u32 v34, v19;
	v62 =	vadd.s32 $0x1, v33  }
0x3dc: {  	v18 =	vsub.f32 v18, v11;
	v25 =	vor.u32 v56, v25;
	v61 =	vtrunc.f32 v6  }
0x3dd: {  	v27 =	vor.u32 v34, v27;
	v19 =	vor.u32 v56, v19;
	v46 =	vshll.u32 v62, $0x3  }
0x3de: {  	v12 =	vadd.f32 v15, v24;
	v24 =	vadd.s32 v57, v51;
	v34 =	vcvt.f32.s32 v61  }
0x3df: {  	v29 =	vld.idx.msk [tilespmem:v29+s8+$0x0], $0xffff;
	v15 =	vand.u32 $0x7F, v48;
	v39 =	vand.u32 $0xFFFFFC00, v46;
	v24 =	vor.u32 v54, v24  }
0x3e0: {  	v32 =	vld.idx.msk [tilespmem:v32+s8+$0x0], $0xffff;
	v51 =	vand.u32 $0x7F, v33;
	v24 =	vor.u32 v15, v24;
	v35 =	vshll.u32 v34, $0x8  }
0x3e1: {  	v15 =	vor.u32 v15, v27;
	v44 =	vshll.u32 v34, $0x7;
	v35 =	vand.u32 $0xFFFFF800, v35;
	v48 =	vld.idx.msk [tilespmem:v25+s3+$0x0], $0xffff  }
0x3e2: {  	v63 =	vadd.s32 $0x1, v34;
	v37 =	vand.u32 $0x380, v44;
	v45 =	vadd.s32 v36, v35;
	v50 =	vld.idx.msk [tilespmem:v19+s3+$0x0], $0xffff  }
0x3e3: {  	v27 =	vand.u32 $0x7F, v62;
	v35 =	vadd.s32 v39, v35;
	v25 =	vld.idx.msk [tilespmem:v25+s8+$0x0], $0xffff;
	v38 =	vor.u32 v37, v45  }
0x3e4: {  	v47 =	vshll.u32 v63, $0x8;
	v19 =	vld.idx.msk [tilespmem:v19+s8+$0x0], $0xffff;
	v35 =	vor.u32 v37, v35;
	v38 =	vor.u32 v51, v38  }
0x3e5: {  	v30 =	vshll.u32 v63, $0x7;
	v40 =	vand.u32 $0xFFFFF800, v47;
	v35 =	vor.u32 v27, v35;
	v49 =	vld.idx.msk [tilespmem:v24+s3+$0x0], $0xffff  }
0x3e6: {  	v53 =	vsub.f32 v32, v29;
	v30 =	vand.u32 $0x380, v30;
	v36 =	vadd.s32 v36, v40;
	v52 =	vld.idx.msk [tilespmem:v15+s3+$0x0], $0xffff  }
0x3e7: {  	v9 =	vsub.f32 v9, v7;
	v39 =	vadd.s32 v39, v40;
	v36 =	vor.u32 v30, v36;
	v24 =	vld.idx.msk [tilespmem:v24+s8+$0x0], $0xffff  }
0x3e8: {  	v18 =	vmul.f32 v18, v17;
	v30 =	vor.u32 v30, v39;
	v36 =	vor.u32 v51, v36;
	v55 =	vld.idx.msk [tilespmem:v15+s8+$0x0], $0xffff  }
0x3e9: {  	v9 =	vmul.f32 v9, v17;
	v12 =	vsub.f32 v12, v10;
	v27 =	vor.u32 v27, v30;
	v57 =	vld.idx.msk [tilespmem:v38+s3+$0x0], $0xffff  }
0x3ea: {  	v16 =	vsub.f32 v16, v58;
	v54 =	vmul.f32 v53, v14;
	v11 =	vadd.f32 v18, v11;
	v59 =	vld.idx.msk [tilespmem:v35+s3+$0x0], $0xffff  }
0x3eb: {  	v56 =	vadd.f32 v31, v26;
	v7 =	vadd.f32 v9, v7;
	v12 =	vmul.f32 v12, v21;
	v32 =	vld.idx.msk [tilespmem:v38+s8+$0x0], $0xffff  }
0x3ec: {  	v13 =	vadd.f32 v54, v29;
	v11 =	vadd.f32 $0.0e+00, v11;
	v40 =	vld.idx.msk [tilespmem:v35+s8+$0x0], $0xffff  }
0x3ed: {  	v7 =	vadd.f32 $0.0e+00, v7;
	v10 =	vadd.f32 v12, v10;
	v60 =	vld.idx.msk [tilespmem:v36+s3+$0x0], $0xffff  }
0x3ee: {  	v61 =	vld.idx.msk [tilespmem:v27+s3+$0x0], $0xffff;
	v62 =	vsub.f32 v49, v48;
	v63 =	vsub.f32 v52, v50  }
0x3ef: {  	v13 =	vsub.f32 v13, v56;
	v45 =	vcvt.s32.f32 v33;
	v10 =	vadd.f32 v10, v11;
	v44 =	vld.idx.msk [tilespmem:v36+s8+$0x0], $0xffff  }
0x3f0: {  	v46 =	vld.idx.msk [tilespmem:v27+s8+$0x0], $0xffff;
	v24 =	vsub.f32 v24, v25;
	v42 =	vmul.f32 v62, v16;
	v43 =	vmul.f32 v63, v16  }
0x3f1: {  	v38 =	vmul.f32 v13, v21;
	v13 =	vsub.f32 v28, v45;
	v14 =	vsub.f32 v55, v19  }
0x3f2: {  	v24 =	vmul.f32 v24, v16;
	v11 =	vadd.f32 v42, v48;
	v20 =	vadd.f32 v43, v50  }
0x3f3: {  	s6 =	sshrl.u32 s18, $0x10;
	v14 =	vmul.f32 v14, v16;
	v22 =	vsub.f32 v59, v57;
	v21 =	vsub.f32 v40, v32  }
0x3f4: {  	s10 =	sshrl.u32 s0, $0x10;
	s20 =	sshrl.u32 s7, $0x10;
	s6 =	smul.u32 $0xFFFFFF90, s6;
	v39 =	vcvt.s32.f32 v23;
	v48 =	vadd.f32 v24, v25;
	v17 =	vsub.f32 v61, v60  }
0x3f5: {  	s21 =	sadd.s32 $0xFFFF9247, s30;
	s19 =	sshrl.u32 s30, $0x10;
	s20 =	smul.u32 $0x70, s20;
	v14 =	vadd.f32 v14, v19;
	v15 =	vsub.f32 v46, v44;
	v47 =	vmul.f32 v22, v13  }
0x3f6: {  	s10 =	smul.u32 $0x70, s10;
	s21 =	sshrl.u32 s21, $0x9;
	s6 =	sadd.s32 s6, s31;
	v8 =	vsub.f32 v8, v39;
	v21 =	vmul.f32 v21, v13;
	v17 =	vmul.f32 v17, v13  }
0x3f7: {  	s21 =	sand.u32 $0x7FFF80, s21;
	s20 =	ssub.s32 s31, s20;
	s22 =	sand.u32 $0xFFFFFF80, s6;
	v50 =	vsub.f32 v20, v11;
	v14 =	vsub.f32 v14, v48;
	v13 =	vmul.f32 v15, v13  }
0x3f8: {  	s6 =	sand.u32 $0x70, s6;
	s21 =	sadd.s32 s21, s22;
	s22 =	sadd.s32 $0xFFFFB6DA, s30;
	v51 =	vcvt.s32.f32 v34;
	v16 =	vadd.f32 v47, v57;
	v12 =	vadd.f32 v17, v60  }
0x3f9: {  	s20 =	sadd.s32 $0x10, s20;
	s6 =	sor.u32 s6, s21;
	s21 =	sshrl.u32 s22, $0x9;
	v1 =	vmul.f32 $2.500000000e-01, v1;
	v49 =	vadd.f32 v21, v32;
	v13 =	vadd.f32 v13, v44  }
0x3fa: {  	s10 =	ssub.s32 s31, s10;
	s22 =	sand.u32 $0xFFFFFF80, s20;
	s21 =	sand.u32 $0x7FFF80, s21;
	v6 =	vsub.f32 v6, v51;
	v17 =	vmul.f32 v50, v8;
	v12 =	vsub.f32 v12, v16  }
0x3fb: {  	s20 =	sand.u32 $0x70, s20;
	s21 =	sadd.s32 s21, s22;
	s22 =	sadd.s32 $0xFFFFDB6D, s30;
	v9 =	vadd.f32 v38, v56;
	v8 =	vmul.f32 v14, v8;
	v52 =	vsub.f32 v13, v49  }
0x3fc: {  	s10 =	sadd.s32 $0x20, s10;
	s20 =	sor.u32 s20, s21;
	s21 =	sshrl.u32 s22, $0x9;
	v0 =	vmul.f32 $2.500000000e-01, v0;
	v11 =	vadd.f32 v17, v11;
	v12 =	vmul.f32 v12, v6  }
0x3fd: {  	s4 =	smul.u32 $0x70, s19;
	s22 =	sand.u32 $0xFFFFFF80, s10;
	s21 =	sand.u32 $0x7FFF80, s21;
	[tilespmem:s6+$0x1E000] =	vst v1;
	v7 =	vadd.f32 v9, v7;
	v8 =	vadd.f32 v8, v48;
	v6 =	vmul.f32 v52, v6  }
0x3fe: {  	s10 =	sand.u32 $0x70, s10;
	[tilespmem:s6+$0x1E800] =	vst v0;
	s6 =	sadd.s32 s21, s22;
	v58 =	vmul.f32 $2.500000000e-01, v3;
	v54 =	vadd.f32 v11, v10;
	v55 =	vadd.f32 v12, v16  }
0x3ff: {  	s4 =	ssub.s32 s31, s4;
	s6 =	sor.u32 s10, s6;
	v53 =	vmul.f32 $2.500000000e-01, v5;
	v57 =	vadd.f32 v8, v7;
	v6 =	vadd.f32 v6, v49  }
0x400: {  	p0 =	slt.u32 s31, $0x180;
	s4 =	sadd.s32 $0x30, s4;
	[tilespmem:s6+$0x1E000] =	vst v58;
	v56 =	vmul.f32 $2.500000000e-01, v4;
	v59 =	vadd.f32 v55, v54  }
.Ltmp2:
0x401: {  	s19 =	sshll.u32 s19, $0x7;
	s21 =	sand.u32 $0xFFFFFF80, s4;
	[tilespmem:s20+$0x1E000] =	vst v53;
	v60 =	vmul.f32 $2.500000000e-01, v2;
	v61 =	vadd.f32 v6, v57;
	(pc) =	sbr.rel @p0 .LBB2_8-.Ltmp2, $4  }
0x402: {  	s4 =	sand.u32 $0x70, s4;
	s10 =	sadd.s32 s19, s21;
	[tilespmem:s20+$0x1E800] =	vst v56;
	v62 =	vmul.f32 $2.500000000e-01, v59  }
0x403: {  	s18 =	sadd.s32 $0x924C, s18;
	s4 =	sor.u32 s4, s10;
	[tilespmem:s6+$0x1E800] =	vst v60;
	v63 =	vmul.f32 $2.500000000e-01, v61  }
0x404: {  	s0 =	sadd.s32 $0x924C, s0;
	s7 =	sadd.s32 $0x924C, s7;
	s22 =	sadd.s32 $0x40, s31;
	[tilespmem:s4+$0x1E000] =	vst v62  }
0x405: {  	s30 =	sadd.s32 $0x924C, s30;
	s31 =	smov.u32 s22;
	s2 =	sadd.s32 $0x40, s2;
	[tilespmem:s4+$0x1E800] =	vst v63  }
0x406: {  	p0 =	seq.s32 s24, $0x6  }
0x407: {  	s0 =	sshrl.u32 @!p0 s28, $0x3  }
0x408: {  	s0 =	sadd.s32 @!p0 s1, s0  }
0x409: {  	s2 =	simm.s32 @!p0 $0x0;
	s4 =	simm.s32 @!p0 $0x1C000;
	s0 =	sadd.s32 @!p0 $0x700, s0  }
0x40a: {  	[tilespmem:s4], [sflag:$0x2] =	stream.linear.gather @!p0 [hbm4b:s0+s2], $0xE00, $0x38;
	[tilespmem:$0x1EC00] =	vst v63  }
0x40b: {  	s30 =	simm.s32 $0x0;
	s7 =	simm.s32 $0x2493;
	_ =	swait.ge [sflag:s13], $0xE00  }
0x40c: {  	s18 =	simm.s32 $0x0;
	s28 =	simm.s32 $0x6DB9;
	[sflag:s13] =	ssyncset.done $0x0  }
0x40d: {  	s0 =	simm.s32 $0x4926;
	s2 =	simm.s32 $0x1D510;
	[sflag:s13] =	ssyncadd.s32 $0xFFFFF200  }
.LBB2_10:
0x40e: {  	v0 =	vld [tilespmem:s2+$0xFFFFF8F0]  }
0x40f: {  	v2 =	vld [tilespmem:s2+$0xFFFFFAB0];
	_ =	sdelay $0x1  }
0x410: {  	s19 =	sand.u32 $0x1C0, s30;
	v31 =	vld [tilespmem:s2+$0xFFFFFE30]  }
0x411: {  	v30 =	vld [tilespmem:s19+$0x1D180];
	_ =	sdelay $0x1  }
0x412: {  	v1 =	vtrunc.f32 v0;
	v3 =	vtrunc.f32 v2  }
0x413: {  	v4 =	vcvt.f32.s32 v1;
	v3 =	vcvt.f32.s32 v3  }
0x414: {  	v35 =	vtrunc.f32 v31  }
0x415: {  	v34 =	vtrunc.f32 v30;
	v1 =	vadd.s32 $0x1, v4;
	v5 =	vshll.u32 v3, $0x8  }
0x416: {  	v6 =	vadd.s32 $0x1, v3;
	v7 =	vshll.u32 v4, $0x3;
	v8 =	vshll.u32 v3, $0x7  }
0x417: {  	v11 =	vand.u32 $0x7F, v4;
	v4 =	vcvt.s32.f32 v4;
	v5 =	vand.u32 $0xFFFFF800, v5  }
0x418: {  	v7 =	vand.u32 $0xFFFFFC00, v7;
	v9 =	vshll.u32 v1, $0x3;
	v8 =	vand.u32 $0x380, v8  }
0x419: {  	v12 =	vand.u32 $0x7F, v1;
	v13 =	vshll.u32 v6, $0x8;
	v6 =	vshll.u32 v6, $0x7  }
0x41a: {  	v10 =	vadd.s32 v7, v5;
	v9 =	vand.u32 $0xFFFFFC00, v9;
	v13 =	vand.u32 $0xFFFFF800, v13  }
0x41b: {  	v6 =	vand.u32 $0x380, v6;
	v10 =	vor.u32 v8, v10;
	v5 =	vadd.s32 v9, v5  }
0x41c: {  	v7 =	vadd.s32 v7, v13;
	v9 =	vadd.s32 v9, v13;
	v10 =	vor.u32 v11, v10  }
0x41d: {  	v29 =	vor.u32 v8, v5;
	v7 =	vor.u32 v6, v7;
	v6 =	vor.u32 v6, v9  }
0x41e: {  	v8 =	vor.u32 v12, v29;
	v6 =	vor.u32 v12, v6;
	v12 =	vcvt.f32.s32 v35  }
0x41f: {  	v7 =	vor.u32 v11, v7;
	v11 =	vcvt.f32.s32 v34  }
0x420: {  	v44 =	vld [tilespmem:s19+$0x1D500];
	v0 =	vsub.f32 v0, v4;
	v36 =	vshll.u32 v12, $0x8  }
0x421: {  	v61 =	vld [tilespmem:s19+$0x1D880];
	v14 =	vshll.u32 v11, $0x3;
	v16 =	vshll.u32 v12, $0x7;
	v19 =	vadd.s32 $0x1, v11  }
0x422: {  	v20 =	vand.u32 $0x7F, v11;
	v21 =	vadd.s32 $0x1, v12;
	v4 =	vand.u32 $0xFFFFF800, v36;
	v32 =	vld.idx.msk [tilespmem:v10+s3+$0x0], $0xffff  }
0x423: {  	v14 =	vand.u32 $0xFFFFFC00, v14;
	v16 =	vand.u32 $0x380, v16;
	v22 =	vshll.u32 v19, $0x3;
	v10 =	vld.idx.msk [tilespmem:v10+s8+$0x0], $0xffff  }
0x424: {  	v19 =	vand.u32 $0x7F, v19;
	v23 =	vshll.u32 v21, $0x8;
	v18 =	vadd.s32 v14, v4;
	v33 =	vld.idx.msk [tilespmem:v8+s3+$0x0], $0xffff  }
0x425: {  	v21 =	vshll.u32 v21, $0x7;
	v22 =	vand.u32 $0xFFFFFC00, v22;
	v15 =	vld.idx.msk [tilespmem:v7+s3+$0x0], $0xffff;
	v18 =	vor.u32 v16, v18  }
0x426: {  	v23 =	vand.u32 $0xFFFFF800, v23;
	v17 =	vld.idx.msk [tilespmem:v6+s3+$0x0], $0xffff;
	v4 =	vadd.s32 v22, v4;
	v18 =	vor.u32 v20, v18  }
0x427: {  	v37 =	vand.u32 $0x380, v21;
	v8 =	vld.idx.msk [tilespmem:v8+s8+$0x0], $0xffff;
	v14 =	vadd.s32 v14, v23;
	v4 =	vor.u32 v16, v4  }
0x428: {  	v7 =	vld.idx.msk [tilespmem:v7+s8+$0x0], $0xffff;
	v38 =	vadd.s32 v22, v23;
	v14 =	vor.u32 v37, v14;
	v4 =	vor.u32 v19, v4  }
0x429: {  	v6 =	vld.idx.msk [tilespmem:v6+s8+$0x0], $0xffff;
	v16 =	vor.u32 v37, v38;
	v14 =	vor.u32 v20, v14  }
0x42a: {  	v3 =	vcvt.s32.f32 v3;
	v45 =	vcvt.s32.f32 v11;
	v11 =	vld [tilespmem:s2+$0x1B0];
	v16 =	vor.u32 v19, v16  }
0x42b: {  	v40 =	vld.idx.msk [tilespmem:v18+s3+$0x0], $0xffff  }
0x42c: {  	v48 =	vtrunc.f32 v44;
	v2 =	vsub.f32 v2, v3;
	v34 =	vtrunc.f32 v61;
	v51 =	vld.idx.msk [tilespmem:v18+s8+$0x0], $0xffff  }
0x42d: {  	v12 =	vcvt.s32.f32 v12;
	v9 =	vsub.f32 v33, v32;
	v17 =	vsub.f32 v17, v15;
	v41 =	vld.idx.msk [tilespmem:v4+s3+$0x0], $0xffff  }
0x42e: {  	v36 =	vcvt.f32.s32 v34;
	v8 =	vsub.f32 v8, v10;
	v6 =	vsub.f32 v6, v7;
	v43 =	vld.idx.msk [tilespmem:v14+s3+$0x0], $0xffff  }
0x42f: {  	v5 =	vsub.f32 v30, v45;
	v9 =	vmul.f32 v9, v0;
	v17 =	vmul.f32 v17, v0;
	v46 =	vld.idx.msk [tilespmem:v16+s3+$0x0], $0xffff  }
0x430: {  	v1 =	vsub.f32 v31, v12;
	v8 =	vmul.f32 v8, v0;
	v0 =	vmul.f32 v6, v0;
	v4 =	vld.idx.msk [tilespmem:v4+s8+$0x0], $0xffff  }
0x431: {  	v27 =	vadd.s32 $0x1, v36;
	v14 =	vld.idx.msk [tilespmem:v14+s8+$0x0], $0xffff;
	v9 =	vadd.f32 v9, v32;
	v39 =	vadd.f32 v17, v15  }
0x432: {  	v28 =	vand.u32 $0x7F, v36;
	v16 =	vld.idx.msk [tilespmem:v16+s8+$0x0], $0xffff;
	v8 =	vadd.f32 v8, v10;
	v0 =	vadd.f32 v0, v7  }
0x433: {  	v30 =	vshll.u32 v27, $0x3;
	v27 =	vand.u32 $0x7F, v27;
	v49 =	vtrunc.f32 v11  }
0x434: {  	v30 =	vand.u32 $0xFFFFFC00, v30;
	v42 =	vsub.f32 v39, v9;
	v0 =	vsub.f32 v0, v8  }
0x435: {  	v39 =	vshll.u32 v36, $0x3;
	v6 =	vsub.f32 v41, v40;
	v50 =	vsub.f32 v46, v43  }
0x436: {  	v4 =	vsub.f32 v4, v51;
	v3 =	vmul.f32 v42, v2;
	v0 =	vmul.f32 v0, v2  }
0x437: {  	v16 =	vsub.f32 v16, v14;
	v47 =	vmul.f32 v6, v5;
	v6 =	vcvt.f32.s32 v48  }
0x438: {  	v15 =	vand.u32 $0xFFFFFC00, v39;
	v10 =	vmul.f32 v50, v5;
	v4 =	vmul.f32 v4, v5  }
0x439: {  	v5 =	vmul.f32 v16, v5;
	v3 =	vadd.f32 v3, v9;
	v9 =	vcvt.f32.s32 v49  }
0x43a: {  	v8 =	vadd.f32 v0, v8;
	v2 =	vadd.f32 v47, v40;
	v52 =	vadd.s32 $0x1, v6  }
0x43b: {  	v55 =	vshll.u32 v6, $0x3;
	v59 =	vand.u32 $0x7F, v6;
	v10 =	vadd.f32 v10, v43  }
0x43c: {  	v6 =	vcvt.s32.f32 v6;
	v4 =	vadd.f32 v4, v51;
	v5 =	vadd.f32 v5, v14  }
0x43d: {  	v3 =	vadd.f32 $0.0e+00, v3;
	v53 =	vshll.u32 v9, $0x8;
	v54 =	vadd.s32 $0x1, v9  }
0x43e: {  	v19 =	vand.u32 $0xFFFFFC00, v55;
	v56 =	vshll.u32 v9, $0x7;
	v57 =	vshll.u32 v52, $0x3  }
0x43f: {  	v24 =	vand.u32 $0x7F, v52;
	v9 =	vcvt.s32.f32 v9;
	v8 =	vadd.f32 $0.0e+00, v8  }
0x440: {  	v17 =	vand.u32 $0xFFFFF800, v53;
	v20 =	vand.u32 $0x380, v56;
	v21 =	vand.u32 $0xFFFFFC00, v57  }
0x441: {  	v0 =	vld [tilespmem:s2+$0x530];
	v25 =	vshll.u32 v54, $0x8;
	v18 =	vshll.u32 v54, $0x7;
	v10 =	vsub.f32 v10, v2  }
0x442: {  	v6 =	vsub.f32 v44, v6;
	v5 =	vsub.f32 v5, v4;
	v54 =	vcvt.s32.f32 v36  }
0x443: {  	v12 =	vld [tilespmem:s2+$0xFFFFFAC0];
	v58 =	vadd.s32 v19, v17;
	v17 =	vadd.s32 v21, v17;
	v62 =	vand.u32 $0xFFFFF800, v25  }
0x444: {  	v18 =	vand.u32 $0x380, v18;
	v9 =	vsub.f32 v11, v9;
	v22 =	vor.u32 v20, v58  }
0x445: {  	v60 =	vor.u32 v20, v17;
	v19 =	vadd.s32 v19, v62;
	v22 =	vor.u32 v59, v22  }
0x446: {  	v13 =	vadd.s32 v21, v62;
	v35 =	vtrunc.f32 v0;
	v20 =	vor.u32 v24, v60  }
0x447: {  	v10 =	vmul.f32 v10, v1;
	v1 =	vmul.f32 v5, v1;
	v19 =	vor.u32 v18, v19  }
0x448: {  	v53 =	vld [tilespmem:s2+$0xFFFFF900];
	v13 =	vor.u32 v18, v13;
	v37 =	vcvt.f32.s32 v35;
	v60 =	vtrunc.f32 v12  }
0x449: {  	v17 =	vld [tilespmem:s2+$0xFFFFFC80];
	v19 =	vor.u32 v59, v19;
	v13 =	vor.u32 v24, v13;
	v2 =	vadd.f32 v10, v2  }
0x44a: {  	v1 =	vadd.f32 v1, v4;
	v10 =	vsub.f32 v61, v54;
	v38 =	vshll.u32 v37, $0x8;
	v63 =	vld.idx.msk [tilespmem:v22+s3+$0x0], $0xffff  }
0x44b: {  	v62 =	vcvt.f32.s32 v60;
	v24 =	vshll.u32 v37, $0x7;
	v7 =	vand.u32 $0xFFFFF800, v38;
	v33 =	vld.idx.msk [tilespmem:v20+s3+$0x0], $0xffff  }
0x44c: {  	v29 =	vadd.s32 $0x1, v37;
	v24 =	vand.u32 $0x380, v24;
	v26 =	vadd.s32 v15, v7;
	v22 =	vld.idx.msk [tilespmem:v22+s8+$0x0], $0xffff  }
0x44d: {  	v59 =	vtrunc.f32 v53;
	v7 =	vadd.s32 v30, v7;
	v26 =	vor.u32 v24, v26;
	v20 =	vld.idx.msk [tilespmem:v20+s8+$0x0], $0xffff  }
0x44e: {  	v31 =	vshll.u32 v29, $0x8;
	v7 =	vor.u32 v24, v7;
	v40 =	vld.idx.msk [tilespmem:v19+s3+$0x0], $0xffff;
	v26 =	vor.u32 v28, v26  }
0x44f: {  	v29 =	vshll.u32 v29, $0x7;
	v31 =	vand.u32 $0xFFFFF800, v31;
	v41 =	vld.idx.msk [tilespmem:v13+s3+$0x0], $0xffff;
	v7 =	vor.u32 v27, v7  }
0x450: {  	v2 =	vadd.f32 v2, v3;
	v42 =	vand.u32 $0x380, v29;
	v15 =	vadd.s32 v15, v31;
	v19 =	vld.idx.msk [tilespmem:v19+s8+$0x0], $0xffff  }
0x451: {  	v4 =	vadd.f32 v1, v8;
	v46 =	vadd.s32 v30, v31;
	v13 =	vld.idx.msk [tilespmem:v13+s8+$0x0], $0xffff;
	v15 =	vor.u32 v42, v15  }
0x452: {  	v3 =	vld [tilespmem:s2+$0xFFFFFE40];
	v34 =	vadd.s32 $0x1, v62;
	v24 =	vor.u32 v42, v46;
	v43 =	vor.u32 v28, v15  }
0x453: {  	v11 =	vcvt.s32.f32 v62;
	v29 =	vshll.u32 v62, $0x7;
	v48 =	vor.u32 v27, v24;
	v47 =	vld.idx.msk [tilespmem:v26+s3+$0x0], $0xffff  }
0x454: {  	v36 =	vshll.u32 v34, $0x8;
	v18 =	vsub.f32 v33, v63;
	v20 =	vsub.f32 v20, v22;
	v49 =	vld.idx.msk [tilespmem:v7+s3+$0x0], $0xffff  }
0x455: {  	v23 =	vshll.u32 v34, $0x7;
	v38 =	vtrunc.f32 v17;
	v25 =	vsub.f32 v41, v40;
	v26 =	vld.idx.msk [tilespmem:v26+s8+$0x0], $0xffff  }
0x456: {  	v13 =	vsub.f32 v13, v19;
	v7 =	vld.idx.msk [tilespmem:v7+s8+$0x0], $0xffff;
	v44 =	vmul.f32 v18, v6;
	v20 =	vmul.f32 v20, v6  }
0x457: {  	v27 =	vshll.u32 v62, $0x8;
	v39 =	vtrunc.f32 v3;
	v51 =	vld.idx.msk [tilespmem:v43+s3+$0x0], $0xffff;
	v45 =	vmul.f32 v25, v6  }
0x458: {  	v56 =	vld.idx.msk [tilespmem:v48+s3+$0x0], $0xffff;
	v6 =	vmul.f32 v13, v6;
	v15 =	vadd.f32 v44, v63;
	v52 =	vadd.f32 v20, v22  }
0x459: {  	v14 =	vld.idx.msk [tilespmem:v43+s8+$0x0], $0xffff;
	v63 =	vcvt.s32.f32 v37;
	v37 =	vand.u32 $0x380, v23;
	v23 =	vcvt.f32.s32 v38  }
0x45a: {  	v21 =	vld.idx.msk [tilespmem:v48+s8+$0x0], $0xffff;
	v16 =	vadd.f32 v45, v40;
	v6 =	vadd.f32 v6, v19;
	v40 =	vcvt.f32.s32 v39  }
0x45b: {  	v13 =	vsub.f32 v49, v47;
	v42 =	vshll.u32 v23, $0x3;
	v7 =	vsub.f32 v7, v26  }
0x45c: {  	v46 =	vadd.s32 $0x1, v23;
	v0 =	vsub.f32 v0, v63;
	v50 =	vsub.f32 v16, v15  }
0x45d: {  	v6 =	vsub.f32 v6, v52;
	v61 =	vsub.f32 v56, v51;
	v41 =	vshll.u32 v40, $0x8  }
0x45e: {  	v20 =	vand.u32 $0xFFFFFC00, v42;
	v43 =	vshll.u32 v40, $0x7;
	v55 =	vmul.f32 v50, v9  }
0x45f: {  	v21 =	vsub.f32 v21, v14;
	v58 =	vmul.f32 v13, v10;
	v6 =	vmul.f32 v6, v9  }
0x460: {  	v25 =	vmul.f32 v61, v10;
	v9 =	vand.u32 $0xFFFFF800, v27;
	v57 =	vadd.f32 v55, v15  }
0x461: {  	v54 =	vmul.f32 v21, v10;
	v8 =	vadd.f32 v58, v47;
	v47 =	vand.u32 $0x7F, v23  }
0x462: {  	v16 =	vadd.f32 v25, v51;
	v1 =	vadd.f32 v57, v2;
	v2 =	vcvt.f32.s32 v59  }
0x463: {  	v5 =	vadd.f32 v6, v52;
	v15 =	vand.u32 $0x380, v29;
	v25 =	vand.u32 $0xFFFFF800, v36  }
0x464: {  	v29 =	vand.u32 $0x7F, v46;
	v16 =	vsub.f32 v16, v8;
	v28 =	vshll.u32 v2, $0x3  }
0x465: {  	v31 =	vadd.s32 $0x1, v2;
	v32 =	vand.u32 $0x7F, v2;
	v2 =	vcvt.s32.f32 v2  }
0x466: {  	v13 =	vand.u32 $0xFFFFFC00, v28;
	v35 =	vshll.u32 v31, $0x3;
	v18 =	vand.u32 $0x7F, v31  }
0x467: {  	v30 =	vadd.s32 v13, v9;
	v24 =	vand.u32 $0xFFFFFC00, v35;
	v13 =	vadd.s32 v13, v25  }
0x468: {  	v19 =	vsub.f32 v53, v2;
	v53 =	vmul.f32 v7, v10;
	v33 =	vor.u32 v15, v30  }
0x469: {  	v7 =	vadd.f32 v54, v14;
	v13 =	vor.u32 v37, v13;
	v22 =	vor.u32 v32, v33  }
0x46a: {  	v9 =	vadd.s32 v24, v9;
	v24 =	vadd.s32 v24, v25;
	v13 =	vor.u32 v32, v13  }
0x46b: {  	v9 =	vor.u32 v15, v9;
	v15 =	vor.u32 v37, v24;
	v6 =	vadd.f32 v53, v26  }
0x46c: {  	v24 =	vand.u32 $0x380, v43;
	v32 =	vadd.s32 $0x1, v40;
	v33 =	vshll.u32 v46, $0x3  }
0x46d: {  	v9 =	vor.u32 v18, v9;
	v15 =	vor.u32 v18, v15;
	v62 =	vsub.f32 v7, v6;
	v7 =	vld [tilespmem:s2+$0x0]  }
0x46e: {  	v18 =	vand.u32 $0xFFFFF800, v41;
	v33 =	vand.u32 $0xFFFFFC00, v33;
	v35 =	vshll.u32 v32, $0x8;
	v45 =	vld.idx.msk [tilespmem:v22+s3+$0x0], $0xffff  }
0x46f: {  	v32 =	vshll.u32 v32, $0x7;
	v44 =	vadd.s32 v20, v18;
	v18 =	vadd.s32 v33, v18;
	v34 =	vld.idx.msk [tilespmem:v13+s3+$0x0], $0xffff  }
0x470: {  	v35 =	vand.u32 $0xFFFFF800, v35;
	v49 =	vand.u32 $0x380, v32;
	v27 =	vor.u32 v24, v44;
	v22 =	vld.idx.msk [tilespmem:v22+s8+$0x0], $0xffff  }
0x471: {  	v18 =	vor.u32 v24, v18;
	v20 =	vadd.s32 v20, v35;
	v27 =	vor.u32 v47, v27;
	v13 =	vld.idx.msk [tilespmem:v13+s8+$0x0], $0xffff  }
0x472: {  	v50 =	vadd.s32 v33, v35;
	v18 =	vor.u32 v29, v18;
	v20 =	vor.u32 v49, v20;
	v48 =	vld.idx.msk [tilespmem:v9+s3+$0x0], $0xffff  }
0x473: {  	v24 =	vor.u32 v49, v50;
	v20 =	vor.u32 v47, v20;
	v36 =	vld.idx.msk [tilespmem:v15+s3+$0x0], $0xffff  }
0x474: {  	v16 =	vmul.f32 v16, v0;
	v24 =	vor.u32 v29, v24;
	v9 =	vld.idx.msk [tilespmem:v9+s8+$0x0], $0xffff  }
0x475: {  	v15 =	vld.idx.msk [tilespmem:v15+s8+$0x0], $0xffff  }
0x476: {  	v31 =	vcvt.s32.f32 v23;
	v8 =	vadd.f32 v16, v8;
	v55 =	vld.idx.msk [tilespmem:v27+s3+$0x0], $0xffff  }
0x477: {  	v11 =	vsub.f32 v12, v11;
	v4 =	vadd.f32 v5, v4;
	v0 =	vmul.f32 v62, v0;
	v57 =	vld.idx.msk [tilespmem:v18+s3+$0x0], $0xffff  }
0x478: {  	v1 =	vadd.f32 v8, v1;
	v33 =	vsub.f32 v17, v31;
	v58 =	vld.idx.msk [tilespmem:v20+s3+$0x0], $0xffff  }
0x479: {  	v0 =	vadd.f32 v0, v6;
	v61 =	vld.idx.msk [tilespmem:v24+s3+$0x0], $0xffff;
	v51 =	vsub.f32 v48, v45  }
0x47a: {  	v52 =	vsub.f32 v36, v34;
	v28 =	vsub.f32 v9, v22  }
0x47b: {  	v37 =	vtrunc.f32 v7;
	v50 =	vld.idx.msk [tilespmem:v20+s8+$0x0], $0xffff;
	v30 =	vsub.f32 v15, v13;
	v2 =	vmul.f32 v51, v19  }
0x47c: {  	v0 =	vadd.f32 v0, v4;
	v53 =	vld.idx.msk [tilespmem:v24+s8+$0x0], $0xffff;
	v56 =	vmul.f32 v52, v19;
	v5 =	vmul.f32 v28, v19  }
0x47d: {  	v27 =	vld.idx.msk [tilespmem:v27+s8+$0x0], $0xffff;
	v32 =	vmul.f32 v30, v19;
	v35 =	vsub.f32 v57, v55;
	v59 =	vadd.f32 v2, v45  }
0x47e: {  	v18 =	vld.idx.msk [tilespmem:v18+s8+$0x0], $0xffff;
	v19 =	vcvt.f32.s32 v37;
	v60 =	vadd.f32 v56, v34;
	v36 =	vsub.f32 v61, v58  }
0x47f: {  	v34 =	vcvt.s32.f32 v40;
	v5 =	vadd.f32 v5, v22;
	v6 =	vadd.f32 v32, v13  }
0x480: {  	v2 =	vld [tilespmem:s2+$0x1C0];
	v41 =	vadd.s32 $0x1, v19;
	v43 =	vshll.u32 v19, $0x3;
	v47 =	vand.u32 $0x7F, v19  }
0x481: {  	v61 =	vsub.f32 v53, v50;
	v39 =	vmul.f32 v35, v33;
	v23 =	vand.u32 $0xFFFFFC00, v43  }
0x482: {  	v46 =	vshll.u32 v41, $0x3;
	v17 =	vand.u32 $0x7F, v41;
	v63 =	vsub.f32 v60, v59  }
0x483: {  	v40 =	vmul.f32 v36, v33;
	v6 =	vsub.f32 v6, v5;
	v60 =	vsub.f32 v18, v27;
	v18 =	vld [tilespmem:s2+$0x380]  }
0x484: {  	v15 =	vsub.f32 v3, v34;
	v3 =	vld [tilespmem:s2+$0x540];
	v10 =	vadd.f32 v39, v55;
	v12 =	vmul.f32 v63, v11  }
0x485: {  	v14 =	vadd.f32 v40, v58;
	v56 =	vmul.f32 v6, v11;
	v38 =	vtrunc.f32 v2  }
0x486: {  	v29 =	vand.u32 $0xFFFFFC00, v46;
	v62 =	vmul.f32 v60, v33;
	v21 =	vcvt.f32.s32 v38  }
0x487: {  	v55 =	vsub.f32 v14, v10;
	v4 =	vadd.f32 v56, v5;
	v5 =	vmul.f32 v61, v33  }
0x488: {  	v58 =	vadd.f32 v12, v59;
	v33 =	vcvt.s32.f32 v19;
	v35 =	vtrunc.f32 v18  }
0x489: {  	v36 =	vtrunc.f32 v3;
	v42 =	vshll.u32 v21, $0x8;
	v44 =	vshll.u32 v21, $0x7  }
0x48a: {  	v48 =	vadd.s32 $0x1, v21;
	v59 =	vmul.f32 v55, v15;
	v8 =	vadd.f32 $0.0e+00, v58  }
0x48b: {  	v4 =	vadd.f32 $0.0e+00, v4;
	v5 =	vadd.f32 v5, v50;
	v9 =	vcvt.f32.s32 v35  }
0x48c: {  	v7 =	vsub.f32 v7, v33;
	v11 =	vcvt.f32.s32 v36;
	v13 =	vcvt.s32.f32 v21  }
0x48d: {  	v22 =	vand.u32 $0xFFFFF800, v42;
	v25 =	vand.u32 $0x380, v44;
	v49 =	vshll.u32 v48, $0x8  }
0x48e: {  	v31 =	vshll.u32 v48, $0x7;
	v45 =	vadd.s32 v23, v22;
	v22 =	vadd.s32 v29, v22  }
0x48f: {  	v52 =	vand.u32 $0x380, v31;
	v10 =	vadd.f32 v59, v10;
	v37 =	vadd.s32 $0x1, v9  }
0x490: {  	v38 =	vshll.u32 v11, $0x8;
	v39 =	vshll.u32 v9, $0x3;
	v40 =	vshll.u32 v11, $0x7  }
0x491: {  	v41 =	vadd.s32 $0x1, v11;
	v43 =	vand.u32 $0x7F, v9;
	v28 =	vor.u32 v25, v45  }
0x492: {  	v22 =	vor.u32 v25, v22;
	v25 =	vand.u32 $0xFFFFF800, v49;
	v21 =	vand.u32 $0xFFFFF800, v38  }
0x493: {  	v24 =	vand.u32 $0x380, v40;
	v44 =	vshll.u32 v37, $0x3;
	v45 =	vshll.u32 v41, $0x8  }
0x494: {  	v19 =	vand.u32 $0x7F, v37;
	v46 =	vshll.u32 v41, $0x7;
	v28 =	vor.u32 v47, v28  }
0x495: {  	v22 =	vor.u32 v17, v22;
	v51 =	vadd.s32 v23, v25;
	v54 =	vadd.s32 v29, v25  }
0x496: {  	v8 =	vadd.f32 v10, v8;
	v10 =	vadd.f32 v62, v27;
	v25 =	vld [tilespmem:s2+$0xFFFFF910];
	v31 =	vand.u32 $0xFFFFFC00, v44  }
0x497: {  	v29 =	vld [tilespmem:s2+$0xFFFFFAD0];
	v32 =	vand.u32 $0xFFFFF800, v45;
	v20 =	vor.u32 v52, v51;
	v23 =	vor.u32 v52, v54  }
0x498: {  	v49 =	vadd.s32 v31, v32;
	v17 =	vor.u32 v17, v23;
	v23 =	vand.u32 $0xFFFFFC00, v39  }
0x499: {  	v20 =	vor.u32 v47, v20;
	v5 =	vsub.f32 v5, v10;
	v42 =	vadd.s32 v23, v21  }
0x49a: {  	v21 =	vadd.s32 v31, v21;
	v23 =	vadd.s32 v23, v32;
	v27 =	vor.u32 v24, v42;
	v14 =	vld.idx.msk [tilespmem:v28+s3+$0x0], $0xffff  }
0x49b: {  	v21 =	vor.u32 v24, v21;
	v24 =	vand.u32 $0x380, v46;
	v5 =	vmul.f32 v5, v15;
	v57 =	vld.idx.msk [tilespmem:v22+s3+$0x0], $0xffff  }
0x49c: {  	v27 =	vor.u32 v43, v27;
	v47 =	vtrunc.f32 v25;
	v48 =	vtrunc.f32 v29;
	v28 =	vld.idx.msk [tilespmem:v28+s8+$0x0], $0xffff  }
0x49d: {  	v23 =	vor.u32 v24, v23;
	v22 =	vld.idx.msk [tilespmem:v22+s8+$0x0], $0xffff;
	v26 =	vcvt.f32.s32 v47;
	v33 =	vcvt.f32.s32 v48  }
0x49e: {  	v21 =	vor.u32 v19, v21;
	v24 =	vor.u32 v24, v49;
	v23 =	vor.u32 v43, v23;
	v63 =	vld.idx.msk [tilespmem:v20+s3+$0x0], $0xffff  }
0x49f: {  	v19 =	vor.u32 v19, v24;
	v34 =	vld.idx.msk [tilespmem:v17+s3+$0x0], $0xffff;
	v50 =	vshll.u32 v33, $0x8;
	v51 =	vshll.u32 v26, $0x3  }
0x4a0: {  	v20 =	vld.idx.msk [tilespmem:v20+s8+$0x0], $0xffff;
	v52 =	vshll.u32 v33, $0x7;
	v54 =	vadd.s32 $0x1, v26;
	v55 =	vand.u32 $0x7F, v26  }
0x4a1: {  	v17 =	vld.idx.msk [tilespmem:v17+s8+$0x0], $0xffff;
	v56 =	vadd.s32 $0x1, v33;
	v30 =	vand.u32 $0xFFFFF800, v50;
	v31 =	vand.u32 $0xFFFFFC00, v51  }
0x4a2: {  	v32 =	vand.u32 $0x380, v52;
	v37 =	vshll.u32 v54, $0x3;
	v38 =	vshll.u32 v56, $0x8;
	v39 =	vld.idx.msk [tilespmem:v27+s3+$0x0], $0xffff  }
0x4a3: {  	v36 =	vshll.u32 v56, $0x7;
	v6 =	vsub.f32 v57, v14;
	v53 =	vadd.s32 v31, v30;
	v40 =	vld.idx.msk [tilespmem:v21+s3+$0x0], $0xffff  }
0x4a4: {  	v37 =	vand.u32 $0xFFFFFC00, v37;
	v38 =	vand.u32 $0xFFFFF800, v38;
	v60 =	vsub.f32 v22, v28;
	v22 =	vld.idx.msk [tilespmem:v27+s8+$0x0], $0xffff  }
0x4a5: {  	v57 =	vand.u32 $0x380, v36;
	v24 =	vor.u32 v32, v53;
	v30 =	vadd.s32 v37, v30;
	v58 =	vld.idx.msk [tilespmem:v23+s3+$0x0], $0xffff  }
0x4a6: {  	v31 =	vadd.s32 v31, v38;
	v59 =	vld.idx.msk [tilespmem:v19+s3+$0x0], $0xffff;
	v16 =	vsub.f32 v34, v63;
	v24 =	vor.u32 v55, v24  }
0x4a7: {  	v37 =	vadd.s32 v37, v38;
	v56 =	vld.idx.msk [tilespmem:v19+s8+$0x0], $0xffff;
	v34 =	vand.u32 $0x7F, v54;
	v30 =	vor.u32 v32, v30  }
0x4a8: {  	v31 =	vor.u32 v57, v31;
	v54 =	vld.idx.msk [tilespmem:v23+s8+$0x0], $0xffff;
	v30 =	vor.u32 v34, v30;
	v16 =	vmul.f32 v16, v7  }
0x4a9: {  	v9 =	vcvt.s32.f32 v9;
	v32 =	vor.u32 v57, v37;
	v23 =	vld [tilespmem:s2+$0xFFFFFC90];
	v31 =	vor.u32 v55, v31  }
0x4aa: {  	v5 =	vadd.f32 v5, v10;
	v61 =	vor.u32 v34, v32;
	v12 =	vadd.f32 v16, v63;
	v63 =	vld.idx.msk [tilespmem:v21+s8+$0x0], $0xffff  }
0x4ab: {  	v13 =	vsub.f32 v2, v13;
	v9 =	vsub.f32 v18, v9;
	v6 =	vmul.f32 v6, v7;
	v32 =	vld.idx.msk [tilespmem:v24+s3+$0x0], $0xffff  }
0x4ac: {  	v4 =	vadd.f32 v5, v4;
	v62 =	vsub.f32 v17, v20;
	v45 =	vld.idx.msk [tilespmem:v24+s8+$0x0], $0xffff  }
0x4ad: {  	v6 =	vadd.f32 v6, v14;
	v43 =	vsub.f32 v40, v39;
	v34 =	vld.idx.msk [tilespmem:v30+s3+$0x0], $0xffff  }
0x4ae: {  	v21 =	vmul.f32 v60, v7;
	v7 =	vmul.f32 v62, v7;
	v44 =	vsub.f32 v59, v58;
	v37 =	vld.idx.msk [tilespmem:v31+s3+$0x0], $0xffff  }
0x4af: {  	v55 =	vcvt.s32.f32 v26;
	v48 =	vmul.f32 v43, v9;
	v12 =	vsub.f32 v12, v6;
	v42 =	vld.idx.msk [tilespmem:v61+s3+$0x0], $0xffff  }
0x4b0: {  	v35 =	vadd.f32 v21, v28;
	v7 =	vadd.f32 v7, v20;
	v47 =	vld.idx.msk [tilespmem:v30+s8+$0x0], $0xffff;
	v49 =	vmul.f32 v44, v9  }
0x4b1: {  	v19 =	vsub.f32 v56, v54;
	v52 =	vld.idx.msk [tilespmem:v61+s8+$0x0], $0xffff;
	v61 =	vcvt.s32.f32 v33;
	v5 =	vadd.f32 v48, v39  }
0x4b2: {  	v50 =	vld.idx.msk [tilespmem:v31+s8+$0x0], $0xffff;
	v41 =	vmul.f32 v12, v13;
	v46 =	vsub.f32 v7, v35;
	v53 =	vadd.f32 v49, v58  }
0x4b3: {  	v51 =	vcvt.s32.f32 v11;
	v58 =	vsub.f32 v25, v55;
	v24 =	vsub.f32 v29, v61  }
0x4b4: {  	v29 =	vtrunc.f32 v23;
	v17 =	vsub.f32 v63, v22;
	v2 =	vadd.f32 v41, v6  }
0x4b5: {  	v6 =	vmul.f32 v46, v13;
	v57 =	vsub.f32 v53, v5;
	v15 =	vsub.f32 v34, v32  }
0x4b6: {  	v13 =	vcvt.f32.s32 v29;
	v12 =	vsub.f32 v42, v37;
	v7 =	vsub.f32 v47, v45  }
0x4b7: {  	v11 =	vsub.f32 v52, v50;
	v25 =	vmul.f32 v17, v9;
	v9 =	vmul.f32 v19, v9  }
0x4b8: {  	v2 =	vadd.f32 v2, v8;
	v10 =	vadd.f32 v6, v35;
	v31 =	vcvt.s32.f32 v13  }
0x4b9: {  	v6 =	vsub.f32 v3, v51;
	v15 =	vmul.f32 v15, v58;
	v12 =	vmul.f32 v12, v58  }
0x4ba: {  	v59 =	vmul.f32 v7, v58;
	v60 =	vmul.f32 v11, v58;
	v9 =	vadd.f32 v9, v54  }
0x4bb: {  	v11 =	vld [tilespmem:s2+$0xFFFFFE50];
	v8 =	vmul.f32 v57, v6;
	v3 =	vadd.f32 v10, v4;
	v62 =	vadd.f32 v15, v32  }
0x4bc: {  	v33 =	vshll.u32 v13, $0x3;
	v12 =	vadd.f32 v12, v37;
	v63 =	vadd.f32 v59, v45  }
0x4bd: {  	v19 =	vld [tilespmem:s2+$0x10];
	v36 =	vadd.s32 $0x1, v13;
	v21 =	vadd.f32 v60, v50;
	v4 =	vadd.f32 v8, v5  }
0x4be: {  	v13 =	vand.u32 $0x7F, v13;
	v5 =	vadd.f32 v25, v22;
	v12 =	vsub.f32 v12, v62  }
0x4bf: {  	v16 =	vand.u32 $0xFFFFFC00, v33;
	v39 =	vshll.u32 v36, $0x3;
	v26 =	vsub.f32 v21, v63  }
0x4c0: {  	v30 =	vtrunc.f32 v11;
	v10 =	vsub.f32 v9, v5;
	v27 =	vmul.f32 v12, v24  }
0x4c1: {  	v20 =	vand.u32 $0x7F, v36;
	v28 =	vmul.f32 v26, v24;
	v14 =	vcvt.f32.s32 v30  }
0x4c2: {  	v18 =	vsub.f32 v23, v31;
	v42 =	vtrunc.f32 v19;
	v6 =	vmul.f32 v10, v6  }
0x4c3: {  	v12 =	vadd.f32 v27, v62;
	v8 =	vadd.f32 v28, v63;
	v32 =	vshll.u32 v14, $0x8  }
0x4c4: {  	v34 =	vshll.u32 v14, $0x7;
	v37 =	vadd.s32 $0x1, v14;
	v14 =	vcvt.s32.f32 v14  }
0x4c5: {  	v15 =	vand.u32 $0xFFFFF800, v32;
	v17 =	vand.u32 $0x380, v34;
	v40 =	vshll.u32 v37, $0x8  }
0x4c6: {  	v21 =	vshll.u32 v37, $0x7;
	v6 =	vadd.f32 v6, v5;
	v5 =	vadd.f32 v4, v2  }
0x4c7: {  	v9 =	vadd.f32 $0.0e+00, v12;
	v8 =	vadd.f32 $0.0e+00, v8;
	v35 =	vadd.s32 v16, v15  }
0x4c8: {  	v27 =	vld [tilespmem:s2+$0x390];
	v23 =	vand.u32 $0xFFFFF800, v40;
	v41 =	vand.u32 $0x380, v21;
	v21 =	vcvt.f32.s32 v42  }
0x4c9: {  	v12 =	vld [tilespmem:s2+$0x1D0];
	v11 =	vsub.f32 v11, v14;
	v7 =	vor.u32 v17, v35;
	v16 =	vadd.s32 v16, v23  }
0x4ca: {  	v4 =	vadd.f32 v6, v3;
	v38 =	vor.u32 v13, v7;
	v7 =	vand.u32 $0xFFFFFC00, v39  }
0x4cb: {  	v16 =	vor.u32 v41, v16;
	v50 =	vshll.u32 v21, $0x3;
	v53 =	vadd.s32 $0x1, v21  }
0x4cc: {  	v57 =	vand.u32 $0x7F, v21;
	v15 =	vadd.s32 v7, v15;
	v7 =	vadd.s32 v7, v23  }
0x4cd: {  	v13 =	vor.u32 v13, v16;
	v58 =	vshll.u32 v53, $0x3;
	v24 =	vand.u32 $0x7F, v53  }
0x4ce: {  	v61 =	vtrunc.f32 v27;
	v7 =	vor.u32 v41, v7;
	v43 =	vtrunc.f32 v12  }
0x4cf: {  	v15 =	vor.u32 v17, v15;
	v44 =	vor.u32 v20, v7;
	v7 =	vld [tilespmem:s2+$0x550];
	v23 =	vcvt.f32.s32 v43  }
0x4d0: {  	v17 =	vand.u32 $0xFFFFFC00, v50;
	v30 =	vand.u32 $0xFFFFFC00, v58;
	v15 =	vor.u32 v20, v15  }
0x4d1: {  	v49 =	vshll.u32 v23, $0x8;
	v52 =	vshll.u32 v23, $0x7;
	v56 =	vadd.s32 $0x1, v23  }
0x4d2: {  	v51 =	vand.u32 $0xFFFFF800, v49;
	v55 =	vand.u32 $0x380, v52;
	v59 =	vshll.u32 v56, $0x8  }
0x4d3: {  	v28 =	vshll.u32 v56, $0x7;
	v54 =	vadd.s32 v17, v51;
	v31 =	vand.u32 $0xFFFFF800, v59  }
0x4d4: {  	v20 =	vadd.s32 v30, v51;
	v28 =	vand.u32 $0x380, v28;
	v62 =	vtrunc.f32 v7  }
0x4d5: {  	v60 =	vld.idx.msk [tilespmem:v38+s3+$0x0], $0xffff;
	v59 =	vcvt.s32.f32 v21;
	v25 =	vor.u32 v55, v54;
	v17 =	vadd.s32 v17, v31  }
0x4d6: {  	v22 =	vld.idx.msk [tilespmem:v38+s8+$0x0], $0xffff;
	v20 =	vor.u32 v55, v20;
	v30 =	vadd.s32 v30, v31;
	v31 =	vcvt.f32.s32 v62  }
0x4d7: {  	v45 =	vld.idx.msk [tilespmem:v13+s3+$0x0], $0xffff;
	v25 =	vor.u32 v57, v25;
	v17 =	vor.u32 v28, v17;
	v28 =	vor.u32 v28, v30  }
0x4d8: {  	v13 =	vld.idx.msk [tilespmem:v13+s8+$0x0], $0xffff;
	v30 =	vcvt.f32.s32 v61;
	v20 =	vor.u32 v24, v20;
	v17 =	vor.u32 v57, v17  }
0x4d9: {  	v63 =	vld.idx.msk [tilespmem:v15+s3+$0x0], $0xffff;
	v24 =	vor.u32 v24, v28;
	v48 =	vshll.u32 v31, $0x8;
	v50 =	vshll.u32 v31, $0x7  }
0x4da: {  	v46 =	vld.idx.msk [tilespmem:v44+s3+$0x0], $0xffff;
	v51 =	vadd.s32 $0x1, v31;
	v47 =	vadd.s32 $0x1, v30;
	v49 =	vshll.u32 v30, $0x3  }
0x4db: {  	v15 =	vld.idx.msk [tilespmem:v15+s8+$0x0], $0xffff;
	v34 =	vand.u32 $0xFFFFF800, v48;
	v36 =	vand.u32 $0x380, v50;
	v54 =	vshll.u32 v51, $0x8  }
0x4dc: {  	v16 =	vld.idx.msk [tilespmem:v44+s8+$0x0], $0xffff;
	v37 =	vshll.u32 v51, $0x7;
	v55 =	vand.u32 $0x7F, v30;
	v50 =	vcvt.s32.f32 v30  }
0x4dd: {  	v48 =	vcvt.s32.f32 v23;
	v30 =	vld [tilespmem:s2+$0xFFFFFE60];
	v35 =	vand.u32 $0xFFFFFC00, v49;
	v53 =	vshll.u32 v47, $0x3  }
0x4de: {  	v40 =	vand.u32 $0xFFFFF800, v54;
	v39 =	vand.u32 $0xFFFFFC00, v53;
	v53 =	vsub.f32 v27, v50;
	v27 =	vld [tilespmem:s2+$0xFFFFFCA0]  }
0x4df: {  	v37 =	vand.u32 $0x380, v37;
	v33 =	vsub.f32 v63, v60;
	v28 =	vsub.f32 v46, v45;
	v41 =	vld.idx.msk [tilespmem:v25+s3+$0x0], $0xffff  }
0x4e0: {  	v29 =	vand.u32 $0x7F, v47;
	v15 =	vsub.f32 v15, v22;
	v52 =	vadd.s32 v35, v34;
	v42 =	vld.idx.msk [tilespmem:v20+s3+$0x0], $0xffff  }
0x4e1: {  	v16 =	vsub.f32 v16, v13;
	v35 =	vadd.s32 v35, v40;
	v38 =	vor.u32 v36, v52;
	v25 =	vld.idx.msk [tilespmem:v25+s8+$0x0], $0xffff  }
0x4e2: {  	v12 =	vsub.f32 v12, v48;
	v35 =	vor.u32 v37, v35;
	v20 =	vld.idx.msk [tilespmem:v20+s8+$0x0], $0xffff;
	v38 =	vor.u32 v55, v38  }
0x4e3: {  	v34 =	vadd.s32 v39, v34;
	v33 =	vmul.f32 v33, v18;
	v35 =	vor.u32 v55, v35;
	v56 =	vld.idx.msk [tilespmem:v17+s3+$0x0], $0xffff  }
0x4e4: {  	v39 =	vadd.s32 v39, v40;
	v28 =	vmul.f32 v28, v18;
	v15 =	vmul.f32 v15, v18;
	v57 =	vld.idx.msk [tilespmem:v24+s3+$0x0], $0xffff  }
0x4e5: {  	v16 =	vmul.f32 v16, v18;
	v34 =	vor.u32 v36, v34;
	v37 =	vor.u32 v37, v39;
	v17 =	vld.idx.msk [tilespmem:v17+s8+$0x0], $0xffff  }
0x4e6: {  	v24 =	vld.idx.msk [tilespmem:v24+s8+$0x0], $0xffff;
	v34 =	vor.u32 v29, v34;
	v26 =	vadd.f32 v33, v60;
	v28 =	vadd.f32 v28, v45  }
0x4e7: {  	v58 =	vor.u32 v29, v37;
	v15 =	vadd.f32 v15, v22;
	v13 =	vadd.f32 v16, v13;
	v21 =	vld.idx.msk [tilespmem:v38+s3+$0x0], $0xffff  }
0x4e8: {  	v16 =	vsub.f32 v19, v59;
	v60 =	vsub.f32 v28, v26;
	v19 =	vld.idx.msk [tilespmem:v35+s3+$0x0], $0xffff  }
0x4e9: {  	v13 =	vsub.f32 v13, v15;
	v62 =	vsub.f32 v42, v41;
	v42 =	vld.idx.msk [tilespmem:v38+s8+$0x0], $0xffff  }
0x4ea: {  	v39 =	vsub.f32 v20, v25;
	v14 =	vmul.f32 v60, v11;
	v63 =	vsub.f32 v57, v56;
	v47 =	vld.idx.msk [tilespmem:v35+s8+$0x0], $0xffff  }
0x4eb: {  	v11 =	vmul.f32 v13, v11;
	v40 =	vsub.f32 v24, v17;
	v61 =	vld.idx.msk [tilespmem:v34+s3+$0x0], $0xffff;
	v43 =	vmul.f32 v62, v16  }
0x4ec: {  	v37 =	vld.idx.msk [tilespmem:v58+s3+$0x0], $0xffff;
	v13 =	vmul.f32 v39, v16;
	v14 =	vadd.f32 v14, v26;
	v44 =	vmul.f32 v63, v16  }
0x4ed: {  	v45 =	vld.idx.msk [tilespmem:v34+s8+$0x0], $0xffff;
	v11 =	vadd.f32 v11, v15;
	v46 =	vmul.f32 v40, v16;
	v23 =	vadd.f32 v43, v41  }
0x4ee: {  	v18 =	vld.idx.msk [tilespmem:v58+s8+$0x0], $0xffff;
	v62 =	vcvt.s32.f32 v31;
	v13 =	vadd.f32 v13, v25;
	v49 =	vadd.f32 v44, v56  }
0x4ef: {  	v43 =	vtrunc.f32 v27;
	v15 =	vadd.f32 v46, v17;
	v9 =	vadd.f32 v14, v9  }
0x4f0: {  	v25 =	vld [tilespmem:s2+$0xFFFFF920];
	v8 =	vadd.f32 v11, v8;
	v44 =	vtrunc.f32 v30;
	v51 =	vsub.f32 v49, v23  }
0x4f1: {  	v17 =	vld [tilespmem:s2+$0xFFFFFAE0];
	v28 =	vcvt.f32.s32 v43;
	v52 =	vsub.f32 v15, v13;
	v22 =	vsub.f32 v61, v21  }
0x4f2: {  	v54 =	vsub.f32 v37, v19;
	v55 =	vsub.f32 v45, v42;
	v20 =	vmul.f32 v51, v12  }
0x4f3: {  	v18 =	vsub.f32 v18, v47;
	v10 =	vmul.f32 v52, v12;
	v56 =	vmul.f32 v22, v53  }
0x4f4: {  	v50 =	vadd.s32 $0x1, v28;
	v57 =	vmul.f32 v54, v53;
	v58 =	vmul.f32 v55, v53  }
0x4f5: {  	v59 =	vmul.f32 v18, v53;
	v60 =	vtrunc.f32 v25;
	v51 =	vand.u32 $0x7F, v28  }
0x4f6: {  	v53 =	vshll.u32 v50, $0x3;
	v61 =	vtrunc.f32 v17;
	v14 =	vadd.f32 v56, v21  }
0x4f7: {  	v15 =	vcvt.f32.s32 v60;
	v19 =	vadd.f32 v57, v19;
	v11 =	vadd.f32 v58, v42  }
0x4f8: {  	v18 =	vcvt.f32.s32 v61;
	v12 =	vadd.f32 v59, v47;
	v21 =	vsub.f32 v7, v62  }
0x4f9: {  	v47 =	vshll.u32 v28, $0x3;
	v20 =	vadd.f32 v20, v23;
	v10 =	vadd.f32 v10, v13  }
0x4fa: {  	v63 =	vadd.s32 $0x1, v15;
	v35 =	vshll.u32 v15, $0x3;
	v39 =	vand.u32 $0x7F, v15  }
0x4fb: {  	v34 =	vshll.u32 v18, $0x8;
	v24 =	vand.u32 $0xFFFFFC00, v35;
	v36 =	vshll.u32 v18, $0x7  }
0x4fc: {  	v37 =	vadd.s32 $0x1, v18;
	v40 =	vshll.u32 v63, $0x3;
	v16 =	vand.u32 $0x7F, v63  }
0x4fd: {  	v35 =	vand.u32 $0x7F, v50;
	v19 =	vsub.f32 v19, v14;
	v12 =	vsub.f32 v12, v11  }
0x4fe: {  	v9 =	vadd.f32 v20, v9;
	v8 =	vadd.f32 v10, v8;
	v22 =	vand.u32 $0xFFFFF800, v34  }
0x4ff: {  	v26 =	vand.u32 $0x380, v36;
	v32 =	vand.u32 $0xFFFFFC00, v40;
	v41 =	vshll.u32 v37, $0x8  }
0x500: {  	v42 =	vshll.u32 v37, $0x7;
	v34 =	vcvt.f32.s32 v44;
	v36 =	vcvt.s32.f32 v18  }
0x501: {  	v38 =	vadd.s32 v24, v22;
	v22 =	vadd.s32 v32, v22;
	v33 =	vand.u32 $0xFFFFF800, v41  }
0x502: {  	v61 =	vmul.f32 v19, v21;
	v12 =	vmul.f32 v12, v21;
	v29 =	vor.u32 v26, v38  }
0x503: {  	v41 =	vcvt.s32.f32 v28;
	v22 =	vor.u32 v26, v22;
	v29 =	vor.u32 v39, v29  }
0x504: {  	v24 =	vadd.s32 v24, v33;
	v26 =	vand.u32 $0x380, v42;
	v22 =	vor.u32 v16, v22  }
0x505: {  	v45 =	vadd.s32 v32, v33;
	v46 =	vshll.u32 v34, $0x8;
	v11 =	vadd.f32 v12, v11  }
0x506: {  	v28 =	vld [tilespmem:s2+$0x3A0];
	v32 =	vand.u32 $0xFFFFFC00, v47;
	v48 =	vshll.u32 v34, $0x7;
	v24 =	vor.u32 v26, v24  }
0x507: {  	v26 =	vor.u32 v26, v45;
	v24 =	vor.u32 v39, v24;
	v2 =	vadd.f32 v11, v8;
	v8 =	vld [tilespmem:s2+$0x1E0]  }
0x508: {  	v52 =	vadd.s32 $0x1, v34;
	v38 =	vand.u32 $0xFFFFFC00, v53;
	v16 =	vor.u32 v16, v26;
	v54 =	vld.idx.msk [tilespmem:v29+s3+$0x0], $0xffff  }
0x509: {  	v17 =	vsub.f32 v17, v36;
	v31 =	vand.u32 $0xFFFFF800, v46;
	v33 =	vand.u32 $0x380, v48;
	v56 =	vld.idx.msk [tilespmem:v22+s3+$0x0], $0xffff  }
0x50a: {  	v55 =	vshll.u32 v52, $0x8;
	v37 =	vshll.u32 v52, $0x7;
	v49 =	vadd.s32 v32, v31;
	v7 =	vld.idx.msk [tilespmem:v29+s8+$0x0], $0xffff  }
0x50b: {  	v14 =	vadd.f32 v61, v14;
	v31 =	vadd.s32 v38, v31;
	v26 =	vor.u32 v33, v49;
	v22 =	vld.idx.msk [tilespmem:v22+s8+$0x0], $0xffff  }
0x50c: {  	v45 =	vcvt.s32.f32 v34;
	v31 =	vor.u32 v33, v31;
	v26 =	vor.u32 v51, v26;
	v57 =	vld.idx.msk [tilespmem:v24+s3+$0x0], $0xffff  }
0x50d: {  	v40 =	vand.u32 $0xFFFFF800, v55;
	v58 =	vand.u32 $0x380, v37;
	v31 =	vor.u32 v35, v31;
	v59 =	vld.idx.msk [tilespmem:v16+s3+$0x0], $0xffff  }
0x50e: {  	v32 =	vadd.s32 v32, v40;
	v38 =	vadd.s32 v38, v40;
	v33 =	vcvt.s32.f32 v15;
	v13 =	vld.idx.msk [tilespmem:v24+s8+$0x0], $0xffff  }
0x50f: {  	v3 =	vadd.f32 v14, v9;
	v32 =	vor.u32 v58, v32;
	v60 =	vor.u32 v58, v38;
	v38 =	vld.idx.msk [tilespmem:v16+s8+$0x0], $0xffff  }
0x510: {  	v14 =	vsub.f32 v27, v41;
	v29 =	vor.u32 v51, v32;
	v16 =	vld [tilespmem:s2+$0x20];
	v47 =	vtrunc.f32 v8  }
0x511: {  	v32 =	vor.u32 v35, v60;
	v60 =	vtrunc.f32 v28;
	v62 =	vld.idx.msk [tilespmem:v26+s3+$0x0], $0xffff;
	v23 =	vcvt.f32.s32 v47  }
0x512: {  	v21 =	vsub.f32 v30, v45;
	v6 =	vsub.f32 v25, v33;
	v33 =	vcvt.f32.s32 v60;
	v63 =	vld.idx.msk [tilespmem:v31+s3+$0x0], $0xffff  }
0x513: {  	v26 =	vld.idx.msk [tilespmem:v26+s8+$0x0], $0xffff;
	v40 =	vsub.f32 v56, v54;
	v44 =	vsub.f32 v22, v7;
	v49 =	vshll.u32 v23, $0x8  }
0x514: {  	v31 =	vld.idx.msk [tilespmem:v31+s8+$0x0], $0xffff;
	v52 =	vshll.u32 v23, $0x7;
	v58 =	vadd.s32 $0x1, v23;
	v43 =	vsub.f32 v59, v57  }
0x515: {  	v9 =	vsub.f32 v38, v13;
	v46 =	vtrunc.f32 v16;
	v51 =	vand.u32 $0xFFFFF800, v49  }
0x516: {  	v24 =	vld.idx.msk [tilespmem:v29+s3+$0x0], $0xffff;
	v59 =	vshll.u32 v58, $0x8;
	v34 =	vshll.u32 v58, $0x7;
	v11 =	vmul.f32 v40, v6  }
0x517: {  	v35 =	vld.idx.msk [tilespmem:v32+s3+$0x0], $0xffff;
	v20 =	vmul.f32 v44, v6;
	v22 =	vcvt.f32.s32 v46;
	v27 =	vand.u32 $0xFFFFF800, v59  }
0x518: {  	v34 =	vand.u32 $0x380, v34;
	v18 =	vmul.f32 v43, v6;
	v10 =	vsub.f32 v63, v62  }
0x519: {  	v9 =	vmul.f32 v9, v6;
	v43 =	vshll.u32 v33, $0x3;
	v31 =	vsub.f32 v31, v26  }
0x51a: {  	v11 =	vadd.f32 v11, v54;
	v48 =	vadd.s32 $0x1, v22;
	v50 =	vshll.u32 v22, $0x3  }
0x51b: {  	v54 =	vand.u32 $0x380, v52;
	v56 =	vand.u32 $0x7F, v22;
	v36 =	vand.u32 $0xFFFFFC00, v43  }
0x51c: {  	v7 =	vadd.f32 v20, v7;
	v58 =	vcvt.s32.f32 v22;
	v15 =	vsub.f32 v35, v24  }
0x51d: {  	v6 =	vld [tilespmem:s2+$0x560];
	v18 =	vadd.f32 v18, v57;
	v10 =	vmul.f32 v10, v14;
	v19 =	vand.u32 $0xFFFFFC00, v50  }
0x51e: {  	v55 =	vshll.u32 v48, $0x3;
	v31 =	vmul.f32 v31, v14;
	v9 =	vadd.f32 v9, v13  }
0x51f: {  	v53 =	vadd.s32 v19, v51;
	v57 =	vand.u32 $0xFFFFFC00, v55;
	v19 =	vadd.s32 v19, v27  }
0x520: {  	v15 =	vmul.f32 v15, v14;
	v10 =	vadd.f32 v10, v62;
	v25 =	vor.u32 v54, v53  }
0x521: {  	v27 =	vadd.s32 v57, v27;
	v19 =	vor.u32 v34, v19;
	v62 =	vadd.s32 $0x1, v33  }
0x522: {  	v18 =	vsub.f32 v18, v11;
	v25 =	vor.u32 v56, v25;
	v61 =	vtrunc.f32 v6  }
0x523: {  	v27 =	vor.u32 v34, v27;
	v19 =	vor.u32 v56, v19;
	v46 =	vshll.u32 v62, $0x3  }
0x524: {  	v12 =	vadd.f32 v15, v24;
	v24 =	vadd.s32 v57, v51;
	v34 =	vcvt.f32.s32 v61  }
0x525: {  	v29 =	vld.idx.msk [tilespmem:v29+s8+$0x0], $0xffff;
	v15 =	vand.u32 $0x7F, v48;
	v39 =	vand.u32 $0xFFFFFC00, v46;
	v24 =	vor.u32 v54, v24  }
0x526: {  	v32 =	vld.idx.msk [tilespmem:v32+s8+$0x0], $0xffff;
	v51 =	vand.u32 $0x7F, v33;
	v24 =	vor.u32 v15, v24;
	v35 =	vshll.u32 v34, $0x8  }
0x527: {  	v15 =	vor.u32 v15, v27;
	v44 =	vshll.u32 v34, $0x7;
	v35 =	vand.u32 $0xFFFFF800, v35;
	v48 =	vld.idx.msk [tilespmem:v25+s3+$0x0], $0xffff  }
0x528: {  	v63 =	vadd.s32 $0x1, v34;
	v37 =	vand.u32 $0x380, v44;
	v45 =	vadd.s32 v36, v35;
	v50 =	vld.idx.msk [tilespmem:v19+s3+$0x0], $0xffff  }
0x529: {  	v27 =	vand.u32 $0x7F, v62;
	v35 =	vadd.s32 v39, v35;
	v25 =	vld.idx.msk [tilespmem:v25+s8+$0x0], $0xffff;
	v38 =	vor.u32 v37, v45  }
0x52a: {  	v47 =	vshll.u32 v63, $0x8;
	v19 =	vld.idx.msk [tilespmem:v19+s8+$0x0], $0xffff;
	v35 =	vor.u32 v37, v35;
	v38 =	vor.u32 v51, v38  }
0x52b: {  	v30 =	vshll.u32 v63, $0x7;
	v40 =	vand.u32 $0xFFFFF800, v47;
	v35 =	vor.u32 v27, v35;
	v49 =	vld.idx.msk [tilespmem:v24+s3+$0x0], $0xffff  }
0x52c: {  	v53 =	vsub.f32 v32, v29;
	v30 =	vand.u32 $0x380, v30;
	v36 =	vadd.s32 v36, v40;
	v52 =	vld.idx.msk [tilespmem:v15+s3+$0x0], $0xffff  }
0x52d: {  	v9 =	vsub.f32 v9, v7;
	v39 =	vadd.s32 v39, v40;
	v36 =	vor.u32 v30, v36;
	v24 =	vld.idx.msk [tilespmem:v24+s8+$0x0], $0xffff  }
0x52e: {  	v18 =	vmul.f32 v18, v17;
	v30 =	vor.u32 v30, v39;
	v36 =	vor.u32 v51, v36;
	v55 =	vld.idx.msk [tilespmem:v15+s8+$0x0], $0xffff  }
0x52f: {  	v9 =	vmul.f32 v9, v17;
	v12 =	vsub.f32 v12, v10;
	v27 =	vor.u32 v27, v30;
	v57 =	vld.idx.msk [tilespmem:v38+s3+$0x0], $0xffff  }
0x530: {  	v16 =	vsub.f32 v16, v58;
	v54 =	vmul.f32 v53, v14;
	v11 =	vadd.f32 v18, v11;
	v59 =	vld.idx.msk [tilespmem:v35+s3+$0x0], $0xffff  }
0x531: {  	v56 =	vadd.f32 v31, v26;
	v7 =	vadd.f32 v9, v7;
	v12 =	vmul.f32 v12, v21;
	v32 =	vld.idx.msk [tilespmem:v38+s8+$0x0], $0xffff  }
0x532: {  	v13 =	vadd.f32 v54, v29;
	v11 =	vadd.f32 $0.0e+00, v11;
	v40 =	vld.idx.msk [tilespmem:v35+s8+$0x0], $0xffff  }
0x533: {  	v7 =	vadd.f32 $0.0e+00, v7;
	v10 =	vadd.f32 v12, v10;
	v60 =	vld.idx.msk [tilespmem:v36+s3+$0x0], $0xffff  }
0x534: {  	v61 =	vld.idx.msk [tilespmem:v27+s3+$0x0], $0xffff;
	v62 =	vsub.f32 v49, v48;
	v63 =	vsub.f32 v52, v50  }
0x535: {  	v13 =	vsub.f32 v13, v56;
	v45 =	vcvt.s32.f32 v33;
	v10 =	vadd.f32 v10, v11;
	v44 =	vld.idx.msk [tilespmem:v36+s8+$0x0], $0xffff  }
0x536: {  	v46 =	vld.idx.msk [tilespmem:v27+s8+$0x0], $0xffff;
	v24 =	vsub.f32 v24, v25;
	v42 =	vmul.f32 v62, v16;
	v43 =	vmul.f32 v63, v16  }
0x537: {  	v38 =	vmul.f32 v13, v21;
	v13 =	vsub.f32 v28, v45;
	v14 =	vsub.f32 v55, v19  }
0x538: {  	v24 =	vmul.f32 v24, v16;
	v11 =	vadd.f32 v42, v48;
	v20 =	vadd.f32 v43, v50  }
0x539: {  	s6 =	sshrl.u32 s18, $0x10;
	v14 =	vmul.f32 v14, v16;
	v22 =	vsub.f32 v59, v57;
	v21 =	vsub.f32 v40, v32  }
0x53a: {  	s10 =	sshrl.u32 s0, $0x10;
	s20 =	sshrl.u32 s7, $0x10;
	s6 =	smul.u32 $0xFFFFFF90, s6;
	v39 =	vcvt.s32.f32 v23;
	v48 =	vadd.f32 v24, v25;
	v17 =	vsub.f32 v61, v60  }
0x53b: {  	s21 =	sadd.s32 $0xFFFF9247, s28;
	s31 =	sadd.s32 $0xFFFFB6DA, s28;
	s10 =	smul.u32 $0x70, s10;
	v14 =	vadd.f32 v14, v19;
	v15 =	vsub.f32 v46, v44;
	v47 =	vmul.f32 v22, v13  }
0x53c: {  	s19 =	sshrl.u32 s28, $0x10;
	s20 =	smul.u32 $0x70, s20;
	s21 =	sshrl.u32 s21, $0x9;
	v8 =	vsub.f32 v8, v39;
	v21 =	vmul.f32 v21, v13;
	v17 =	vmul.f32 v17, v13  }
0x53d: {  	s4 =	smul.u32 $0x70, s19;
	s21 =	sand.u32 $0x7FFF80, s21;
	s6 =	sadd.s32 s6, s30;
	v50 =	vsub.f32 v20, v11;
	v14 =	vsub.f32 v14, v48;
	v13 =	vmul.f32 v15, v13  }
0x53e: {  	s20 =	ssub.s32 s30, s20;
	s22 =	sand.u32 $0xFFFFFF80, s6;
	s6 =	sand.u32 $0x70, s6;
	v51 =	vcvt.s32.f32 v34;
	v16 =	vadd.f32 v47, v57;
	v12 =	vadd.f32 v17, v60  }
0x53f: {  	s20 =	sadd.s32 $0x10, s20;
	s21 =	sadd.s32 s22, s21;
	s22 =	sshrl.u32 s31, $0x9;
	v1 =	vmul.f32 $2.500000000e-01, v1;
	v49 =	vadd.f32 v21, v32;
	v13 =	vadd.f32 v13, v44  }
0x540: {  	s31 =	sand.u32 $0xFFFFFF80, s20;
	s6 =	sor.u32 s6, s21;
	s21 =	sand.u32 $0x7FFF80, s22;
	v6 =	vsub.f32 v6, v51;
	v17 =	vmul.f32 v50, v8;
	v12 =	vsub.f32 v12, v16  }
0x541: {  	s10 =	ssub.s32 s30, s10;
	s21 =	sadd.s32 s31, s21;
	s31 =	sadd.s32 $0xFFFFDB6D, s28;
	v9 =	vadd.f32 v38, v56;
	v8 =	vmul.f32 v14, v8;
	v52 =	vsub.f32 v13, v49  }
0x542: {  	s10 =	sadd.s32 $0x20, s10;
	s20 =	sand.u32 $0x70, s20;
	s22 =	sshrl.u32 s31, $0x9;
	v0 =	vmul.f32 $2.500000000e-01, v0;
	v11 =	vadd.f32 v17, v11;
	v12 =	vmul.f32 v12, v6  }
0x543: {  	s20 =	sor.u32 s20, s21;
	s31 =	sand.u32 $0xFFFFFF80, s10;
	s21 =	sand.u32 $0x7FFF80, s22;
	[tilespmem:s6+$0x1E200] =	vst v1;
	v7 =	vadd.f32 v9, v7;
	v8 =	vadd.f32 v8, v48;
	v6 =	vmul.f32 v52, v6  }
0x544: {  	s10 =	sand.u32 $0x70, s10;
	[tilespmem:s6+$0x1EA00] =	vst v0;
	s6 =	sadd.s32 s31, s21;
	v58 =	vmul.f32 $2.500000000e-01, v3;
	v54 =	vadd.f32 v11, v10;
	v55 =	vadd.f32 v12, v16  }
0x545: {  	s4 =	ssub.s32 s30, s4;
	s6 =	sor.u32 s10, s6;
	v53 =	vmul.f32 $2.500000000e-01, v5;
	v57 =	vadd.f32 v8, v7;
	v6 =	vadd.f32 v6, v49  }
0x546: {  	p0 =	slt.u32 s30, $0x180;
	s4 =	sadd.s32 $0x30, s4;
	[tilespmem:s6+$0x1E200] =	vst v58;
	v56 =	vmul.f32 $2.500000000e-01, v4;
	v59 =	vadd.f32 v55, v54  }
.Ltmp3:
0x547: {  	s19 =	sshll.u32 s19, $0x7;
	s22 =	sand.u32 $0xFFFFFF80, s4;
	[tilespmem:s20+$0x1E200] =	vst v53;
	v60 =	vmul.f32 $2.500000000e-01, v2;
	v61 =	vadd.f32 v6, v57;
	(pc) =	sbr.rel @p0 .LBB2_10-.Ltmp3, $4  }
0x548: {  	s4 =	sand.u32 $0x70, s4;
	s10 =	sadd.s32 s22, s19;
	[tilespmem:s20+$0x1EA00] =	vst v56;
	v62 =	vmul.f32 $2.500000000e-01, v59  }
0x549: {  	s18 =	sadd.s32 $0x924C, s18;
	s4 =	sor.u32 s4, s10;
	[tilespmem:s6+$0x1EA00] =	vst v60;
	v63 =	vmul.f32 $2.500000000e-01, v61  }
0x54a: {  	s0 =	sadd.s32 $0x924C, s0;
	s7 =	sadd.s32 $0x924C, s7;
	s31 =	sadd.s32 $0x40, s30;
	[tilespmem:s4+$0x1E200] =	vst v62  }
0x54b: {  	s28 =	sadd.s32 $0x924C, s28;
	s30 =	smov.u32 s31;
	s2 =	sadd.s32 $0x40, s2;
	[tilespmem:s4+$0x1EA00] =	vst v63  }
0x54c: {  	s0 =	sor.u32 $0x400, s29;
	s24 =	sadd.s32 $0x1, s24  }
0x54d: {  	s2 =	sadd.s32 s25, s0;
	p0 =	sne.s32 s24, $0x7  }
.Ltmp4:
0x54e: {  	s0 =	sadd.s32 s26, s0;
	s2 =	sshrl.u32 s2, $0x3;
	(pc) =	sbr.rel @p0 .LBB2_3-.Ltmp4, $4  }
0x54f: {  	s0 =	sshrl.u32 s0, $0x3;
	s2 =	sadd.s32 s5, s2  }
0x550: {  	[hbm4b:s2+s3] =	stream.linear.scatter [tilespmem:s16], [sflag:$0x5], $0x400, $0x38;
	[tilespmem:$0x1EC00] =	vst v63  }
0x551: {  	s0 =	sadd.s32 s5, s0  }
0x552: {  	[hbm4b:s0+s3] =	stream.linear.scatter [tilespmem:s17], [sflag:$0x7], $0x400, $0x38;
	[tilespmem:$0x1EC00] =	vst v63  }
0x553: {  	s23 =	sadd.s32 $0x1, s23  }
0x554: {  	p0 =	sne.s32 s23, $0xC  }
.Ltmp5:
0x555: {  	_ = 	snop;
	(pc) =	sbr.rel @p0 .LBB2_2-.Ltmp5, $1  }
0x556: {  	_ =	sdelay $0x3  }
0x557: {  	s0 =	simm.s32 $0x4  }
0x558: {  	_ =	swait.ge [sflag:s0], $0x400  }
0x559: {  	[sflag:s0] =	ssyncset.done $0x0  }
0x55a: {  	s29 =	simm.s32 $0x6;
	[sflag:s0] =	ssyncadd.s32 $0xFFFFFC00  }
0x55b: {  	_ =	swait.ge [sflag:s29], $0x400  }
0x55c: {  	[sflag:s29] =	ssyncset.done $0x0  }
0x55d: {  	s30 =	simm.s32 $0x5;
	[sflag:s29] =	ssyncadd.s32 $0xFFFFFC00  }
0x55e: {  	_ =	swait.ge [sflag:s30], $0x400  }
0x55f: {  	[sflag:s30] =	ssyncset.done $0x0  }
0x560: {  	s2 =	simm.s32 $0x7;
	[sflag:s30] =	ssyncadd.s32 $0xFFFFFC00  }
0x561: {  	_ =	swait.ge [sflag:s2], $0x400  }
0x562: {  	s4 =	rddreg [dreg:$0x6]  }
0x563: {  	s31 =	rddreg [dreg:$0x5];
	s4 =	sadd.s32 $0x1, s4  }
0x564: {  	p0 =	sne.s32 s4, s31  }
.Ltmp6:
0x565: {  	_ = 	snop;
	(pc) =	sbr.rel @p0 .LBB2_1-.Ltmp6, $3  }
0x566: {  	_ =	sdelay $0x1  }
0x567: {  	[sflag:s2] =	ssyncset.done $0x0  }
0x568: {  	[sflag:s2] =	ssyncadd.s32 $0xFFFFFC00  }
0x569: {  	_ =	sfence.sel $0x180000  }
0x56a: {  	[bflag:$0x0] =	sbarrier.arrive $0xFFFF  }
0x56b: {  	_ =	strace $0x90000047  }
0x56c: {  	s0 =	stileid.u32;
	[bflag:$0x2] =	sbarrier.arrive $0xFFFF  }
0x56d: {  	p0 =	sne.s32 s0, $0x0;
	s0 =	rddreg [dreg:$0x2]  }
0x56e: {  	s0 =	sadd.s32 @!p0 $0x100000, s0  }
0x56f: {  	[sflag:s0] =	ssyncadd.tile.s32 @!p0 $0x1;
	_ =	shalt  }
.Lfunc_end2:
_tile_overlayer_lowered:
.L_overlay_start_2:
0x570: {  	(tag) =	ssettag $0x2  }
0x571: {  	s0 =	rddreg [dreg:$0x0];
	s2 =	stileid.u32  }
0x572: {  	s1 =	rddreg [dreg:$0x1];
	p0 =	sne.s32 s2, $0x0  }
0x573: {  	s3 =	rddreg [dreg:$0x2];
	[bflag:$0x3] =	sbarrier.arrive $0xFFFF;
	s2 =	simm.s32 @!p0 $0x1C08  }
0x574: {  	[timem:s3], [sflag:s2] =	dma.local @!p0 [hbm:s0], s1  }
0x575: {  	s0 =	simm.s32 @!p0 $0x8  }
0x576: {  	_ =	swait.ge @!p0 [sflag:s0], s1  }
0x577: {  	s1 =	ssub.s32 @!p0 $0x0, s1;
	[sflag:s0] =	ssyncset.done @!p0 $0x0  }
0x578: {  	[sflag:s0] =	ssyncadd.s32 @!p0 s1  }
0x579: {  	[bflag:$0x3] =	sbarrier.arrive $0xFFFF  }
0x57a: {  	_ =	shalt  }

</sc_bundles>
